<compile_context>
chip_gen: v7x
topology: tpu7x:2x2x1
jax: 0.10.2.dev20260603
libtpu: 0.0.44.dev20260713+nightly
codegen_flags: <defaults>
</compile_context>

<pallas_src>
import functools

import numpy as np
import jax
import jax.numpy as jnp
from jax import lax
from jax.experimental import pallas as pl
from jax.experimental.pallas import tpu as pltpu
from jax.experimental.pallas import tpu_sc as plsc

_B = 16384
_T = 65536
_BLK = 2048
_ITERS = _BLK // 16
_NBLK = _B // _BLK
_NC, _NS = 2, 16

_P = [np.int32(1),
      np.int32(2654435761 - (1 << 32)),
      np.int32(805459861),
      np.int32(3674653429 - (1 << 32))]
_RES = np.asarray([np.floor(16.0 * 1.5 ** l) for l in range(16)], np.float32)


def _sc_encode(zt, ptab, res_arr):
    mesh = plsc.VectorSubcoreMesh(core_axis_name="c", subcore_axis_name="s")

    @functools.partial(
        pl.kernel,
        mesh=mesh,
        out_type=jax.ShapeDtypeStruct((128, _B), jnp.float32),
        compiler_params=pltpu.CompilerParams(needs_layout_passes=False),
        scratch_types=[
            pltpu.VMEM((_T,), jnp.int32),
            pltpu.VMEM((4, _BLK), jnp.float32),
            pltpu.VMEM((2, _BLK), jnp.float32),
            pltpu.VMEM((16,), jnp.float32),
        ],
    )
    def k(zt_h, ptab_h, res_h, out_h, tab_v, z_v, o_v, res_v):
        wid = lax.axis_index("s") * _NC + lax.axis_index("c")
        pltpu.sync_copy(res_h, res_v)
        for kk in range(2):
            combo = wid * 2 + kk
            g = combo // 16
            l = combo % 16
            pltpu.sync_copy(ptab_h.at[g, l], tab_v)
            res = plsc.load_gather(res_v, [jnp.full((16,), l, jnp.int32)])

            def blk_body(b, _):
                for d in range(4):
                    pltpu.sync_copy(zt_h.at[g * 4 + d, pl.ds(b * _BLK, _BLK)],
                                    z_v.at[d])

                @plsc.parallel_loop(0, _BLK, 16, unroll=3)
                def it_body(s):
                    zz = [z_v[d, pl.ds(s, 16)] for d in range(4)]
                    sig = [1.0 / (1.0 + jnp.exp(-t)) for t in zz]
                    pos = [sg * res for sg in sig]
                    pii = [p.astype(jnp.int32) for p in pos]
                    fr = [p - q.astype(jnp.float32) for p, q in zip(pos, pii)]
                    gr = [1.0 - f for f in fr]
                    sa = [pii[d] * _P[d] for d in range(4)]
                    sb = [sa[d] + _P[d] for d in range(4)]
                    M = np.int32(0xFFFF)
                    h01 = [(sa[0] ^ sa[1]) & M, (sb[0] ^ sa[1]) & M,
                           (sa[0] ^ sb[1]) & M, (sb[0] ^ sb[1]) & M]
                    h23 = [(sa[2] ^ sa[3]) & M, (sb[2] ^ sa[3]) & M,
                           (sa[2] ^ sb[3]) & M, (sb[2] ^ sb[3]) & M]
                    w01 = [gr[0] * gr[1], fr[0] * gr[1],
                           gr[0] * fr[1], fr[0] * fr[1]]
                    w23 = [gr[2] * gr[3], fr[2] * gr[3],
                           gr[2] * fr[3], fr[2] * fr[3]]
                    acc0 = jnp.zeros((16,), jnp.float32)
                    acc1 = jnp.zeros((16,), jnp.float32)
                    for c in range(16):
                        a, bb = c & 3, c >> 2
                        idx = h01[a] ^ h23[bb]
                        pk = plsc.load_gather(tab_v, [idx])
                        v0 = lax.bitcast_convert_type(pk << 16, jnp.float32)
                        v1 = lax.bitcast_convert_type(pk, jnp.float32)
                        w = w01[a] * w23[bb]
                        acc0 = acc0 + w * v0
                        acc1 = acc1 + w * v1
                    o_v[0, pl.ds(s, 16)] = acc0
                    o_v[1, pl.ds(s, 16)] = acc1

                r = combo * 2
                pltpu.sync_copy(o_v.at[0], out_h.at[r, pl.ds(b * _BLK, _BLK)])
                pltpu.sync_copy(o_v.at[1],
                                out_h.at[r + 1, pl.ds(b * _BLK, _BLK)])
                return 0

            lax.fori_loop(0, _NBLK, blk_body, 0)

    return k(zt, ptab, res_arr)


def _tc_mlp(enc_t, W1, b1, W2, b2):
    BB = 2048

    def body(e_ref, w1_ref, b1_ref, w2_ref, b2_ref, o_ref):
        e = e_ref[...]
        h = lax.dot_general(e, w1_ref[...], (((0,), (0,)), ((), ())),
                            preferred_element_type=jnp.float32)
        h = h + b1_ref[...]
        h = jnp.where(h >= 0, h, 0.01 * h)
        o = lax.dot_general(h, w2_ref[...], (((1,), (0,)), ((), ())),
                            preferred_element_type=jnp.float32)
        o_ref[...] = o + b2_ref[...]

    return pl.pallas_call(
        body,
        grid=(_B // BB,),
        in_specs=[
            pl.BlockSpec((128, BB), lambda i: (0, i)),
            pl.BlockSpec((128, 256), lambda i: (0, 0)),
            pl.BlockSpec((1, 256), lambda i: (0, 0)),
            pl.BlockSpec((256, 64), lambda i: (0, 0)),
            pl.BlockSpec((1, 64), lambda i: (0, 0)),
        ],
        out_specs=pl.BlockSpec((BB, 64), lambda i: (i, 0)),
        out_shape=jax.ShapeDtypeStruct((_B, 64), jnp.float32),
    )(enc_t, W1, b1.reshape(1, -1), W2, b2.reshape(1, -1))


def kernel(z, tables, W1, b1, W2, b2):
    zt = z.T
    t32 = lax.bitcast_convert_type(tables, jnp.uint32)
    lo, hi = t32[..., 0], t32[..., 1]
    lo_r = (lo + 0x7FFF + ((lo >> 16) & 1)) >> 16
    hi_r = (hi + 0x7FFF + ((hi >> 16) & 1)) & jnp.uint32(0xFFFF0000)
    packed = lax.bitcast_convert_type(hi_r | lo_r, jnp.int32)
    enc_t = _sc_encode(zt, packed, jnp.asarray(_RES))
    return _tc_mlp(enc_t, W1, b1, W2, b2)

# --- scband reference (transcript-rebuilt; emitter-appended) ---
"""Pipeline reference for scband-hash-mapping-24867860644184 (READ-ONLY COPY).

The authoritative reference and input builder live on the scoring server;
editing this copy changes nothing except your own understanding.
"""

import jax, jax.numpy as jnp
import numpy as np

L = 16
F = 2
T = 65536
BASE = 16
SCALE = 1.5
PRIMES = jnp.array([1, 2654435761, 805459861, 3674653429], dtype=jnp.uint32)
OFFS = jnp.array([[(i >> d) & 1 for d in range(4)] for i in range(16)], dtype=jnp.uint32)


def hash_encode(x, table):
    # x: [B,4] in (0,1); table: [L, T, F]
    outs = []
    off_f = OFFS.astype(jnp.float32)
    for l in range(L):
        res = float(np.floor(BASE * SCALE ** l))
        pos = x * res
        pf = jnp.floor(pos)
        frac = pos - pf
        pi = pf.astype(jnp.uint32)
        corner = pi[:, None, :] + OFFS[None]  # [B,16,4] uint32 (wraps)
        c = corner * PRIMES[None, None, :]
        h = c[..., 0] ^ c[..., 1] ^ c[..., 2] ^ c[..., 3]
        idx = (h % jnp.uint32(T)).astype(jnp.int32)  # [B,16]
        w = jnp.prod(off_f[None] * frac[:, None, :] + (1.0 - off_f[None]) * (1.0 - frac[:, None, :]), axis=-1)  # [B,16]
        feats = table[l][idx]  # gather: [B,16,F]
        outs.append(jnp.sum(w[..., None] * feats, axis=1))  # [B,F]
    return jnp.concatenate(outs, axis=-1)  # [B, L*F] = [B,32]


def setup_inputs(seed: int = 0):
    key = jax.random.key(seed)
    ks = jax.random.split(key, 6)
    B = 16384
    latent = 64
    z = jax.random.normal(ks[0], (B, 16), dtype=jnp.float32)
    tables = jax.random.normal(ks[1], (4, L, T, F), dtype=jnp.float32) * 1e-2
    W1 = jax.random.normal(ks[2], (128, 256), dtype=jnp.float32) * (1.0 / np.sqrt(128.0))
    b1 = jnp.zeros((256,), dtype=jnp.float32)
    W2 = jax.random.normal(ks[3], (256, latent), dtype=jnp.float32) * (1.0 / np.sqrt(256.0))
    b2 = jnp.zeros((latent,), dtype=jnp.float32)
    return {"z": z, "tables": tables, "W1": W1, "b1": b1, "W2": W2, "b2": b2}


def reference(z, tables, W1, b1, W2, b2):
    zs = jax.nn.sigmoid(z)
    enc = [hash_encode(zs[:, 4 * i:4 * (i + 1)], tables[i]) for i in range(4)]
    w_hashed = jnp.concatenate(enc, axis=-1)  # [B,128]
    h = jnp.dot(w_hashed, W1) + b1
    h = jnp.where(h >= 0, h, 0.01 * h)  # LeakyReLU(negative_slope=0.01)
    latent = jnp.dot(h, W2) + b2
    return latent

if __name__ == "__main__":
    import jax
    _d = setup_inputs()
    print(jax.jit(kernel)(*tuple(_d.values())))

</pallas_src>

<mosaic_0001>
#map = affine_map<(d0, d1) -> (0, 0)>
#map1 = affine_map<(d0, d1) -> (0, 0, 0)>
#map2 = affine_map<(d0, d1) -> (0)>
module attributes {stable_mosaic.version = 14 : i64} {
  func.func @k(%arg0: i32, %arg1: i32, %arg2: memref<16x16384xf32, #tpu.memory_space<hbm>>, %arg3: memref<4x16x65536xi32, #tpu.memory_space<hbm>>, %arg4: memref<16xf32, #tpu.memory_space<hbm>>, %arg5: memref<128x16384xf32, #tpu.memory_space<hbm>>, %arg6: memref<65536xi32, #tpu.memory_space<vmem>>, %arg7: memref<4x2048xf32, #tpu.memory_space<vmem>>, %arg8: memref<2x2048xf32, #tpu.memory_space<vmem>>, %arg9: memref<16xf32, #tpu.memory_space<vmem>>) attributes {dimension_semantics = [#tpu.dimension_semantics<core_parallel>, #tpu.dimension_semantics<subcore_parallel>], iteration_bounds = array<i64: 2, 16>, scalar_prefetch = 0 : i64, scratch_operands = 4 : i64, tpu.core_type = #tpu.core_type<sc_vector_subcore>, window_params = [{transform_indices = #map}, {transform_indices = #map1}, {transform_indices = #map2}, {transform_indices = #map}]} {
    %mul3A = arith.constant 2 : i32
    %mul3A_0 = arith.muli %arg1, %mul3A : i32
    %add3A = arith.addi %mul3A_0, %arg0 : i32
    "tpu.region"() ({
      %run_scoped3A = tpu.sem_alloc : memref<!tpu.dma_semaphore, #tpu.memory_space<semaphore_mem>>
      tpu.enqueue_dma source(%arg4 : memref<16xf32, #tpu.memory_space<hbm>>) target(%arg9 : memref<16xf32, #tpu.memory_space<vmem>>) target_semaphore(%run_scoped3A : memref<!tpu.dma_semaphore, #tpu.memory_space<semaphore_mem>>)
      tpu.wait_dma2 semaphore(%run_scoped3A : memref<!tpu.dma_semaphore, #tpu.memory_space<semaphore_mem>>) src(%arg4 : memref<16xf32, #tpu.memory_space<hbm>>) dst(%arg9 : memref<16xf32, #tpu.memory_space<vmem>>)
      tpu.yield
    }) : () -> ()
    %mul3A_1 = arith.constant 2 : i32
    %mul3A_2 = arith.muli %add3A, %mul3A_1 : i32
    %add3A_3 = arith.constant 0 : i32
    %add3A_4 = arith.addi %mul3A_2, %add3A_3 : i32
    %jit3A = arith.constant 16 : i32
    %div3A = arith.divsi %add3A_4, %jit3A : i32
    %sign3A = arith.constant 0 : i32
    %sign3A_5 = arith.cmpi sgt, %add3A_4, %sign3A : i32
    %sign3A_6 = arith.extui %sign3A_5 : i1 to i32
    %sign3A_7 = arith.constant 0 : i32
    %sign3A_8 = arith.cmpi slt, %add3A_4, %sign3A_7 : i32
    %sign3A_9 = arith.extui %sign3A_8 : i1 to i32
    %sign3A_10 = arith.subi %sign3A_6, %sign3A_9 : i32
    %sign3A_11 = arith.constant 0 : i32
    %sign3A_12 = arith.cmpi sgt, %jit3A, %sign3A_11 : i32
    %sign3A_13 = arith.extui %sign3A_12 : i1 to i32
    %sign3A_14 = arith.constant 0 : i32
    %sign3A_15 = arith.cmpi slt, %jit3A, %sign3A_14 : i32
    %sign3A_16 = arith.extui %sign3A_15 : i1 to i32
    %sign3A_17 = arith.subi %sign3A_13, %sign3A_16 : i32
    %ne3A = arith.cmpi ne, %sign3A_10, %sign3A_17 : i32
    %rem3A = arith.remsi %add3A_4, %jit3A : i32
    %ne3A_18 = arith.constant 0 : i32
    %ne3A_19 = arith.cmpi ne, %rem3A, %ne3A_18 : i32
    %and3A = arith.andi %ne3A, %ne3A_19 : i1
    %sub3A = arith.constant 1 : i32
    %sub3A_20 = arith.subi %div3A, %sub3A : i32
    %select_n3A = arith.select %and3A, %sub3A_20, %div3A : i32
    %jit3A_21 = arith.constant 16 : i32
    %eq3A = arith.constant 0 : i32
    %eq3A_22 = arith.cmpi eq, %jit3A_21, %eq3A : i32
    %jit3A_23 = arith.constant 1 : i32
    %select_n3A_24 = arith.select %eq3A_22, %jit3A_23, %jit3A_21 : i32
    %rem3A_25 = arith.remsi %add3A_4, %select_n3A_24 : i32
    %ne3A_26 = arith.constant 0 : i32
    %ne3A_27 = arith.cmpi ne, %rem3A_25, %ne3A_26 : i32
    %lt3A = arith.constant 0 : i32
    %lt3A_28 = arith.cmpi slt, %rem3A_25, %lt3A : i32
    %lt3A_29 = arith.constant 0 : i32
    %lt3A_30 = arith.cmpi slt, %select_n3A_24, %lt3A_29 : i32
    %ne3A_31 = arith.xori %lt3A_28, %lt3A_30 : i1
    %and3A_32 = arith.andi %ne3A_31, %ne3A_27 : i1
    %add3A_33 = arith.addi %rem3A_25, %select_n3A_24 : i32
    %select_n3A_34 = arith.select %and3A_32, %add3A_33, %rem3A_25 : i32
    "tpu.region"() ({
      %run_scoped3A = tpu.sem_alloc : memref<!tpu.dma_semaphore, #tpu.memory_space<semaphore_mem>>
      %dma_start3A = arith.constant 0 : i32
      %dma_start3A_94 = tpu.memref_slice %arg3[%select_n3A, %select_n3A_34, %dma_start3A] : memref<4x16x65536xi32, #tpu.memory_space<hbm>> -> memref<1x1x65536xi32, #tpu.memory_space<hbm>>
      %dma_start3A_95 = tpu.memref_squeeze %dma_start3A_94 : memref<1x1x65536xi32, #tpu.memory_space<hbm>> -> memref<65536xi32, #tpu.memory_space<hbm>>
      %dma_start3A_96 = arith.constant 0 : i32
      %dma_start3A_97 = tpu.memref_slice %arg3[%select_n3A, %select_n3A_34, %dma_start3A_96] : memref<4x16x65536xi32, #tpu.memory_space<hbm>> -> memref<1x1x65536xi32, #tpu.memory_space<hbm>>
      %dma_start3A_98 = tpu.memref_squeeze %dma_start3A_97 : memref<1x1x65536xi32, #tpu.memory_space<hbm>> -> memref<65536xi32, #tpu.memory_space<hbm>>
      tpu.enqueue_dma source(%dma_start3A_98 : memref<65536xi32, #tpu.memory_space<hbm>>) target(%arg6 : memref<65536xi32, #tpu.memory_space<vmem>>) target_semaphore(%run_scoped3A : memref<!tpu.dma_semaphore, #tpu.memory_space<semaphore_mem>>)
      %dma_wait3A = arith.constant 0 : i32
      %dma_wait3A_99 = tpu.memref_slice %arg3[%select_n3A, %select_n3A_34, %dma_wait3A] : memref<4x16x65536xi32, #tpu.memory_space<hbm>> -> memref<1x1x65536xi32, #tpu.memory_space<hbm>>
      %dma_wait3A_100 = tpu.memref_squeeze %dma_wait3A_99 : memref<1x1x65536xi32, #tpu.memory_space<hbm>> -> memref<65536xi32, #tpu.memory_space<hbm>>
      %dma_wait3A_101 = arith.constant 0 : i32
      %dma_wait3A_102 = tpu.memref_slice %arg3[%select_n3A, %select_n3A_34, %dma_wait3A_101] : memref<4x16x65536xi32, #tpu.memory_space<hbm>> -> memref<1x1x65536xi32, #tpu.memory_space<hbm>>
      %dma_wait3A_103 = tpu.memref_squeeze %dma_wait3A_102 : memref<1x1x65536xi32, #tpu.memory_space<hbm>> -> memref<65536xi32, #tpu.memory_space<hbm>>
      tpu.wait_dma2 semaphore(%run_scoped3A : memref<!tpu.dma_semaphore, #tpu.memory_space<semaphore_mem>>) src(%dma_wait3A_103 : memref<65536xi32, #tpu.memory_space<hbm>>) dst(%arg6 : memref<65536xi32, #tpu.memory_space<vmem>>)
      tpu.yield
    }) : () -> ()
    %broadcast_in_dim3A = vector.broadcast %select_n3A_34 : i32 to vector<16xi32>
    %gather3A = tpu.vector_load_idx %arg9[%broadcast_in_dim3A] : memref<16xf32, #tpu.memory_space<vmem>>[vector<16xi32>], vector<16xf32>,
    %scan3A = arith.constant 0 : i32
    %scan3A_35 = arith.constant 0 : i32
    %scan3A_36 = arith.constant 8 : i32
    %scan3A_37 = arith.addi %scan3A_35, %scan3A_36 : i32
    %scan3A_38 = arith.constant 1 : i32
    %scan3A_39 = scf.for %scan3A_94 = %scan3A_35 to %scan3A_37 step %scan3A_38 iter_args(%scan3A_95 = %scan3A) -> (i32)  : i32 {
      %mul3A_96 = arith.constant 4 : i32
      %mul3A_97 = arith.muli %select_n3A, %mul3A_96 : i32
      %add3A_98 = arith.constant 0 : i32
      %add3A_99 = arith.addi %mul3A_97, %add3A_98 : i32
      %mul3A_100 = arith.constant 2048 : i32
      %mul3A_101 = arith.muli %scan3A_94, %mul3A_100 : i32
      %run_scoped3A = arith.constant 0 : i32
      "tpu.region"() ({
        %run_scoped3A_136 = tpu.sem_alloc : memref<!tpu.dma_semaphore, #tpu.memory_space<semaphore_mem>>
        %dma_start3A = arith.constant 0 : i32
        %dma_start3A_137 = tpu.memref_slice %arg7[%run_scoped3A, %dma_start3A] : memref<4x2048xf32, #tpu.memory_space<vmem>> -> memref<1x2048xf32, #tpu.memory_space<vmem>>
        %dma_start3A_138 = tpu.memref_squeeze %dma_start3A_137 : memref<1x2048xf32, #tpu.memory_space<vmem>> -> memref<2048xf32, #tpu.memory_space<vmem>>
        %dma_start3A_139 = tpu.memref_slice %arg2[%add3A_99, %mul3A_101] : memref<16x16384xf32, #tpu.memory_space<hbm>> -> memref<1x2048xf32, #tpu.memory_space<hbm>>
        %dma_start3A_140 = tpu.memref_squeeze %dma_start3A_139 : memref<1x2048xf32, #tpu.memory_space<hbm>> -> memref<2048xf32, #tpu.memory_space<hbm>>
        %dma_start3A_141 = arith.constant 0 : i32
        %dma_start3A_142 = tpu.memref_slice %arg7[%run_scoped3A, %dma_start3A_141] : memref<4x2048xf32, #tpu.memory_space<vmem>> -> memref<1x2048xf32, #tpu.memory_space<vmem>>
        %dma_start3A_143 = tpu.memref_squeeze %dma_start3A_142 : memref<1x2048xf32, #tpu.memory_space<vmem>> -> memref<2048xf32, #tpu.memory_space<vmem>>
        %dma_start3A_144 = tpu.memref_slice %arg2[%add3A_99, %mul3A_101] : memref<16x16384xf32, #tpu.memory_space<hbm>> -> memref<1x2048xf32, #tpu.memory_space<hbm>>
        %dma_start3A_145 = tpu.memref_squeeze %dma_start3A_144 : memref<1x2048xf32, #tpu.memory_space<hbm>> -> memref<2048xf32, #tpu.memory_space<hbm>>
        tpu.enqueue_dma source(%dma_start3A_145 : memref<2048xf32, #tpu.memory_space<hbm>>) target(%dma_start3A_143 : memref<2048xf32, #tpu.memory_space<vmem>>) target_semaphore(%run_scoped3A_136 : memref<!tpu.dma_semaphore, #tpu.memory_space<semaphore_mem>>)
        %dma_wait3A = arith.constant 0 : i32
        %dma_wait3A_146 = tpu.memref_slice %arg7[%run_scoped3A, %dma_wait3A] : memref<4x2048xf32, #tpu.memory_space<vmem>> -> memref<1x2048xf32, #tpu.memory_space<vmem>>
        %dma_wait3A_147 = tpu.memref_squeeze %dma_wait3A_146 : memref<1x2048xf32, #tpu.memory_space<vmem>> -> memref<2048xf32, #tpu.memory_space<vmem>>
        %dma_wait3A_148 = tpu.memref_slice %arg2[%add3A_99, %mul3A_101] : memref<16x16384xf32, #tpu.memory_space<hbm>> -> memref<1x2048xf32, #tpu.memory_space<hbm>>
        %dma_wait3A_149 = tpu.memref_squeeze %dma_wait3A_148 : memref<1x2048xf32, #tpu.memory_space<hbm>> -> memref<2048xf32, #tpu.memory_space<hbm>>
        %dma_wait3A_150 = arith.constant 0 : i32
        %dma_wait3A_151 = tpu.memref_slice %arg7[%run_scoped3A, %dma_wait3A_150] : memref<4x2048xf32, #tpu.memory_space<vmem>> -> memref<1x2048xf32, #tpu.memory_space<vmem>>
        %dma_wait3A_152 = tpu.memref_squeeze %dma_wait3A_151 : memref<1x2048xf32, #tpu.memory_space<vmem>> -> memref<2048xf32, #tpu.memory_space<vmem>>
        %dma_wait3A_153 = tpu.memref_slice %arg2[%add3A_99, %mul3A_101] : memref<16x16384xf32, #tpu.memory_space<hbm>> -> memref<1x2048xf32, #tpu.memory_space<hbm>>
        %dma_wait3A_154 = tpu.memref_squeeze %dma_wait3A_153 : memref<1x2048xf32, #tpu.memory_space<hbm>> -> memref<2048xf32, #tpu.memory_space<hbm>>
        tpu.wait_dma2 semaphore(%run_scoped3A_136 : memref<!tpu.dma_semaphore, #tpu.memory_space<semaphore_mem>>) src(%dma_wait3A_154 : memref<2048xf32, #tpu.memory_space<hbm>>) dst(%dma_wait3A_152 : memref<2048xf32, #tpu.memory_space<vmem>>)
        tpu.yield
      }) : () -> ()
      %mul3A_102 = arith.constant 4 : i32
      %mul3A_103 = arith.muli %select_n3A, %mul3A_102 : i32
      %add3A_104 = arith.constant 1 : i32
      %add3A_105 = arith.addi %mul3A_103, %add3A_104 : i32
      %mul3A_106 = arith.constant 2048 : i32
      %mul3A_107 = arith.muli %scan3A_94, %mul3A_106 : i32
      %run_scoped3A_108 = arith.constant 1 : i32
      "tpu.region"() ({
        %run_scoped3A_136 = tpu.sem_alloc : memref<!tpu.dma_semaphore, #tpu.memory_space<semaphore_mem>>
        %dma_start3A = arith.constant 0 : i32
        %dma_start3A_137 = tpu.memref_slice %arg7[%run_scoped3A_108, %dma_start3A] : memref<4x2048xf32, #tpu.memory_space<vmem>> -> memref<1x2048xf32, #tpu.memory_space<vmem>>
        %dma_start3A_138 = tpu.memref_squeeze %dma_start3A_137 : memref<1x2048xf32, #tpu.memory_space<vmem>> -> memref<2048xf32, #tpu.memory_space<vmem>>
        %dma_start3A_139 = tpu.memref_slice %arg2[%add3A_105, %mul3A_107] : memref<16x16384xf32, #tpu.memory_space<hbm>> -> memref<1x2048xf32, #tpu.memory_space<hbm>>
        %dma_start3A_140 = tpu.memref_squeeze %dma_start3A_139 : memref<1x2048xf32, #tpu.memory_space<hbm>> -> memref<2048xf32, #tpu.memory_space<hbm>>
        %dma_start3A_141 = arith.constant 0 : i32
        %dma_start3A_142 = tpu.memref_slice %arg7[%run_scoped3A_108, %dma_start3A_141] : memref<4x2048xf32, #tpu.memory_space<vmem>> -> memref<1x2048xf32, #tpu.memory_space<vmem>>
        %dma_start3A_143 = tpu.memref_squeeze %dma_start3A_142 : memref<1x2048xf32, #tpu.memory_space<vmem>> -> memref<2048xf32, #tpu.memory_space<vmem>>
        %dma_start3A_144 = tpu.memref_slice %arg2[%add3A_105, %mul3A_107] : memref<16x16384xf32, #tpu.memory_space<hbm>> -> memref<1x2048xf32, #tpu.memory_space<hbm>>
        %dma_start3A_145 = tpu.memref_squeeze %dma_start3A_144 : memref<1x2048xf32, #tpu.memory_space<hbm>> -> memref<2048xf32, #tpu.memory_space<hbm>>
        tpu.enqueue_dma source(%dma_start3A_145 : memref<2048xf32, #tpu.memory_space<hbm>>) target(%dma_start3A_143 : memref<2048xf32, #tpu.memory_space<vmem>>) target_semaphore(%run_scoped3A_136 : memref<!tpu.dma_semaphore, #tpu.memory_space<semaphore_mem>>)
        %dma_wait3A = arith.constant 0 : i32
        %dma_wait3A_146 = tpu.memref_slice %arg7[%run_scoped3A_108, %dma_wait3A] : memref<4x2048xf32, #tpu.memory_space<vmem>> -> memref<1x2048xf32, #tpu.memory_space<vmem>>
        %dma_wait3A_147 = tpu.memref_squeeze %dma_wait3A_146 : memref<1x2048xf32, #tpu.memory_space<vmem>> -> memref<2048xf32, #tpu.memory_space<vmem>>
        %dma_wait3A_148 = tpu.memref_slice %arg2[%add3A_105, %mul3A_107] : memref<16x16384xf32, #tpu.memory_space<hbm>> -> memref<1x2048xf32, #tpu.memory_space<hbm>>
        %dma_wait3A_149 = tpu.memref_squeeze %dma_wait3A_148 : memref<1x2048xf32, #tpu.memory_space<hbm>> -> memref<2048xf32, #tpu.memory_space<hbm>>
        %dma_wait3A_150 = arith.constant 0 : i32
        %dma_wait3A_151 = tpu.memref_slice %arg7[%run_scoped3A_108, %dma_wait3A_150] : memref<4x2048xf32, #tpu.memory_space<vmem>> -> memref<1x2048xf32, #tpu.memory_space<vmem>>
        %dma_wait3A_152 = tpu.memref_squeeze %dma_wait3A_151 : memref<1x2048xf32, #tpu.memory_space<vmem>> -> memref<2048xf32, #tpu.memory_space<vmem>>
        %dma_wait3A_153 = tpu.memref_slice %arg2[%add3A_105, %mul3A_107] : memref<16x16384xf32, #tpu.memory_space<hbm>> -> memref<1x2048xf32, #tpu.memory_space<hbm>>
        %dma_wait3A_154 = tpu.memref_squeeze %dma_wait3A_153 : memref<1x2048xf32, #tpu.memory_space<hbm>> -> memref<2048xf32, #tpu.memory_space<hbm>>
        tpu.wait_dma2 semaphore(%run_scoped3A_136 : memref<!tpu.dma_semaphore, #tpu.memory_space<semaphore_mem>>) src(%dma_wait3A_154 : memref<2048xf32, #tpu.memory_space<hbm>>) dst(%dma_wait3A_152 : memref<2048xf32, #tpu.memory_space<vmem>>)
        tpu.yield
      }) : () -> ()
      %mul3A_109 = arith.constant 4 : i32
      %mul3A_110 = arith.muli %select_n3A, %mul3A_109 : i32
      %add3A_111 = arith.constant 2 : i32
      %add3A_112 = arith.addi %mul3A_110, %add3A_111 : i32
      %mul3A_113 = arith.constant 2048 : i32
      %mul3A_114 = arith.muli %scan3A_94, %mul3A_113 : i32
      %run_scoped3A_115 = arith.constant 2 : i32
      "tpu.region"() ({
        %run_scoped3A_136 = tpu.sem_alloc : memref<!tpu.dma_semaphore, #tpu.memory_space<semaphore_mem>>
        %dma_start3A = arith.constant 0 : i32
        %dma_start3A_137 = tpu.memref_slice %arg7[%run_scoped3A_115, %dma_start3A] : memref<4x2048xf32, #tpu.memory_space<vmem>> -> memref<1x2048xf32, #tpu.memory_space<vmem>>
        %dma_start3A_138 = tpu.memref_squeeze %dma_start3A_137 : memref<1x2048xf32, #tpu.memory_space<vmem>> -> memref<2048xf32, #tpu.memory_space<vmem>>
        %dma_start3A_139 = tpu.memref_slice %arg2[%add3A_112, %mul3A_114] : memref<16x16384xf32, #tpu.memory_space<hbm>> -> memref<1x2048xf32, #tpu.memory_space<hbm>>
        %dma_start3A_140 = tpu.memref_squeeze %dma_start3A_139 : memref<1x2048xf32, #tpu.memory_space<hbm>> -> memref<2048xf32, #tpu.memory_space<hbm>>
        %dma_start3A_141 = arith.constant 0 : i32
        %dma_start3A_142 = tpu.memref_slice %arg7[%run_scoped3A_115, %dma_start3A_141] : memref<4x2048xf32, #tpu.memory_space<vmem>> -> memref<1x2048xf32, #tpu.memory_space<vmem>>
        %dma_start3A_143 = tpu.memref_squeeze %dma_start3A_142 : memref<1x2048xf32, #tpu.memory_space<vmem>> -> memref<2048xf32, #tpu.memory_space<vmem>>
        %dma_start3A_144 = tpu.memref_slice %arg2[%add3A_112, %mul3A_114] : memref<16x16384xf32, #tpu.memory_space<hbm>> -> memref<1x2048xf32, #tpu.memory_space<hbm>>
        %dma_start3A_145 = tpu.memref_squeeze %dma_start3A_144 : memref<1x2048xf32, #tpu.memory_space<hbm>> -> memref<2048xf32, #tpu.memory_space<hbm>>
        tpu.enqueue_dma source(%dma_start3A_145 : memref<2048xf32, #tpu.memory_space<hbm>>) target(%dma_start3A_143 : memref<2048xf32, #tpu.memory_space<vmem>>) target_semaphore(%run_scoped3A_136 : memref<!tpu.dma_semaphore, #tpu.memory_space<semaphore_mem>>)
        %dma_wait3A = arith.constant 0 : i32
        %dma_wait3A_146 = tpu.memref_slice %arg7[%run_scoped3A_115, %dma_wait3A] : memref<4x2048xf32, #tpu.memory_space<vmem>> -> memref<1x2048xf32, #tpu.memory_space<vmem>>
        %dma_wait3A_147 = tpu.memref_squeeze %dma_wait3A_146 : memref<1x2048xf32, #tpu.memory_space<vmem>> -> memref<2048xf32, #tpu.memory_space<vmem>>
        %dma_wait3A_148 = tpu.memref_slice %arg2[%add3A_112, %mul3A_114] : memref<16x16384xf32, #tpu.memory_space<hbm>> -> memref<1x2048xf32, #tpu.memory_space<hbm>>
        %dma_wait3A_149 = tpu.memref_squeeze %dma_wait3A_148 : memref<1x2048xf32, #tpu.memory_space<hbm>> -> memref<2048xf32, #tpu.memory_space<hbm>>
        %dma_wait3A_150 = arith.constant 0 : i32
        %dma_wait3A_151 = tpu.memref_slice %arg7[%run_scoped3A_115, %dma_wait3A_150] : memref<4x2048xf32, #tpu.memory_space<vmem>> -> memref<1x2048xf32, #tpu.memory_space<vmem>>
        %dma_wait3A_152 = tpu.memref_squeeze %dma_wait3A_151 : memref<1x2048xf32, #tpu.memory_space<vmem>> -> memref<2048xf32, #tpu.memory_space<vmem>>
        %dma_wait3A_153 = tpu.memref_slice %arg2[%add3A_112, %mul3A_114] : memref<16x16384xf32, #tpu.memory_space<hbm>> -> memref<1x2048xf32, #tpu.memory_space<hbm>>
        %dma_wait3A_154 = tpu.memref_squeeze %dma_wait3A_153 : memref<1x2048xf32, #tpu.memory_space<hbm>> -> memref<2048xf32, #tpu.memory_space<hbm>>
        tpu.wait_dma2 semaphore(%run_scoped3A_136 : memref<!tpu.dma_semaphore, #tpu.memory_space<semaphore_mem>>) src(%dma_wait3A_154 : memref<2048xf32, #tpu.memory_space<hbm>>) dst(%dma_wait3A_152 : memref<2048xf32, #tpu.memory_space<vmem>>)
        tpu.yield
      }) : () -> ()
      %mul3A_116 = arith.constant 4 : i32
      %mul3A_117 = arith.muli %select_n3A, %mul3A_116 : i32
      %add3A_118 = arith.constant 3 : i32
      %add3A_119 = arith.addi %mul3A_117, %add3A_118 : i32
      %mul3A_120 = arith.constant 2048 : i32
      %mul3A_121 = arith.muli %scan3A_94, %mul3A_120 : i32
      %run_scoped3A_122 = arith.constant 3 : i32
      "tpu.region"() ({
        %run_scoped3A_136 = tpu.sem_alloc : memref<!tpu.dma_semaphore, #tpu.memory_space<semaphore_mem>>
        %dma_start3A = arith.constant 0 : i32
        %dma_start3A_137 = tpu.memref_slice %arg7[%run_scoped3A_122, %dma_start3A] : memref<4x2048xf32, #tpu.memory_space<vmem>> -> memref<1x2048xf32, #tpu.memory_space<vmem>>
        %dma_start3A_138 = tpu.memref_squeeze %dma_start3A_137 : memref<1x2048xf32, #tpu.memory_space<vmem>> -> memref<2048xf32, #tpu.memory_space<vmem>>
        %dma_start3A_139 = tpu.memref_slice %arg2[%add3A_119, %mul3A_121] : memref<16x16384xf32, #tpu.memory_space<hbm>> -> memref<1x2048xf32, #tpu.memory_space<hbm>>
        %dma_start3A_140 = tpu.memref_squeeze %dma_start3A_139 : memref<1x2048xf32, #tpu.memory_space<hbm>> -> memref<2048xf32, #tpu.memory_space<hbm>>
        %dma_start3A_141 = arith.constant 0 : i32
        %dma_start3A_142 = tpu.memref_slice %arg7[%run_scoped3A_122, %dma_start3A_141] : memref<4x2048xf32, #tpu.memory_space<vmem>> -> memref<1x2048xf32, #tpu.memory_space<vmem>>
        %dma_start3A_143 = tpu.memref_squeeze %dma_start3A_142 : memref<1x2048xf32, #tpu.memory_space<vmem>> -> memref<2048xf32, #tpu.memory_space<vmem>>
        %dma_start3A_144 = tpu.memref_slice %arg2[%add3A_119, %mul3A_121] : memref<16x16384xf32, #tpu.memory_space<hbm>> -> memref<1x2048xf32, #tpu.memory_space<hbm>>
        %dma_start3A_145 = tpu.memref_squeeze %dma_start3A_144 : memref<1x2048xf32, #tpu.memory_space<hbm>> -> memref<2048xf32, #tpu.memory_space<hbm>>
        tpu.enqueue_dma source(%dma_start3A_145 : memref<2048xf32, #tpu.memory_space<hbm>>) target(%dma_start3A_143 : memref<2048xf32, #tpu.memory_space<vmem>>) target_semaphore(%run_scoped3A_136 : memref<!tpu.dma_semaphore, #tpu.memory_space<semaphore_mem>>)
        %dma_wait3A = arith.constant 0 : i32
        %dma_wait3A_146 = tpu.memref_slice %arg7[%run_scoped3A_122, %dma_wait3A] : memref<4x2048xf32, #tpu.memory_space<vmem>> -> memref<1x2048xf32, #tpu.memory_space<vmem>>
        %dma_wait3A_147 = tpu.memref_squeeze %dma_wait3A_146 : memref<1x2048xf32, #tpu.memory_space<vmem>> -> memref<2048xf32, #tpu.memory_space<vmem>>
        %dma_wait3A_148 = tpu.memref_slice %arg2[%add3A_119, %mul3A_121] : memref<16x16384xf32, #tpu.memory_space<hbm>> -> memref<1x2048xf32, #tpu.memory_space<hbm>>
        %dma_wait3A_149 = tpu.memref_squeeze %dma_wait3A_148 : memref<1x2048xf32, #tpu.memory_space<hbm>> -> memref<2048xf32, #tpu.memory_space<hbm>>
        %dma_wait3A_150 = arith.constant 0 : i32
        %dma_wait3A_151 = tpu.memref_slice %arg7[%run_scoped3A_122, %dma_wait3A_150] : memref<4x2048xf32, #tpu.memory_space<vmem>> -> memref<1x2048xf32, #tpu.memory_space<vmem>>
        %dma_wait3A_152 = tpu.memref_squeeze %dma_wait3A_151 : memref<1x2048xf32, #tpu.memory_space<vmem>> -> memref<2048xf32, #tpu.memory_space<vmem>>
        %dma_wait3A_153 = tpu.memref_slice %arg2[%add3A_119, %mul3A_121] : memref<16x16384xf32, #tpu.memory_space<hbm>> -> memref<1x2048xf32, #tpu.memory_space<hbm>>
        %dma_wait3A_154 = tpu.memref_squeeze %dma_wait3A_153 : memref<1x2048xf32, #tpu.memory_space<hbm>> -> memref<2048xf32, #tpu.memory_space<hbm>>
        tpu.wait_dma2 semaphore(%run_scoped3A_136 : memref<!tpu.dma_semaphore, #tpu.memory_space<semaphore_mem>>) src(%dma_wait3A_154 : memref<2048xf32, #tpu.memory_space<hbm>>) dst(%dma_wait3A_152 : memref<2048xf32, #tpu.memory_space<vmem>>)
        tpu.yield
      }) : () -> ()
      %parallel_loop3A = arith.constant 0 : i32
      %parallel_loop3A_123 = arith.constant 2048 : i32
      %parallel_loop3A_124 = arith.constant 16 : i32
      scf.for %parallel_loop3A_136 = %parallel_loop3A to %parallel_loop3A_123 step %parallel_loop3A_124  : i32 {
        %parallel_loop3A_137 = arith.constant 0 : i32
        %parallel_loop3A_138 = arith.index_cast %parallel_loop3A_137 : i32 to index
        %parallel_loop3A_139 = arith.index_cast %parallel_loop3A_136 : i32 to index
        %parallel_loop3A_140 = tpu.vector_load %arg7[%parallel_loop3A_138, %parallel_loop3A_139] {strides = array<i32>} : memref<4x2048xf32, #tpu.memory_space<vmem>>, vector<16xf32>,
        %parallel_loop3A_141 = arith.constant 1 : i32
        %parallel_loop3A_142 = arith.index_cast %parallel_loop3A_141 : i32 to index
        %parallel_loop3A_143 = arith.index_cast %parallel_loop3A_136 : i32 to index
        %parallel_loop3A_144 = tpu.vector_load %arg7[%parallel_loop3A_142, %parallel_loop3A_143] {strides = array<i32>} : memref<4x2048xf32, #tpu.memory_space<vmem>>, vector<16xf32>,
        %parallel_loop3A_145 = arith.constant 2 : i32
        %parallel_loop3A_146 = arith.index_cast %parallel_loop3A_145 : i32 to index
        %parallel_loop3A_147 = arith.index_cast %parallel_loop3A_136 : i32 to index
        %parallel_loop3A_148 = tpu.vector_load %arg7[%parallel_loop3A_146, %parallel_loop3A_147] {strides = array<i32>} : memref<4x2048xf32, #tpu.memory_space<vmem>>, vector<16xf32>,
        %parallel_loop3A_149 = arith.constant 3 : i32
        %parallel_loop3A_150 = arith.index_cast %parallel_loop3A_149 : i32 to index
        %parallel_loop3A_151 = arith.index_cast %parallel_loop3A_136 : i32 to index
        %parallel_loop3A_152 = tpu.vector_load %arg7[%parallel_loop3A_150, %parallel_loop3A_151] {strides = array<i32>} : memref<4x2048xf32, #tpu.memory_space<vmem>>, vector<16xf32>,
        %parallel_loop3A_153 = arith.constant 0.000000e+00 : f32
        %parallel_loop3A_154 = vector.broadcast %parallel_loop3A_153 : f32 to vector<16xf32>
        %parallel_loop3A_155 = arith.subf %parallel_loop3A_154, %parallel_loop3A_140 : vector<16xf32>
        %parallel_loop3A_156 = math.exp %parallel_loop3A_155 : vector<16xf32>
        %parallel_loop3A_157 = arith.constant 1.000000e+00 : f32
        %parallel_loop3A_158 = vector.broadcast %parallel_loop3A_157 : f32 to vector<16xf32>
        %parallel_loop3A_159 = arith.addf %parallel_loop3A_158, %parallel_loop3A_156 : vector<16xf32>
        %parallel_loop3A_160 = arith.constant 1.000000e+00 : f32
        %parallel_loop3A_161 = vector.broadcast %parallel_loop3A_160 : f32 to vector<16xf32>
        %parallel_loop3A_162 = arith.divf %parallel_loop3A_161, %parallel_loop3A_159 : vector<16xf32>
        %parallel_loop3A_163 = arith.constant 0.000000e+00 : f32
        %parallel_loop3A_164 = vector.broadcast %parallel_loop3A_163 : f32 to vector<16xf32>
        %parallel_loop3A_165 = arith.subf %parallel_loop3A_164, %parallel_loop3A_144 : vector<16xf32>
        %parallel_loop3A_166 = math.exp %parallel_loop3A_165 : vector<16xf32>
        %parallel_loop3A_167 = arith.constant 1.000000e+00 : f32
        %parallel_loop3A_168 = vector.broadcast %parallel_loop3A_167 : f32 to vector<16xf32>
        %parallel_loop3A_169 = arith.addf %parallel_loop3A_168, %parallel_loop3A_166 : vector<16xf32>
        %parallel_loop3A_170 = arith.constant 1.000000e+00 : f32
        %parallel_loop3A_171 = vector.broadcast %parallel_loop3A_170 : f32 to vector<16xf32>
        %parallel_loop3A_172 = arith.divf %parallel_loop3A_171, %parallel_loop3A_169 : vector<16xf32>
        %parallel_loop3A_173 = arith.constant 0.000000e+00 : f32
        %parallel_loop3A_174 = vector.broadcast %parallel_loop3A_173 : f32 to vector<16xf32>
        %parallel_loop3A_175 = arith.subf %parallel_loop3A_174, %parallel_loop3A_148 : vector<16xf32>
        %parallel_loop3A_176 = math.exp %parallel_loop3A_175 : vector<16xf32>
        %parallel_loop3A_177 = arith.constant 1.000000e+00 : f32
        %parallel_loop3A_178 = vector.broadcast %parallel_loop3A_177 : f32 to vector<16xf32>
        %parallel_loop3A_179 = arith.addf %parallel_loop3A_178, %parallel_loop3A_176 : vector<16xf32>
        %parallel_loop3A_180 = arith.constant 1.000000e+00 : f32
        %parallel_loop3A_181 = vector.broadcast %parallel_loop3A_180 : f32 to vector<16xf32>
        %parallel_loop3A_182 = arith.divf %parallel_loop3A_181, %parallel_loop3A_179 : vector<16xf32>
        %parallel_loop3A_183 = arith.constant 0.000000e+00 : f32
        %parallel_loop3A_184 = vector.broadcast %parallel_loop3A_183 : f32 to vector<16xf32>
        %parallel_loop3A_185 = arith.subf %parallel_loop3A_184, %parallel_loop3A_152 : vector<16xf32>
        %parallel_loop3A_186 = math.exp %parallel_loop3A_185 : vector<16xf32>
        %parallel_loop3A_187 = arith.constant 1.000000e+00 : f32
        %parallel_loop3A_188 = vector.broadcast %parallel_loop3A_187 : f32 to vector<16xf32>
        %parallel_loop3A_189 = arith.addf %parallel_loop3A_188, %parallel_loop3A_186 : vector<16xf32>
        %parallel_loop3A_190 = arith.constant 1.000000e+00 : f32
        %parallel_loop3A_191 = vector.broadcast %parallel_loop3A_190 : f32 to vector<16xf32>
        %parallel_loop3A_192 = arith.divf %parallel_loop3A_191, %parallel_loop3A_189 : vector<16xf32>
        %parallel_loop3A_193 = arith.mulf %parallel_loop3A_162, %gather3A : vector<16xf32>
        %parallel_loop3A_194 = arith.mulf %parallel_loop3A_172, %gather3A : vector<16xf32>
        %parallel_loop3A_195 = arith.mulf %parallel_loop3A_182, %gather3A : vector<16xf32>
        %parallel_loop3A_196 = arith.mulf %parallel_loop3A_192, %gather3A : vector<16xf32>
        %parallel_loop3A_197 = arith.fptosi %parallel_loop3A_193 : vector<16xf32> to vector<16xi32>
        %parallel_loop3A_198 = arith.fptosi %parallel_loop3A_194 : vector<16xf32> to vector<16xi32>
        %parallel_loop3A_199 = arith.fptosi %parallel_loop3A_195 : vector<16xf32> to vector<16xi32>
        %parallel_loop3A_200 = arith.fptosi %parallel_loop3A_196 : vector<16xf32> to vector<16xi32>
        %parallel_loop3A_201 = arith.sitofp %parallel_loop3A_197 : vector<16xi32> to vector<16xf32>
        %parallel_loop3A_202 = arith.subf %parallel_loop3A_193, %parallel_loop3A_201 : vector<16xf32>
        %parallel_loop3A_203 = arith.sitofp %parallel_loop3A_198 : vector<16xi32> to vector<16xf32>
        %parallel_loop3A_204 = arith.subf %parallel_loop3A_194, %parallel_loop3A_203 : vector<16xf32>
        %parallel_loop3A_205 = arith.sitofp %parallel_loop3A_199 : vector<16xi32> to vector<16xf32>
        %parallel_loop3A_206 = arith.subf %parallel_loop3A_195, %parallel_loop3A_205 : vector<16xf32>
        %parallel_loop3A_207 = arith.sitofp %parallel_loop3A_200 : vector<16xi32> to vector<16xf32>
        %parallel_loop3A_208 = arith.subf %parallel_loop3A_196, %parallel_loop3A_207 : vector<16xf32>
        %parallel_loop3A_209 = arith.constant 1.000000e+00 : f32
        %parallel_loop3A_210 = vector.broadcast %parallel_loop3A_209 : f32 to vector<16xf32>
        %parallel_loop3A_211 = arith.subf %parallel_loop3A_210, %parallel_loop3A_202 : vector<16xf32>
        %parallel_loop3A_212 = arith.constant 1.000000e+00 : f32
        %parallel_loop3A_213 = vector.broadcast %parallel_loop3A_212 : f32 to vector<16xf32>
        %parallel_loop3A_214 = arith.subf %parallel_loop3A_213, %parallel_loop3A_204 : vector<16xf32>
        %parallel_loop3A_215 = arith.constant 1.000000e+00 : f32
        %parallel_loop3A_216 = vector.broadcast %parallel_loop3A_215 : f32 to vector<16xf32>
        %parallel_loop3A_217 = arith.subf %parallel_loop3A_216, %parallel_loop3A_206 : vector<16xf32>
        %parallel_loop3A_218 = arith.constant 1.000000e+00 : f32
        %parallel_loop3A_219 = vector.broadcast %parallel_loop3A_218 : f32 to vector<16xf32>
        %parallel_loop3A_220 = arith.subf %parallel_loop3A_219, %parallel_loop3A_208 : vector<16xf32>
        %parallel_loop3A_221 = arith.constant 1 : i32
        %parallel_loop3A_222 = vector.broadcast %parallel_loop3A_221 : i32 to vector<16xi32>
        %parallel_loop3A_223 = arith.muli %parallel_loop3A_197, %parallel_loop3A_222 : vector<16xi32>
        %parallel_loop3A_224 = arith.constant -1640531535 : i32
        %parallel_loop3A_225 = vector.broadcast %parallel_loop3A_224 : i32 to vector<16xi32>
        %parallel_loop3A_226 = arith.muli %parallel_loop3A_198, %parallel_loop3A_225 : vector<16xi32>
        %parallel_loop3A_227 = arith.constant 805459861 : i32
        %parallel_loop3A_228 = vector.broadcast %parallel_loop3A_227 : i32 to vector<16xi32>
        %parallel_loop3A_229 = arith.muli %parallel_loop3A_199, %parallel_loop3A_228 : vector<16xi32>
        %parallel_loop3A_230 = arith.constant -620313867 : i32
        %parallel_loop3A_231 = vector.broadcast %parallel_loop3A_230 : i32 to vector<16xi32>
        %parallel_loop3A_232 = arith.muli %parallel_loop3A_200, %parallel_loop3A_231 : vector<16xi32>
        %parallel_loop3A_233 = arith.constant 1 : i32
        %parallel_loop3A_234 = vector.broadcast %parallel_loop3A_233 : i32 to vector<16xi32>
        %parallel_loop3A_235 = arith.addi %parallel_loop3A_223, %parallel_loop3A_234 : vector<16xi32>
        %parallel_loop3A_236 = arith.constant -1640531535 : i32
        %parallel_loop3A_237 = vector.broadcast %parallel_loop3A_236 : i32 to vector<16xi32>
        %parallel_loop3A_238 = arith.addi %parallel_loop3A_226, %parallel_loop3A_237 : vector<16xi32>
        %parallel_loop3A_239 = arith.constant 805459861 : i32
        %parallel_loop3A_240 = vector.broadcast %parallel_loop3A_239 : i32 to vector<16xi32>
        %parallel_loop3A_241 = arith.addi %parallel_loop3A_229, %parallel_loop3A_240 : vector<16xi32>
        %parallel_loop3A_242 = arith.constant -620313867 : i32
        %parallel_loop3A_243 = vector.broadcast %parallel_loop3A_242 : i32 to vector<16xi32>
        %parallel_loop3A_244 = arith.addi %parallel_loop3A_232, %parallel_loop3A_243 : vector<16xi32>
        %parallel_loop3A_245 = arith.xori %parallel_loop3A_223, %parallel_loop3A_226 : vector<16xi32>
        %parallel_loop3A_246 = arith.constant 65535 : i32
        %parallel_loop3A_247 = vector.broadcast %parallel_loop3A_246 : i32 to vector<16xi32>
        %parallel_loop3A_248 = arith.andi %parallel_loop3A_245, %parallel_loop3A_247 : vector<16xi32>
        %parallel_loop3A_249 = arith.xori %parallel_loop3A_235, %parallel_loop3A_226 : vector<16xi32>
        %parallel_loop3A_250 = arith.constant 65535 : i32
        %parallel_loop3A_251 = vector.broadcast %parallel_loop3A_250 : i32 to vector<16xi32>
        %parallel_loop3A_252 = arith.andi %parallel_loop3A_249, %parallel_loop3A_251 : vector<16xi32>
        %parallel_loop3A_253 = arith.xori %parallel_loop3A_223, %parallel_loop3A_238 : vector<16xi32>
        %parallel_loop3A_254 = arith.constant 65535 : i32
        %parallel_loop3A_255 = vector.broadcast %parallel_loop3A_254 : i32 to vector<16xi32>
        %parallel_loop3A_256 = arith.andi %parallel_loop3A_253, %parallel_loop3A_255 : vector<16xi32>
        %parallel_loop3A_257 = arith.xori %parallel_loop3A_235, %parallel_loop3A_238 : vector<16xi32>
        %parallel_loop3A_258 = arith.constant 65535 : i32
        %parallel_loop3A_259 = vector.broadcast %parallel_loop3A_258 : i32 to vector<16xi32>
        %parallel_loop3A_260 = arith.andi %parallel_loop3A_257, %parallel_loop3A_259 : vector<16xi32>
        %parallel_loop3A_261 = arith.xori %parallel_loop3A_229, %parallel_loop3A_232 : vector<16xi32>
        %parallel_loop3A_262 = arith.constant 65535 : i32
        %parallel_loop3A_263 = vector.broadcast %parallel_loop3A_262 : i32 to vector<16xi32>
        %parallel_loop3A_264 = arith.andi %parallel_loop3A_261, %parallel_loop3A_263 : vector<16xi32>
        %parallel_loop3A_265 = arith.xori %parallel_loop3A_241, %parallel_loop3A_232 : vector<16xi32>
        %parallel_loop3A_266 = arith.constant 65535 : i32
        %parallel_loop3A_267 = vector.broadcast %parallel_loop3A_266 : i32 to vector<16xi32>
        %parallel_loop3A_268 = arith.andi %parallel_loop3A_265, %parallel_loop3A_267 : vector<16xi32>
        %parallel_loop3A_269 = arith.xori %parallel_loop3A_229, %parallel_loop3A_244 : vector<16xi32>
        %parallel_loop3A_270 = arith.constant 65535 : i32
        %parallel_loop3A_271 = vector.broadcast %parallel_loop3A_270 : i32 to vector<16xi32>
        %parallel_loop3A_272 = arith.andi %parallel_loop3A_269, %parallel_loop3A_271 : vector<16xi32>
        %parallel_loop3A_273 = arith.xori %parallel_loop3A_241, %parallel_loop3A_244 : vector<16xi32>
        %parallel_loop3A_274 = arith.constant 65535 : i32
        %parallel_loop3A_275 = vector.broadcast %parallel_loop3A_274 : i32 to vector<16xi32>
        %parallel_loop3A_276 = arith.andi %parallel_loop3A_273, %parallel_loop3A_275 : vector<16xi32>
        %parallel_loop3A_277 = arith.mulf %parallel_loop3A_211, %parallel_loop3A_214 : vector<16xf32>
        %parallel_loop3A_278 = arith.mulf %parallel_loop3A_202, %parallel_loop3A_214 : vector<16xf32>
        %parallel_loop3A_279 = arith.mulf %parallel_loop3A_211, %parallel_loop3A_204 : vector<16xf32>
        %parallel_loop3A_280 = arith.mulf %parallel_loop3A_202, %parallel_loop3A_204 : vector<16xf32>
        %parallel_loop3A_281 = arith.mulf %parallel_loop3A_217, %parallel_loop3A_220 : vector<16xf32>
        %parallel_loop3A_282 = arith.mulf %parallel_loop3A_206, %parallel_loop3A_220 : vector<16xf32>
        %parallel_loop3A_283 = arith.mulf %parallel_loop3A_217, %parallel_loop3A_208 : vector<16xf32>
        %parallel_loop3A_284 = arith.mulf %parallel_loop3A_206, %parallel_loop3A_208 : vector<16xf32>
        %parallel_loop3A_285 = arith.constant 0.000000e+00 : f32
        %parallel_loop3A_286 = vector.broadcast %parallel_loop3A_285 : f32 to vector<16xf32>
        %parallel_loop3A_287 = arith.constant 0.000000e+00 : f32
        %parallel_loop3A_288 = vector.broadcast %parallel_loop3A_287 : f32 to vector<16xf32>
        %parallel_loop3A_289 = arith.xori %parallel_loop3A_248, %parallel_loop3A_264 : vector<16xi32>
        %parallel_loop3A_290 = tpu.vector_load_idx %arg6[%parallel_loop3A_289] : memref<65536xi32, #tpu.memory_space<vmem>>[vector<16xi32>], vector<16xi32>,
        %parallel_loop3A_291 = arith.constant 16 : i32
        %parallel_loop3A_292 = vector.broadcast %parallel_loop3A_291 : i32 to vector<16xi32>
        %parallel_loop3A_293 = arith.shli %parallel_loop3A_290, %parallel_loop3A_292 : vector<16xi32>
        %parallel_loop3A_294 = tpu.bitcast %parallel_loop3A_293 : vector<16xi32> -> vector<16xf32>
        %parallel_loop3A_295 = tpu.bitcast %parallel_loop3A_290 : vector<16xi32> -> vector<16xf32>
        %parallel_loop3A_296 = arith.mulf %parallel_loop3A_277, %parallel_loop3A_281 : vector<16xf32>
        %parallel_loop3A_297 = arith.mulf %parallel_loop3A_296, %parallel_loop3A_294 : vector<16xf32>
        %parallel_loop3A_298 = arith.addf %parallel_loop3A_286, %parallel_loop3A_297 : vector<16xf32>
        %parallel_loop3A_299 = arith.mulf %parallel_loop3A_296, %parallel_loop3A_295 : vector<16xf32>
        %parallel_loop3A_300 = arith.addf %parallel_loop3A_288, %parallel_loop3A_299 : vector<16xf32>
        %parallel_loop3A_301 = arith.xori %parallel_loop3A_252, %parallel_loop3A_264 : vector<16xi32>
        %parallel_loop3A_302 = tpu.vector_load_idx %arg6[%parallel_loop3A_301] : memref<65536xi32, #tpu.memory_space<vmem>>[vector<16xi32>], vector<16xi32>,
        %parallel_loop3A_303 = arith.constant 16 : i32
        %parallel_loop3A_304 = vector.broadcast %parallel_loop3A_303 : i32 to vector<16xi32>
        %parallel_loop3A_305 = arith.shli %parallel_loop3A_302, %parallel_loop3A_304 : vector<16xi32>
        %parallel_loop3A_306 = tpu.bitcast %parallel_loop3A_305 : vector<16xi32> -> vector<16xf32>
        %parallel_loop3A_307 = tpu.bitcast %parallel_loop3A_302 : vector<16xi32> -> vector<16xf32>
        %parallel_loop3A_308 = arith.mulf %parallel_loop3A_278, %parallel_loop3A_281 : vector<16xf32>
        %parallel_loop3A_309 = arith.mulf %parallel_loop3A_308, %parallel_loop3A_306 : vector<16xf32>
        %parallel_loop3A_310 = arith.addf %parallel_loop3A_298, %parallel_loop3A_309 : vector<16xf32>
        %parallel_loop3A_311 = arith.mulf %parallel_loop3A_308, %parallel_loop3A_307 : vector<16xf32>
        %parallel_loop3A_312 = arith.addf %parallel_loop3A_300, %parallel_loop3A_311 : vector<16xf32>
        %parallel_loop3A_313 = arith.xori %parallel_loop3A_256, %parallel_loop3A_264 : vector<16xi32>
        %parallel_loop3A_314 = tpu.vector_load_idx %arg6[%parallel_loop3A_313] : memref<65536xi32, #tpu.memory_space<vmem>>[vector<16xi32>], vector<16xi32>,
        %parallel_loop3A_315 = arith.constant 16 : i32
        %parallel_loop3A_316 = vector.broadcast %parallel_loop3A_315 : i32 to vector<16xi32>
        %parallel_loop3A_317 = arith.shli %parallel_loop3A_314, %parallel_loop3A_316 : vector<16xi32>
        %parallel_loop3A_318 = tpu.bitcast %parallel_loop3A_317 : vector<16xi32> -> vector<16xf32>
        %parallel_loop3A_319 = tpu.bitcast %parallel_loop3A_314 : vector<16xi32> -> vector<16xf32>
        %parallel_loop3A_320 = arith.mulf %parallel_loop3A_279, %parallel_loop3A_281 : vector<16xf32>
        %parallel_loop3A_321 = arith.mulf %parallel_loop3A_320, %parallel_loop3A_318 : vector<16xf32>
        %parallel_loop3A_322 = arith.addf %parallel_loop3A_310, %parallel_loop3A_321 : vector<16xf32>
        %parallel_loop3A_323 = arith.mulf %parallel_loop3A_320, %parallel_loop3A_319 : vector<16xf32>
        %parallel_loop3A_324 = arith.addf %parallel_loop3A_312, %parallel_loop3A_323 : vector<16xf32>
        %parallel_loop3A_325 = arith.xori %parallel_loop3A_260, %parallel_loop3A_264 : vector<16xi32>
        %parallel_loop3A_326 = tpu.vector_load_idx %arg6[%parallel_loop3A_325] : memref<65536xi32, #tpu.memory_space<vmem>>[vector<16xi32>], vector<16xi32>,
        %parallel_loop3A_327 = arith.constant 16 : i32
        %parallel_loop3A_328 = vector.broadcast %parallel_loop3A_327 : i32 to vector<16xi32>
        %parallel_loop3A_329 = arith.shli %parallel_loop3A_326, %parallel_loop3A_328 : vector<16xi32>
        %parallel_loop3A_330 = tpu.bitcast %parallel_loop3A_329 : vector<16xi32> -> vector<16xf32>
        %parallel_loop3A_331 = tpu.bitcast %parallel_loop3A_326 : vector<16xi32> -> vector<16xf32>
        %parallel_loop3A_332 = arith.mulf %parallel_loop3A_280, %parallel_loop3A_281 : vector<16xf32>
        %parallel_loop3A_333 = arith.mulf %parallel_loop3A_332, %parallel_loop3A_330 : vector<16xf32>
        %parallel_loop3A_334 = arith.addf %parallel_loop3A_322, %parallel_loop3A_333 : vector<16xf32>
        %parallel_loop3A_335 = arith.mulf %parallel_loop3A_332, %parallel_loop3A_331 : vector<16xf32>
        %parallel_loop3A_336 = arith.addf %parallel_loop3A_324, %parallel_loop3A_335 : vector<16xf32>
        %parallel_loop3A_337 = arith.xori %parallel_loop3A_248, %parallel_loop3A_268 : vector<16xi32>
        %parallel_loop3A_338 = tpu.vector_load_idx %arg6[%parallel_loop3A_337] : memref<65536xi32, #tpu.memory_space<vmem>>[vector<16xi32>], vector<16xi32>,
        %parallel_loop3A_339 = arith.constant 16 : i32
        %parallel_loop3A_340 = vector.broadcast %parallel_loop3A_339 : i32 to vector<16xi32>
        %parallel_loop3A_341 = arith.shli %parallel_loop3A_338, %parallel_loop3A_340 : vector<16xi32>
        %parallel_loop3A_342 = tpu.bitcast %parallel_loop3A_341 : vector<16xi32> -> vector<16xf32>
        %parallel_loop3A_343 = tpu.bitcast %parallel_loop3A_338 : vector<16xi32> -> vector<16xf32>
        %parallel_loop3A_344 = arith.mulf %parallel_loop3A_277, %parallel_loop3A_282 : vector<16xf32>
        %parallel_loop3A_345 = arith.mulf %parallel_loop3A_344, %parallel_loop3A_342 : vector<16xf32>
        %parallel_loop3A_346 = arith.addf %parallel_loop3A_334, %parallel_loop3A_345 : vector<16xf32>
        %parallel_loop3A_347 = arith.mulf %parallel_loop3A_344, %parallel_loop3A_343 : vector<16xf32>
        %parallel_loop3A_348 = arith.addf %parallel_loop3A_336, %parallel_loop3A_347 : vector<16xf32>
        %parallel_loop3A_349 = arith.xori %parallel_loop3A_252, %parallel_loop3A_268 : vector<16xi32>
        %parallel_loop3A_350 = tpu.vector_load_idx %arg6[%parallel_loop3A_349] : memref<65536xi32, #tpu.memory_space<vmem>>[vector<16xi32>], vector<16xi32>,
        %parallel_loop3A_351 = arith.constant 16 : i32
        %parallel_loop3A_352 = vector.broadcast %parallel_loop3A_351 : i32 to vector<16xi32>
        %parallel_loop3A_353 = arith.shli %parallel_loop3A_350, %parallel_loop3A_352 : vector<16xi32>
        %parallel_loop3A_354 = tpu.bitcast %parallel_loop3A_353 : vector<16xi32> -> vector<16xf32>
        %parallel_loop3A_355 = tpu.bitcast %parallel_loop3A_350 : vector<16xi32> -> vector<16xf32>
        %parallel_loop3A_356 = arith.mulf %parallel_loop3A_278, %parallel_loop3A_282 : vector<16xf32>
        %parallel_loop3A_357 = arith.mulf %parallel_loop3A_356, %parallel_loop3A_354 : vector<16xf32>
        %parallel_loop3A_358 = arith.addf %parallel_loop3A_346, %parallel_loop3A_357 : vector<16xf32>
        %parallel_loop3A_359 = arith.mulf %parallel_loop3A_356, %parallel_loop3A_355 : vector<16xf32>
        %parallel_loop3A_360 = arith.addf %parallel_loop3A_348, %parallel_loop3A_359 : vector<16xf32>
        %parallel_loop3A_361 = arith.xori %parallel_loop3A_256, %parallel_loop3A_268 : vector<16xi32>
        %parallel_loop3A_362 = tpu.vector_load_idx %arg6[%parallel_loop3A_361] : memref<65536xi32, #tpu.memory_space<vmem>>[vector<16xi32>], vector<16xi32>,
        %parallel_loop3A_363 = arith.constant 16 : i32
        %parallel_loop3A_364 = vector.broadcast %parallel_loop3A_363 : i32 to vector<16xi32>
        %parallel_loop3A_365 = arith.shli %parallel_loop3A_362, %parallel_loop3A_364 : vector<16xi32>
        %parallel_loop3A_366 = tpu.bitcast %parallel_loop3A_365 : vector<16xi32> -> vector<16xf32>
        %parallel_loop3A_367 = tpu.bitcast %parallel_loop3A_362 : vector<16xi32> -> vector<16xf32>
        %parallel_loop3A_368 = arith.mulf %parallel_loop3A_279, %parallel_loop3A_282 : vector<16xf32>
        %parallel_loop3A_369 = arith.mulf %parallel_loop3A_368, %parallel_loop3A_366 : vector<16xf32>
        %parallel_loop3A_370 = arith.addf %parallel_loop3A_358, %parallel_loop3A_369 : vector<16xf32>
        %parallel_loop3A_371 = arith.mulf %parallel_loop3A_368, %parallel_loop3A_367 : vector<16xf32>
        %parallel_loop3A_372 = arith.addf %parallel_loop3A_360, %parallel_loop3A_371 : vector<16xf32>
        %parallel_loop3A_373 = arith.xori %parallel_loop3A_260, %parallel_loop3A_268 : vector<16xi32>
        %parallel_loop3A_374 = tpu.vector_load_idx %arg6[%parallel_loop3A_373] : memref<65536xi32, #tpu.memory_space<vmem>>[vector<16xi32>], vector<16xi32>,
        %parallel_loop3A_375 = arith.constant 16 : i32
        %parallel_loop3A_376 = vector.broadcast %parallel_loop3A_375 : i32 to vector<16xi32>
        %parallel_loop3A_377 = arith.shli %parallel_loop3A_374, %parallel_loop3A_376 : vector<16xi32>
        %parallel_loop3A_378 = tpu.bitcast %parallel_loop3A_377 : vector<16xi32> -> vector<16xf32>
        %parallel_loop3A_379 = tpu.bitcast %parallel_loop3A_374 : vector<16xi32> -> vector<16xf32>
        %parallel_loop3A_380 = arith.mulf %parallel_loop3A_280, %parallel_loop3A_282 : vector<16xf32>
        %parallel_loop3A_381 = arith.mulf %parallel_loop3A_380, %parallel_loop3A_378 : vector<16xf32>
        %parallel_loop3A_382 = arith.addf %parallel_loop3A_370, %parallel_loop3A_381 : vector<16xf32>
        %parallel_loop3A_383 = arith.mulf %parallel_loop3A_380, %parallel_loop3A_379 : vector<16xf32>
        %parallel_loop3A_384 = arith.addf %parallel_loop3A_372, %parallel_loop3A_383 : vector<16xf32>
        %parallel_loop3A_385 = arith.xori %parallel_loop3A_248, %parallel_loop3A_272 : vector<16xi32>
        %parallel_loop3A_386 = tpu.vector_load_idx %arg6[%parallel_loop3A_385] : memref<65536xi32, #tpu.memory_space<vmem>>[vector<16xi32>], vector<16xi32>,
        %parallel_loop3A_387 = arith.constant 16 : i32
        %parallel_loop3A_388 = vector.broadcast %parallel_loop3A_387 : i32 to vector<16xi32>
        %parallel_loop3A_389 = arith.shli %parallel_loop3A_386, %parallel_loop3A_388 : vector<16xi32>
        %parallel_loop3A_390 = tpu.bitcast %parallel_loop3A_389 : vector<16xi32> -> vector<16xf32>
        %parallel_loop3A_391 = tpu.bitcast %parallel_loop3A_386 : vector<16xi32> -> vector<16xf32>
        %parallel_loop3A_392 = arith.mulf %parallel_loop3A_277, %parallel_loop3A_283 : vector<16xf32>
        %parallel_loop3A_393 = arith.mulf %parallel_loop3A_392, %parallel_loop3A_390 : vector<16xf32>
        %parallel_loop3A_394 = arith.addf %parallel_loop3A_382, %parallel_loop3A_393 : vector<16xf32>
        %parallel_loop3A_395 = arith.mulf %parallel_loop3A_392, %parallel_loop3A_391 : vector<16xf32>
        %parallel_loop3A_396 = arith.addf %parallel_loop3A_384, %parallel_loop3A_395 : vector<16xf32>
        %parallel_loop3A_397 = arith.xori %parallel_loop3A_252, %parallel_loop3A_272 : vector<16xi32>
        %parallel_loop3A_398 = tpu.vector_load_idx %arg6[%parallel_loop3A_397] : memref<65536xi32, #tpu.memory_space<vmem>>[vector<16xi32>], vector<16xi32>,
        %parallel_loop3A_399 = arith.constant 16 : i32
        %parallel_loop3A_400 = vector.broadcast %parallel_loop3A_399 : i32 to vector<16xi32>
        %parallel_loop3A_401 = arith.shli %parallel_loop3A_398, %parallel_loop3A_400 : vector<16xi32>
        %parallel_loop3A_402 = tpu.bitcast %parallel_loop3A_401 : vector<16xi32> -> vector<16xf32>
        %parallel_loop3A_403 = tpu.bitcast %parallel_loop3A_398 : vector<16xi32> -> vector<16xf32>
        %parallel_loop3A_404 = arith.mulf %parallel_loop3A_278, %parallel_loop3A_283 : vector<16xf32>
        %parallel_loop3A_405 = arith.mulf %parallel_loop3A_404, %parallel_loop3A_402 : vector<16xf32>
        %parallel_loop3A_406 = arith.addf %parallel_loop3A_394, %parallel_loop3A_405 : vector<16xf32>
        %parallel_loop3A_407 = arith.mulf %parallel_loop3A_404, %parallel_loop3A_403 : vector<16xf32>
        %parallel_loop3A_408 = arith.addf %parallel_loop3A_396, %parallel_loop3A_407 : vector<16xf32>
        %parallel_loop3A_409 = arith.xori %parallel_loop3A_256, %parallel_loop3A_272 : vector<16xi32>
        %parallel_loop3A_410 = tpu.vector_load_idx %arg6[%parallel_loop3A_409] : memref<65536xi32, #tpu.memory_space<vmem>>[vector<16xi32>], vector<16xi32>,
        %parallel_loop3A_411 = arith.constant 16 : i32
        %parallel_loop3A_412 = vector.broadcast %parallel_loop3A_411 : i32 to vector<16xi32>
        %parallel_loop3A_413 = arith.shli %parallel_loop3A_410, %parallel_loop3A_412 : vector<16xi32>
        %parallel_loop3A_414 = tpu.bitcast %parallel_loop3A_413 : vector<16xi32> -> vector<16xf32>
        %parallel_loop3A_415 = tpu.bitcast %parallel_loop3A_410 : vector<16xi32> -> vector<16xf32>
        %parallel_loop3A_416 = arith.mulf %parallel_loop3A_279, %parallel_loop3A_283 : vector<16xf32>
        %parallel_loop3A_417 = arith.mulf %parallel_loop3A_416, %parallel_loop3A_414 : vector<16xf32>
        %parallel_loop3A_418 = arith.addf %parallel_loop3A_406, %parallel_loop3A_417 : vector<16xf32>
        %parallel_loop3A_419 = arith.mulf %parallel_loop3A_416, %parallel_loop3A_415 : vector<16xf32>
        %parallel_loop3A_420 = arith.addf %parallel_loop3A_408, %parallel_loop3A_419 : vector<16xf32>
        %parallel_loop3A_421 = arith.xori %parallel_loop3A_260, %parallel_loop3A_272 : vector<16xi32>
        %parallel_loop3A_422 = tpu.vector_load_idx %arg6[%parallel_loop3A_421] : memref<65536xi32, #tpu.memory_space<vmem>>[vector<16xi32>], vector<16xi32>,
        %parallel_loop3A_423 = arith.constant 16 : i32
        %parallel_loop3A_424 = vector.broadcast %parallel_loop3A_423 : i32 to vector<16xi32>
        %parallel_loop3A_425 = arith.shli %parallel_loop3A_422, %parallel_loop3A_424 : vector<16xi32>
        %parallel_loop3A_426 = tpu.bitcast %parallel_loop3A_425 : vector<16xi32> -> vector<16xf32>
        %parallel_loop3A_427 = tpu.bitcast %parallel_loop3A_422 : vector<16xi32> -> vector<16xf32>
        %parallel_loop3A_428 = arith.mulf %parallel_loop3A_280, %parallel_loop3A_283 : vector<16xf32>
        %parallel_loop3A_429 = arith.mulf %parallel_loop3A_428, %parallel_loop3A_426 : vector<16xf32>
        %parallel_loop3A_430 = arith.addf %parallel_loop3A_418, %parallel_loop3A_429 : vector<16xf32>
        %parallel_loop3A_431 = arith.mulf %parallel_loop3A_428, %parallel_loop3A_427 : vector<16xf32>
        %parallel_loop3A_432 = arith.addf %parallel_loop3A_420, %parallel_loop3A_431 : vector<16xf32>
        %parallel_loop3A_433 = arith.xori %parallel_loop3A_248, %parallel_loop3A_276 : vector<16xi32>
        %parallel_loop3A_434 = tpu.vector_load_idx %arg6[%parallel_loop3A_433] : memref<65536xi32, #tpu.memory_space<vmem>>[vector<16xi32>], vector<16xi32>,
        %parallel_loop3A_435 = arith.constant 16 : i32
        %parallel_loop3A_436 = vector.broadcast %parallel_loop3A_435 : i32 to vector<16xi32>
        %parallel_loop3A_437 = arith.shli %parallel_loop3A_434, %parallel_loop3A_436 : vector<16xi32>
        %parallel_loop3A_438 = tpu.bitcast %parallel_loop3A_437 : vector<16xi32> -> vector<16xf32>
        %parallel_loop3A_439 = tpu.bitcast %parallel_loop3A_434 : vector<16xi32> -> vector<16xf32>
        %parallel_loop3A_440 = arith.mulf %parallel_loop3A_277, %parallel_loop3A_284 : vector<16xf32>
        %parallel_loop3A_441 = arith.mulf %parallel_loop3A_440, %parallel_loop3A_438 : vector<16xf32>
        %parallel_loop3A_442 = arith.addf %parallel_loop3A_430, %parallel_loop3A_441 : vector<16xf32>
        %parallel_loop3A_443 = arith.mulf %parallel_loop3A_440, %parallel_loop3A_439 : vector<16xf32>
        %parallel_loop3A_444 = arith.addf %parallel_loop3A_432, %parallel_loop3A_443 : vector<16xf32>
        %parallel_loop3A_445 = arith.xori %parallel_loop3A_252, %parallel_loop3A_276 : vector<16xi32>
        %parallel_loop3A_446 = tpu.vector_load_idx %arg6[%parallel_loop3A_445] : memref<65536xi32, #tpu.memory_space<vmem>>[vector<16xi32>], vector<16xi32>,
        %parallel_loop3A_447 = arith.constant 16 : i32
        %parallel_loop3A_448 = vector.broadcast %parallel_loop3A_447 : i32 to vector<16xi32>
        %parallel_loop3A_449 = arith.shli %parallel_loop3A_446, %parallel_loop3A_448 : vector<16xi32>
        %parallel_loop3A_450 = tpu.bitcast %parallel_loop3A_449 : vector<16xi32> -> vector<16xf32>
        %parallel_loop3A_451 = tpu.bitcast %parallel_loop3A_446 : vector<16xi32> -> vector<16xf32>
        %parallel_loop3A_452 = arith.mulf %parallel_loop3A_278, %parallel_loop3A_284 : vector<16xf32>
        %parallel_loop3A_453 = arith.mulf %parallel_loop3A_452, %parallel_loop3A_450 : vector<16xf32>
        %parallel_loop3A_454 = arith.addf %parallel_loop3A_442, %parallel_loop3A_453 : vector<16xf32>
        %parallel_loop3A_455 = arith.mulf %parallel_loop3A_452, %parallel_loop3A_451 : vector<16xf32>
        %parallel_loop3A_456 = arith.addf %parallel_loop3A_444, %parallel_loop3A_455 : vector<16xf32>
        %parallel_loop3A_457 = arith.xori %parallel_loop3A_256, %parallel_loop3A_276 : vector<16xi32>
        %parallel_loop3A_458 = tpu.vector_load_idx %arg6[%parallel_loop3A_457] : memref<65536xi32, #tpu.memory_space<vmem>>[vector<16xi32>], vector<16xi32>,
        %parallel_loop3A_459 = arith.constant 16 : i32
        %parallel_loop3A_460 = vector.broadcast %parallel_loop3A_459 : i32 to vector<16xi32>
        %parallel_loop3A_461 = arith.shli %parallel_loop3A_458, %parallel_loop3A_460 : vector<16xi32>
        %parallel_loop3A_462 = tpu.bitcast %parallel_loop3A_461 : vector<16xi32> -> vector<16xf32>
        %parallel_loop3A_463 = tpu.bitcast %parallel_loop3A_458 : vector<16xi32> -> vector<16xf32>
        %parallel_loop3A_464 = arith.mulf %parallel_loop3A_279, %parallel_loop3A_284 : vector<16xf32>
        %parallel_loop3A_465 = arith.mulf %parallel_loop3A_464, %parallel_loop3A_462 : vector<16xf32>
        %parallel_loop3A_466 = arith.addf %parallel_loop3A_454, %parallel_loop3A_465 : vector<16xf32>
        %parallel_loop3A_467 = arith.mulf %parallel_loop3A_464, %parallel_loop3A_463 : vector<16xf32>
        %parallel_loop3A_468 = arith.addf %parallel_loop3A_456, %parallel_loop3A_467 : vector<16xf32>
        %parallel_loop3A_469 = arith.xori %parallel_loop3A_260, %parallel_loop3A_276 : vector<16xi32>
        %parallel_loop3A_470 = tpu.vector_load_idx %arg6[%parallel_loop3A_469] : memref<65536xi32, #tpu.memory_space<vmem>>[vector<16xi32>], vector<16xi32>,
        %parallel_loop3A_471 = arith.constant 16 : i32
        %parallel_loop3A_472 = vector.broadcast %parallel_loop3A_471 : i32 to vector<16xi32>
        %parallel_loop3A_473 = arith.shli %parallel_loop3A_470, %parallel_loop3A_472 : vector<16xi32>
        %parallel_loop3A_474 = tpu.bitcast %parallel_loop3A_473 : vector<16xi32> -> vector<16xf32>
        %parallel_loop3A_475 = tpu.bitcast %parallel_loop3A_470 : vector<16xi32> -> vector<16xf32>
        %parallel_loop3A_476 = arith.mulf %parallel_loop3A_280, %parallel_loop3A_284 : vector<16xf32>
        %parallel_loop3A_477 = arith.mulf %parallel_loop3A_476, %parallel_loop3A_474 : vector<16xf32>
        %parallel_loop3A_478 = arith.addf %parallel_loop3A_466, %parallel_loop3A_477 : vector<16xf32>
        %parallel_loop3A_479 = arith.mulf %parallel_loop3A_476, %parallel_loop3A_475 : vector<16xf32>
        %parallel_loop3A_480 = arith.addf %parallel_loop3A_468, %parallel_loop3A_479 : vector<16xf32>
        %parallel_loop3A_481 = arith.constant 0 : i32
        %parallel_loop3A_482 = arith.index_cast %parallel_loop3A_481 : i32 to index
        %parallel_loop3A_483 = arith.index_cast %parallel_loop3A_136 : i32 to index
        %parallel_loop3A_484 = tpu.vector_load %arg8[%parallel_loop3A_482, %parallel_loop3A_483] {strides = array<i32>} : memref<2x2048xf32, #tpu.memory_space<vmem>>, vector<16xf32>,
        tpu.vector_store %arg8[%parallel_loop3A_482, %parallel_loop3A_483], %parallel_loop3A_478 {strides = array<i32>} : memref<2x2048xf32, #tpu.memory_space<vmem>>, vector<16xf32>,
        %parallel_loop3A_485 = arith.constant 1 : i32
        %parallel_loop3A_486 = arith.index_cast %parallel_loop3A_485 : i32 to index
        %parallel_loop3A_487 = arith.index_cast %parallel_loop3A_136 : i32 to index
        %parallel_loop3A_488 = tpu.vector_load %arg8[%parallel_loop3A_486, %parallel_loop3A_487] {strides = array<i32>} : memref<2x2048xf32, #tpu.memory_space<vmem>>, vector<16xf32>,
        tpu.vector_store %arg8[%parallel_loop3A_486, %parallel_loop3A_487], %parallel_loop3A_480 {strides = array<i32>} : memref<2x2048xf32, #tpu.memory_space<vmem>>, vector<16xf32>,
      } {sc.loop_unroll_factor = 3 : i64, sc.parallel_access}
      %mul3A_125 = arith.constant 2 : i32
      %mul3A_126 = arith.muli %add3A_4, %mul3A_125 : i32
      %mul3A_127 = arith.constant 2048 : i32
      %mul3A_128 = arith.muli %scan3A_94, %mul3A_127 : i32
      %run_scoped3A_129 = arith.constant 0 : i32
      "tpu.region"() ({
        %run_scoped3A_136 = tpu.sem_alloc : memref<!tpu.dma_semaphore, #tpu.memory_space<semaphore_mem>>
        %dma_start3A = arith.constant 0 : i32
        %dma_start3A_137 = tpu.memref_slice %arg8[%run_scoped3A_129, %dma_start3A] : memref<2x2048xf32, #tpu.memory_space<vmem>> -> memref<1x2048xf32, #tpu.memory_space<vmem>>
        %dma_start3A_138 = tpu.memref_squeeze %dma_start3A_137 : memref<1x2048xf32, #tpu.memory_space<vmem>> -> memref<2048xf32, #tpu.memory_space<vmem>>
        %dma_start3A_139 = tpu.memref_slice %arg5[%mul3A_126, %mul3A_128] : memref<128x16384xf32, #tpu.memory_space<hbm>> -> memref<1x2048xf32, #tpu.memory_space<hbm>>
        %dma_start3A_140 = tpu.memref_squeeze %dma_start3A_139 : memref<1x2048xf32, #tpu.memory_space<hbm>> -> memref<2048xf32, #tpu.memory_space<hbm>>
        %dma_start3A_141 = tpu.memref_slice %arg5[%mul3A_126, %mul3A_128] : memref<128x16384xf32, #tpu.memory_space<hbm>> -> memref<1x2048xf32, #tpu.memory_space<hbm>>
        %dma_start3A_142 = tpu.memref_squeeze %dma_start3A_141 : memref<1x2048xf32, #tpu.memory_space<hbm>> -> memref<2048xf32, #tpu.memory_space<hbm>>
        %dma_start3A_143 = arith.constant 0 : i32
        %dma_start3A_144 = tpu.memref_slice %arg8[%run_scoped3A_129, %dma_start3A_143] : memref<2x2048xf32, #tpu.memory_space<vmem>> -> memref<1x2048xf32, #tpu.memory_space<vmem>>
        %dma_start3A_145 = tpu.memref_squeeze %dma_start3A_144 : memref<1x2048xf32, #tpu.memory_space<vmem>> -> memref<2048xf32, #tpu.memory_space<vmem>>
        tpu.enqueue_dma source(%dma_start3A_145 : memref<2048xf32, #tpu.memory_space<vmem>>) target(%dma_start3A_142 : memref<2048xf32, #tpu.memory_space<hbm>>) target_semaphore(%run_scoped3A_136 : memref<!tpu.dma_semaphore, #tpu.memory_space<semaphore_mem>>)
        %dma_wait3A = arith.constant 0 : i32
        %dma_wait3A_146 = tpu.memref_slice %arg8[%run_scoped3A_129, %dma_wait3A] : memref<2x2048xf32, #tpu.memory_space<vmem>> -> memref<1x2048xf32, #tpu.memory_space<vmem>>
        %dma_wait3A_147 = tpu.memref_squeeze %dma_wait3A_146 : memref<1x2048xf32, #tpu.memory_space<vmem>> -> memref<2048xf32, #tpu.memory_space<vmem>>
        %dma_wait3A_148 = tpu.memref_slice %arg5[%mul3A_126, %mul3A_128] : memref<128x16384xf32, #tpu.memory_space<hbm>> -> memref<1x2048xf32, #tpu.memory_space<hbm>>
        %dma_wait3A_149 = tpu.memref_squeeze %dma_wait3A_148 : memref<1x2048xf32, #tpu.memory_space<hbm>> -> memref<2048xf32, #tpu.memory_space<hbm>>
        %dma_wait3A_150 = tpu.memref_slice %arg5[%mul3A_126, %mul3A_128] : memref<128x16384xf32, #tpu.memory_space<hbm>> -> memref<1x2048xf32, #tpu.memory_space<hbm>>
        %dma_wait3A_151 = tpu.memref_squeeze %dma_wait3A_150 : memref<1x2048xf32, #tpu.memory_space<hbm>> -> memref<2048xf32, #tpu.memory_space<hbm>>
        %dma_wait3A_152 = arith.constant 0 : i32
        %dma_wait3A_153 = tpu.memref_slice %arg8[%run_scoped3A_129, %dma_wait3A_152] : memref<2x2048xf32, #tpu.memory_space<vmem>> -> memref<1x2048xf32, #tpu.memory_space<vmem>>
        %dma_wait3A_154 = tpu.memref_squeeze %dma_wait3A_153 : memref<1x2048xf32, #tpu.memory_space<vmem>> -> memref<2048xf32, #tpu.memory_space<vmem>>
        tpu.wait_dma2 semaphore(%run_scoped3A_136 : memref<!tpu.dma_semaphore, #tpu.memory_space<semaphore_mem>>) src(%dma_wait3A_154 : memref<2048xf32, #tpu.memory_space<vmem>>) dst(%dma_wait3A_151 : memref<2048xf32, #tpu.memory_space<hbm>>)
        tpu.yield
      }) : () -> ()
      %add3A_130 = arith.constant 1 : i32
      %add3A_131 = arith.addi %mul3A_126, %add3A_130 : i32
      %mul3A_132 = arith.constant 2048 : i32
      %mul3A_133 = arith.muli %scan3A_94, %mul3A_132 : i32
      %run_scoped3A_134 = arith.constant 1 : i32
      "tpu.region"() ({
        %run_scoped3A_136 = tpu.sem_alloc : memref<!tpu.dma_semaphore, #tpu.memory_space<semaphore_mem>>
        %dma_start3A = arith.constant 0 : i32
        %dma_start3A_137 = tpu.memref_slice %arg8[%run_scoped3A_134, %dma_start3A] : memref<2x2048xf32, #tpu.memory_space<vmem>> -> memref<1x2048xf32, #tpu.memory_space<vmem>>
        %dma_start3A_138 = tpu.memref_squeeze %dma_start3A_137 : memref<1x2048xf32, #tpu.memory_space<vmem>> -> memref<2048xf32, #tpu.memory_space<vmem>>
        %dma_start3A_139 = tpu.memref_slice %arg5[%add3A_131, %mul3A_133] : memref<128x16384xf32, #tpu.memory_space<hbm>> -> memref<1x2048xf32, #tpu.memory_space<hbm>>
        %dma_start3A_140 = tpu.memref_squeeze %dma_start3A_139 : memref<1x2048xf32, #tpu.memory_space<hbm>> -> memref<2048xf32, #tpu.memory_space<hbm>>
        %dma_start3A_141 = tpu.memref_slice %arg5[%add3A_131, %mul3A_133] : memref<128x16384xf32, #tpu.memory_space<hbm>> -> memref<1x2048xf32, #tpu.memory_space<hbm>>
        %dma_start3A_142 = tpu.memref_squeeze %dma_start3A_141 : memref<1x2048xf32, #tpu.memory_space<hbm>> -> memref<2048xf32, #tpu.memory_space<hbm>>
        %dma_start3A_143 = arith.constant 0 : i32
        %dma_start3A_144 = tpu.memref_slice %arg8[%run_scoped3A_134, %dma_start3A_143] : memref<2x2048xf32, #tpu.memory_space<vmem>> -> memref<1x2048xf32, #tpu.memory_space<vmem>>
        %dma_start3A_145 = tpu.memref_squeeze %dma_start3A_144 : memref<1x2048xf32, #tpu.memory_space<vmem>> -> memref<2048xf32, #tpu.memory_space<vmem>>
        tpu.enqueue_dma source(%dma_start3A_145 : memref<2048xf32, #tpu.memory_space<vmem>>) target(%dma_start3A_142 : memref<2048xf32, #tpu.memory_space<hbm>>) target_semaphore(%run_scoped3A_136 : memref<!tpu.dma_semaphore, #tpu.memory_space<semaphore_mem>>)
        %dma_wait3A = arith.constant 0 : i32
        %dma_wait3A_146 = tpu.memref_slice %arg8[%run_scoped3A_134, %dma_wait3A] : memref<2x2048xf32, #tpu.memory_space<vmem>> -> memref<1x2048xf32, #tpu.memory_space<vmem>>
        %dma_wait3A_147 = tpu.memref_squeeze %dma_wait3A_146 : memref<1x2048xf32, #tpu.memory_space<vmem>> -> memref<2048xf32, #tpu.memory_space<vmem>>
        %dma_wait3A_148 = tpu.memref_slice %arg5[%add3A_131, %mul3A_133] : memref<128x16384xf32, #tpu.memory_space<hbm>> -> memref<1x2048xf32, #tpu.memory_space<hbm>>
        %dma_wait3A_149 = tpu.memref_squeeze %dma_wait3A_148 : memref<1x2048xf32, #tpu.memory_space<hbm>> -> memref<2048xf32, #tpu.memory_space<hbm>>
        %dma_wait3A_150 = tpu.memref_slice %arg5[%add3A_131, %mul3A_133] : memref<128x16384xf32, #tpu.memory_space<hbm>> -> memref<1x2048xf32, #tpu.memory_space<hbm>>
        %dma_wait3A_151 = tpu.memref_squeeze %dma_wait3A_150 : memref<1x2048xf32, #tpu.memory_space<hbm>> -> memref<2048xf32, #tpu.memory_space<hbm>>
        %dma_wait3A_152 = arith.constant 0 : i32
        %dma_wait3A_153 = tpu.memref_slice %arg8[%run_scoped3A_134, %dma_wait3A_152] : memref<2x2048xf32, #tpu.memory_space<vmem>> -> memref<1x2048xf32, #tpu.memory_space<vmem>>
        %dma_wait3A_154 = tpu.memref_squeeze %dma_wait3A_153 : memref<1x2048xf32, #tpu.memory_space<vmem>> -> memref<2048xf32, #tpu.memory_space<vmem>>
        tpu.wait_dma2 semaphore(%run_scoped3A_136 : memref<!tpu.dma_semaphore, #tpu.memory_space<semaphore_mem>>) src(%dma_wait3A_154 : memref<2048xf32, #tpu.memory_space<vmem>>) dst(%dma_wait3A_151 : memref<2048xf32, #tpu.memory_space<hbm>>)
        tpu.yield
      }) : () -> ()
      %scan3A_135 = arith.constant 0 : i32
      scf.yield %scan3A_135 : i32
    }
    %scan3A_40 = arith.constant 8 : i32
    %mul3A_41 = arith.constant 2 : i32
    %mul3A_42 = arith.muli %add3A, %mul3A_41 : i32
    %add3A_43 = arith.constant 1 : i32
    %add3A_44 = arith.addi %mul3A_42, %add3A_43 : i32
    %jit3A_45 = arith.constant 16 : i32
    %div3A_46 = arith.divsi %add3A_44, %jit3A_45 : i32
    %sign3A_47 = arith.constant 0 : i32
    %sign3A_48 = arith.cmpi sgt, %add3A_44, %sign3A_47 : i32
    %sign3A_49 = arith.extui %sign3A_48 : i1 to i32
    %sign3A_50 = arith.constant 0 : i32
    %sign3A_51 = arith.cmpi slt, %add3A_44, %sign3A_50 : i32
    %sign3A_52 = arith.extui %sign3A_51 : i1 to i32
    %sign3A_53 = arith.subi %sign3A_49, %sign3A_52 : i32
    %sign3A_54 = arith.constant 0 : i32
    %sign3A_55 = arith.cmpi sgt, %jit3A_45, %sign3A_54 : i32
    %sign3A_56 = arith.extui %sign3A_55 : i1 to i32
    %sign3A_57 = arith.constant 0 : i32
    %sign3A_58 = arith.cmpi slt, %jit3A_45, %sign3A_57 : i32
    %sign3A_59 = arith.extui %sign3A_58 : i1 to i32
    %sign3A_60 = arith.subi %sign3A_56, %sign3A_59 : i32
    %ne3A_61 = arith.cmpi ne, %sign3A_53, %sign3A_60 : i32
    %rem3A_62 = arith.remsi %add3A_44, %jit3A_45 : i32
    %ne3A_63 = arith.constant 0 : i32
    %ne3A_64 = arith.cmpi ne, %rem3A_62, %ne3A_63 : i32
    %and3A_65 = arith.andi %ne3A_61, %ne3A_64 : i1
    %sub3A_66 = arith.constant 1 : i32
    %sub3A_67 = arith.subi %div3A_46, %sub3A_66 : i32
    %select_n3A_68 = arith.select %and3A_65, %sub3A_67, %div3A_46 : i32
    %jit3A_69 = arith.constant 16 : i32
    %eq3A_70 = arith.constant 0 : i32
    %eq3A_71 = arith.cmpi eq, %jit3A_69, %eq3A_70 : i32
    %jit3A_72 = arith.constant 1 : i32
    %select_n3A_73 = arith.select %eq3A_71, %jit3A_72, %jit3A_69 : i32
    %rem3A_74 = arith.remsi %add3A_44, %select_n3A_73 : i32
    %ne3A_75 = arith.constant 0 : i32
    %ne3A_76 = arith.cmpi ne, %rem3A_74, %ne3A_75 : i32
    %lt3A_77 = arith.constant 0 : i32
    %lt3A_78 = arith.cmpi slt, %rem3A_74, %lt3A_77 : i32
    %lt3A_79 = arith.constant 0 : i32
    %lt3A_80 = arith.cmpi slt, %select_n3A_73, %lt3A_79 : i32
    %ne3A_81 = arith.xori %lt3A_78, %lt3A_80 : i1
    %and3A_82 = arith.andi %ne3A_81, %ne3A_76 : i1
    %add3A_83 = arith.addi %rem3A_74, %select_n3A_73 : i32
    %select_n3A_84 = arith.select %and3A_82, %add3A_83, %rem3A_74 : i32
    "tpu.region"() ({
      %run_scoped3A = tpu.sem_alloc : memref<!tpu.dma_semaphore, #tpu.memory_space<semaphore_mem>>
      %dma_start3A = arith.constant 0 : i32
      %dma_start3A_94 = tpu.memref_slice %arg3[%select_n3A_68, %select_n3A_84, %dma_start3A] : memref<4x16x65536xi32, #tpu.memory_space<hbm>> -> memref<1x1x65536xi32, #tpu.memory_space<hbm>>
      %dma_start3A_95 = tpu.memref_squeeze %dma_start3A_94 : memref<1x1x65536xi32, #tpu.memory_space<hbm>> -> memref<65536xi32, #tpu.memory_space<hbm>>
      %dma_start3A_96 = arith.constant 0 : i32
      %dma_start3A_97 = tpu.memref_slice %arg3[%select_n3A_68, %select_n3A_84, %dma_start3A_96] : memref<4x16x65536xi32, #tpu.memory_space<hbm>> -> memref<1x1x65536xi32, #tpu.memory_space<hbm>>
      %dma_start3A_98 = tpu.memref_squeeze %dma_start3A_97 : memref<1x1x65536xi32, #tpu.memory_space<hbm>> -> memref<65536xi32, #tpu.memory_space<hbm>>
      tpu.enqueue_dma source(%dma_start3A_98 : memref<65536xi32, #tpu.memory_space<hbm>>) target(%arg6 : memref<65536xi32, #tpu.memory_space<vmem>>) target_semaphore(%run_scoped3A : memref<!tpu.dma_semaphore, #tpu.memory_space<semaphore_mem>>)
      %dma_wait3A = arith.constant 0 : i32
      %dma_wait3A_99 = tpu.memref_slice %arg3[%select_n3A_68, %select_n3A_84, %dma_wait3A] : memref<4x16x65536xi32, #tpu.memory_space<hbm>> -> memref<1x1x65536xi32, #tpu.memory_space<hbm>>
      %dma_wait3A_100 = tpu.memref_squeeze %dma_wait3A_99 : memref<1x1x65536xi32, #tpu.memory_space<hbm>> -> memref<65536xi32, #tpu.memory_space<hbm>>
      %dma_wait3A_101 = arith.constant 0 : i32
      %dma_wait3A_102 = tpu.memref_slice %arg3[%select_n3A_68, %select_n3A_84, %dma_wait3A_101] : memref<4x16x65536xi32, #tpu.memory_space<hbm>> -> memref<1x1x65536xi32, #tpu.memory_space<hbm>>
      %dma_wait3A_103 = tpu.memref_squeeze %dma_wait3A_102 : memref<1x1x65536xi32, #tpu.memory_space<hbm>> -> memref<65536xi32, #tpu.memory_space<hbm>>
      tpu.wait_dma2 semaphore(%run_scoped3A : memref<!tpu.dma_semaphore, #tpu.memory_space<semaphore_mem>>) src(%dma_wait3A_103 : memref<65536xi32, #tpu.memory_space<hbm>>) dst(%arg6 : memref<65536xi32, #tpu.memory_space<vmem>>)
      tpu.yield
    }) : () -> ()
    %broadcast_in_dim3A_85 = vector.broadcast %select_n3A_84 : i32 to vector<16xi32>
    %gather3A_86 = tpu.vector_load_idx %arg9[%broadcast_in_dim3A_85] : memref<16xf32, #tpu.memory_space<vmem>>[vector<16xi32>], vector<16xf32>,
    %scan3A_87 = arith.constant 0 : i32
    %scan3A_88 = arith.constant 0 : i32
    %scan3A_89 = arith.constant 8 : i32
    %scan3A_90 = arith.addi %scan3A_88, %scan3A_89 : i32
    %scan3A_91 = arith.constant 1 : i32
    %scan3A_92 = scf.for %scan3A_94 = %scan3A_88 to %scan3A_90 step %scan3A_91 iter_args(%scan3A_95 = %scan3A_87) -> (i32)  : i32 {
      %mul3A_96 = arith.constant 4 : i32
      %mul3A_97 = arith.muli %select_n3A_68, %mul3A_96 : i32
      %add3A_98 = arith.constant 0 : i32
      %add3A_99 = arith.addi %mul3A_97, %add3A_98 : i32
      %mul3A_100 = arith.constant 2048 : i32
      %mul3A_101 = arith.muli %scan3A_94, %mul3A_100 : i32
      %run_scoped3A = arith.constant 0 : i32
      "tpu.region"() ({
        %run_scoped3A_136 = tpu.sem_alloc : memref<!tpu.dma_semaphore, #tpu.memory_space<semaphore_mem>>
        %dma_start3A = arith.constant 0 : i32
        %dma_start3A_137 = tpu.memref_slice %arg7[%run_scoped3A, %dma_start3A] : memref<4x2048xf32, #tpu.memory_space<vmem>> -> memref<1x2048xf32, #tpu.memory_space<vmem>>
        %dma_start3A_138 = tpu.memref_squeeze %dma_start3A_137 : memref<1x2048xf32, #tpu.memory_space<vmem>> -> memref<2048xf32, #tpu.memory_space<vmem>>
        %dma_start3A_139 = tpu.memref_slice %arg2[%add3A_99, %mul3A_101] : memref<16x16384xf32, #tpu.memory_space<hbm>> -> memref<1x2048xf32, #tpu.memory_space<hbm>>
        %dma_start3A_140 = tpu.memref_squeeze %dma_start3A_139 : memref<1x2048xf32, #tpu.memory_space<hbm>> -> memref<2048xf32, #tpu.memory_space<hbm>>
        %dma_start3A_141 = arith.constant 0 : i32
        %dma_start3A_142 = tpu.memref_slice %arg7[%run_scoped3A, %dma_start3A_141] : memref<4x2048xf32, #tpu.memory_space<vmem>> -> memref<1x2048xf32, #tpu.memory_space<vmem>>
        %dma_start3A_143 = tpu.memref_squeeze %dma_start3A_142 : memref<1x2048xf32, #tpu.memory_space<vmem>> -> memref<2048xf32, #tpu.memory_space<vmem>>
        %dma_start3A_144 = tpu.memref_slice %arg2[%add3A_99, %mul3A_101] : memref<16x16384xf32, #tpu.memory_space<hbm>> -> memref<1x2048xf32, #tpu.memory_space<hbm>>
        %dma_start3A_145 = tpu.memref_squeeze %dma_start3A_144 : memref<1x2048xf32, #tpu.memory_space<hbm>> -> memref<2048xf32, #tpu.memory_space<hbm>>
        tpu.enqueue_dma source(%dma_start3A_145 : memref<2048xf32, #tpu.memory_space<hbm>>) target(%dma_start3A_143 : memref<2048xf32, #tpu.memory_space<vmem>>) target_semaphore(%run_scoped3A_136 : memref<!tpu.dma_semaphore, #tpu.memory_space<semaphore_mem>>)
        %dma_wait3A = arith.constant 0 : i32
        %dma_wait3A_146 = tpu.memref_slice %arg7[%run_scoped3A, %dma_wait3A] : memref<4x2048xf32, #tpu.memory_space<vmem>> -> memref<1x2048xf32, #tpu.memory_space<vmem>>
        %dma_wait3A_147 = tpu.memref_squeeze %dma_wait3A_146 : memref<1x2048xf32, #tpu.memory_space<vmem>> -> memref<2048xf32, #tpu.memory_space<vmem>>
        %dma_wait3A_148 = tpu.memref_slice %arg2[%add3A_99, %mul3A_101] : memref<16x16384xf32, #tpu.memory_space<hbm>> -> memref<1x2048xf32, #tpu.memory_space<hbm>>
        %dma_wait3A_149 = tpu.memref_squeeze %dma_wait3A_148 : memref<1x2048xf32, #tpu.memory_space<hbm>> -> memref<2048xf32, #tpu.memory_space<hbm>>
        %dma_wait3A_150 = arith.constant 0 : i32
        %dma_wait3A_151 = tpu.memref_slice %arg7[%run_scoped3A, %dma_wait3A_150] : memref<4x2048xf32, #tpu.memory_space<vmem>> -> memref<1x2048xf32, #tpu.memory_space<vmem>>
        %dma_wait3A_152 = tpu.memref_squeeze %dma_wait3A_151 : memref<1x2048xf32, #tpu.memory_space<vmem>> -> memref<2048xf32, #tpu.memory_space<vmem>>
        %dma_wait3A_153 = tpu.memref_slice %arg2[%add3A_99, %mul3A_101] : memref<16x16384xf32, #tpu.memory_space<hbm>> -> memref<1x2048xf32, #tpu.memory_space<hbm>>
        %dma_wait3A_154 = tpu.memref_squeeze %dma_wait3A_153 : memref<1x2048xf32, #tpu.memory_space<hbm>> -> memref<2048xf32, #tpu.memory_space<hbm>>
        tpu.wait_dma2 semaphore(%run_scoped3A_136 : memref<!tpu.dma_semaphore, #tpu.memory_space<semaphore_mem>>) src(%dma_wait3A_154 : memref<2048xf32, #tpu.memory_space<hbm>>) dst(%dma_wait3A_152 : memref<2048xf32, #tpu.memory_space<vmem>>)
        tpu.yield
      }) : () -> ()
      %mul3A_102 = arith.constant 4 : i32
      %mul3A_103 = arith.muli %select_n3A_68, %mul3A_102 : i32
      %add3A_104 = arith.constant 1 : i32
      %add3A_105 = arith.addi %mul3A_103, %add3A_104 : i32
      %mul3A_106 = arith.constant 2048 : i32
      %mul3A_107 = arith.muli %scan3A_94, %mul3A_106 : i32
      %run_scoped3A_108 = arith.constant 1 : i32
      "tpu.region"() ({
        %run_scoped3A_136 = tpu.sem_alloc : memref<!tpu.dma_semaphore, #tpu.memory_space<semaphore_mem>>
        %dma_start3A = arith.constant 0 : i32
        %dma_start3A_137 = tpu.memref_slice %arg7[%run_scoped3A_108, %dma_start3A] : memref<4x2048xf32, #tpu.memory_space<vmem>> -> memref<1x2048xf32, #tpu.memory_space<vmem>>
        %dma_start3A_138 = tpu.memref_squeeze %dma_start3A_137 : memref<1x2048xf32, #tpu.memory_space<vmem>> -> memref<2048xf32, #tpu.memory_space<vmem>>
        %dma_start3A_139 = tpu.memref_slice %arg2[%add3A_105, %mul3A_107] : memref<16x16384xf32, #tpu.memory_space<hbm>> -> memref<1x2048xf32, #tpu.memory_space<hbm>>
        %dma_start3A_140 = tpu.memref_squeeze %dma_start3A_139 : memref<1x2048xf32, #tpu.memory_space<hbm>> -> memref<2048xf32, #tpu.memory_space<hbm>>
        %dma_start3A_141 = arith.constant 0 : i32
        %dma_start3A_142 = tpu.memref_slice %arg7[%run_scoped3A_108, %dma_start3A_141] : memref<4x2048xf32, #tpu.memory_space<vmem>> -> memref<1x2048xf32, #tpu.memory_space<vmem>>
        %dma_start3A_143 = tpu.memref_squeeze %dma_start3A_142 : memref<1x2048xf32, #tpu.memory_space<vmem>> -> memref<2048xf32, #tpu.memory_space<vmem>>
        %dma_start3A_144 = tpu.memref_slice %arg2[%add3A_105, %mul3A_107] : memref<16x16384xf32, #tpu.memory_space<hbm>> -> memref<1x2048xf32, #tpu.memory_space<hbm>>
        %dma_start3A_145 = tpu.memref_squeeze %dma_start3A_144 : memref<1x2048xf32, #tpu.memory_space<hbm>> -> memref<2048xf32, #tpu.memory_space<hbm>>
        tpu.enqueue_dma source(%dma_start3A_145 : memref<2048xf32, #tpu.memory_space<hbm>>) target(%dma_start3A_143 : memref<2048xf32, #tpu.memory_space<vmem>>) target_semaphore(%run_scoped3A_136 : memref<!tpu.dma_semaphore, #tpu.memory_space<semaphore_mem>>)
        %dma_wait3A = arith.constant 0 : i32
        %dma_wait3A_146 = tpu.memref_slice %arg7[%run_scoped3A_108, %dma_wait3A] : memref<4x2048xf32, #tpu.memory_space<vmem>> -> memref<1x2048xf32, #tpu.memory_space<vmem>>
        %dma_wait3A_147 = tpu.memref_squeeze %dma_wait3A_146 : memref<1x2048xf32, #tpu.memory_space<vmem>> -> memref<2048xf32, #tpu.memory_space<vmem>>
        %dma_wait3A_148 = tpu.memref_slice %arg2[%add3A_105, %mul3A_107] : memref<16x16384xf32, #tpu.memory_space<hbm>> -> memref<1x2048xf32, #tpu.memory_space<hbm>>
        %dma_wait3A_149 = tpu.memref_squeeze %dma_wait3A_148 : memref<1x2048xf32, #tpu.memory_space<hbm>> -> memref<2048xf32, #tpu.memory_space<hbm>>
        %dma_wait3A_150 = arith.constant 0 : i32
        %dma_wait3A_151 = tpu.memref_slice %arg7[%run_scoped3A_108, %dma_wait3A_150] : memref<4x2048xf32, #tpu.memory_space<vmem>> -> memref<1x2048xf32, #tpu.memory_space<vmem>>
        %dma_wait3A_152 = tpu.memref_squeeze %dma_wait3A_151 : memref<1x2048xf32, #tpu.memory_space<vmem>> -> memref<2048xf32, #tpu.memory_space<vmem>>
        %dma_wait3A_153 = tpu.memref_slice %arg2[%add3A_105, %mul3A_107] : memref<16x16384xf32, #tpu.memory_space<hbm>> -> memref<1x2048xf32, #tpu.memory_space<hbm>>
        %dma_wait3A_154 = tpu.memref_squeeze %dma_wait3A_153 : memref<1x2048xf32, #tpu.memory_space<hbm>> -> memref<2048xf32, #tpu.memory_space<hbm>>
        tpu.wait_dma2 semaphore(%run_scoped3A_136 : memref<!tpu.dma_semaphore, #tpu.memory_space<semaphore_mem>>) src(%dma_wait3A_154 : memref<2048xf32, #tpu.memory_space<hbm>>) dst(%dma_wait3A_152 : memref<2048xf32, #tpu.memory_space<vmem>>)
        tpu.yield
      }) : () -> ()
      %mul3A_109 = arith.constant 4 : i32
      %mul3A_110 = arith.muli %select_n3A_68, %mul3A_109 : i32
      %add3A_111 = arith.constant 2 : i32
      %add3A_112 = arith.addi %mul3A_110, %add3A_111 : i32
      %mul3A_113 = arith.constant 2048 : i32
      %mul3A_114 = arith.muli %scan3A_94, %mul3A_113 : i32
      %run_scoped3A_115 = arith.constant 2 : i32
      "tpu.region"() ({
        %run_scoped3A_136 = tpu.sem_alloc : memref<!tpu.dma_semaphore, #tpu.memory_space<semaphore_mem>>
        %dma_start3A = arith.constant 0 : i32
        %dma_start3A_137 = tpu.memref_slice %arg7[%run_scoped3A_115, %dma_start3A] : memref<4x2048xf32, #tpu.memory_space<vmem>> -> memref<1x2048xf32, #tpu.memory_space<vmem>>
        %dma_start3A_138 = tpu.memref_squeeze %dma_start3A_137 : memref<1x2048xf32, #tpu.memory_space<vmem>> -> memref<2048xf32, #tpu.memory_space<vmem>>
        %dma_start3A_139 = tpu.memref_slice %arg2[%add3A_112, %mul3A_114] : memref<16x16384xf32, #tpu.memory_space<hbm>> -> memref<1x2048xf32, #tpu.memory_space<hbm>>
        %dma_start3A_140 = tpu.memref_squeeze %dma_start3A_139 : memref<1x2048xf32, #tpu.memory_space<hbm>> -> memref<2048xf32, #tpu.memory_space<hbm>>
        %dma_start3A_141 = arith.constant 0 : i32
        %dma_start3A_142 = tpu.memref_slice %arg7[%run_scoped3A_115, %dma_start3A_141] : memref<4x2048xf32, #tpu.memory_space<vmem>> -> memref<1x2048xf32, #tpu.memory_space<vmem>>
        %dma_start3A_143 = tpu.memref_squeeze %dma_start3A_142 : memref<1x2048xf32, #tpu.memory_space<vmem>> -> memref<2048xf32, #tpu.memory_space<vmem>>
        %dma_start3A_144 = tpu.memref_slice %arg2[%add3A_112, %mul3A_114] : memref<16x16384xf32, #tpu.memory_space<hbm>> -> memref<1x2048xf32, #tpu.memory_space<hbm>>
        %dma_start3A_145 = tpu.memref_squeeze %dma_start3A_144 : memref<1x2048xf32, #tpu.memory_space<hbm>> -> memref<2048xf32, #tpu.memory_space<hbm>>
        tpu.enqueue_dma source(%dma_start3A_145 : memref<2048xf32, #tpu.memory_space<hbm>>) target(%dma_start3A_143 : memref<2048xf32, #tpu.memory_space<vmem>>) target_semaphore(%run_scoped3A_136 : memref<!tpu.dma_semaphore, #tpu.memory_space<semaphore_mem>>)
        %dma_wait3A = arith.constant 0 : i32
        %dma_wait3A_146 = tpu.memref_slice %arg7[%run_scoped3A_115, %dma_wait3A] : memref<4x2048xf32, #tpu.memory_space<vmem>> -> memref<1x2048xf32, #tpu.memory_space<vmem>>
        %dma_wait3A_147 = tpu.memref_squeeze %dma_wait3A_146 : memref<1x2048xf32, #tpu.memory_space<vmem>> -> memref<2048xf32, #tpu.memory_space<vmem>>
        %dma_wait3A_148 = tpu.memref_slice %arg2[%add3A_112, %mul3A_114] : memref<16x16384xf32, #tpu.memory_space<hbm>> -> memref<1x2048xf32, #tpu.memory_space<hbm>>
        %dma_wait3A_149 = tpu.memref_squeeze %dma_wait3A_148 : memref<1x2048xf32, #tpu.memory_space<hbm>> -> memref<2048xf32, #tpu.memory_space<hbm>>
        %dma_wait3A_150 = arith.constant 0 : i32
        %dma_wait3A_151 = tpu.memref_slice %arg7[%run_scoped3A_115, %dma_wait3A_150] : memref<4x2048xf32, #tpu.memory_space<vmem>> -> memref<1x2048xf32, #tpu.memory_space<vmem>>
        %dma_wait3A_152 = tpu.memref_squeeze %dma_wait3A_151 : memref<1x2048xf32, #tpu.memory_space<vmem>> -> memref<2048xf32, #tpu.memory_space<vmem>>
        %dma_wait3A_153 = tpu.memref_slice %arg2[%add3A_112, %mul3A_114] : memref<16x16384xf32, #tpu.memory_space<hbm>> -> memref<1x2048xf32, #tpu.memory_space<hbm>>
        %dma_wait3A_154 = tpu.memref_squeeze %dma_wait3A_153 : memref<1x2048xf32, #tpu.memory_space<hbm>> -> memref<2048xf32, #tpu.memory_space<hbm>>
        tpu.wait_dma2 semaphore(%run_scoped3A_136 : memref<!tpu.dma_semaphore, #tpu.memory_space<semaphore_mem>>) src(%dma_wait3A_154 : memref<2048xf32, #tpu.memory_space<hbm>>) dst(%dma_wait3A_152 : memref<2048xf32, #tpu.memory_space<vmem>>)
        tpu.yield
      }) : () -> ()
      %mul3A_116 = arith.constant 4 : i32
      %mul3A_117 = arith.muli %select_n3A_68, %mul3A_116 : i32
      %add3A_118 = arith.constant 3 : i32
      %add3A_119 = arith.addi %mul3A_117, %add3A_118 : i32
      %mul3A_120 = arith.constant 2048 : i32
      %mul3A_121 = arith.muli %scan3A_94, %mul3A_120 : i32
      %run_scoped3A_122 = arith.constant 3 : i32
      "tpu.region"() ({
        %run_scoped3A_136 = tpu.sem_alloc : memref<!tpu.dma_semaphore, #tpu.memory_space<semaphore_mem>>
        %dma_start3A = arith.constant 0 : i32
        %dma_start3A_137 = tpu.memref_slice %arg7[%run_scoped3A_122, %dma_start3A] : memref<4x2048xf32, #tpu.memory_space<vmem>> -> memref<1x2048xf32, #tpu.memory_space<vmem>>
        %dma_start3A_138 = tpu.memref_squeeze %dma_start3A_137 : memref<1x2048xf32, #tpu.memory_space<vmem>> -> memref<2048xf32, #tpu.memory_space<vmem>>
        %dma_start3A_139 = tpu.memref_slice %arg2[%add3A_119, %mul3A_121] : memref<16x16384xf32, #tpu.memory_space<hbm>> -> memref<1x2048xf32, #tpu.memory_space<hbm>>
        %dma_start3A_140 = tpu.memref_squeeze %dma_start3A_139 : memref<1x2048xf32, #tpu.memory_space<hbm>> -> memref<2048xf32, #tpu.memory_space<hbm>>
        %dma_start3A_141 = arith.constant 0 : i32
        %dma_start3A_142 = tpu.memref_slice %arg7[%run_scoped3A_122, %dma_start3A_141] : memref<4x2048xf32, #tpu.memory_space<vmem>> -> memref<1x2048xf32, #tpu.memory_space<vmem>>
        %dma_start3A_143 = tpu.memref_squeeze %dma_start3A_142 : memref<1x2048xf32, #tpu.memory_space<vmem>> -> memref<2048xf32, #tpu.memory_space<vmem>>
        %dma_start3A_144 = tpu.memref_slice %arg2[%add3A_119, %mul3A_121] : memref<16x16384xf32, #tpu.memory_space<hbm>> -> memref<1x2048xf32, #tpu.memory_space<hbm>>
        %dma_start3A_145 = tpu.memref_squeeze %dma_start3A_144 : memref<1x2048xf32, #tpu.memory_space<hbm>> -> memref<2048xf32, #tpu.memory_space<hbm>>
        tpu.enqueue_dma source(%dma_start3A_145 : memref<2048xf32, #tpu.memory_space<hbm>>) target(%dma_start3A_143 : memref<2048xf32, #tpu.memory_space<vmem>>) target_semaphore(%run_scoped3A_136 : memref<!tpu.dma_semaphore, #tpu.memory_space<semaphore_mem>>)
        %dma_wait3A = arith.constant 0 : i32
        %dma_wait3A_146 = tpu.memref_slice %arg7[%run_scoped3A_122, %dma_wait3A] : memref<4x2048xf32, #tpu.memory_space<vmem>> -> memref<1x2048xf32, #tpu.memory_space<vmem>>
        %dma_wait3A_147 = tpu.memref_squeeze %dma_wait3A_146 : memref<1x2048xf32, #tpu.memory_space<vmem>> -> memref<2048xf32, #tpu.memory_space<vmem>>
        %dma_wait3A_148 = tpu.memref_slice %arg2[%add3A_119, %mul3A_121] : memref<16x16384xf32, #tpu.memory_space<hbm>> -> memref<1x2048xf32, #tpu.memory_space<hbm>>
        %dma_wait3A_149 = tpu.memref_squeeze %dma_wait3A_148 : memref<1x2048xf32, #tpu.memory_space<hbm>> -> memref<2048xf32, #tpu.memory_space<hbm>>
        %dma_wait3A_150 = arith.constant 0 : i32
        %dma_wait3A_151 = tpu.memref_slice %arg7[%run_scoped3A_122, %dma_wait3A_150] : memref<4x2048xf32, #tpu.memory_space<vmem>> -> memref<1x2048xf32, #tpu.memory_space<vmem>>
        %dma_wait3A_152 = tpu.memref_squeeze %dma_wait3A_151 : memref<1x2048xf32, #tpu.memory_space<vmem>> -> memref<2048xf32, #tpu.memory_space<vmem>>
        %dma_wait3A_153 = tpu.memref_slice %arg2[%add3A_119, %mul3A_121] : memref<16x16384xf32, #tpu.memory_space<hbm>> -> memref<1x2048xf32, #tpu.memory_space<hbm>>
        %dma_wait3A_154 = tpu.memref_squeeze %dma_wait3A_153 : memref<1x2048xf32, #tpu.memory_space<hbm>> -> memref<2048xf32, #tpu.memory_space<hbm>>
        tpu.wait_dma2 semaphore(%run_scoped3A_136 : memref<!tpu.dma_semaphore, #tpu.memory_space<semaphore_mem>>) src(%dma_wait3A_154 : memref<2048xf32, #tpu.memory_space<hbm>>) dst(%dma_wait3A_152 : memref<2048xf32, #tpu.memory_space<vmem>>)
        tpu.yield
      }) : () -> ()
      %parallel_loop3A = arith.constant 0 : i32
      %parallel_loop3A_123 = arith.constant 2048 : i32
      %parallel_loop3A_124 = arith.constant 16 : i32
      scf.for %parallel_loop3A_136 = %parallel_loop3A to %parallel_loop3A_123 step %parallel_loop3A_124  : i32 {
        %parallel_loop3A_137 = arith.constant 0 : i32
        %parallel_loop3A_138 = arith.index_cast %parallel_loop3A_137 : i32 to index
        %parallel_loop3A_139 = arith.index_cast %parallel_loop3A_136 : i32 to index
        %parallel_loop3A_140 = tpu.vector_load %arg7[%parallel_loop3A_138, %parallel_loop3A_139] {strides = array<i32>} : memref<4x2048xf32, #tpu.memory_space<vmem>>, vector<16xf32>,
        %parallel_loop3A_141 = arith.constant 1 : i32
        %parallel_loop3A_142 = arith.index_cast %parallel_loop3A_141 : i32 to index
        %parallel_loop3A_143 = arith.index_cast %parallel_loop3A_136 : i32 to index
        %parallel_loop3A_144 = tpu.vector_load %arg7[%parallel_loop3A_142, %parallel_loop3A_143] {strides = array<i32>} : memref<4x2048xf32, #tpu.memory_space<vmem>>, vector<16xf32>,
        %parallel_loop3A_145 = arith.constant 2 : i32
        %parallel_loop3A_146 = arith.index_cast %parallel_loop3A_145 : i32 to index
        %parallel_loop3A_147 = arith.index_cast %parallel_loop3A_136 : i32 to index
        %parallel_loop3A_148 = tpu.vector_load %arg7[%parallel_loop3A_146, %parallel_loop3A_147] {strides = array<i32>} : memref<4x2048xf32, #tpu.memory_space<vmem>>, vector<16xf32>,
        %parallel_loop3A_149 = arith.constant 3 : i32
        %parallel_loop3A_150 = arith.index_cast %parallel_loop3A_149 : i32 to index
        %parallel_loop3A_151 = arith.index_cast %parallel_loop3A_136 : i32 to index
        %parallel_loop3A_152 = tpu.vector_load %arg7[%parallel_loop3A_150, %parallel_loop3A_151] {strides = array<i32>} : memref<4x2048xf32, #tpu.memory_space<vmem>>, vector<16xf32>,
        %parallel_loop3A_153 = arith.constant 0.000000e+00 : f32
        %parallel_loop3A_154 = vector.broadcast %parallel_loop3A_153 : f32 to vector<16xf32>
        %parallel_loop3A_155 = arith.subf %parallel_loop3A_154, %parallel_loop3A_140 : vector<16xf32>
        %parallel_loop3A_156 = math.exp %parallel_loop3A_155 : vector<16xf32>
        %parallel_loop3A_157 = arith.constant 1.000000e+00 : f32
        %parallel_loop3A_158 = vector.broadcast %parallel_loop3A_157 : f32 to vector<16xf32>
        %parallel_loop3A_159 = arith.addf %parallel_loop3A_158, %parallel_loop3A_156 : vector<16xf32>
        %parallel_loop3A_160 = arith.constant 1.000000e+00 : f32
        %parallel_loop3A_161 = vector.broadcast %parallel_loop3A_160 : f32 to vector<16xf32>
        %parallel_loop3A_162 = arith.divf %parallel_loop3A_161, %parallel_loop3A_159 : vector<16xf32>
        %parallel_loop3A_163 = arith.constant 0.000000e+00 : f32
        %parallel_loop3A_164 = vector.broadcast %parallel_loop3A_163 : f32 to vector<16xf32>
        %parallel_loop3A_165 = arith.subf %parallel_loop3A_164, %parallel_loop3A_144 : vector<16xf32>
        %parallel_loop3A_166 = math.exp %parallel_loop3A_165 : vector<16xf32>
        %parallel_loop3A_167 = arith.constant 1.000000e+00 : f32
        %parallel_loop3A_168 = vector.broadcast %parallel_loop3A_167 : f32 to vector<16xf32>
        %parallel_loop3A_169 = arith.addf %parallel_loop3A_168, %parallel_loop3A_166 : vector<16xf32>
        %parallel_loop3A_170 = arith.constant 1.000000e+00 : f32
        %parallel_loop3A_171 = vector.broadcast %parallel_loop3A_170 : f32 to vector<16xf32>
        %parallel_loop3A_172 = arith.divf %parallel_loop3A_171, %parallel_loop3A_169 : vector<16xf32>
        %parallel_loop3A_173 = arith.constant 0.000000e+00 : f32
        %parallel_loop3A_174 = vector.broadcast %parallel_loop3A_173 : f32 to vector<16xf32>
        %parallel_loop3A_175 = arith.subf %parallel_loop3A_174, %parallel_loop3A_148 : vector<16xf32>
        %parallel_loop3A_176 = math.exp %parallel_loop3A_175 : vector<16xf32>
        %parallel_loop3A_177 = arith.constant 1.000000e+00 : f32
        %parallel_loop3A_178 = vector.broadcast %parallel_loop3A_177 : f32 to vector<16xf32>
        %parallel_loop3A_179 = arith.addf %parallel_loop3A_178, %parallel_loop3A_176 : vector<16xf32>
        %parallel_loop3A_180 = arith.constant 1.000000e+00 : f32
        %parallel_loop3A_181 = vector.broadcast %parallel_loop3A_180 : f32 to vector<16xf32>
        %parallel_loop3A_182 = arith.divf %parallel_loop3A_181, %parallel_loop3A_179 : vector<16xf32>
        %parallel_loop3A_183 = arith.constant 0.000000e+00 : f32
        %parallel_loop3A_184 = vector.broadcast %parallel_loop3A_183 : f32 to vector<16xf32>
        %parallel_loop3A_185 = arith.subf %parallel_loop3A_184, %parallel_loop3A_152 : vector<16xf32>
        %parallel_loop3A_186 = math.exp %parallel_loop3A_185 : vector<16xf32>
        %parallel_loop3A_187 = arith.constant 1.000000e+00 : f32
        %parallel_loop3A_188 = vector.broadcast %parallel_loop3A_187 : f32 to vector<16xf32>
        %parallel_loop3A_189 = arith.addf %parallel_loop3A_188, %parallel_loop3A_186 : vector<16xf32>
        %parallel_loop3A_190 = arith.constant 1.000000e+00 : f32
        %parallel_loop3A_191 = vector.broadcast %parallel_loop3A_190 : f32 to vector<16xf32>
        %parallel_loop3A_192 = arith.divf %parallel_loop3A_191, %parallel_loop3A_189 : vector<16xf32>
        %parallel_loop3A_193 = arith.mulf %parallel_loop3A_162, %gather3A_86 : vector<16xf32>
        %parallel_loop3A_194 = arith.mulf %parallel_loop3A_172, %gather3A_86 : vector<16xf32>
        %parallel_loop3A_195 = arith.mulf %parallel_loop3A_182, %gather3A_86 : vector<16xf32>
        %parallel_loop3A_196 = arith.mulf %parallel_loop3A_192, %gather3A_86 : vector<16xf32>
        %parallel_loop3A_197 = arith.fptosi %parallel_loop3A_193 : vector<16xf32> to vector<16xi32>
        %parallel_loop3A_198 = arith.fptosi %parallel_loop3A_194 : vector<16xf32> to vector<16xi32>
        %parallel_loop3A_199 = arith.fptosi %parallel_loop3A_195 : vector<16xf32> to vector<16xi32>
        %parallel_loop3A_200 = arith.fptosi %parallel_loop3A_196 : vector<16xf32> to vector<16xi32>
        %parallel_loop3A_201 = arith.sitofp %parallel_loop3A_197 : vector<16xi32> to vector<16xf32>
        %parallel_loop3A_202 = arith.subf %parallel_loop3A_193, %parallel_loop3A_201 : vector<16xf32>
        %parallel_loop3A_203 = arith.sitofp %parallel_loop3A_198 : vector<16xi32> to vector<16xf32>
        %parallel_loop3A_204 = arith.subf %parallel_loop3A_194, %parallel_loop3A_203 : vector<16xf32>
        %parallel_loop3A_205 = arith.sitofp %parallel_loop3A_199 : vector<16xi32> to vector<16xf32>
        %parallel_loop3A_206 = arith.subf %parallel_loop3A_195, %parallel_loop3A_205 : vector<16xf32>
        %parallel_loop3A_207 = arith.sitofp %parallel_loop3A_200 : vector<16xi32> to vector<16xf32>
        %parallel_loop3A_208 = arith.subf %parallel_loop3A_196, %parallel_loop3A_207 : vector<16xf32>
        %parallel_loop3A_209 = arith.constant 1.000000e+00 : f32
        %parallel_loop3A_210 = vector.broadcast %parallel_loop3A_209 : f32 to vector<16xf32>
        %parallel_loop3A_211 = arith.subf %parallel_loop3A_210, %parallel_loop3A_202 : vector<16xf32>
        %parallel_loop3A_212 = arith.constant 1.000000e+00 : f32
        %parallel_loop3A_213 = vector.broadcast %parallel_loop3A_212 : f32 to vector<16xf32>
        %parallel_loop3A_214 = arith.subf %parallel_loop3A_213, %parallel_loop3A_204 : vector<16xf32>
        %parallel_loop3A_215 = arith.constant 1.000000e+00 : f32
        %parallel_loop3A_216 = vector.broadcast %parallel_loop3A_215 : f32 to vector<16xf32>
        %parallel_loop3A_217 = arith.subf %parallel_loop3A_216, %parallel_loop3A_206 : vector<16xf32>
        %parallel_loop3A_218 = arith.constant 1.000000e+00 : f32
        %parallel_loop3A_219 = vector.broadcast %parallel_loop3A_218 : f32 to vector<16xf32>
        %parallel_loop3A_220 = arith.subf %parallel_loop3A_219, %parallel_loop3A_208 : vector<16xf32>
        %parallel_loop3A_221 = arith.constant 1 : i32
        %parallel_loop3A_222 = vector.broadcast %parallel_loop3A_221 : i32 to vector<16xi32>
        %parallel_loop3A_223 = arith.muli %parallel_loop3A_197, %parallel_loop3A_222 : vector<16xi32>
        %parallel_loop3A_224 = arith.constant -1640531535 : i32
        %parallel_loop3A_225 = vector.broadcast %parallel_loop3A_224 : i32 to vector<16xi32>
        %parallel_loop3A_226 = arith.muli %parallel_loop3A_198, %parallel_loop3A_225 : vector<16xi32>
        %parallel_loop3A_227 = arith.constant 805459861 : i32
        %parallel_loop3A_228 = vector.broadcast %parallel_loop3A_227 : i32 to vector<16xi32>
        %parallel_loop3A_229 = arith.muli %parallel_loop3A_199, %parallel_loop3A_228 : vector<16xi32>
        %parallel_loop3A_230 = arith.constant -620313867 : i32
        %parallel_loop3A_231 = vector.broadcast %parallel_loop3A_230 : i32 to vector<16xi32>
        %parallel_loop3A_232 = arith.muli %parallel_loop3A_200, %parallel_loop3A_231 : vector<16xi32>
        %parallel_loop3A_233 = arith.constant 1 : i32
        %parallel_loop3A_234 = vector.broadcast %parallel_loop3A_233 : i32 to vector<16xi32>
        %parallel_loop3A_235 = arith.addi %parallel_loop3A_223, %parallel_loop3A_234 : vector<16xi32>
        %parallel_loop3A_236 = arith.constant -1640531535 : i32
        %parallel_loop3A_237 = vector.broadcast %parallel_loop3A_236 : i32 to vector<16xi32>
        %parallel_loop3A_238 = arith.addi %parallel_loop3A_226, %parallel_loop3A_237 : vector<16xi32>
        %parallel_loop3A_239 = arith.constant 805459861 : i32
        %parallel_loop3A_240 = vector.broadcast %parallel_loop3A_239 : i32 to vector<16xi32>
        %parallel_loop3A_241 = arith.addi %parallel_loop3A_229, %parallel_loop3A_240 : vector<16xi32>
        %parallel_loop3A_242 = arith.constant -620313867 : i32
        %parallel_loop3A_243 = vector.broadcast %parallel_loop3A_242 : i32 to vector<16xi32>
        %parallel_loop3A_244 = arith.addi %parallel_loop3A_232, %parallel_loop3A_243 : vector<16xi32>
        %parallel_loop3A_245 = arith.xori %parallel_loop3A_223, %parallel_loop3A_226 : vector<16xi32>
        %parallel_loop3A_246 = arith.constant 65535 : i32
        %parallel_loop3A_247 = vector.broadcast %parallel_loop3A_246 : i32 to vector<16xi32>
        %parallel_loop3A_248 = arith.andi %parallel_loop3A_245, %parallel_loop3A_247 : vector<16xi32>
        %parallel_loop3A_249 = arith.xori %parallel_loop3A_235, %parallel_loop3A_226 : vector<16xi32>
        %parallel_loop3A_250 = arith.constant 65535 : i32
        %parallel_loop3A_251 = vector.broadcast %parallel_loop3A_250 : i32 to vector<16xi32>
        %parallel_loop3A_252 = arith.andi %parallel_loop3A_249, %parallel_loop3A_251 : vector<16xi32>
        %parallel_loop3A_253 = arith.xori %parallel_loop3A_223, %parallel_loop3A_238 : vector<16xi32>
        %parallel_loop3A_254 = arith.constant 65535 : i32
        %parallel_loop3A_255 = vector.broadcast %parallel_loop3A_254 : i32 to vector<16xi32>
        %parallel_loop3A_256 = arith.andi %parallel_loop3A_253, %parallel_loop3A_255 : vector<16xi32>
        %parallel_loop3A_257 = arith.xori %parallel_loop3A_235, %parallel_loop3A_238 : vector<16xi32>
        %parallel_loop3A_258 = arith.constant 65535 : i32
        %parallel_loop3A_259 = vector.broadcast %parallel_loop3A_258 : i32 to vector<16xi32>
        %parallel_loop3A_260 = arith.andi %parallel_loop3A_257, %parallel_loop3A_259 : vector<16xi32>
        %parallel_loop3A_261 = arith.xori %parallel_loop3A_229, %parallel_loop3A_232 : vector<16xi32>
        %parallel_loop3A_262 = arith.constant 65535 : i32
        %parallel_loop3A_263 = vector.broadcast %parallel_loop3A_262 : i32 to vector<16xi32>
        %parallel_loop3A_264 = arith.andi %parallel_loop3A_261, %parallel_loop3A_263 : vector<16xi32>
        %parallel_loop3A_265 = arith.xori %parallel_loop3A_241, %parallel_loop3A_232 : vector<16xi32>
        %parallel_loop3A_266 = arith.constant 65535 : i32
        %parallel_loop3A_267 = vector.broadcast %parallel_loop3A_266 : i32 to vector<16xi32>
        %parallel_loop3A_268 = arith.andi %parallel_loop3A_265, %parallel_loop3A_267 : vector<16xi32>
        %parallel_loop3A_269 = arith.xori %parallel_loop3A_229, %parallel_loop3A_244 : vector<16xi32>
        %parallel_loop3A_270 = arith.constant 65535 : i32
        %parallel_loop3A_271 = vector.broadcast %parallel_loop3A_270 : i32 to vector<16xi32>
        %parallel_loop3A_272 = arith.andi %parallel_loop3A_269, %parallel_loop3A_271 : vector<16xi32>
        %parallel_loop3A_273 = arith.xori %parallel_loop3A_241, %parallel_loop3A_244 : vector<16xi32>
        %parallel_loop3A_274 = arith.constant 65535 : i32
        %parallel_loop3A_275 = vector.broadcast %parallel_loop3A_274 : i32 to vector<16xi32>
        %parallel_loop3A_276 = arith.andi %parallel_loop3A_273, %parallel_loop3A_275 : vector<16xi32>
        %parallel_loop3A_277 = arith.mulf %parallel_loop3A_211, %parallel_loop3A_214 : vector<16xf32>
        %parallel_loop3A_278 = arith.mulf %parallel_loop3A_202, %parallel_loop3A_214 : vector<16xf32>
        %parallel_loop3A_279 = arith.mulf %parallel_loop3A_211, %parallel_loop3A_204 : vector<16xf32>
        %parallel_loop3A_280 = arith.mulf %parallel_loop3A_202, %parallel_loop3A_204 : vector<16xf32>
        %parallel_loop3A_281 = arith.mulf %parallel_loop3A_217, %parallel_loop3A_220 : vector<16xf32>
        %parallel_loop3A_282 = arith.mulf %parallel_loop3A_206, %parallel_loop3A_220 : vector<16xf32>
        %parallel_loop3A_283 = arith.mulf %parallel_loop3A_217, %parallel_loop3A_208 : vector<16xf32>
        %parallel_loop3A_284 = arith.mulf %parallel_loop3A_206, %parallel_loop3A_208 : vector<16xf32>
        %parallel_loop3A_285 = arith.constant 0.000000e+00 : f32
        %parallel_loop3A_286 = vector.broadcast %parallel_loop3A_285 : f32 to vector<16xf32>
        %parallel_loop3A_287 = arith.constant 0.000000e+00 : f32
        %parallel_loop3A_288 = vector.broadcast %parallel_loop3A_287 : f32 to vector<16xf32>
        %parallel_loop3A_289 = arith.xori %parallel_loop3A_248, %parallel_loop3A_264 : vector<16xi32>
        %parallel_loop3A_290 = tpu.vector_load_idx %arg6[%parallel_loop3A_289] : memref<65536xi32, #tpu.memory_space<vmem>>[vector<16xi32>], vector<16xi32>,
        %parallel_loop3A_291 = arith.constant 16 : i32
        %parallel_loop3A_292 = vector.broadcast %parallel_loop3A_291 : i32 to vector<16xi32>
        %parallel_loop3A_293 = arith.shli %parallel_loop3A_290, %parallel_loop3A_292 : vector<16xi32>
        %parallel_loop3A_294 = tpu.bitcast %parallel_loop3A_293 : vector<16xi32> -> vector<16xf32>
        %parallel_loop3A_295 = tpu.bitcast %parallel_loop3A_290 : vector<16xi32> -> vector<16xf32>
        %parallel_loop3A_296 = arith.mulf %parallel_loop3A_277, %parallel_loop3A_281 : vector<16xf32>
        %parallel_loop3A_297 = arith.mulf %parallel_loop3A_296, %parallel_loop3A_294 : vector<16xf32>
        %parallel_loop3A_298 = arith.addf %parallel_loop3A_286, %parallel_loop3A_297 : vector<16xf32>
        %parallel_loop3A_299 = arith.mulf %parallel_loop3A_296, %parallel_loop3A_295 : vector<16xf32>
        %parallel_loop3A_300 = arith.addf %parallel_loop3A_288, %parallel_loop3A_299 : vector<16xf32>
        %parallel_loop3A_301 = arith.xori %parallel_loop3A_252, %parallel_loop3A_264 : vector<16xi32>
        %parallel_loop3A_302 = tpu.vector_load_idx %arg6[%parallel_loop3A_301] : memref<65536xi32, #tpu.memory_space<vmem>>[vector<16xi32>], vector<16xi32>,
        %parallel_loop3A_303 = arith.constant 16 : i32
        %parallel_loop3A_304 = vector.broadcast %parallel_loop3A_303 : i32 to vector<16xi32>
        %parallel_loop3A_305 = arith.shli %parallel_loop3A_302, %parallel_loop3A_304 : vector<16xi32>
        %parallel_loop3A_306 = tpu.bitcast %parallel_loop3A_305 : vector<16xi32> -> vector<16xf32>
        %parallel_loop3A_307 = tpu.bitcast %parallel_loop3A_302 : vector<16xi32> -> vector<16xf32>
        %parallel_loop3A_308 = arith.mulf %parallel_loop3A_278, %parallel_loop3A_281 : vector<16xf32>
        %parallel_loop3A_309 = arith.mulf %parallel_loop3A_308, %parallel_loop3A_306 : vector<16xf32>
        %parallel_loop3A_310 = arith.addf %parallel_loop3A_298, %parallel_loop3A_309 : vector<16xf32>
        %parallel_loop3A_311 = arith.mulf %parallel_loop3A_308, %parallel_loop3A_307 : vector<16xf32>
        %parallel_loop3A_312 = arith.addf %parallel_loop3A_300, %parallel_loop3A_311 : vector<16xf32>
        %parallel_loop3A_313 = arith.xori %parallel_loop3A_256, %parallel_loop3A_264 : vector<16xi32>
        %parallel_loop3A_314 = tpu.vector_load_idx %arg6[%parallel_loop3A_313] : memref<65536xi32, #tpu.memory_space<vmem>>[vector<16xi32>], vector<16xi32>,
        %parallel_loop3A_315 = arith.constant 16 : i32
        %parallel_loop3A_316 = vector.broadcast %parallel_loop3A_315 : i32 to vector<16xi32>
        %parallel_loop3A_317 = arith.shli %parallel_loop3A_314, %parallel_loop3A_316 : vector<16xi32>
        %parallel_loop3A_318 = tpu.bitcast %parallel_loop3A_317 : vector<16xi32> -> vector<16xf32>
        %parallel_loop3A_319 = tpu.bitcast %parallel_loop3A_314 : vector<16xi32> -> vector<16xf32>
        %parallel_loop3A_320 = arith.mulf %parallel_loop3A_279, %parallel_loop3A_281 : vector<16xf32>
        %parallel_loop3A_321 = arith.mulf %parallel_loop3A_320, %parallel_loop3A_318 : vector<16xf32>
        %parallel_loop3A_322 = arith.addf %parallel_loop3A_310, %parallel_loop3A_321 : vector<16xf32>
        %parallel_loop3A_323 = arith.mulf %parallel_loop3A_320, %parallel_loop3A_319 : vector<16xf32>
        %parallel_loop3A_324 = arith.addf %parallel_loop3A_312, %parallel_loop3A_323 : vector<16xf32>
        %parallel_loop3A_325 = arith.xori %parallel_loop3A_260, %parallel_loop3A_264 : vector<16xi32>
        %parallel_loop3A_326 = tpu.vector_load_idx %arg6[%parallel_loop3A_325] : memref<65536xi32, #tpu.memory_space<vmem>>[vector<16xi32>], vector<16xi32>,
        %parallel_loop3A_327 = arith.constant 16 : i32
        %parallel_loop3A_328 = vector.broadcast %parallel_loop3A_327 : i32 to vector<16xi32>
        %parallel_loop3A_329 = arith.shli %parallel_loop3A_326, %parallel_loop3A_328 : vector<16xi32>
        %parallel_loop3A_330 = tpu.bitcast %parallel_loop3A_329 : vector<16xi32> -> vector<16xf32>
        %parallel_loop3A_331 = tpu.bitcast %parallel_loop3A_326 : vector<16xi32> -> vector<16xf32>
        %parallel_loop3A_332 = arith.mulf %parallel_loop3A_280, %parallel_loop3A_281 : vector<16xf32>
        %parallel_loop3A_333 = arith.mulf %parallel_loop3A_332, %parallel_loop3A_330 : vector<16xf32>
        %parallel_loop3A_334 = arith.addf %parallel_loop3A_322, %parallel_loop3A_333 : vector<16xf32>
        %parallel_loop3A_335 = arith.mulf %parallel_loop3A_332, %parallel_loop3A_331 : vector<16xf32>
        %parallel_loop3A_336 = arith.addf %parallel_loop3A_324, %parallel_loop3A_335 : vector<16xf32>
        %parallel_loop3A_337 = arith.xori %parallel_loop3A_248, %parallel_loop3A_268 : vector<16xi32>
        %parallel_loop3A_338 = tpu.vector_load_idx %arg6[%parallel_loop3A_337] : memref<65536xi32, #tpu.memory_space<vmem>>[vector<16xi32>], vector<16xi32>,
        %parallel_loop3A_339 = arith.constant 16 : i32
        %parallel_loop3A_340 = vector.broadcast %parallel_loop3A_339 : i32 to vector<16xi32>
        %parallel_loop3A_341 = arith.shli %parallel_loop3A_338, %parallel_loop3A_340 : vector<16xi32>
        %parallel_loop3A_342 = tpu.bitcast %parallel_loop3A_341 : vector<16xi32> -> vector<16xf32>
        %parallel_loop3A_343 = tpu.bitcast %parallel_loop3A_338 : vector<16xi32> -> vector<16xf32>
        %parallel_loop3A_344 = arith.mulf %parallel_loop3A_277, %parallel_loop3A_282 : vector<16xf32>
        %parallel_loop3A_345 = arith.mulf %parallel_loop3A_344, %parallel_loop3A_342 : vector<16xf32>
        %parallel_loop3A_346 = arith.addf %parallel_loop3A_334, %parallel_loop3A_345 : vector<16xf32>
        %parallel_loop3A_347 = arith.mulf %parallel_loop3A_344, %parallel_loop3A_343 : vector<16xf32>
        %parallel_loop3A_348 = arith.addf %parallel_loop3A_336, %parallel_loop3A_347 : vector<16xf32>
        %parallel_loop3A_349 = arith.xori %parallel_loop3A_252, %parallel_loop3A_268 : vector<16xi32>
        %parallel_loop3A_350 = tpu.vector_load_idx %arg6[%parallel_loop3A_349] : memref<65536xi32, #tpu.memory_space<vmem>>[vector<16xi32>], vector<16xi32>,
        %parallel_loop3A_351 = arith.constant 16 : i32
        %parallel_loop3A_352 = vector.broadcast %parallel_loop3A_351 : i32 to vector<16xi32>
        %parallel_loop3A_353 = arith.shli %parallel_loop3A_350, %parallel_loop3A_352 : vector<16xi32>
        %parallel_loop3A_354 = tpu.bitcast %parallel_loop3A_353 : vector<16xi32> -> vector<16xf32>
        %parallel_loop3A_355 = tpu.bitcast %parallel_loop3A_350 : vector<16xi32> -> vector<16xf32>
        %parallel_loop3A_356 = arith.mulf %parallel_loop3A_278, %parallel_loop3A_282 : vector<16xf32>
        %parallel_loop3A_357 = arith.mulf %parallel_loop3A_356, %parallel_loop3A_354 : vector<16xf32>
        %parallel_loop3A_358 = arith.addf %parallel_loop3A_346, %parallel_loop3A_357 : vector<16xf32>
        %parallel_loop3A_359 = arith.mulf %parallel_loop3A_356, %parallel_loop3A_355 : vector<16xf32>
        %parallel_loop3A_360 = arith.addf %parallel_loop3A_348, %parallel_loop3A_359 : vector<16xf32>
        %parallel_loop3A_361 = arith.xori %parallel_loop3A_256, %parallel_loop3A_268 : vector<16xi32>
        %parallel_loop3A_362 = tpu.vector_load_idx %arg6[%parallel_loop3A_361] : memref<65536xi32, #tpu.memory_space<vmem>>[vector<16xi32>], vector<16xi32>,
        %parallel_loop3A_363 = arith.constant 16 : i32
        %parallel_loop3A_364 = vector.broadcast %parallel_loop3A_363 : i32 to vector<16xi32>
        %parallel_loop3A_365 = arith.shli %parallel_loop3A_362, %parallel_loop3A_364 : vector<16xi32>
        %parallel_loop3A_366 = tpu.bitcast %parallel_loop3A_365 : vector<16xi32> -> vector<16xf32>
        %parallel_loop3A_367 = tpu.bitcast %parallel_loop3A_362 : vector<16xi32> -> vector<16xf32>
        %parallel_loop3A_368 = arith.mulf %parallel_loop3A_279, %parallel_loop3A_282 : vector<16xf32>
        %parallel_loop3A_369 = arith.mulf %parallel_loop3A_368, %parallel_loop3A_366 : vector<16xf32>
        %parallel_loop3A_370 = arith.addf %parallel_loop3A_358, %parallel_loop3A_369 : vector<16xf32>
        %parallel_loop3A_371 = arith.mulf %parallel_loop3A_368, %parallel_loop3A_367 : vector<16xf32>
        %parallel_loop3A_372 = arith.addf %parallel_loop3A_360, %parallel_loop3A_371 : vector<16xf32>
        %parallel_loop3A_373 = arith.xori %parallel_loop3A_260, %parallel_loop3A_268 : vector<16xi32>
        %parallel_loop3A_374 = tpu.vector_load_idx %arg6[%parallel_loop3A_373] : memref<65536xi32, #tpu.memory_space<vmem>>[vector<16xi32>], vector<16xi32>,
        %parallel_loop3A_375 = arith.constant 16 : i32
        %parallel_loop3A_376 = vector.broadcast %parallel_loop3A_375 : i32 to vector<16xi32>
        %parallel_loop3A_377 = arith.shli %parallel_loop3A_374, %parallel_loop3A_376 : vector<16xi32>
        %parallel_loop3A_378 = tpu.bitcast %parallel_loop3A_377 : vector<16xi32> -> vector<16xf32>
        %parallel_loop3A_379 = tpu.bitcast %parallel_loop3A_374 : vector<16xi32> -> vector<16xf32>
        %parallel_loop3A_380 = arith.mulf %parallel_loop3A_280, %parallel_loop3A_282 : vector<16xf32>
        %parallel_loop3A_381 = arith.mulf %parallel_loop3A_380, %parallel_loop3A_378 : vector<16xf32>
        %parallel_loop3A_382 = arith.addf %parallel_loop3A_370, %parallel_loop3A_381 : vector<16xf32>
        %parallel_loop3A_383 = arith.mulf %parallel_loop3A_380, %parallel_loop3A_379 : vector<16xf32>
        %parallel_loop3A_384 = arith.addf %parallel_loop3A_372, %parallel_loop3A_383 : vector<16xf32>
        %parallel_loop3A_385 = arith.xori %parallel_loop3A_248, %parallel_loop3A_272 : vector<16xi32>
        %parallel_loop3A_386 = tpu.vector_load_idx %arg6[%parallel_loop3A_385] : memref<65536xi32, #tpu.memory_space<vmem>>[vector<16xi32>], vector<16xi32>,
        %parallel_loop3A_387 = arith.constant 16 : i32
        %parallel_loop3A_388 = vector.broadcast %parallel_loop3A_387 : i32 to vector<16xi32>
        %parallel_loop3A_389 = arith.shli %parallel_loop3A_386, %parallel_loop3A_388 : vector<16xi32>
        %parallel_loop3A_390 = tpu.bitcast %parallel_loop3A_389 : vector<16xi32> -> vector<16xf32>
        %parallel_loop3A_391 = tpu.bitcast %parallel_loop3A_386 : vector<16xi32> -> vector<16xf32>
        %parallel_loop3A_392 = arith.mulf %parallel_loop3A_277, %parallel_loop3A_283 : vector<16xf32>
        %parallel_loop3A_393 = arith.mulf %parallel_loop3A_392, %parallel_loop3A_390 : vector<16xf32>
        %parallel_loop3A_394 = arith.addf %parallel_loop3A_382, %parallel_loop3A_393 : vector<16xf32>
        %parallel_loop3A_395 = arith.mulf %parallel_loop3A_392, %parallel_loop3A_391 : vector<16xf32>
        %parallel_loop3A_396 = arith.addf %parallel_loop3A_384, %parallel_loop3A_395 : vector<16xf32>
        %parallel_loop3A_397 = arith.xori %parallel_loop3A_252, %parallel_loop3A_272 : vector<16xi32>
        %parallel_loop3A_398 = tpu.vector_load_idx %arg6[%parallel_loop3A_397] : memref<65536xi32, #tpu.memory_space<vmem>>[vector<16xi32>], vector<16xi32>,
        %parallel_loop3A_399 = arith.constant 16 : i32
        %parallel_loop3A_400 = vector.broadcast %parallel_loop3A_399 : i32 to vector<16xi32>
        %parallel_loop3A_401 = arith.shli %parallel_loop3A_398, %parallel_loop3A_400 : vector<16xi32>
        %parallel_loop3A_402 = tpu.bitcast %parallel_loop3A_401 : vector<16xi32> -> vector<16xf32>
        %parallel_loop3A_403 = tpu.bitcast %parallel_loop3A_398 : vector<16xi32> -> vector<16xf32>
        %parallel_loop3A_404 = arith.mulf %parallel_loop3A_278, %parallel_loop3A_283 : vector<16xf32>
        %parallel_loop3A_405 = arith.mulf %parallel_loop3A_404, %parallel_loop3A_402 : vector<16xf32>
        %parallel_loop3A_406 = arith.addf %parallel_loop3A_394, %parallel_loop3A_405 : vector<16xf32>
        %parallel_loop3A_407 = arith.mulf %parallel_loop3A_404, %parallel_loop3A_403 : vector<16xf32>
        %parallel_loop3A_408 = arith.addf %parallel_loop3A_396, %parallel_loop3A_407 : vector<16xf32>
        %parallel_loop3A_409 = arith.xori %parallel_loop3A_256, %parallel_loop3A_272 : vector<16xi32>
        %parallel_loop3A_410 = tpu.vector_load_idx %arg6[%parallel_loop3A_409] : memref<65536xi32, #tpu.memory_space<vmem>>[vector<16xi32>], vector<16xi32>,
        %parallel_loop3A_411 = arith.constant 16 : i32
        %parallel_loop3A_412 = vector.broadcast %parallel_loop3A_411 : i32 to vector<16xi32>
        %parallel_loop3A_413 = arith.shli %parallel_loop3A_410, %parallel_loop3A_412 : vector<16xi32>
        %parallel_loop3A_414 = tpu.bitcast %parallel_loop3A_413 : vector<16xi32> -> vector<16xf32>
        %parallel_loop3A_415 = tpu.bitcast %parallel_loop3A_410 : vector<16xi32> -> vector<16xf32>
        %parallel_loop3A_416 = arith.mulf %parallel_loop3A_279, %parallel_loop3A_283 : vector<16xf32>
        %parallel_loop3A_417 = arith.mulf %parallel_loop3A_416, %parallel_loop3A_414 : vector<16xf32>
        %parallel_loop3A_418 = arith.addf %parallel_loop3A_406, %parallel_loop3A_417 : vector<16xf32>
        %parallel_loop3A_419 = arith.mulf %parallel_loop3A_416, %parallel_loop3A_415 : vector<16xf32>
        %parallel_loop3A_420 = arith.addf %parallel_loop3A_408, %parallel_loop3A_419 : vector<16xf32>
        %parallel_loop3A_421 = arith.xori %parallel_loop3A_260, %parallel_loop3A_272 : vector<16xi32>
        %parallel_loop3A_422 = tpu.vector_load_idx %arg6[%parallel_loop3A_421] : memref<65536xi32, #tpu.memory_space<vmem>>[vector<16xi32>], vector<16xi32>,
        %parallel_loop3A_423 = arith.constant 16 : i32
        %parallel_loop3A_424 = vector.broadcast %parallel_loop3A_423 : i32 to vector<16xi32>
        %parallel_loop3A_425 = arith.shli %parallel_loop3A_422, %parallel_loop3A_424 : vector<16xi32>
        %parallel_loop3A_426 = tpu.bitcast %parallel_loop3A_425 : vector<16xi32> -> vector<16xf32>
        %parallel_loop3A_427 = tpu.bitcast %parallel_loop3A_422 : vector<16xi32> -> vector<16xf32>
        %parallel_loop3A_428 = arith.mulf %parallel_loop3A_280, %parallel_loop3A_283 : vector<16xf32>
        %parallel_loop3A_429 = arith.mulf %parallel_loop3A_428, %parallel_loop3A_426 : vector<16xf32>
        %parallel_loop3A_430 = arith.addf %parallel_loop3A_418, %parallel_loop3A_429 : vector<16xf32>
        %parallel_loop3A_431 = arith.mulf %parallel_loop3A_428, %parallel_loop3A_427 : vector<16xf32>
        %parallel_loop3A_432 = arith.addf %parallel_loop3A_420, %parallel_loop3A_431 : vector<16xf32>
        %parallel_loop3A_433 = arith.xori %parallel_loop3A_248, %parallel_loop3A_276 : vector<16xi32>
        %parallel_loop3A_434 = tpu.vector_load_idx %arg6[%parallel_loop3A_433] : memref<65536xi32, #tpu.memory_space<vmem>>[vector<16xi32>], vector<16xi32>,
        %parallel_loop3A_435 = arith.constant 16 : i32
        %parallel_loop3A_436 = vector.broadcast %parallel_loop3A_435 : i32 to vector<16xi32>
        %parallel_loop3A_437 = arith.shli %parallel_loop3A_434, %parallel_loop3A_436 : vector<16xi32>
        %parallel_loop3A_438 = tpu.bitcast %parallel_loop3A_437 : vector<16xi32> -> vector<16xf32>
        %parallel_loop3A_439 = tpu.bitcast %parallel_loop3A_434 : vector<16xi32> -> vector<16xf32>
        %parallel_loop3A_440 = arith.mulf %parallel_loop3A_277, %parallel_loop3A_284 : vector<16xf32>
        %parallel_loop3A_441 = arith.mulf %parallel_loop3A_440, %parallel_loop3A_438 : vector<16xf32>
        %parallel_loop3A_442 = arith.addf %parallel_loop3A_430, %parallel_loop3A_441 : vector<16xf32>
        %parallel_loop3A_443 = arith.mulf %parallel_loop3A_440, %parallel_loop3A_439 : vector<16xf32>
        %parallel_loop3A_444 = arith.addf %parallel_loop3A_432, %parallel_loop3A_443 : vector<16xf32>
        %parallel_loop3A_445 = arith.xori %parallel_loop3A_252, %parallel_loop3A_276 : vector<16xi32>
        %parallel_loop3A_446 = tpu.vector_load_idx %arg6[%parallel_loop3A_445] : memref<65536xi32, #tpu.memory_space<vmem>>[vector<16xi32>], vector<16xi32>,
        %parallel_loop3A_447 = arith.constant 16 : i32
        %parallel_loop3A_448 = vector.broadcast %parallel_loop3A_447 : i32 to vector<16xi32>
        %parallel_loop3A_449 = arith.shli %parallel_loop3A_446, %parallel_loop3A_448 : vector<16xi32>
        %parallel_loop3A_450 = tpu.bitcast %parallel_loop3A_449 : vector<16xi32> -> vector<16xf32>
        %parallel_loop3A_451 = tpu.bitcast %parallel_loop3A_446 : vector<16xi32> -> vector<16xf32>
        %parallel_loop3A_452 = arith.mulf %parallel_loop3A_278, %parallel_loop3A_284 : vector<16xf32>
        %parallel_loop3A_453 = arith.mulf %parallel_loop3A_452, %parallel_loop3A_450 : vector<16xf32>
        %parallel_loop3A_454 = arith.addf %parallel_loop3A_442, %parallel_loop3A_453 : vector<16xf32>
        %parallel_loop3A_455 = arith.mulf %parallel_loop3A_452, %parallel_loop3A_451 : vector<16xf32>
        %parallel_loop3A_456 = arith.addf %parallel_loop3A_444, %parallel_loop3A_455 : vector<16xf32>
        %parallel_loop3A_457 = arith.xori %parallel_loop3A_256, %parallel_loop3A_276 : vector<16xi32>
        %parallel_loop3A_458 = tpu.vector_load_idx %arg6[%parallel_loop3A_457] : memref<65536xi32, #tpu.memory_space<vmem>>[vector<16xi32>], vector<16xi32>,
        %parallel_loop3A_459 = arith.constant 16 : i32
        %parallel_loop3A_460 = vector.broadcast %parallel_loop3A_459 : i32 to vector<16xi32>
        %parallel_loop3A_461 = arith.shli %parallel_loop3A_458, %parallel_loop3A_460 : vector<16xi32>
        %parallel_loop3A_462 = tpu.bitcast %parallel_loop3A_461 : vector<16xi32> -> vector<16xf32>
        %parallel_loop3A_463 = tpu.bitcast %parallel_loop3A_458 : vector<16xi32> -> vector<16xf32>
        %parallel_loop3A_464 = arith.mulf %parallel_loop3A_279, %parallel_loop3A_284 : vector<16xf32>
        %parallel_loop3A_465 = arith.mulf %parallel_loop3A_464, %parallel_loop3A_462 : vector<16xf32>
        %parallel_loop3A_466 = arith.addf %parallel_loop3A_454, %parallel_loop3A_465 : vector<16xf32>
        %parallel_loop3A_467 = arith.mulf %parallel_loop3A_464, %parallel_loop3A_463 : vector<16xf32>
        %parallel_loop3A_468 = arith.addf %parallel_loop3A_456, %parallel_loop3A_467 : vector<16xf32>
        %parallel_loop3A_469 = arith.xori %parallel_loop3A_260, %parallel_loop3A_276 : vector<16xi32>
        %parallel_loop3A_470 = tpu.vector_load_idx %arg6[%parallel_loop3A_469] : memref<65536xi32, #tpu.memory_space<vmem>>[vector<16xi32>], vector<16xi32>,
        %parallel_loop3A_471 = arith.constant 16 : i32
        %parallel_loop3A_472 = vector.broadcast %parallel_loop3A_471 : i32 to vector<16xi32>
        %parallel_loop3A_473 = arith.shli %parallel_loop3A_470, %parallel_loop3A_472 : vector<16xi32>
        %parallel_loop3A_474 = tpu.bitcast %parallel_loop3A_473 : vector<16xi32> -> vector<16xf32>
        %parallel_loop3A_475 = tpu.bitcast %parallel_loop3A_470 : vector<16xi32> -> vector<16xf32>
        %parallel_loop3A_476 = arith.mulf %parallel_loop3A_280, %parallel_loop3A_284 : vector<16xf32>
        %parallel_loop3A_477 = arith.mulf %parallel_loop3A_476, %parallel_loop3A_474 : vector<16xf32>
        %parallel_loop3A_478 = arith.addf %parallel_loop3A_466, %parallel_loop3A_477 : vector<16xf32>
        %parallel_loop3A_479 = arith.mulf %parallel_loop3A_476, %parallel_loop3A_475 : vector<16xf32>
        %parallel_loop3A_480 = arith.addf %parallel_loop3A_468, %parallel_loop3A_479 : vector<16xf32>
        %parallel_loop3A_481 = arith.constant 0 : i32
        %parallel_loop3A_482 = arith.index_cast %parallel_loop3A_481 : i32 to index
        %parallel_loop3A_483 = arith.index_cast %parallel_loop3A_136 : i32 to index
        %parallel_loop3A_484 = tpu.vector_load %arg8[%parallel_loop3A_482, %parallel_loop3A_483] {strides = array<i32>} : memref<2x2048xf32, #tpu.memory_space<vmem>>, vector<16xf32>,
        tpu.vector_store %arg8[%parallel_loop3A_482, %parallel_loop3A_483], %parallel_loop3A_478 {strides = array<i32>} : memref<2x2048xf32, #tpu.memory_space<vmem>>, vector<16xf32>,
        %parallel_loop3A_485 = arith.constant 1 : i32
        %parallel_loop3A_486 = arith.index_cast %parallel_loop3A_485 : i32 to index
        %parallel_loop3A_487 = arith.index_cast %parallel_loop3A_136 : i32 to index
        %parallel_loop3A_488 = tpu.vector_load %arg8[%parallel_loop3A_486, %parallel_loop3A_487] {strides = array<i32>} : memref<2x2048xf32, #tpu.memory_space<vmem>>, vector<16xf32>,
        tpu.vector_store %arg8[%parallel_loop3A_486, %parallel_loop3A_487], %parallel_loop3A_480 {strides = array<i32>} : memref<2x2048xf32, #tpu.memory_space<vmem>>, vector<16xf32>,
      } {sc.loop_unroll_factor = 3 : i64, sc.parallel_access}
      %mul3A_125 = arith.constant 2 : i32
      %mul3A_126 = arith.muli %add3A_44, %mul3A_125 : i32
      %mul3A_127 = arith.constant 2048 : i32
      %mul3A_128 = arith.muli %scan3A_94, %mul3A_127 : i32
      %run_scoped3A_129 = arith.constant 0 : i32
      "tpu.region"() ({
        %run_scoped3A_136 = tpu.sem_alloc : memref<!tpu.dma_semaphore, #tpu.memory_space<semaphore_mem>>
        %dma_start3A = arith.constant 0 : i32
        %dma_start3A_137 = tpu.memref_slice %arg8[%run_scoped3A_129, %dma_start3A] : memref<2x2048xf32, #tpu.memory_space<vmem>> -> memref<1x2048xf32, #tpu.memory_space<vmem>>
        %dma_start3A_138 = tpu.memref_squeeze %dma_start3A_137 : memref<1x2048xf32, #tpu.memory_space<vmem>> -> memref<2048xf32, #tpu.memory_space<vmem>>
        %dma_start3A_139 = tpu.memref_slice %arg5[%mul3A_126, %mul3A_128] : memref<128x16384xf32, #tpu.memory_space<hbm>> -> memref<1x2048xf32, #tpu.memory_space<hbm>>
        %dma_start3A_140 = tpu.memref_squeeze %dma_start3A_139 : memref<1x2048xf32, #tpu.memory_space<hbm>> -> memref<2048xf32, #tpu.memory_space<hbm>>
        %dma_start3A_141 = tpu.memref_slice %arg5[%mul3A_126, %mul3A_128] : memref<128x16384xf32, #tpu.memory_space<hbm>> -> memref<1x2048xf32, #tpu.memory_space<hbm>>
        %dma_start3A_142 = tpu.memref_squeeze %dma_start3A_141 : memref<1x2048xf32, #tpu.memory_space<hbm>> -> memref<2048xf32, #tpu.memory_space<hbm>>
        %dma_start3A_143 = arith.constant 0 : i32
        %dma_start3A_144 = tpu.memref_slice %arg8[%run_scoped3A_129, %dma_start3A_143] : memref<2x2048xf32, #tpu.memory_space<vmem>> -> memref<1x2048xf32, #tpu.memory_space<vmem>>
        %dma_start3A_145 = tpu.memref_squeeze %dma_start3A_144 : memref<1x2048xf32, #tpu.memory_space<vmem>> -> memref<2048xf32, #tpu.memory_space<vmem>>
        tpu.enqueue_dma source(%dma_start3A_145 : memref<2048xf32, #tpu.memory_space<vmem>>) target(%dma_start3A_142 : memref<2048xf32, #tpu.memory_space<hbm>>) target_semaphore(%run_scoped3A_136 : memref<!tpu.dma_semaphore, #tpu.memory_space<semaphore_mem>>)
        %dma_wait3A = arith.constant 0 : i32
        %dma_wait3A_146 = tpu.memref_slice %arg8[%run_scoped3A_129, %dma_wait3A] : memref<2x2048xf32, #tpu.memory_space<vmem>> -> memref<1x2048xf32, #tpu.memory_space<vmem>>
        %dma_wait3A_147 = tpu.memref_squeeze %dma_wait3A_146 : memref<1x2048xf32, #tpu.memory_space<vmem>> -> memref<2048xf32, #tpu.memory_space<vmem>>
        %dma_wait3A_148 = tpu.memref_slice %arg5[%mul3A_126, %mul3A_128] : memref<128x16384xf32, #tpu.memory_space<hbm>> -> memref<1x2048xf32, #tpu.memory_space<hbm>>
        %dma_wait3A_149 = tpu.memref_squeeze %dma_wait3A_148 : memref<1x2048xf32, #tpu.memory_space<hbm>> -> memref<2048xf32, #tpu.memory_space<hbm>>
        %dma_wait3A_150 = tpu.memref_slice %arg5[%mul3A_126, %mul3A_128] : memref<128x16384xf32, #tpu.memory_space<hbm>> -> memref<1x2048xf32, #tpu.memory_space<hbm>>
        %dma_wait3A_151 = tpu.memref_squeeze %dma_wait3A_150 : memref<1x2048xf32, #tpu.memory_space<hbm>> -> memref<2048xf32, #tpu.memory_space<hbm>>
        %dma_wait3A_152 = arith.constant 0 : i32
        %dma_wait3A_153 = tpu.memref_slice %arg8[%run_scoped3A_129, %dma_wait3A_152] : memref<2x2048xf32, #tpu.memory_space<vmem>> -> memref<1x2048xf32, #tpu.memory_space<vmem>>
        %dma_wait3A_154 = tpu.memref_squeeze %dma_wait3A_153 : memref<1x2048xf32, #tpu.memory_space<vmem>> -> memref<2048xf32, #tpu.memory_space<vmem>>
        tpu.wait_dma2 semaphore(%run_scoped3A_136 : memref<!tpu.dma_semaphore, #tpu.memory_space<semaphore_mem>>) src(%dma_wait3A_154 : memref<2048xf32, #tpu.memory_space<vmem>>) dst(%dma_wait3A_151 : memref<2048xf32, #tpu.memory_space<hbm>>)
        tpu.yield
      }) : () -> ()
      %add3A_130 = arith.constant 1 : i32
      %add3A_131 = arith.addi %mul3A_126, %add3A_130 : i32
      %mul3A_132 = arith.constant 2048 : i32
      %mul3A_133 = arith.muli %scan3A_94, %mul3A_132 : i32
      %run_scoped3A_134 = arith.constant 1 : i32
      "tpu.region"() ({
        %run_scoped3A_136 = tpu.sem_alloc : memref<!tpu.dma_semaphore, #tpu.memory_space<semaphore_mem>>
        %dma_start3A = arith.constant 0 : i32
        %dma_start3A_137 = tpu.memref_slice %arg8[%run_scoped3A_134, %dma_start3A] : memref<2x2048xf32, #tpu.memory_space<vmem>> -> memref<1x2048xf32, #tpu.memory_space<vmem>>
        %dma_start3A_138 = tpu.memref_squeeze %dma_start3A_137 : memref<1x2048xf32, #tpu.memory_space<vmem>> -> memref<2048xf32, #tpu.memory_space<vmem>>
        %dma_start3A_139 = tpu.memref_slice %arg5[%add3A_131, %mul3A_133] : memref<128x16384xf32, #tpu.memory_space<hbm>> -> memref<1x2048xf32, #tpu.memory_space<hbm>>
        %dma_start3A_140 = tpu.memref_squeeze %dma_start3A_139 : memref<1x2048xf32, #tpu.memory_space<hbm>> -> memref<2048xf32, #tpu.memory_space<hbm>>
        %dma_start3A_141 = tpu.memref_slice %arg5[%add3A_131, %mul3A_133] : memref<128x16384xf32, #tpu.memory_space<hbm>> -> memref<1x2048xf32, #tpu.memory_space<hbm>>
        %dma_start3A_142 = tpu.memref_squeeze %dma_start3A_141 : memref<1x2048xf32, #tpu.memory_space<hbm>> -> memref<2048xf32, #tpu.memory_space<hbm>>
        %dma_start3A_143 = arith.constant 0 : i32
        %dma_start3A_144 = tpu.memref_slice %arg8[%run_scoped3A_134, %dma_start3A_143] : memref<2x2048xf32, #tpu.memory_space<vmem>> -> memref<1x2048xf32, #tpu.memory_space<vmem>>
        %dma_start3A_145 = tpu.memref_squeeze %dma_start3A_144 : memref<1x2048xf32, #tpu.memory_space<vmem>> -> memref<2048xf32, #tpu.memory_space<vmem>>
        tpu.enqueue_dma source(%dma_start3A_145 : memref<2048xf32, #tpu.memory_space<vmem>>) target(%dma_start3A_142 : memref<2048xf32, #tpu.memory_space<hbm>>) target_semaphore(%run_scoped3A_136 : memref<!tpu.dma_semaphore, #tpu.memory_space<semaphore_mem>>)
        %dma_wait3A = arith.constant 0 : i32
        %dma_wait3A_146 = tpu.memref_slice %arg8[%run_scoped3A_134, %dma_wait3A] : memref<2x2048xf32, #tpu.memory_space<vmem>> -> memref<1x2048xf32, #tpu.memory_space<vmem>>
        %dma_wait3A_147 = tpu.memref_squeeze %dma_wait3A_146 : memref<1x2048xf32, #tpu.memory_space<vmem>> -> memref<2048xf32, #tpu.memory_space<vmem>>
        %dma_wait3A_148 = tpu.memref_slice %arg5[%add3A_131, %mul3A_133] : memref<128x16384xf32, #tpu.memory_space<hbm>> -> memref<1x2048xf32, #tpu.memory_space<hbm>>
        %dma_wait3A_149 = tpu.memref_squeeze %dma_wait3A_148 : memref<1x2048xf32, #tpu.memory_space<hbm>> -> memref<2048xf32, #tpu.memory_space<hbm>>
        %dma_wait3A_150 = tpu.memref_slice %arg5[%add3A_131, %mul3A_133] : memref<128x16384xf32, #tpu.memory_space<hbm>> -> memref<1x2048xf32, #tpu.memory_space<hbm>>
        %dma_wait3A_151 = tpu.memref_squeeze %dma_wait3A_150 : memref<1x2048xf32, #tpu.memory_space<hbm>> -> memref<2048xf32, #tpu.memory_space<hbm>>
        %dma_wait3A_152 = arith.constant 0 : i32
        %dma_wait3A_153 = tpu.memref_slice %arg8[%run_scoped3A_134, %dma_wait3A_152] : memref<2x2048xf32, #tpu.memory_space<vmem>> -> memref<1x2048xf32, #tpu.memory_space<vmem>>
        %dma_wait3A_154 = tpu.memref_squeeze %dma_wait3A_153 : memref<1x2048xf32, #tpu.memory_space<vmem>> -> memref<2048xf32, #tpu.memory_space<vmem>>
        tpu.wait_dma2 semaphore(%run_scoped3A_136 : memref<!tpu.dma_semaphore, #tpu.memory_space<semaphore_mem>>) src(%dma_wait3A_154 : memref<2048xf32, #tpu.memory_space<vmem>>) dst(%dma_wait3A_151 : memref<2048xf32, #tpu.memory_space<hbm>>)
        tpu.yield
      }) : () -> ()
      %scan3A_135 = arith.constant 0 : i32
      scf.yield %scan3A_135 : i32
    }
    %scan3A_93 = arith.constant 8 : i32
    return
  }
}

module attributes {stable_mosaic.version = 14 : i64} {
  func.func @body(%arg0: i32, %arg1: memref<128x2048xf32, #tpu.memory_space<vmem>>, %arg2: memref<128x256xf32, #tpu.memory_space<vmem>>, %arg3: memref<1x256xf32, #tpu.memory_space<vmem>>, %arg4: memref<256x64xf32, #tpu.memory_space<vmem>>, %arg5: memref<1x64xf32, #tpu.memory_space<vmem>>, %arg6: memref<2048x64xf32, #tpu.memory_space<vmem>>) attributes {dimension_semantics = [#tpu.dimension_semantics<arbitrary>], iteration_bounds = array<i64: 8>, scalar_prefetch = 0 : i64, scratch_operands = 0 : i64, tpu.core_type = #tpu.core_type<tc>, window_params = [{transform_indices = @transform_0, window_bounds = array<i64: 128, 2048>}, {pipeline_mode = #tpu.pipeline_mode<synchronous>, transform_indices = @transform_1, window_bounds = array<i64: 128, 256>}, {pipeline_mode = #tpu.pipeline_mode<synchronous>, transform_indices = @transform_2, window_bounds = array<i64: 1, 256>}, {pipeline_mode = #tpu.pipeline_mode<synchronous>, transform_indices = @transform_3, window_bounds = array<i64: 256, 64>}, {pipeline_mode = #tpu.pipeline_mode<synchronous>, transform_indices = @transform_4, window_bounds = array<i64: 1, 64>}, {transform_indices = @transform_5, window_bounds = array<i64: 2048, 64>}]} {
    %get3A = arith.constant 0 : index
    %get3A_0 = arith.constant 0 : index
    %get3A_1 = vector.load %arg1[%get3A, %get3A_0] : memref<128x2048xf32, #tpu.memory_space<vmem>>, vector<128x2048xf32>
    %get3A_2 = arith.constant 0 : index
    %get3A_3 = arith.constant 0 : index
    %get3A_4 = vector.load %arg2[%get3A_2, %get3A_3] : memref<128x256xf32, #tpu.memory_space<vmem>>, vector<128x256xf32>
    %dot_general3A = arith.constant dense<0.000000e+00> : vector<2048x256xf32>
    %dot_general3A_5 = tpu.matmul %get3A_1, %get3A_4, %dot_general3A {dimension_numbers = #tpu.dot_dimension_numbers<[0], [0], [1], [1], [0, 1, 1, 1], [], []>, transpose_lhs_hint = false} : vector<128x2048xf32>, vector<128x256xf32>, vector<2048x256xf32> -> vector<2048x256xf32>
    %get3A_6 = arith.constant 0 : index
    %get3A_7 = arith.constant 0 : index
    %get3A_8 = vector.load %arg3[%get3A_6, %get3A_7] : memref<1x256xf32, #tpu.memory_space<vmem>>, vector<1x256xf32>
    %add3A = vector.broadcast %get3A_8 : vector<1x256xf32> to vector<2048x256xf32>
    %add3A_9 = arith.addf %dot_general3A_5, %add3A : vector<2048x256xf32>
    %ge3A = arith.constant 0.000000e+00 : f32
    %ge3A_10 = vector.broadcast %ge3A : f32 to vector<2048x256xf32>
    %ge3A_11 = arith.cmpf oge, %add3A_9, %ge3A_10 : vector<2048x256xf32>
    %mul3A = arith.constant 0.00999999977 : f32
    %mul3A_12 = vector.broadcast %mul3A : f32 to vector<2048x256xf32>
    %mul3A_13 = arith.mulf %mul3A_12, %add3A_9 : vector<2048x256xf32>
    %select_n3A = arith.select %ge3A_11, %add3A_9, %mul3A_13 : vector<2048x256xi1>, vector<2048x256xf32>
    %get3A_14 = arith.constant 0 : index
    %get3A_15 = arith.constant 0 : index
    %get3A_16 = vector.load %arg4[%get3A_14, %get3A_15] : memref<256x64xf32, #tpu.memory_space<vmem>>, vector<256x64xf32>
    %dot_general3A_17 = arith.constant dense<0.000000e+00> : vector<2048x64xf32>
    %dot_general3A_18 = tpu.matmul %select_n3A, %get3A_16, %dot_general3A_17 {dimension_numbers = #tpu.dot_dimension_numbers<[1], [0], [0], [1], [0, 0, 1, 1], [], []>, transpose_lhs_hint = false} : vector<2048x256xf32>, vector<256x64xf32>, vector<2048x64xf32> -> vector<2048x64xf32>
    %get3A_19 = arith.constant 0 : index
    %get3A_20 = arith.constant 0 : index
    %get3A_21 = vector.load %arg5[%get3A_19, %get3A_20] : memref<1x64xf32, #tpu.memory_space<vmem>>, vector<1x64xf32>
    %add3A_22 = vector.broadcast %get3A_21 : vector<1x64xf32> to vector<2048x64xf32>
    %add3A_23 = arith.addf %dot_general3A_18, %add3A_22 : vector<2048x64xf32>
    %swap3A = arith.constant 0 : index
    %swap3A_24 = arith.constant 0 : index
    %swap3A_25 = vector.load %arg6[%swap3A, %swap3A_24] : memref<2048x64xf32, #tpu.memory_space<vmem>>, vector<2048x64xf32>
    tpu.vector_store %arg6[%swap3A, %swap3A_24], %add3A_23 {strides = array<i32>} : memref<2048x64xf32, #tpu.memory_space<vmem>>, vector<2048x64xf32>,
    return
  }
  func.func @transform_0(%arg0: i32) -> (i32, i32) {
    %c0_i32 = arith.constant 0 : i32
    %c0_i32_0 = arith.constant 0 : i32
    return %c0_i32, %arg0 : i32, i32
  }
  func.func @transform_1(%arg0: i32) -> (i32, i32) {
    %c0_i32 = arith.constant 0 : i32
    %c0_i32_0 = arith.constant 0 : i32
    %c0_i32_1 = arith.constant 0 : i32
    return %c0_i32, %c0_i32_0 : i32, i32
  }
  func.func @transform_2(%arg0: i32) -> (i32, i32) {
    %c0_i32 = arith.constant 0 : i32
    %c0_i32_0 = arith.constant 0 : i32
    %c0_i32_1 = arith.constant 0 : i32
    return %c0_i32, %c0_i32_0 : i32, i32
  }
  func.func @transform_3(%arg0: i32) -> (i32, i32) {
    %c0_i32 = arith.constant 0 : i32
    %c0_i32_0 = arith.constant 0 : i32
    %c0_i32_1 = arith.constant 0 : i32
    return %c0_i32, %c0_i32_0 : i32, i32
  }
  func.func @transform_4(%arg0: i32) -> (i32, i32) {
    %c0_i32 = arith.constant 0 : i32
    %c0_i32_0 = arith.constant 0 : i32
    %c0_i32_1 = arith.constant 0 : i32
    return %c0_i32, %c0_i32_0 : i32, i32
  }
  func.func @transform_5(%arg0: i32) -> (i32, i32) {
    %c0_i32 = arith.constant 0 : i32
    %c0_i32_0 = arith.constant 0 : i32
    return %arg0, %c0_i32 : i32, i32
  }
}

</mosaic_0001>

<sc_bundles>
// kernel: kernel.4.cloned.1.call-start
scs
__scs_entry_jumppad:
0x0: {  	(pc) =	sbr.rel $0x88, $3  }
0x1: {  	(tag) =	ssettag $0x0;
	lr =	simm.s32 $0x1  }
0x2: {  	[smem:$0x3F9B] =	sst lr;
	_ =	strace $0xD0000000  }
0x3: {  	_ = 	snop  }
0x4: {  	_ = 	snop  }
0x5: {  	_ = 	snop  }
0x6: {  	_ = 	snop  }
0x7: {  	_ = 	snop  }
__scs_overlays_trampoline_lowered:
0x8: {  	[smem:$0x3FAA] =	sst s0  }
0x9: {  	[smem:$0x3FAB] =	sst s1  }
0xa: {  	[smem:$0x3FAC] =	sst s2  }
0xb: {  	[smem:$0x3FAD] =	sst s3  }
0xc: {  	[smem:$0x3FAE] =	sst s4  }
0xd: {  	[smem:$0x3FAF] =	sst s5  }
0xe: {  	[smem:$0x3FB0] =	sst s6  }
0xf: {  	[smem:$0x3FB1] =	sst s7  }
0x10: {  	[smem:$0x3FB2] =	sst s8  }
0x11: {  	[smem:$0x3FB3] =	sst s9;
	s0 =	simm.s32 @!p0 $0x0  }
0x12: {  	s1 =	sld [smem:$0x3F99];
	s0 =	simm.s32 @p0 $0x1  }
0x13: {  	[smem:$0x3FB4] =	sst s0;
	s0 =	simm.s32 @!p1 $0x0  }
0x14: {  	s2 =	sld [smem:$0x3F98];
	s0 =	simm.s32 @p1 $0x1  }
0x15: {  	[smem:$0x3FB5] =	sst s0;
	s0 =	simm.s32 @!p2 $0x0  }
0x16: {  	s3 =	sld [smem:$0x3FDB];
	s0 =	simm.s32 @p2 $0x1  }
0x17: {  	s4 =	simm.s32 $0x1BF5;
	[smem:$0x3FB7] =	sst s0  }
0x18: {  	s0 =	sld [smem:$0x3F9A];
	_ =	swait.ge [sflag:s4], $0x0  }
0x19: {  	s7 =	sld [smem:$0x3F9B]  }
0x1a: {  	s8 =	sadd.s32 $0xFFFFE003, lr  }
0x1b: {  	s9 =	sadd.s32 $0xFFFFFEF7, lr;
	s5 =	simm.s32 $0xFFFFFFFF;
	p2 =	slt.u32 s8, $0xFFFFF086  }
0x1c: {  	p1 =	slt.u32 s9, $0xF7A;
	s5 =	simm.s32 @!p2 $0x0  }
0x1d: {  	s5 =	simm.s32 @p1 $0x1;
	p0 =	seq.s32 s7, s2  }
0x1e: {  	s7 =	smul.u32 @!p0 $0xF7A, s2;
	p2 =	seq.s32 @!p0 s5, $0x0  }
0x1f: {  	s9 =	smul.u32 $0xF7A, s1;
	s8 =	simm.s32 @!p0 $0x1BF5;
	p2 =	por !p2, p0  }
0x20: {  	[sflag:s8] =	ssyncset.s32 @!p0 $0xFFFFF086;
	s6 =	sadd.s32 @!p0 s3, s7;
	s7 =	simm.s32 @!p0 $0x108  }
0x21: {  	s3 =	sadd.s32 s3, s9;
	s6 =	sadd.s32 @!p0 $0x88, s6;
	s7 =	simm.s32 @p2 $0x1082  }
0x22: {  	[simem:s7], [sflag:s8] =	dma.local @!p0 [hbm:s6], $0xF7A  }
0x23: {  	s9 =	sor.u32 $0xD0000000, s2;
	s6 =	simm.s32 $0x108;
	_ =	swait.ge @!p0 [sflag:s8], $0x0  }
0x24: {  	s3 =	sadd.s32 $0x88, s3;
	s6 =	simm.s32 @!p1 $0x1082;
	[sflag:s4] =	ssyncset.s32 $0xFFFFF086  }
0x25: {  	[simem:s6], [sflag:s4] =	dma.local [hbm:s3], $0xF7A  }
0x26: {  	[smem:$0x3F9B] =	sst s1;
	(tag) =	ssettag s2;
	_ =	strace s9  }
0x27: {  	s1 =	sld [smem:$0x3FAB]  }
0x28: {  	s2 =	sld [smem:$0x3FAC]  }
0x29: {  	s4 =	sld [smem:$0x3FAE]  }
0x2a: {  	p0 =	seq.s32 s5, $0x0;
	s5 =	sld [smem:$0x3FAF]  }
0x2b: {  	s6 =	sld [smem:$0x3FB0]  }
0x2c: {  	s7 =	sld [smem:$0x3FB1]  }
0x2d: {  	s3 =	simm.s32 $0x108;
	s8 =	sld [smem:$0x3FB2]  }
0x2e: {  	s3 =	simm.s32 @!p0 $0x1082;
	s9 =	sld [smem:$0x3FB3]  }
0x2f: {  	lr =	sadd.s32 s0, s3;
	s0 =	sld [smem:$0x3FAA]  }
0x30: {  	s3 =	sld [smem:$0x3FAD]  }
0x31: {  	[smem:$0x3FB6] =	sst s10  }
0x32: {  	s10 =	sld [smem:$0x3FB4];
	_ =	sdelay $0x3  }
0x33: {  	p0 =	seq.s32 s10, $0x1;
	s10 =	sld [smem:$0x3FB6];
	_ =	sdelay $0x3  }
0x34: {  	[smem:$0x3FB6] =	sst s10  }
0x35: {  	s10 =	sld [smem:$0x3FB5];
	_ =	sdelay $0x3  }
0x36: {  	p1 =	seq.s32 s10, $0x1;
	s10 =	sld [smem:$0x3FB6];
	_ =	sdelay $0x3  }
0x37: {  	[smem:$0x3FB6] =	sst s10  }
0x38: {  	s10 =	sld [smem:$0x3FB7]  }
0x39: {  	_ = 	snop;
	(pc) =	sbr.ind lr, $3  }
0x3a: {  	_ = 	snop  }
0x3b: {  	_ = 	snop  }
0x3c: {  	p2 =	seq.s32 s10, $0x1;
	s10 =	sld [smem:$0x3FB6]  }
0x3d: {  	_ =	shalt  }
0x3e: {  	_ =	shalt  }
0x3f: {  	_ =	shalt  }
0x40: {  	_ =	shalt  }
0x41: {  	_ =	shalt  }
0x42: {  	_ =	shalt  }
0x43: {  	_ =	shalt  }
0x44: {  	_ =	shalt  }
0x45: {  	_ =	shalt  }
0x46: {  	_ =	shalt  }
0x47: {  	_ =	shalt  }
0x48: {  	_ =	shalt  }
0x49: {  	_ =	shalt  }
0x4a: {  	_ =	shalt  }
0x4b: {  	_ =	shalt  }
0x4c: {  	_ =	shalt  }
0x4d: {  	_ =	shalt  }
0x4e: {  	_ =	shalt  }
0x4f: {  	_ =	shalt  }
0x50: {  	_ =	shalt  }
0x51: {  	_ =	shalt  }
0x52: {  	_ =	shalt  }
0x53: {  	_ =	shalt  }
0x54: {  	_ =	shalt  }
0x55: {  	_ =	shalt  }
0x56: {  	_ =	shalt  }
0x57: {  	_ =	shalt  }
0x58: {  	_ =	shalt  }
0x59: {  	_ =	shalt  }
0x5a: {  	_ =	shalt  }
0x5b: {  	_ =	shalt  }
0x5c: {  	_ =	shalt  }
0x5d: {  	_ =	shalt  }
0x5e: {  	_ =	shalt  }
0x5f: {  	_ =	shalt  }
0x60: {  	_ =	shalt  }
0x61: {  	_ =	shalt  }
0x62: {  	_ =	shalt  }
0x63: {  	_ =	shalt  }
0x64: {  	_ =	shalt  }
0x65: {  	_ =	shalt  }
0x66: {  	_ =	shalt  }
0x67: {  	_ =	shalt  }
0x68: {  	_ =	shalt  }
0x69: {  	_ =	shalt  }
0x6a: {  	_ =	shalt  }
0x6b: {  	_ =	shalt  }
0x6c: {  	_ =	shalt  }
0x6d: {  	_ =	shalt  }
0x6e: {  	_ =	shalt  }
0x6f: {  	_ =	shalt  }
0x70: {  	_ =	shalt  }
0x71: {  	_ =	shalt  }
0x72: {  	_ =	shalt  }
0x73: {  	_ =	shalt  }
0x74: {  	_ =	shalt  }
0x75: {  	_ =	shalt  }
0x76: {  	_ =	shalt  }
0x77: {  	_ =	shalt  }
0x78: {  	_ =	shalt  }
0x79: {  	_ =	shalt  }
0x7a: {  	_ =	shalt  }
0x7b: {  	_ =	shalt  }
0x7c: {  	_ =	shalt  }
0x7d: {  	_ =	shalt  }
0x7e: {  	_ =	shalt  }
0x7f: {  	_ =	shalt  }
0x80: {  	_ =	shalt  }
0x81: {  	_ =	shalt  }
0x82: {  	_ =	shalt  }
0x83: {  	_ =	shalt  }
0x84: {  	_ =	shalt  }
0x85: {  	_ =	shalt  }
0x86: {  	_ =	shalt  }
0x87: {  	_ =	shalt  }
.Lfunc_end0:
.L_simem_size_0:
called_computation_lowered:
.L_overlay_start_0:
0x88: {  	s2 =	sld [smem:$0x3FD9]  }
0x89: {  	s3 =	sld [smem:$0x3FFE];
	_ =	sdelay $0x1  }
0x8a: {  	s1 =	srdreg.scid  }
0x8b: {  	s0 =	sand.u32 $0x1, s1  }
0x8c: {  	s17 =	sshll.u32 s0, $0xA;
	s2 =	sadd.s32 s3, s2  }
0x8d: {  	s2 =	sadd.s32 s2, s17  }
0x8e: {  	[smem:$0x3FC2] =	sst s2  }
0x8f: {  	_ = 	snop  }
0x90: {  	s2 =	sld [smem:$0x3FC9]  }
0x91: {  	s18 =	sld [smem:$0x3FD0];
	(tm) =	ssettm $0x1  }
0x92: {  	s4 =	sld [smem:$0x3FFB];
	_ =	sdelay $0x3  }
0x93: {  	_ =	strace s4  }
0x94: {  	s4 =	sld [smem:$0x3FFC];
	_ =	sdelay $0x3  }
0x95: {  	_ =	strace s4  }
0x96: {  	s4 =	sld [smem:$0x3FFD];
	_ =	sdelay $0x3  }
0x97: {  	_ =	strace s4  }
0x98: {  	_ =	strace $0x8FFFFFFF  }
0x99: {  	s19 =	sld [smem:$0x3FDB];
	_ =	sdelay $0x1  }
0x9a: {  	s5 =	simm.s32 $_scs_section_size  }
0x9b: {  	s6 =	simm.s32 $_size__tile_overlayer_lowered;
	s7 =	simm.s32 $_tile_overlayer_lowered  }
0x9c: {  	s22 =	simm.s32 $0x1BFF;
	s21 =	sshll.u32 s7, $0x1;
	s4 =	sadd.s32 s5, s19  }
0x9d: {  	s8 =	simm.s32 $0x0;
	s20 =	sshll.u32 s6, $0x1;
	s6 =	sadd.s32 s21, s4  }
0x9e: {  	[timem:s8], [sflag:s22] =	dma.local [hbm:s6], s20  }
0x9f: {  	_ =	swait.ge [sflag:s22], s20  }
0xa0: {  	s5 =	ssub.s32 $0x0, s20;
	[sflag:s22] =	ssyncset.done $0x0  }
0xa1: {  	[sflag:s22] =	ssyncadd.s32 s5;
	_ =	sdelay $0x1  }
0xa2: {  	s23 =	simm.s32 $0x1B8B  }
0xa3: {  	_ =	swait.ge [sflag:s23], $0x1  }
0xa4: {  	[sflag:s23] =	ssyncset.done $0x0  }
0xa5: {  	s25 =	simm.s32 $0x1B8E;
	s24 =	sld [smem:$0x3FFE];
	[sflag:s23] =	ssyncadd.s32 $0xFFFFFFFF  }
0xa6: {  	s26 =	simm.s32 $execute0_lowered;
	[smem:$0x3FD2] =	sst s25  }
0xa7: {  	s6 =	sshll.u32 s26, $0x1;
	_ =	strace $0x80000046;
	[dreg:$0x1] =	wrdreg $0xFFFFFFFF  }
0xa8: {  	s28 =	simm.s32 $_size_execute0_lowered;
	s4 =	sadd.s32 s4, s6;
	[dreg:$0x0] =	wrdreg $0x0  }
0xa9: {  	s6 =	sshll.u32 s28, $0x1;
	[dreg:$0x2] =	wrdreg s4  }
0xaa: {  	[dreg:$0x3] =	wrdreg s6  }
0xab: {  	[dreg:$0x4] =	wrdreg $0xC0  }
0xac: {  	_ =	task [dreg:s8], $0x5FFFF  }
0xad: {  	[dreg:$0x1] =	wrdreg $0xFFFFFFFF  }
0xae: {  	[dreg:$0x0] =	wrdreg $0x60  }
0xaf: {  	[dreg:$0x2] =	wrdreg s2  }
0xb0: {  	[dreg:$0x3] =	wrdreg s24  }
0xb1: {  	[dreg:$0x4] =	wrdreg s18  }
0xb2: {  	[dreg:$0x5] =	wrdreg $0x9  }
0xb3: {  	_ =	task.clear_ibuf [dreg:s8], $0x6FFFF;
	_ =	strace $0x90000046  }
0xb4: {  	s29 =	simm.s32 $0x9;
	_ =	strace $0x80000048  }
0xb5: {  	_ =	swait.ge [sflag:s29], $0x1  }
0xb6: {  	[sflag:s29] =	ssyncadd.s32 $0xFFFFFFFF  }
0xb7: {  	_ =	strace $0x90000048  }
0xb8: {  	_ =	sfence  }
0xb9: {  	s30 =	sld [smem:$0x0];
	_ =	sdelay $0x2  }
0xba: {  	s31 =	sshll.u32 s1, $0xD;
	s1 =	sshrl.u32 s1, $0x2  }
0xbb: {  	s3 =	sand.u32 $0x4000, s31;
	s1 =	sadd.s32 s1, s30  }
0xbc: {  	s0 =	sor.u32 s3, s0;
	s1 =	sshll.u32 s1, $0x11  }
0xbd: {  	s0 =	sor.u32 s1, s0  }
0xbe: {  	s0 =	sadd.s32 $0x8F2B, s0  }
0xbf: {  	[sflag:s0] =	ssyncadd.remote.s32 $0x1  }
0xc0: {  	_ =	sfence.sel $0xFFFF  }
0xc1: {  	[dreg:$0x0] =	wrdreg $0xFFFFFFFF;
	(pc) =	sbr.abs _section_cstart, $3  }
0xc2: {  	[dreg:$0x1] =	wrdreg $0xFFFFFFFF  }
0xc3: {  	_ =	task.clear_ibuf [dreg:s8], $0x2FFFF;
	_ =	strace $0x9FFFFFFF  }
0xc4: {  	(tm) =	ssettm $0x7FFFFFFF  }
0xc5: {  	_ =	shalt  }
tec
execute0_lowered:
.L_overlay_start_1:
0x0: {  	(tag) =	ssettag $0x1  }
0x1: {  	s0 =	rddreg [dreg:$0x1]  }
0x2: {  	s1 =	srdreg.scid;
	s4 =	simm.s32 $0x0;
	s13 =	stileid.u32  }
0x3: {  	s28 =	simm.s32 $0x12C80;
	s29 =	simm.s32 $0x12D80;
	s30 =	simm.s32 $0x12E80  }
0x4: {  	s31 =	simm.s32 $0x12F80;
	s1 =	sand.u32 $0x1, s1;
	[smem:$0x7FF] =	sst s4  }
0x5: {  	s2 =	sshll.u32 s13, $0x2;
	s16 =	sadd.s32 $0x1000, s0;
	s6 =	sshll.u32 s13, $0x12  }
0x6: {  	s8 =	sshrl.u32 s13, $0x2;
	s19 =	sshll.u32 s13, $0x7;
	s21 =	sshll.u32 s13, $0x11  }
0x7: {  	s13 =	simm.s32 $0x1;
	s3 =	sshll.u32 s1, $0x1;
	_ =	strace $0x80000047  }
0x8: {  	s7 =	ssub.s32 $0x2, s1;
	s10 =	sshll.u32 s8, $0x14;
	s8 =	sshll.u32 s8, $0x10  }
0x9: {  	s1 =	sshll.u32 s1, $0x9;
	s2 =	sor.u32 s3, s2;
	s9 =	sshrl.u32 s7, $0x1  }
0xa: {  	s20 =	sor.u32 s19, s8;
	s1 =	sor.u32 s1, s21;
	s5 =	sshll.u32 s2, $0x7  }
0xb: {  	s9 =	ssub.s32 s7, s9;
	s18 =	sand.u32 $0xE, s2;
	s2 =	sor.u32 $0x1, s2  }
0xc: {  	[dreg:$0x5] =	wrdreg s1;
	s5 =	sor.u32 s5, s6;
	s12 =	sshll.u32 s2, $0x7  }
0xd: {  	s22 =	sshll.u32 s2, $0x8;
	s23 =	sand.u32 $0xF, s2;
	s11 =	sand.u32 $0x80300, s5  }
0xe: {  	s26 =	smax.u32 s9, $0x1;
	s6 =	sor.u32 s6, s12;
	s17 =	sor.u32 s10, s11  }
0xf: {  	[dreg:$0x8] =	wrdreg s26;
	s6 =	sand.u32 $0x80380, s6;
	s7 =	sshrl.u32 s17, $0x3  }
0x10: {  	s6 =	sor.u32 s10, s6;
	s10 =	sand.u32 $0x300, s22;
	s7 =	sadd.s32 s16, s7  }
0x11: {  	v0 =	vmov s18;
	s6 =	sshrl.u32 s6, $0x3;
	s25 =	sor.u32 s21, s10;
	[dreg:$0x4] =	wrdreg s7  }
0x12: {  	s1 =	simm.s32 $0x0;
	[tilespmem:$0x1FFE0] =	vst v0;
	v63 =	vmov s23;
	s24 =	sadd.s32 s16, s6;
	[dreg:$0x7] =	wrdreg s25  }
0x13: {  	s5 =	sadd.s32 $0x81000, s0;
	[tilespmem:$0x1FFF0] =	vst v63;
	s7 =	sand.u32 $0x20200, s20;
	[dreg:$0x6] =	wrdreg s24  }
.LBB2_1:
0x14: {  	[dreg:$0x9] =	wrdreg s1  }
0x15: {  	s0 =	rddreg [dreg:$0x2];
	s25 =	simm.s32 $0x13000  }
0x16: {  	[tilespmem:s25], [sflag:$0x1] =	stream.linear.gather [hbm4b:s0+s4], $0x80, $0x38;
	[tilespmem:$0x13080] =	vst v63  }
0x17: {  	_ =	swait.ge [sflag:s13], $0x80  }
0x18: {  	s2 =	simm.s32 $0x80;
	[sflag:s13] =	ssyncset.done $0x0  }
0x19: {  	s3 =	simm.s32 $0x400;
	s26 =	rddreg [dreg:$0x4];
	[sflag:s13] =	ssyncadd.s32 $0xFFFFFF80  }
0x1a: {  	[tilespmem:s4], [sflag:$0x1] =	stream.strided.gather [hbm4b:s26+s2], $0x10000, s3, s2, $0x38;
	[tilespmem:$0x13080] =	vst v63  }
0x1b: {  	_ =	swait.ge [sflag:s13], $0x10000  }
0x1c: {  	v0 =	vld [tilespmem:$0x1FFE0];
	_ =	sdelay $0x5  }
0x1d: {  	[sflag:s13] =	ssyncset.done $0x0  }
0x1e: {  	[sflag:s13] =	ssyncadd.s32 $0xFFFF0000  }
0x1f: {  	v33 =	vld.idx.msk [tilespmem:v0+s25+$0x0], $0xffff;
	_ =	sdelay $0x4  }
0x20: {  	s0 =	simm.s32 $0x0;
	[tilespmem:$0x1FFD0] =	vst v33  }
.LBB2_2:
0x21: {  	s2 =	sshll.u32 s0, $0xE  }
0x22: {  	s1 =	sor.u32 s2, s7  }
0x23: {  	s3 =	rddreg [dreg:$0x0];
	s1 =	sshrl.u32 s1, $0x3  }
0x24: {  	s25 =	simm.s32 $0x10000;
	s1 =	sadd.s32 s3, s1  }
0x25: {  	[tilespmem:s25], [sflag:$0x1] =	stream.linear.gather [hbm4b:s1+s4], $0x80, $0x38;
	[tilespmem:$0x13080] =	vst v63  }
0x26: {  	s6 =	simm.s32 $0x10200;
	s26 =	sadd.s32 $0x80, s1  }
0x27: {  	[tilespmem:s6], [sflag:$0x1] =	stream.linear.gather [hbm4b:s26+s4], $0x80, $0x38;
	[tilespmem:$0x13080] =	vst v63  }
0x28: {  	s9 =	simm.s32 $0x10400;
	s8 =	sadd.s32 $0x100, s1  }
0x29: {  	[tilespmem:s9], [sflag:$0x1] =	stream.linear.gather [hbm4b:s8+s4], $0x80, $0x38;
	[tilespmem:$0x13080] =	vst v63  }
0x2a: {  	s11 =	simm.s32 $0x10600;
	s10 =	sadd.s32 $0x180, s1  }
0x2b: {  	[tilespmem:s11], [sflag:$0x1] =	stream.linear.gather [hbm4b:s10+s4], $0x80, $0x38;
	[tilespmem:$0x13080] =	vst v63  }
0x2c: {  	s14 =	simm.s32 $0x10800;
	s12 =	sadd.s32 $0x200, s1  }
0x2d: {  	[tilespmem:s14], [sflag:$0x1] =	stream.linear.gather [hbm4b:s12+s4], $0x80, $0x38;
	[tilespmem:$0x13080] =	vst v63  }
0x2e: {  	s16 =	simm.s32 $0x10A00;
	s15 =	sadd.s32 $0x280, s1  }
0x2f: {  	[tilespmem:s16], [sflag:$0x1] =	stream.linear.gather [hbm4b:s15+s4], $0x80, $0x38;
	[tilespmem:$0x13080] =	vst v63  }
0x30: {  	s18 =	simm.s32 $0x10C00;
	s17 =	sadd.s32 $0x300, s1  }
0x31: {  	[tilespmem:s18], [sflag:$0x1] =	stream.linear.gather [hbm4b:s17+s4], $0x80, $0x38;
	[tilespmem:$0x13080] =	vst v63  }
0x32: {  	s20 =	simm.s32 $0x10E00;
	s19 =	sadd.s32 $0x380, s1  }
0x33: {  	[tilespmem:s20], [sflag:$0x1] =	stream.linear.gather [hbm4b:s19+s4], $0x80, $0x38;
	[tilespmem:$0x13080] =	vst v63  }
0x34: {  	s22 =	simm.s32 $0x11000;
	s21 =	sadd.s32 $0x400, s1  }
0x35: {  	[tilespmem:s22], [sflag:$0x1] =	stream.linear.gather [hbm4b:s21+s4], $0x80, $0x38;
	[tilespmem:$0x13080] =	vst v63  }
0x36: {  	s24 =	simm.s32 $0x11200;
	s23 =	sadd.s32 $0x480, s1  }
0x37: {  	[tilespmem:s24], [sflag:$0x1] =	stream.linear.gather [hbm4b:s23+s4], $0x80, $0x38;
	[tilespmem:$0x13080] =	vst v63  }
0x38: {  	s25 =	sadd.s32 $0x500, s1;
	s26 =	simm.s32 $0x11400  }
0x39: {  	[tilespmem:s26], [sflag:$0x1] =	stream.linear.gather [hbm4b:s25+s4], $0x80, $0x38;
	[tilespmem:$0x13080] =	vst v63  }
0x3a: {  	s8 =	sadd.s32 $0x580, s1;
	s9 =	simm.s32 $0x11600  }
0x3b: {  	[tilespmem:s9], [sflag:$0x1] =	stream.linear.gather [hbm4b:s8+s4], $0x80, $0x38;
	[tilespmem:$0x13080] =	vst v63  }
0x3c: {  	s10 =	sadd.s32 $0x600, s1;
	s11 =	simm.s32 $0x11800  }
0x3d: {  	[tilespmem:s11], [sflag:$0x1] =	stream.linear.gather [hbm4b:s10+s4], $0x80, $0x38;
	[tilespmem:$0x13080] =	vst v63  }
0x3e: {  	s12 =	sadd.s32 $0x680, s1;
	s14 =	simm.s32 $0x11A00  }
0x3f: {  	[tilespmem:s14], [sflag:$0x1] =	stream.linear.gather [hbm4b:s12+s4], $0x80, $0x38;
	[tilespmem:$0x13080] =	vst v63  }
0x40: {  	s15 =	sadd.s32 $0x700, s1;
	s16 =	simm.s32 $0x11C00  }
0x41: {  	[tilespmem:s16], [sflag:$0x1] =	stream.linear.gather [hbm4b:s15+s4], $0x80, $0x38;
	[tilespmem:$0x13080] =	vst v63  }
0x42: {  	s17 =	sadd.s32 $0x780, s1;
	s18 =	simm.s32 $0x11E00  }
0x43: {  	[tilespmem:s18], [sflag:$0x1] =	stream.linear.gather [hbm4b:s17+s4], $0x80, $0x38;
	[tilespmem:$0x13080] =	vst v63  }
0x44: {  	_ =	swait.ge [sflag:s13], $0x800  }
0x45: {  	[sflag:s13] =	ssyncset.done $0x0  }
0x46: {  	s19 =	sadd.s32 $0x10, s1;
	s20 =	simm.s32 $0x10080;
	[sflag:s13] =	ssyncadd.s32 $0xFFFFF800  }
0x47: {  	[tilespmem:s20], [sflag:$0x1] =	stream.linear.gather [hbm4b:s19+s4], $0x80, $0x38;
	[tilespmem:$0x13080] =	vst v63  }
0x48: {  	s21 =	sadd.s32 $0x90, s1;
	s22 =	simm.s32 $0x10280  }
0x49: {  	[tilespmem:s22], [sflag:$0x1] =	stream.linear.gather [hbm4b:s21+s4], $0x80, $0x38;
	[tilespmem:$0x13080] =	vst v63  }
0x4a: {  	s23 =	sadd.s32 $0x110, s1;
	s24 =	simm.s32 $0x10480  }
0x4b: {  	[tilespmem:s24], [sflag:$0x1] =	stream.linear.gather [hbm4b:s23+s4], $0x80, $0x38;
	[tilespmem:$0x13080] =	vst v63  }
0x4c: {  	s25 =	sadd.s32 $0x190, s1;
	s26 =	simm.s32 $0x10680  }
0x4d: {  	[tilespmem:s26], [sflag:$0x1] =	stream.linear.gather [hbm4b:s25+s4], $0x80, $0x38;
	[tilespmem:$0x13080] =	vst v63  }
0x4e: {  	s8 =	sadd.s32 $0x210, s1;
	s9 =	simm.s32 $0x10880  }
0x4f: {  	[tilespmem:s9], [sflag:$0x1] =	stream.linear.gather [hbm4b:s8+s4], $0x80, $0x38;
	[tilespmem:$0x13080] =	vst v63  }
0x50: {  	s10 =	sadd.s32 $0x290, s1;
	s11 =	simm.s32 $0x10A80  }
0x51: {  	[tilespmem:s11], [sflag:$0x1] =	stream.linear.gather [hbm4b:s10+s4], $0x80, $0x38;
	[tilespmem:$0x13080] =	vst v63  }
0x52: {  	s12 =	sadd.s32 $0x310, s1;
	s14 =	simm.s32 $0x10C80  }
0x53: {  	[tilespmem:s14], [sflag:$0x1] =	stream.linear.gather [hbm4b:s12+s4], $0x80, $0x38;
	[tilespmem:$0x13080] =	vst v63  }
0x54: {  	s15 =	sadd.s32 $0x390, s1;
	s16 =	simm.s32 $0x10E80  }
0x55: {  	[tilespmem:s16], [sflag:$0x1] =	stream.linear.gather [hbm4b:s15+s4], $0x80, $0x38;
	[tilespmem:$0x13080] =	vst v63  }
0x56: {  	s17 =	sadd.s32 $0x410, s1;
	s18 =	simm.s32 $0x11080  }
0x57: {  	[tilespmem:s18], [sflag:$0x1] =	stream.linear.gather [hbm4b:s17+s4], $0x80, $0x38;
	[tilespmem:$0x13080] =	vst v63  }
0x58: {  	s19 =	sadd.s32 $0x490, s1;
	s20 =	simm.s32 $0x11280  }
0x59: {  	[tilespmem:s20], [sflag:$0x1] =	stream.linear.gather [hbm4b:s19+s4], $0x80, $0x38;
	[tilespmem:$0x13080] =	vst v63  }
0x5a: {  	s21 =	sadd.s32 $0x510, s1;
	s22 =	simm.s32 $0x11480  }
0x5b: {  	[tilespmem:s22], [sflag:$0x1] =	stream.linear.gather [hbm4b:s21+s4], $0x80, $0x38;
	[tilespmem:$0x13080] =	vst v63  }
0x5c: {  	s23 =	sadd.s32 $0x590, s1;
	s24 =	simm.s32 $0x11680  }
0x5d: {  	[tilespmem:s24], [sflag:$0x1] =	stream.linear.gather [hbm4b:s23+s4], $0x80, $0x38;
	[tilespmem:$0x13080] =	vst v63  }
0x5e: {  	s25 =	sadd.s32 $0x610, s1;
	s26 =	simm.s32 $0x11880  }
0x5f: {  	[tilespmem:s26], [sflag:$0x1] =	stream.linear.gather [hbm4b:s25+s4], $0x80, $0x38;
	[tilespmem:$0x13080] =	vst v63  }
0x60: {  	s8 =	sadd.s32 $0x690, s1;
	s9 =	simm.s32 $0x11A80  }
0x61: {  	[tilespmem:s9], [sflag:$0x1] =	stream.linear.gather [hbm4b:s8+s4], $0x80, $0x38;
	[tilespmem:$0x13080] =	vst v63  }
0x62: {  	s10 =	sadd.s32 $0x710, s1;
	s11 =	simm.s32 $0x11C80  }
0x63: {  	[tilespmem:s11], [sflag:$0x1] =	stream.linear.gather [hbm4b:s10+s4], $0x80, $0x38;
	[tilespmem:$0x13080] =	vst v63  }
0x64: {  	s12 =	sadd.s32 $0x790, s1;
	s14 =	simm.s32 $0x11E80  }
0x65: {  	[tilespmem:s14], [sflag:$0x1] =	stream.linear.gather [hbm4b:s12+s4], $0x80, $0x38;
	[tilespmem:$0x13080] =	vst v63  }
0x66: {  	_ =	swait.ge [sflag:s13], $0x800  }
0x67: {  	[sflag:s13] =	ssyncset.done $0x0  }
0x68: {  	s15 =	sadd.s32 $0x20, s1;
	s16 =	simm.s32 $0x10100;
	[sflag:s13] =	ssyncadd.s32 $0xFFFFF800  }
0x69: {  	[tilespmem:s16], [sflag:$0x1] =	stream.linear.gather [hbm4b:s15+s4], $0x80, $0x38;
	[tilespmem:$0x13080] =	vst v63  }
0x6a: {  	s17 =	sadd.s32 $0xA0, s1;
	s18 =	simm.s32 $0x10300  }
0x6b: {  	[tilespmem:s18], [sflag:$0x1] =	stream.linear.gather [hbm4b:s17+s4], $0x80, $0x38;
	[tilespmem:$0x13080] =	vst v63  }
0x6c: {  	s19 =	sadd.s32 $0x120, s1;
	s20 =	simm.s32 $0x10500  }
0x6d: {  	[tilespmem:s20], [sflag:$0x1] =	stream.linear.gather [hbm4b:s19+s4], $0x80, $0x38;
	[tilespmem:$0x13080] =	vst v63  }
0x6e: {  	s21 =	sadd.s32 $0x1A0, s1;
	s22 =	simm.s32 $0x10700  }
0x6f: {  	[tilespmem:s22], [sflag:$0x1] =	stream.linear.gather [hbm4b:s21+s4], $0x80, $0x38;
	[tilespmem:$0x13080] =	vst v63  }
0x70: {  	s23 =	sadd.s32 $0x220, s1;
	s24 =	simm.s32 $0x10900  }
0x71: {  	[tilespmem:s24], [sflag:$0x1] =	stream.linear.gather [hbm4b:s23+s4], $0x80, $0x38;
	[tilespmem:$0x13080] =	vst v63  }
0x72: {  	s25 =	sadd.s32 $0x2A0, s1;
	s26 =	simm.s32 $0x10B00  }
0x73: {  	[tilespmem:s26], [sflag:$0x1] =	stream.linear.gather [hbm4b:s25+s4], $0x80, $0x38;
	[tilespmem:$0x13080] =	vst v63  }
0x74: {  	s8 =	sadd.s32 $0x320, s1;
	s9 =	simm.s32 $0x10D00  }
0x75: {  	[tilespmem:s9], [sflag:$0x1] =	stream.linear.gather [hbm4b:s8+s4], $0x80, $0x38;
	[tilespmem:$0x13080] =	vst v63  }
0x76: {  	s10 =	sadd.s32 $0x3A0, s1;
	s11 =	simm.s32 $0x10F00  }
0x77: {  	[tilespmem:s11], [sflag:$0x1] =	stream.linear.gather [hbm4b:s10+s4], $0x80, $0x38;
	[tilespmem:$0x13080] =	vst v63  }
0x78: {  	s12 =	sadd.s32 $0x420, s1;
	s14 =	simm.s32 $0x11100  }
0x79: {  	[tilespmem:s14], [sflag:$0x1] =	stream.linear.gather [hbm4b:s12+s4], $0x80, $0x38;
	[tilespmem:$0x13080] =	vst v63  }
0x7a: {  	s15 =	sadd.s32 $0x4A0, s1;
	s16 =	simm.s32 $0x11300  }
0x7b: {  	[tilespmem:s16], [sflag:$0x1] =	stream.linear.gather [hbm4b:s15+s4], $0x80, $0x38;
	[tilespmem:$0x13080] =	vst v63  }
0x7c: {  	s17 =	sadd.s32 $0x520, s1;
	s18 =	simm.s32 $0x11500  }
0x7d: {  	[tilespmem:s18], [sflag:$0x1] =	stream.linear.gather [hbm4b:s17+s4], $0x80, $0x38;
	[tilespmem:$0x13080] =	vst v63  }
0x7e: {  	s19 =	sadd.s32 $0x5A0, s1;
	s20 =	simm.s32 $0x11700  }
0x7f: {  	[tilespmem:s20], [sflag:$0x1] =	stream.linear.gather [hbm4b:s19+s4], $0x80, $0x38;
	[tilespmem:$0x13080] =	vst v63  }
0x80: {  	s21 =	sadd.s32 $0x620, s1;
	s22 =	simm.s32 $0x11900  }
0x81: {  	[tilespmem:s22], [sflag:$0x1] =	stream.linear.gather [hbm4b:s21+s4], $0x80, $0x38;
	[tilespmem:$0x13080] =	vst v63  }
0x82: {  	s23 =	sadd.s32 $0x6A0, s1;
	s24 =	simm.s32 $0x11B00  }
0x83: {  	[tilespmem:s24], [sflag:$0x1] =	stream.linear.gather [hbm4b:s23+s4], $0x80, $0x38;
	[tilespmem:$0x13080] =	vst v63  }
0x84: {  	s25 =	sadd.s32 $0x720, s1;
	s26 =	simm.s32 $0x11D00  }
0x85: {  	[tilespmem:s26], [sflag:$0x1] =	stream.linear.gather [hbm4b:s25+s4], $0x80, $0x38;
	[tilespmem:$0x13080] =	vst v63  }
0x86: {  	s8 =	sadd.s32 $0x7A0, s1;
	s9 =	simm.s32 $0x11F00  }
0x87: {  	[tilespmem:s9], [sflag:$0x1] =	stream.linear.gather [hbm4b:s8+s4], $0x80, $0x38;
	[tilespmem:$0x13080] =	vst v63  }
0x88: {  	_ =	swait.ge [sflag:s13], $0x800  }
0x89: {  	[sflag:s13] =	ssyncset.done $0x0  }
0x8a: {  	s10 =	sadd.s32 $0x30, s1;
	s11 =	simm.s32 $0x10180;
	[sflag:s13] =	ssyncadd.s32 $0xFFFFF800  }
0x8b: {  	[tilespmem:s11], [sflag:$0x1] =	stream.linear.gather [hbm4b:s10+s4], $0x80, $0x38;
	[tilespmem:$0x13080] =	vst v63  }
0x8c: {  	s12 =	sadd.s32 $0xB0, s1;
	s14 =	simm.s32 $0x10380  }
0x8d: {  	[tilespmem:s14], [sflag:$0x1] =	stream.linear.gather [hbm4b:s12+s4], $0x80, $0x38;
	[tilespmem:$0x13080] =	vst v63  }
0x8e: {  	s15 =	sadd.s32 $0x130, s1;
	s16 =	simm.s32 $0x10580  }
0x8f: {  	[tilespmem:s16], [sflag:$0x1] =	stream.linear.gather [hbm4b:s15+s4], $0x80, $0x38;
	[tilespmem:$0x13080] =	vst v63  }
0x90: {  	s17 =	sadd.s32 $0x1B0, s1;
	s18 =	simm.s32 $0x10780  }
0x91: {  	[tilespmem:s18], [sflag:$0x1] =	stream.linear.gather [hbm4b:s17+s4], $0x80, $0x38;
	[tilespmem:$0x13080] =	vst v63  }
0x92: {  	s19 =	sadd.s32 $0x230, s1;
	s20 =	simm.s32 $0x10980  }
0x93: {  	[tilespmem:s20], [sflag:$0x1] =	stream.linear.gather [hbm4b:s19+s4], $0x80, $0x38;
	[tilespmem:$0x13080] =	vst v63  }
0x94: {  	s21 =	sadd.s32 $0x2B0, s1;
	s22 =	simm.s32 $0x10B80  }
0x95: {  	[tilespmem:s22], [sflag:$0x1] =	stream.linear.gather [hbm4b:s21+s4], $0x80, $0x38;
	[tilespmem:$0x13080] =	vst v63  }
0x96: {  	s23 =	sadd.s32 $0x330, s1;
	s24 =	simm.s32 $0x10D80  }
0x97: {  	[tilespmem:s24], [sflag:$0x1] =	stream.linear.gather [hbm4b:s23+s4], $0x80, $0x38;
	[tilespmem:$0x13080] =	vst v63  }
0x98: {  	s25 =	sadd.s32 $0x3B0, s1;
	s26 =	simm.s32 $0x10F80  }
0x99: {  	[tilespmem:s26], [sflag:$0x1] =	stream.linear.gather [hbm4b:s25+s4], $0x80, $0x38;
	[tilespmem:$0x13080] =	vst v63  }
0x9a: {  	s8 =	sadd.s32 $0x430, s1;
	s9 =	simm.s32 $0x11180  }
0x9b: {  	[tilespmem:s9], [sflag:$0x1] =	stream.linear.gather [hbm4b:s8+s4], $0x80, $0x38;
	[tilespmem:$0x13080] =	vst v63  }
0x9c: {  	s10 =	sadd.s32 $0x4B0, s1;
	s11 =	simm.s32 $0x11380  }
0x9d: {  	[tilespmem:s11], [sflag:$0x1] =	stream.linear.gather [hbm4b:s10+s4], $0x80, $0x38;
	[tilespmem:$0x13080] =	vst v63  }
0x9e: {  	s12 =	sadd.s32 $0x530, s1;
	s14 =	simm.s32 $0x11580  }
0x9f: {  	[tilespmem:s14], [sflag:$0x1] =	stream.linear.gather [hbm4b:s12+s4], $0x80, $0x38;
	[tilespmem:$0x13080] =	vst v63  }
0xa0: {  	s15 =	sadd.s32 $0x5B0, s1;
	s16 =	simm.s32 $0x11780  }
0xa1: {  	[tilespmem:s16], [sflag:$0x1] =	stream.linear.gather [hbm4b:s15+s4], $0x80, $0x38;
	[tilespmem:$0x13080] =	vst v63  }
0xa2: {  	s17 =	sadd.s32 $0x630, s1;
	s18 =	simm.s32 $0x11980  }
0xa3: {  	[tilespmem:s18], [sflag:$0x1] =	stream.linear.gather [hbm4b:s17+s4], $0x80, $0x38;
	[tilespmem:$0x13080] =	vst v63  }
0xa4: {  	s19 =	sadd.s32 $0x6B0, s1;
	s20 =	simm.s32 $0x11B80;
	s21 =	sadd.s32 $0x730, s1  }
0xa5: {  	[tilespmem:s20], [sflag:$0x1] =	stream.linear.gather [hbm4b:s19+s4], $0x80, $0x38;
	[tilespmem:$0x13080] =	vst v63  }
0xa6: {  	s22 =	simm.s32 $0x11D80;
	s1 =	sadd.s32 $0x7B0, s1;
	s23 =	simm.s32 $0x11F80  }
0xa7: {  	[tilespmem:s22], [sflag:$0x1] =	stream.linear.gather [hbm4b:s21+s4], $0x80, $0x38;
	[tilespmem:$0x13080] =	vst v63  }
0xa8: {  	s24 =	simm.s32 $0x0;
	s25 =	simm.s32 $0x10;
	s26 =	simm.s32 $0x40  }
0xa9: {  	[tilespmem:s23], [sflag:$0x1] =	stream.linear.gather [hbm4b:s1+s4], $0x80, $0x38;
	[tilespmem:$0x13080] =	vst v63  }
0xaa: {  	s6 =	sand.u32 $0x3FFFFE00, s26;
	s10 =	simm.s32 $0x0;
	_ =	swait.ge [sflag:s13], $0x800  }
0xab: {  	s8 =	sand.u32 $0x70, s10;
	s1 =	sand.u32 $0x3FFFFE00, s24;
	[sflag:s13] =	ssyncset.done $0x0  }
0xac: {  	s9 =	sor.u32 s8, s1;
	s1 =	sand.u32 $0x70, s25;
	[sflag:s13] =	ssyncadd.s32 $0xFFFFF800  }
0xad: {  	s3 =	sor.u32 s1, s6;
	v0 =	vld [tilespmem:s9+$0x10000]  }
0xae: {  	s11 =	sadd.s32 $0x10000, s9;
	v1 =	vld [tilespmem:s3+$0x10000]  }
0xaf: {  	v2 =	vld [tilespmem:s11+$0x80]  }
0xb0: {  	v3 =	vld [tilespmem:s11+$0x100]  }
0xb1: {  	v4 =	vld [tilespmem:s11+$0x180];
	s3 =	sadd.s32 $0x10000, s3  }
0xb2: {  	v5 =	vld [tilespmem:s3+$0x80];
	v0 =	vsub.f32 $0.0e+00, v0  }
0xb3: {  	v1 =	vsub.f32 $0.0e+00, v1  }
0xb4: {  	s12 =	simm.s32 $0xC0;
	s14 =	simm.s32 $0x40;
	s6 =	simm.s32 $0x30;
	v7 =	vld [tilespmem:s3+$0x180];
	v2 =	vsub.f32 $0.0e+00, v2;
	v0 =	vmul.f32 $1.442695020e+00, v0  }
0xb5: {  	s16 =	sand.u32 $0x3FFFFE00, s12;
	s17 =	simm.s32 $0x100;
	s15 =	sand.u32 $0x70, s6;
	v6 =	vld [tilespmem:s3+$0x100];
	v3 =	vsub.f32 $0.0e+00, v3;
	v1 =	vmul.f32 $1.442695020e+00, v1  }
0xb6: {  	s11 =	sor.u32 s15, s16;
	s9 =	sand.u32 $0x3FFFFE00, s17;
	s3 =	sand.u32 $0x70, s14;
	(erf) = vpow2.f32 v0;
	v0 =	vmul.f32 $1.442695020e+00, v2;
	v2 =	vsub.f32 $0.0e+00, v4  }
0xb7: {  	s9 =	sor.u32 s3, s9;
	v4 =	vsub.f32 $0.0e+00, v5;
	(erf) = vpow2.f32 v1;
	v1 =	vld [tilespmem:s11+$0x10000]  }
0xb8: {  	v3 =	vmul.f32 $1.442695020e+00, v3;
	v5 =	vld [tilespmem:s9+$0x10000];
	v2 =	vmul.f32 $1.442695020e+00, v2  }
0xb9: {  	(erf) = vpow2.f32 v0;
	v0 =	vmul.f32 $1.442695020e+00, v4;
	v4 =	vsub.f32 $0.0e+00, v7  }
0xba: {  	v6 =	vsub.f32 $0.0e+00, v6;
	(erf) = vpow2.f32 v3  }
0xbb: {  	(erf) = vpow2.f32 v2;
	v2 =	vmul.f32 $1.442695020e+00, v4  }
0xbc: {  	v3 =	vmul.f32 $1.442695020e+00, v6;
	(erf) = vpow2.f32 v0;
	v0 =	vsub.f32 $0.0e+00, v1  }
0xbd: {  	v1 =	vsub.f32 $0.0e+00, v5  }
0xbe: {  	(erf) = vpow2.f32 v3;
	v0 =	vmul.f32 $1.442695020e+00, v0  }
0xbf: {  	(erf) = vpow2.f32 v2;
	v1 =	vmul.f32 $1.442695020e+00, v1;
	v2 =	vpop (erf)  }
0xc0: {  	s11 =	sadd.s32 $0x10000, s11;
	v3 =	vpop (erf);
	v2 =	vadd.f32 $1.000000000e+00, v2;
	(erf) = vpow2.f32 v0  }
0xc1: {  	v4 =	vld [tilespmem:s11+$0x80];
	(erf) = vpow2.f32 v1;
	v1 =	vadd.f32 $1.000000000e+00, v3  }
0xc2: {  	v0 =	vpop (erf)  }
0xc3: {  	(erf) = vrcp.f32 v2;
	v3 =	vpop (erf);
	v0 =	vadd.f32 $1.000000000e+00, v0  }
0xc4: {  	v5 =	vld [tilespmem:s11+$0x100];
	(erf) = vrcp.f32 v1;
	v2 =	vpop (erf);
	v3 =	vadd.f32 $1.000000000e+00, v3  }
0xc5: {  	s9 =	sadd.s32 $0x10000, s9;
	v6 =	vld [tilespmem:s11+$0x180];
	v1 =	vpop (erf);
	v2 =	vadd.f32 $1.000000000e+00, v2;
	(erf) = vrcp.f32 v0  }
0xc6: {  	v7 =	vld [tilespmem:s9+$0x80];
	v4 =	vsub.f32 $0.0e+00, v4;
	v1 =	vadd.f32 $1.000000000e+00, v1;
	(erf) = vrcp.f32 v3  }
0xc7: {  	v8 =	vld [tilespmem:s9+$0x100];
	v0 =	vpop (erf);
	(erf) = vrcp.f32 v2  }
0xc8: {  	v9 =	vld [tilespmem:s9+$0x180];
	v3 =	vpop (erf);
	v0 =	vadd.f32 $1.000000000e+00, v0;
	(erf) = vrcp.f32 v1;
	v1 =	vmul.f32 $1.442695020e+00, v4  }
0xc9: {  	v2 =	vsub.f32 $0.0e+00, v5;
	v3 =	vadd.f32 $1.000000000e+00, v3  }
0xca: {  	v4 =	vsub.f32 $0.0e+00, v6;
	(erf) = vrcp.f32 v0  }
0xcb: {  	v5 =	vpop (erf);
	v0 =	vmul.f32 $1.442695020e+00, v2;
	v2 =	vsub.f32 $0.0e+00, v7;
	(erf) = vrcp.f32 v3  }
0xcc: {  	v3 =	vmul.f32 $1.442695020e+00, v4;
	v4 =	vsub.f32 $0.0e+00, v8;
	(erf) = vpow2.f32 v1;
	v1 =	vpop (erf)  }
0xcd: {  	[tilespmem:$0x1FFB0] =	vst v1;
	v1 =	vmul.f32 $1.442695020e+00, v2;
	v2 =	vsub.f32 $0.0e+00, v9  }
0xce: {  	s18 =	simm.s32 $0x20;
	s19 =	simm.s32 $0x80;
	v4 =	vmul.f32 $1.442695020e+00, v4  }
0xcf: {  	s20 =	sand.u32 $0x3FFFFE00, s19;
	s16 =	sand.u32 $0x70, s18;
	(erf) = vpow2.f32 v0;
	v0 =	vpop (erf);
	v2 =	vmul.f32 $1.442695020e+00, v2  }
0xd0: {  	s9 =	sor.u32 s16, s20;
	[tilespmem:$0x1FFA0] =	vst v5;
	(erf) = vpow2.f32 v3;
	v3 =	vpop (erf)  }
0xd1: {  	s21 =	sadd.s32 $0x10000, s9;
	v5 =	vld [tilespmem:s9+$0x10000];
	(erf) = vpow2.f32 v1;
	v1 =	vpop (erf)  }
0xd2: {  	v6 =	vld [tilespmem:s21+$0x80];
	(erf) = vpow2.f32 v4;
	v4 =	vpop (erf)  }
0xd3: {  	v7 =	vld [tilespmem:s21+$0x100];
	(erf) = vpow2.f32 v2;
	v2 =	vpop (erf)  }
0xd4: {  	v8 =	vld [tilespmem:s21+$0x180];
	v9 =	vmul.f32 v0, v33;
	v0 =	vpop (erf)  }
0xd5: {  	v10 =	vpop (erf)  }
0xd6: {  	v5 =	vsub.f32 $0.0e+00, v5;
	v11 =	vmul.f32 v0, v33;
	v0 =	vpop (erf)  }
0xd7: {  	v12 =	vmul.f32 v0, v33;
	v0 =	vsub.f32 $0.0e+00, v6  }
0xd8: {  	v7 =	vsub.f32 $0.0e+00, v7;
	v5 =	vmul.f32 $1.442695020e+00, v5  }
0xd9: {  	v8 =	vsub.f32 $0.0e+00, v8;
	v0 =	vmul.f32 $1.442695020e+00, v0  }
0xda: {  	v7 =	vmul.f32 $1.442695020e+00, v7;
	(erf) = vpow2.f32 v5  }
0xdb: {  	v5 =	vmul.f32 $1.442695020e+00, v8;
	(erf) = vpow2.f32 v0  }
0xdc: {  	v6 =	vtrunc.f32 v9;
	(erf) = vpow2.f32 v7  }
0xdd: {  	v1 =	vmul.f32 v1, v33;
	v0 =	vpop (erf);
	(erf) = vpow2.f32 v5  }
0xde: {  	v3 =	vmul.f32 v3, v33;
	[tilespmem:$0x1FFC0] =	vst v0;
	v0 =	vpop (erf)  }
0xdf: {  	v16 =	vcvt.f32.s32 v6;
	[tilespmem:$0x1FCB0] =	vst v0;
	v0 =	vtrunc.f32 v1;
	v6 =	vpop (erf)  }
0xe0: {  	v8 =	vpop (erf)  }
0xe1: {  	v13 =	vtrunc.f32 v3;
	v4 =	vmul.f32 v4, v33;
	[tilespmem:$0x1FCD0] =	vst v8;
	v8 =	vpop (erf)  }
0xe2: {  	v23 =	vcvt.f32.s32 v13;
	v15 =	vcvt.f32.s32 v0;
	v0 =	vpop (erf)  }
0xe3: {  	v10 =	vmul.f32 v10, v33;
	v14 =	vtrunc.f32 v12;
	v46 =	vpop (erf)  }
0xe4: {  	v2 =	vmul.f32 v2, v33;
	v45 =	vcvt.f32.s32 v14;
	v14 =	vadd.f32 $1.000000000e+00, v46;
	v19 =	vpop (erf)  }
0xe5: {  	v18 =	vcvt.s32.f32 v23;
	v44 =	vtrunc.f32 v10;
	v19 =	vadd.f32 $1.000000000e+00, v19;
	v22 =	vpop (erf)  }
0xe6: {  	v17 =	vcvt.s32.f32 v16;
	v22 =	vadd.f32 $1.000000000e+00, v22;
	(erf) = vrcp.f32 v14;
	v47 =	vpop (erf)  }
0xe7: {  	v7 =	vtrunc.f32 v11;
	v14 =	vadd.f32 $1.000000000e+00, v47;
	(erf) = vrcp.f32 v19  }
0xe8: {  	v5 =	vtrunc.f32 v4;
	(erf) = vrcp.f32 v22  }
0xe9: {  	[tilespmem:$0x1FCC0] =	vst v6;
	v6 =	vtrunc.f32 v2;
	(erf) = vrcp.f32 v14  }
0xea: {  	v27 =	vmul.u32 $0xDB06C2F5, v45;
	v5 =	vcvt.f32.s32 v5;
	v6 =	vcvt.f32.s32 v6  }
0xeb: {  	v29 =	vsub.f32 v3, v18;
	[tilespmem:$0x1FCF0] =	vst v0;
	v0 =	vcvt.f32.s32 v7;
	v7 =	vcvt.f32.s32 v44  }
0xec: {  	v28 =	vsub.f32 v9, v17;
	v3 =	vadd.s32 $0xDB06C2F5, v27;
	v26 =	vmul.u32 $0x30025795, v5  }
0xed: {  	v21 =	vcvt.s32.f32 v5;
	v25 =	vmul.u32 $0xDB06C2F5, v6;
	v49 =	vcvt.s32.f32 v7  }
0xee: {  	v50 =	vadd.s32 $0x30025795, v26;
	v24 =	vcvt.s32.f32 v6;
	v7 =	vmul.u32 $0x30025795, v7  }
0xef: {  	v6 =	vcvt.s32.f32 v45;
	v5 =	vxor.u32 v26, v25;
	v54 =	vsub.f32 v10, v49;
	v10 =	vpop (erf)  }
0xf0: {  	v9 =	vadd.s32 $0xDB06C2F5, v25;
	[tilespmem:$0x1FD00] =	vst v5;
	v51 =	vadd.s32 $0x30025795, v7;
	v5 =	vxor.u32 v7, v27;
	v63 =	vpop (erf)  }
0xf1: {  	v19 =	vsub.f32 v12, v6;
	[tilespmem:$0x1FD10] =	vst v5;
	v5 =	vxor.u32 v51, v3;
	v13 =	vmul.f32 v10, v33;
	v12 =	vpop (erf)  }
0xf2: {  	v3 =	vxor.u32 v7, v3;
	v32 =	vmul.f32 v63, v33;
	v10 =	vpop (erf);
	v22 =	vmul.f32 v12, v33  }
0xf3: {  	v61 =	vxor.u32 v50, v9;
	[tilespmem:$0x1FD30] =	vst v3;
	v3 =	vtrunc.f32 v13;
	v14 =	vmul.f32 v10, v33  }
0xf4: {  	v47 =	vxor.u32 v26, v9;
	v7 =	vtrunc.f32 v32;
	v9 =	vtrunc.f32 v22  }
0xf5: {  	v52 =	vcvt.f32.s32 v7;
	v10 =	vtrunc.f32 v14  }
0xf6: {  	v53 =	vcvt.f32.s32 v9;
	v55 =	vcvt.f32.s32 v10  }
0xf7: {  	v56 =	vcvt.f32.s32 v3  }
0xf8: {  	v36 =	vmul.u32 $0x9E3779B1, v52;
	v9 =	vmul.u32 $0x30025795, v53;
	v10 =	vmul.u32 $0xDB06C2F5, v55  }
0xf9: {  	v40 =	vadd.s32 $0x1, v56  }
0xfa: {  	v59 =	vxor.u32 v40, v36;
	v41 =	vxor.u32 v9, v10  }
0xfb: {  	v6 =	vxor.u32 v27, v51;
	v27 =	vand.u32 $0xFFFF, v59;
	v42 =	vand.u32 $0xFFFF, v41  }
0xfc: {  	v62 =	vxor.u32 v27, v42  }
0xfd: {  	v34 =	vsub.f32 $1.000000000e+00, v28  }
0xfe: {  	[tilespmem:$0x1FCE0] =	vst v8;
	v20 =	vcvt.s32.f32 v15;
	v8 =	vadd.s32 $0x1, v16;
	v15 =	vmul.u32 $0x9E3779B1, v15  }
0xff: {  	v4 =	vsub.f32 v4, v21;
	[tilespmem:$0x1FD20] =	vst v5;
	v57 =	vxor.u32 v56, v36;
	v36 =	vadd.s32 $0x9E3779B1, v36  }
0x100: {  	s17 =	simm.s32 $0x0;
	[tilespmem:$0x1FD40] =	vst v6;
	v38 =	vcvt.s32.f32 v56;
	v21 =	vand.u32 $0xFFFF, v57;
	v60 =	vxor.u32 v56, v36  }
0x101: {  	v1 =	vsub.f32 v1, v20;
	v41 =	vand.u32 $0xFFFF, v60;
	v43 =	vxor.u32 v21, v42;
	v3 =	vld.idx.msk [tilespmem:v62+s17+$0x0], $0xffff  }
0x102: {  	v30 =	vadd.s32 $0x9E3779B1, v15;
	v38 =	vsub.f32 v13, v38;
	v13 =	vxor.u32 v41, v42  }
0x103: {  	v58 =	vxor.u32 v8, v15;
	v31 =	vxor.u32 v16, v15;
	v48 =	vcvt.s32.f32 v0  }
0x104: {  	v37 =	vsub.f32 $1.000000000e+00, v4;
	v2 =	vsub.f32 v2, v24;
	v39 =	vcvt.s32.f32 v52  }
0x105: {  	v45 =	vxor.u32 v25, v50;
	v35 =	vxor.u32 v16, v30;
	v20 =	vsub.f32 v11, v48  }
0x106: {  	v49 =	vsub.f32 $1.000000000e+00, v2;
	v48 =	vsub.f32 v32, v39;
	v12 =	vxor.u32 v40, v36;
	v39 =	vld.idx.msk [tilespmem:v43+s17+$0x0], $0xffff;
	[tilespmem:$0x1FD50] =	vst v3  }
0x107: {  	v11 =	vxor.u32 v8, v30;
	v5 =	vmul.f32 v2, v4;
	v56 =	vand.u32 $0xFFFF, v12;
	v8 =	vld.idx.msk [tilespmem:v13+s17+$0x0], $0xffff  }
0x108: {  	v18 =	vcvt.s32.f32 v53;
	v16 =	vcvt.s32.f32 v55;
	v42 =	vxor.u32 v56, v42  }
0x109: {  	v6 =	vmul.f32 v1, v28;
	v53 =	vmul.f32 v1, v34;
	v1 =	vsub.f32 $1.000000000e+00, v1  }
0x10a: {  	v25 =	vadd.s32 $0x30025795, v9;
	v22 =	vsub.f32 v22, v18;
	v24 =	vsub.f32 v14, v16  }
0x10b: {  	v63 =	vsub.f32 $1.000000000e+00, v38;
	v57 =	vmul.f32 v2, v37;
	v14 =	vsub.f32 $1.000000000e+00, v48  }
0x10c: {  	v17 =	vxor.u32 v10, v25;
	v50 =	vsub.f32 $1.000000000e+00, v22;
	v15 =	vsub.f32 $1.000000000e+00, v24;
	[tilespmem:$0x1FD60] =	vst v8  }
0x10d: {  	v59 =	vmul.f32 v49, v4;
	v55 =	vmul.f32 v48, v38;
	v52 =	vand.u32 $0xFFFF, v17;
	v7 =	vld.idx.msk [tilespmem:v42+s17+$0x0], $0xffff  }
0x10e: {  	v36 =	vmul.f32 v14, v63;
	v2 =	vxor.u32 v21, v52;
	v51 =	vmul.f32 v15, v50  }
0x10f: {  	v44 =	vmul.f32 v48, v63;
	v32 =	vmul.f32 v14, v38  }
0x110: {  	v60 =	vmul.f32 v1, v28;
	v26 =	vxor.u32 v27, v52;
	v40 =	vmul.f32 v51, v36  }
0x111: {  	v63 =	vmul.f32 v1, v34;
	v33 =	vmul.f32 v51, v32;
	v4 =	vshll.u32 v39, $0x10  }
0x112: {  	v62 =	vmul.f32 v15, v22;
	v38 =	vshll.u32 v3, $0x10;
	v4 =	vmul.f32 v4, v40;
	[tilespmem:$0x1FD70] =	vst v7  }
0x113: {  	v43 =	vshll.u32 v8, $0x10;
	v8 =	vmul.f32 v51, v55;
	v1 =	vshll.u32 v7, $0x10;
	v3 =	vld.idx.msk [tilespmem:v2+s17+$0x0], $0xffff  }
0x114: {  	v2 =	vadd.f32 $0.0e+00, v4;
	v4 =	vmul.f32 v38, v33;
	v38 =	vmul.f32 v51, v44  }
0x115: {  	[tilespmem:$0x1FD80] =	vst v8;
	v1 =	vmul.f32 v1, v8;
	v8 =	vmul.f32 v62, v36  }
0x116: {  	v0 =	vmul.u32 $0x9E3779B1, v0  }
0x117: {  	v34 =	vadd.s32 $0x1, v23;
	v2 =	vadd.f32 v2, v4;
	v4 =	vmul.f32 v43, v38;
	[tilespmem:$0x1FDB0] =	vst v8  }
0x118: {  	v46 =	vsub.f32 $1.000000000e+00, v20;
	v12 =	vmul.f32 v20, v29;
	v18 =	vxor.u32 v34, v0;
	[tilespmem:$0x1FDA0] =	vst v3  }
0x119: {  	v2 =	vadd.f32 v2, v4;
	v4 =	vsub.f32 $1.000000000e+00, v29;
	v16 =	vshll.u32 v3, $0x10;
	v7 =	vld.idx.msk [tilespmem:v26+s17+$0x0], $0xffff  }
0x11a: {  	v15 =	vxor.u32 v23, v0;
	v51 =	vmul.f32 v46, v29;
	v42 =	vmul.f32 v16, v8  }
0x11b: {  	v17 =	vadd.f32 v2, v1;
	v8 =	vmul.f32 v20, v4;
	v20 =	vmul.f32 v46, v4  }
0x11c: {  	v46 =	vadd.s32 $0x9E3779B1, v0;
	v0 =	vsub.f32 $1.000000000e+00, v54;
	v16 =	vsub.f32 $1.000000000e+00, v19  }
0x11d: {  	v13 =	vxor.u32 v23, v46;
	v26 =	vadd.f32 v17, v42;
	v17 =	vxor.u32 v34, v46  }
0x11e: {  	v46 =	vmul.f32 v19, v0;
	[tilespmem:$0x1FDD0] =	vst v7;
	v48 =	vshll.u32 v7, $0x10;
	v7 =	vmul.f32 v16, v0;
	v0 =	vld [tilespmem:$0x1FD00];
	_ =	sdelay $0x2  }
0x11f: {  	v11 =	vand.u32 $0xFFFF, v11;
	v2 =	vmul.f32 v19, v54;
	v23 =	vand.u32 $0xFFFF, v31  }
0x120: {  	v4 =	vmul.f32 v16, v54;
	v54 =	vand.u32 $0xFFFF, v61;
	v16 =	vand.u32 $0xFFFF, v58  }
0x121: {  	v58 =	vand.u32 $0xFFFF, v35;
	v31 =	vand.u32 $0xFFFF, v0;
	v0 =	vxor.u32 v11, v54  }
0x122: {  	[tilespmem:$0x1FF40] =	vst v0;
	v0 =	vxor.u32 v58, v54  }
0x123: {  	[tilespmem:$0x1FF00] =	vst v0;
	v0 =	vxor.u32 v16, v54  }
0x124: {  	[tilespmem:$0x1FED0] =	vst v0;
	v0 =	vxor.u32 v23, v54  }
0x125: {  	v1 =	vmul.f32 v62, v32;
	[tilespmem:$0x1FEA0] =	vst v0;
	v0 =	vmul.f32 v5, v6  }
0x126: {  	v14 =	vmul.f32 v49, v37  }
0x127: {  	v49 =	vmul.f32 v48, v1;
	[tilespmem:$0x1FF80] =	vst v0;
	v0 =	vmul.f32 v5, v53;
	_ =	sdelay $0x1  }
0x128: {  	v19 =	vadd.f32 v26, v49;
	v26 =	vxor.u32 v41, v52;
	[tilespmem:$0x1FF60] =	vst v0;
	v0 =	vmul.f32 v5, v60;
	_ =	sdelay $0x1  }
0x129: {  	[tilespmem:$0x1FF20] =	vst v0;
	v0 =	vmul.f32 v5, v63  }
0x12a: {  	[tilespmem:$0x1FDE0] =	vst v1;
	v34 =	vand.u32 $0xFFFF, v47  }
0x12b: {  	[tilespmem:$0x1FEF0] =	vst v0;
	v0 =	vxor.u32 v11, v34  }
0x12c: {  	v42 =	vld.idx.msk [tilespmem:v26+s17+$0x0], $0xffff;
	[tilespmem:$0x1FE70] =	vst v0;
	v0 =	vxor.u32 v58, v34  }
0x12d: {  	[tilespmem:$0x1FE40] =	vst v0;
	v0 =	vxor.u32 v16, v34  }
0x12e: {  	[tilespmem:$0x1FE20] =	vst v0;
	v0 =	vxor.u32 v23, v34  }
0x12f: {  	[tilespmem:$0x1FE00] =	vst v0;
	v0 =	vmul.f32 v57, v6;
	_ =	sdelay $0x1  }
0x130: {  	[tilespmem:$0x1FEC0] =	vst v0;
	v0 =	vmul.f32 v57, v53  }
0x131: {  	v5 =	vxor.u32 v56, v52  }
0x132: {  	[tilespmem:$0x1FE90] =	vst v0;
	v0 =	vmul.f32 v57, v60  }
0x133: {  	v45 =	vand.u32 $0xFFFF, v45  }
0x134: {  	[tilespmem:$0x1FE60] =	vst v0;
	v0 =	vxor.u32 v16, v45  }
0x135: {  	[tilespmem:$0x1FD90] =	vst v0;
	v0 =	vxor.u32 v11, v45  }
0x136: {  	v43 =	vld.idx.msk [tilespmem:v5+s17+$0x0], $0xffff;
	[tilespmem:$0x1FDF0] =	vst v0;
	v0 =	vxor.u32 v58, v45  }
0x137: {  	v48 =	vmul.f32 v59, v6;
	v49 =	vmul.f32 v62, v44;
	v30 =	vxor.u32 v11, v31;
	[tilespmem:$0x1FDC0] =	vst v0;
	v0 =	vld [tilespmem:$0x1FD10]  }
0x138: {  	v54 =	vxor.u32 v23, v45;
	v52 =	vmul.f32 v59, v60;
	v5 =	vshll.u32 v42, $0x10  }
0x139: {  	v26 =	vxor.u32 v23, v31;
	v23 =	vmul.f32 v14, v6;
	v5 =	vmul.f32 v5, v49  }
0x13a: {  	v47 =	vxor.u32 v58, v31;
	v11 =	vmul.f32 v14, v63;
	v58 =	vmul.f32 v59, v53  }
0x13b: {  	v45 =	vmul.f32 v59, v63;
	v59 =	vmul.f32 v14, v53;
	v5 =	vadd.f32 v19, v5  }
0x13c: {  	v19 =	vmul.f32 v14, v60;
	v14 =	vmul.f32 v24, v50;
	v50 =	vand.u32 $0xFFFF, v0;
	v0 =	vld [tilespmem:$0x1FD20];
	_ =	sdelay $0x4  }
0x13d: {  	v28 =	vand.u32 $0xFFFF, v0;
	v0 =	vld [tilespmem:$0x1FD30];
	_ =	sdelay $0x4  }
0x13e: {  	v29 =	vand.u32 $0xFFFF, v0;
	v0 =	vld [tilespmem:$0x1FD40];
	_ =	sdelay $0x1  }
0x13f: {  	v13 =	vand.u32 $0xFFFF, v13;
	v6 =	vadd.s32 $0xDB06C2F5, v10  }
0x140: {  	v17 =	vand.u32 $0xFFFF, v17;
	v61 =	vxor.u32 v16, v31;
	v9 =	vxor.u32 v9, v6  }
0x141: {  	v31 =	vmul.f32 v62, v55;
	v25 =	vxor.u32 v25, v6;
	v9 =	vand.u32 $0xFFFF, v9  }
0x142: {  	v6 =	vxor.u32 v21, v9;
	v53 =	vand.u32 $0xFFFF, v0;
	v0 =	vxor.u32 v17, v28  }
0x143: {  	v18 =	vand.u32 $0xFFFF, v18;
	v10 =	vshll.u32 v43, $0x10;
	[tilespmem:$0x1FF50] =	vst v0;
	v0 =	vxor.u32 v13, v28  }
0x144: {  	v15 =	vand.u32 $0xFFFF, v15;
	v10 =	vmul.f32 v10, v31;
	[tilespmem:$0x1FF10] =	vst v0;
	v0 =	vxor.u32 v18, v28  }
0x145: {  	v37 =	vmul.f32 v57, v63;
	v60 =	vxor.u32 v27, v9;
	[tilespmem:$0x1FEE0] =	vst v0;
	v0 =	vxor.u32 v15, v28  }
0x146: {  	v10 =	vadd.f32 v5, v10;
	v5 =	vmul.f32 v24, v22;
	[tilespmem:$0x1FEB0] =	vst v0;
	v0 =	vxor.u32 v17, v29  }
0x147: {  	v24 =	vxor.u32 v41, v9;
	v57 =	vld.idx.msk [tilespmem:v6+s17+$0x0], $0xffff;
	[tilespmem:$0x1FE80] =	vst v0;
	v0 =	vxor.u32 v13, v29  }
0x148: {  	v39 =	vmul.f32 v39, v40;
	v1 =	vmul.f32 v2, v12;
	[tilespmem:$0x1FE50] =	vst v0;
	v0 =	vxor.u32 v18, v29  }
0x149: {  	v63 =	vmul.f32 v14, v44;
	v16 =	vxor.u32 v18, v50;
	[tilespmem:$0x1FE30] =	vst v0;
	v0 =	vxor.u32 v15, v29  }
0x14a: {  	v22 =	vmul.f32 v14, v36;
	v9 =	vxor.u32 v56, v9;
	v35 =	vxor.u32 v17, v53;
	[tilespmem:$0x1FE10] =	vst v0  }
0x14b: {  	v28 =	vxor.u32 v18, v53;
	v6 =	vxor.u32 v15, v50;
	v18 =	vxor.u32 v15, v53;
	v62 =	vld.idx.msk [tilespmem:v60+s17+$0x0], $0xffff  }
0x14c: {  	v29 =	vxor.u32 v13, v53;
	v0 =	vand.u32 $0xFFFF, v25;
	v53 =	vld.idx.msk [tilespmem:v24+s17+$0x0], $0xffff;
	[tilespmem:$0x1FF90] =	vst v1;
	v1 =	vmul.f32 v2, v8  }
0x14d: {  	v15 =	vxor.u32 v17, v50;
	v17 =	vxor.u32 v21, v0;
	v34 =	vshll.u32 v57, $0x10  }
0x14e: {  	v60 =	vmul.f32 v34, v22;
	[tilespmem:$0x1FF70] =	vst v1;
	v1 =	vmul.f32 v2, v51  }
0x14f: {  	v13 =	vxor.u32 v13, v50;
	v50 =	vmul.f32 v46, v12;
	v27 =	vxor.u32 v27, v0  }
0x150: {  	v21 =	vmul.f32 v14, v32;
	v34 =	vmul.f32 v2, v20;
	[tilespmem:$0x1FF30] =	vst v1;
	v3 =	vadd.f32 v10, v60  }
0x151: {  	v60 =	vmul.f32 v46, v8;
	v10 =	vmul.f32 v46, v51;
	v25 =	vld.idx.msk [tilespmem:v9+s17+$0x0], $0xffff;
	v1 =	vshll.u32 v62, $0x10  }
0x152: {  	v41 =	vxor.u32 v41, v0;
	v46 =	vmul.f32 v46, v20;
	v24 =	vld.idx.msk [tilespmem:v17+s17+$0x0], $0xffff;
	v2 =	vmul.f32 v1, v21  }
0x153: {  	v17 =	vmul.f32 v14, v55;
	v14 =	vmul.f32 v4, v12;
	v1 =	vshll.u32 v53, $0x10  }
0x154: {  	v26 =	vld.idx.msk [tilespmem:v26+s17+$0x0], $0xffff;
	v9 =	vmul.f32 v4, v8;
	v1 =	vmul.f32 v1, v63;
	v2 =	vadd.f32 v3, v2  }
0x155: {  	v56 =	vxor.u32 v56, v0;
	v27 =	vld.idx.msk [tilespmem:v27+s17+$0x0], $0xffff;
	v12 =	vmul.f32 v7, v12;
	v8 =	vmul.f32 v7, v8  }
0x156: {  	v6 =	vld.idx.msk [tilespmem:v6+s17+$0x0], $0xffff;
	v0 =	vshll.u32 v25, $0x10;
	v2 =	vadd.f32 v2, v1;
	v1 =	vmul.f32 v5, v36  }
0x157: {  	v3 =	vmul.f32 v4, v51;
	v36 =	vld.idx.msk [tilespmem:v41+s17+$0x0], $0xffff;
	v41 =	vshll.u32 v24, $0x10;
	v0 =	vmul.f32 v0, v17  }
0x158: {  	v4 =	vmul.f32 v4, v20;
	v41 =	vmul.f32 v41, v1  }
0x159: {  	v0 =	vadd.f32 v2, v0;
	v2 =	vmul.f32 v7, v51;
	v7 =	vmul.f32 v7, v20;
	v20 =	vld.idx.msk [tilespmem:v61+s17+$0x0], $0xffff  }
0x15a: {  	v44 =	vmul.f32 v5, v44;
	v51 =	vmul.f32 v5, v32;
	v61 =	vshll.u32 v26, $0x10;
	v32 =	vld.idx.msk [tilespmem:v56+s17+$0x0], $0xffff  }
0x15b: {  	v0 =	vadd.f32 v0, v41;
	v41 =	vmul.f32 v61, v11;
	v61 =	vshll.u32 v27, $0x10  }
0x15c: {  	v40 =	vmul.f32 v5, v55;
	v16 =	vld.idx.msk [tilespmem:v16+s17+$0x0], $0xffff;
	v56 =	vmul.f32 v61, v51;
	v61 =	vshll.u32 v6, $0x10  }
0x15d: {  	v11 =	vmul.f32 v26, v11;
	v26 =	vmul.f32 v61, v7;
	v61 =	vshll.u32 v36, $0x10  }
0x15e: {  	v13 =	vld.idx.msk [tilespmem:v13+s17+$0x0], $0xffff;
	v6 =	vmul.f32 v6, v7;
	v0 =	vadd.f32 v0, v56;
	v7 =	vmul.f32 v61, v44  }
0x15f: {  	v15 =	vld.idx.msk [tilespmem:v15+s17+$0x0], $0xffff;
	v41 =	vadd.f32 $0.0e+00, v41;
	v55 =	vshll.u32 v32, $0x10  }
0x160: {  	v54 =	vld.idx.msk [tilespmem:v54+s17+$0x0], $0xffff;
	v5 =	vshll.u32 v20, $0x10;
	v56 =	vmul.f32 v55, v40;
	v0 =	vadd.f32 v0, v7  }
0x161: {  	v61 =	vshll.u32 v16, $0x10;
	v16 =	vmul.f32 v16, v2;
	v26 =	vadd.f32 $0.0e+00, v26;
	v7 =	vld.idx.msk [tilespmem:v47+s17+$0x0], $0xffff  }
0x162: {  	v47 =	vmul.f32 v61, v2;
	v2 =	vadd.f32 v0, v56;
	v0 =	vadd.f32 $0.0e+00, v11;
	v11 =	vld [tilespmem:$0x1FD50]  }
0x163: {  	v6 =	vadd.f32 $0.0e+00, v6;
	v5 =	vmul.f32 v5, v19;
	v19 =	vmul.f32 v20, v19;
	v20 =	vld [tilespmem:$0x1FD90]  }
0x164: {  	v61 =	vadd.f32 $0.0e+00, v39;
	v39 =	vshll.u32 v13, $0x10;
	v55 =	vadd.f32 v26, v47;
	v26 =	vld.idx.msk [tilespmem:v30+s17+$0x0], $0xffff  }
0x165: {  	v5 =	vadd.f32 v41, v5;
	v41 =	vmul.f32 v39, v8;
	v47 =	vld [tilespmem:$0x1FD60]  }
0x166: {  	v18 =	vld.idx.msk [tilespmem:v18+s17+$0x0], $0xffff;
	v6 =	vadd.f32 v6, v16;
	v8 =	vmul.f32 v13, v8  }
0x167: {  	v16 =	vadd.f32 v55, v41;
	v41 =	vld [tilespmem:$0x1FDC0];
	v56 =	vshll.u32 v7, $0x10;
	v11 =	vmul.f32 v11, v33  }
0x168: {  	v0 =	vadd.f32 v0, v19;
	v7 =	vmul.f32 v7, v59;
	v19 =	vmul.f32 v56, v59;
	v59 =	vld [tilespmem:$0x1FD70]  }
0x169: {  	v6 =	vadd.f32 v6, v8;
	v11 =	vadd.f32 v61, v11;
	v61 =	vld [tilespmem:$0x1FD80]  }
0x16a: {  	v39 =	vld [tilespmem:$0x1FDB0];
	v56 =	vshll.u32 v15, $0x10;
	v13 =	vmul.f32 v47, v38;
	v55 =	vshll.u32 v26, $0x10  }
0x16b: {  	v0 =	vadd.f32 v0, v7;
	v8 =	vmul.f32 v26, v23;
	v26 =	vshll.u32 v54, $0x10;
	v38 =	vld [tilespmem:$0x1FDA0]  }
0x16c: {  	v5 =	vadd.f32 v5, v19;
	v19 =	vmul.f32 v56, v12;
	v12 =	vmul.f32 v15, v12;
	v15 =	vld.idx.msk [tilespmem:v20+s17+$0x0], $0xffff  }
0x16d: {  	v33 =	vmul.f32 v54, v45;
	v7 =	vmul.f32 v55, v23;
	v23 =	vld.idx.msk [tilespmem:v28+s17+$0x0], $0xffff;
	v28 =	vshll.u32 v18, $0x10  }
0x16e: {  	v0 =	vadd.f32 v0, v8;
	v11 =	vadd.f32 v11, v13;
	v13 =	vmul.f32 v59, v61;
	v61 =	vld [tilespmem:$0x1FDF0]  }
0x16f: {  	v56 =	vld [tilespmem:$0x1FDD0];
	v8 =	vmul.f32 v26, v45;
	v5 =	vadd.f32 v5, v7;
	v7 =	vadd.f32 v16, v19  }
0x170: {  	v6 =	vadd.f32 v6, v12;
	v19 =	vmul.f32 v28, v4;
	v4 =	vmul.f32 v18, v4;
	v28 =	vld [tilespmem:$0x1FE00]  }
0x171: {  	v0 =	vadd.f32 v0, v33;
	v18 =	vld.idx.msk [tilespmem:v41+s17+$0x0], $0xffff;
	v5 =	vadd.f32 v5, v8  }
0x172: {  	v4 =	vadd.f32 v6, v4;
	v45 =	vshll.u32 v15, $0x10;
	v6 =	vmul.f32 v15, v52;
	v59 =	vld [tilespmem:$0x1FDE0]  }
0x173: {  	v7 =	vadd.f32 v7, v19;
	v8 =	vld.idx.msk [tilespmem:v29+s17+$0x0], $0xffff;
	v54 =	vshll.u32 v23, $0x10;
	v47 =	vmul.f32 v45, v52  }
0x174: {  	v55 =	vmul.f32 v54, v3;
	v3 =	vmul.f32 v23, v3;
	v0 =	vadd.f32 v0, v6  }
0x175: {  	v20 =	vld.idx.msk [tilespmem:v35+s17+$0x0], $0xffff;
	v11 =	vadd.f32 v11, v13;
	v13 =	vmul.f32 v38, v39;
	v5 =	vadd.f32 v5, v47  }
0x176: {  	v7 =	vadd.f32 v7, v55;
	v3 =	vadd.f32 v4, v3;
	v16 =	vld.idx.msk [tilespmem:v61+s17+$0x0], $0xffff  }
0x177: {  	v23 =	vshll.u32 v18, $0x10;
	v11 =	vadd.f32 v11, v13;
	v13 =	vmul.f32 v56, v59  }
0x178: {  	v26 =	vshll.u32 v8, $0x10;
	v4 =	vmul.f32 v18, v58;
	v6 =	vmul.f32 v23, v58  }
0x179: {  	v8 =	vmul.f32 v8, v9;
	v15 =	vmul.f32 v26, v9;
	v9 =	vadd.f32 v11, v13;
	v13 =	vld.idx.msk [tilespmem:v28+s17+$0x0], $0xffff  }
0x17a: {  	v30 =	vshll.u32 v20, $0x10;
	v0 =	vadd.f32 v0, v4;
	v5 =	vadd.f32 v5, v6  }
0x17b: {  	v6 =	vadd.f32 v7, v15;
	v7 =	vld [tilespmem:$0x1FE10];
	v11 =	vmul.f32 v42, v49;
	v29 =	vshll.u32 v16, $0x10  }
0x17c: {  	v39 =	vld [tilespmem:$0x1FE40];
	v3 =	vadd.f32 v3, v8;
	v15 =	vmul.f32 v30, v14;
	v4 =	vmul.f32 v29, v48  }
0x17d: {  	v9 =	vadd.f32 v9, v11;
	v11 =	vmul.f32 v43, v31;
	v31 =	vld [tilespmem:$0x1FE20];
	v8 =	vmul.f32 v16, v48  }
0x17e: {  	v33 =	vshll.u32 v13, $0x10;
	v4 =	vadd.f32 v5, v4;
	v5 =	vadd.f32 v6, v15;
	v6 =	vld [tilespmem:$0x1FE30]  }
0x17f: {  	v0 =	vadd.f32 v0, v8;
	v8 =	vmul.f32 v33, v37  }
0x180: {  	v43 =	vld [tilespmem:$0x1FE60];
	v9 =	vadd.f32 v9, v11;
	v11 =	vmul.f32 v57, v22  }
0x181: {  	v4 =	vadd.f32 v4, v8;
	v8 =	vld [tilespmem:$0x1FE50]  }
0x182: {  	v9 =	vadd.f32 v9, v11;
	v11 =	vld [tilespmem:$0x1FE70]  }
0x183: {  	v7 =	vld.idx.msk [tilespmem:v7+s17+$0x0], $0xffff  }
0x184: {  	v15 =	vld.idx.msk [tilespmem:v39+s17+$0x0], $0xffff  }
0x185: {  	v12 =	vmul.f32 v20, v14;
	v14 =	vld.idx.msk [tilespmem:v31+s17+$0x0], $0xffff  }
0x186: {  	v6 =	vld.idx.msk [tilespmem:v6+s17+$0x0], $0xffff  }
0x187: {  	v45 =	vld [tilespmem:$0x1FE80];
	v37 =	vmul.f32 v13, v37  }
0x188: {  	v47 =	vld [tilespmem:$0x1FE90];
	v3 =	vadd.f32 v3, v12;
	v35 =	vshll.u32 v7, $0x10;
	v7 =	vmul.f32 v7, v46  }
0x189: {  	v0 =	vadd.f32 v0, v37;
	v8 =	vld.idx.msk [tilespmem:v8+s17+$0x0], $0xffff  }
0x18a: {  	v48 =	vld [tilespmem:$0x1FEA0];
	v38 =	vmul.f32 v35, v46;
	v3 =	vadd.f32 v3, v7;
	v46 =	vshll.u32 v15, $0x10  }
0x18b: {  	v49 =	vld [tilespmem:$0x1FEB0];
	v7 =	vmul.f32 v14, v43;
	v42 =	vshll.u32 v6, $0x10;
	v6 =	vmul.f32 v6, v10  }
0x18c: {  	v11 =	vld.idx.msk [tilespmem:v11+s17+$0x0], $0xffff;
	v41 =	vshll.u32 v14, $0x10;
	v12 =	vmul.f32 v42, v10;
	v10 =	vmul.f32 v62, v21  }
0x18d: {  	v52 =	vld [tilespmem:$0x1FEC0];
	v5 =	vadd.f32 v5, v38;
	v13 =	vmul.f32 v41, v43;
	v0 =	vadd.f32 v0, v7  }
0x18e: {  	v7 =	vshll.u32 v8, $0x10;
	v9 =	vadd.f32 v9, v10;
	v10 =	vmul.f32 v53, v63;
	v53 =	vld [tilespmem:$0x1FED0]  }
0x18f: {  	v4 =	vadd.f32 v4, v13;
	v13 =	vld.idx.msk [tilespmem:v45+s17+$0x0], $0xffff;
	v5 =	vadd.f32 v5, v12;
	v7 =	vmul.f32 v7, v60  }
0x190: {  	v3 =	vadd.f32 v3, v6;
	v12 =	vmul.f32 v46, v47  }
0x191: {  	v54 =	vld [tilespmem:$0x1FEF0];
	v6 =	vmul.f32 v15, v47;
	v5 =	vadd.f32 v5, v7;
	v7 =	vshll.u32 v11, $0x10  }
0x192: {  	v14 =	vld.idx.msk [tilespmem:v48+s17+$0x0], $0xffff;
	v8 =	vmul.f32 v8, v60;
	v4 =	vadd.f32 v4, v12;
	v7 =	vmul.f32 v7, v52  }
0x193: {  	v0 =	vadd.f32 v0, v6;
	v12 =	vld.idx.msk [tilespmem:v49+s17+$0x0], $0xffff  }
0x194: {  	v6 =	vshll.u32 v13, $0x10;
	v3 =	vadd.f32 v3, v8;
	v4 =	vadd.f32 v4, v7;
	v7 =	vld [tilespmem:$0x1FEE0]  }
0x195: {  	v55 =	vld [tilespmem:$0x1FF20];
	v8 =	vmul.f32 v11, v52;
	v9 =	vadd.f32 v9, v10;
	v10 =	vmul.f32 v25, v17  }
0x196: {  	v6 =	vmul.f32 v6, v50;
	v11 =	vmul.f32 v13, v50;
	v13 =	vld.idx.msk [tilespmem:v53+s17+$0x0], $0xffff  }
0x197: {  	v0 =	vadd.f32 v0, v8;
	v9 =	vadd.f32 v9, v10;
	v10 =	vld [tilespmem:$0x1FF00]  }
0x198: {  	v5 =	vadd.f32 v5, v6;
	v6 =	vshll.u32 v14, $0x10;
	v8 =	vshll.u32 v12, $0x10  }
0x199: {  	v6 =	vmul.f32 v6, v54;
	v8 =	vmul.f32 v8, v34  }
0x19a: {  	v59 =	vld [tilespmem:$0x1FF50]  }
0x19b: {  	v4 =	vadd.f32 v4, v6;
	v6 =	vld [tilespmem:$0x1FF10];
	v5 =	vadd.f32 v5, v8;
	v8 =	vshll.u32 v13, $0x10  }
0x19c: {  	v7 =	vld.idx.msk [tilespmem:v7+s17+$0x0], $0xffff;
	v8 =	vmul.f32 v8, v55  }
0x19d: {  	v57 =	vld [tilespmem:$0x1FF30]  }
0x19e: {  	v4 =	vadd.f32 v4, v8;
	v8 =	vld [tilespmem:$0x1FF40]  }
0x19f: {  	s22 =	simm.s32 $0x180;
	s20 =	simm.s32 $0x60;
	v3 =	vadd.f32 v3, v11;
	v11 =	vmul.f32 v14, v54;
	v10 =	vld.idx.msk [tilespmem:v10+s17+$0x0], $0xffff  }
0x1a0: {  	s11 =	sand.u32 $0x3FFFFE00, s22;
	s9 =	sand.u32 $0x70, s20;
	v61 =	vld [tilespmem:$0x1FF60]  }
0x1a1: {  	s18 =	sor.u32 s9, s11;
	v1 =	vmul.f32 v24, v1;
	v0 =	vadd.f32 v0, v11;
	v11 =	vshll.u32 v7, $0x10  }
0x1a2: {  	v58 =	vld [tilespmem:s18+$0x10000];
	v11 =	vmul.f32 v11, v57  }
0x1a3: {  	v1 =	vadd.f32 v9, v1;
	v6 =	vld.idx.msk [tilespmem:v6+s17+$0x0], $0xffff  }
0x1a4: {  	v62 =	vld [tilespmem:$0x1FF70];
	v9 =	vmul.f32 v27, v51;
	v5 =	vadd.f32 v5, v11;
	v11 =	vshll.u32 v10, $0x10  }
0x1a5: {  	v14 =	vld.idx.msk [tilespmem:v59+s17+$0x0], $0xffff;
	v12 =	vmul.f32 v12, v34;
	v11 =	vmul.f32 v11, v61  }
0x1a6: {  	s19 =	simm.s32 $0x1C0;
	s11 =	simm.s32 $0x70;
	v1 =	vadd.f32 v1, v9;
	v56 =	vmul.f32 v13, v55;
	v8 =	vld.idx.msk [tilespmem:v8+s17+$0x0], $0xffff  }
0x1a7: {  	s19 =	sand.u32 $0x3FFFFE00, s19;
	s12 =	sand.u32 $0x70, s11;
	v3 =	vadd.f32 v3, v12;
	v7 =	vmul.f32 v7, v57;
	v4 =	vadd.f32 v4, v11;
	v11 =	vld [tilespmem:$0x1FF80]  }
0x1a8: {  	s21 =	sor.u32 s12, s19;
	v63 =	vld [tilespmem:$0x1FF90];
	v9 =	vmul.f32 v36, v44;
	v0 =	vadd.f32 v0, v56;
	v60 =	vshll.u32 v6, $0x10  }
0x1a9: {  	v3 =	vadd.f32 v3, v7;
	v7 =	vmul.f32 v10, v61;
	v6 =	vmul.f32 v6, v62;
	v10 =	vld [tilespmem:s21+$0x10000]  }
0x1aa: {  	v1 =	vadd.f32 v1, v9;
	v12 =	vmul.f32 v60, v62  }
0x1ab: {  	v0 =	vadd.f32 v0, v7;
	v3 =	vadd.f32 v3, v6;
	v6 =	vshll.u32 v8, $0x10  }
0x1ac: {  	s23 =	simm.s32 $0x40;
	v8 =	vmul.f32 v8, v11;
	v6 =	vmul.f32 v6, v11;
	v11 =	vshll.u32 v14, $0x10  }
0x1ad: {  	s22 =	simm.s32 $0x0;
	s19 =	sand.u32 $0x3FFFFF00, s23;
	v7 =	vsub.f32 $0.0e+00, v58;
	v5 =	vadd.f32 v5, v12;
	v11 =	vmul.f32 v11, v63  }
0x1ae: {  	s25 =	simm.s32 $0x20;
	s24 =	sand.u32 $0x3FFFFF00, s22;
	s16 =	sor.u32 s16, s19;
	v10 =	vsub.f32 $0.0e+00, v10;
	v4 =	vadd.f32 v4, v6  }
0x1af: {  	s26 =	sand.u32 $0x3FFFFF00, s25;
	s8 =	sor.u32 s8, s24;
	[tilespmem:s16+$0x12000] =	vst v2;
	v6 =	vmul.f32 $1.442695020e+00, v7;
	v7 =	vmul.f32 v32, v40;
	v5 =	vadd.f32 v5, v11  }
0x1b0: {  	s23 =	sadd.s32 $0x10000, s18;
	s18 =	sor.u32 s1, s26;
	v12 =	vmul.f32 v14, v63;
	v9 =	vmul.f32 $1.442695020e+00, v10;
	v10 =	vadd.f32 v0, v8;
	v0 =	vld [tilespmem:$0x1FFA0];
	[tilespmem:s8+$0x12000] =	vst v4  }
0x1b1: {  	v2 =	vadd.f32 v1, v7;
	v1 =	vld [tilespmem:$0x1FFB0];
	[tilespmem:s18+$0x12000] =	vst v5  }
0x1b2: {  	v8 =	vadd.f32 v3, v12;
	v3 =	vld [tilespmem:$0x1FFC0];
	_ =	sdelay $0x2  }
0x1b3: {  	(erf) = vpow2.f32 v6;
	v6 =	vadd.f32 $1.000000000e+00, v0  }
0x1b4: {  	s19 =	sadd.s32 $0x12000, s8;
	(erf) = vpow2.f32 v9;
	v0 =	vld [tilespmem:s23+$0x80]  }
0x1b5: {  	s1 =	simm.s32 $0x60;
	s16 =	sadd.s32 $0x12000, s16;
	s8 =	simm.s32 $0x30;
	(erf) = vrcp.f32 v6;
	v4 =	vadd.f32 $1.000000000e+00, v1;
	v1 =	vld [tilespmem:s23+$0x100];
	v3 =	vadd.f32 $1.000000000e+00, v3  }
.LBB2_3:
0x1b6: {  	v6 =	vld [tilespmem:$0x1FCB0];
	_ =	sdelay $0x2  }
0x1b7: {  	v5 =	vld [tilespmem:s23+$0x180]  }
0x1b8: {  	s21 =	sadd.s32 $0x10000, s21;
	v7 =	vld [tilespmem:$0x1FCC0]  }
0x1b9: {  	s22 =	sadd.s32 $0x12000, s18;
	(erf) = vrcp.f32 v4;
	v4 =	vld [tilespmem:s21+$0x80];
	v6 =	vadd.f32 $1.000000000e+00, v6  }
0x1ba: {  	[tilespmem:s22+$0x80] =	vst v8;
	v8 =	vld [tilespmem:$0x1FCD0];
	(erf) = vrcp.f32 v3  }
0x1bb: {  	(erf) = vrcp.f32 v6;
	v6 =	vld [tilespmem:$0x1FCE0]  }
0x1bc: {  	s24 =	smov.u32 s20;
	s20 =	sadd.s32 $0x30, s20;
	s18 =	smov.u32 s3;
	v9 =	vld [tilespmem:$0x1FCF0]  }
0x1bd: {  	[tilespmem:s19+$0x80] =	vst v10;
	s3 =	smov.u32 s12;
	v49 =	vld [tilespmem:$0x1FFD0];
	s23 =	sshll.u32 s20, $0x2;
	s19 =	sadd.s32 $0x40, s24  }
0x1be: {  	s22 =	sand.u32 $0x70, s20;
	s12 =	sand.u32 $0x3FFFFE00, s23;
	s25 =	sshll.u32 s19, $0x2;
	v3 =	vld [tilespmem:s21+$0x100];
	v0 =	vsub.f32 $0.0e+00, v0;
	v7 =	vadd.f32 $1.000000000e+00, v7  }
0x1bf: {  	[tilespmem:s16+$0x80] =	vst v2;
	v2 =	vld [tilespmem:s21+$0x180];
	s23 =	sor.u32 s22, s12;
	s12 =	sand.u32 $0x70, s19;
	s25 =	sand.u32 $0x3FFFFE00, s25;
	v1 =	vsub.f32 $0.0e+00, v1;
	v8 =	vadd.f32 $1.000000000e+00, v8  }
0x1c0: {  	s21 =	sor.u32 s12, s25;
	(erf) = vrcp.f32 v7;
	v7 =	vld [tilespmem:s23+$0x10000];
	v10 =	vadd.f32 $1.000000000e+00, v6  }
0x1c1: {  	v9 =	vadd.f32 $1.000000000e+00, v9;
	v5 =	vsub.f32 $0.0e+00, v5;
	(erf) = vrcp.f32 v8;
	v8 =	vld [tilespmem:s21+$0x10000];
	v6 =	vpop (erf)  }
0x1c2: {  	v11 =	vmul.f32 $1.442695020e+00, v0;
	v4 =	vsub.f32 $0.0e+00, v4;
	v0 =	vpop (erf);
	(erf) = vrcp.f32 v10  }
0x1c3: {  	v3 =	vsub.f32 $0.0e+00, v3;
	v10 =	vmul.f32 $1.442695020e+00, v1;
	v1 =	vpop (erf);
	(erf) = vrcp.f32 v9  }
0x1c4: {  	v2 =	vsub.f32 $0.0e+00, v2;
	v9 =	vmul.f32 $1.442695020e+00, v5;
	v1 =	vmul.f32 v1, v49  }
0x1c5: {  	v5 =	vpop (erf);
	(erf) = vpow2.f32 v11;
	v11 =	vmul.f32 $1.442695020e+00, v4;
	v4 =	vsub.f32 $0.0e+00, v7  }
0x1c6: {  	[tilespmem:$0x1FC80] =	vst v0;
	v7 =	vsub.f32 $0.0e+00, v8;
	v8 =	vmul.f32 $1.442695020e+00, v2;
	v0 =	vpop (erf);
	(erf) = vpow2.f32 v10  }
0x1c7: {  	v10 =	vmul.f32 $1.442695020e+00, v3;
	v0 =	vmul.f32 v0, v49  }
0x1c8: {  	v3 =	vpop (erf);
	v13 =	vtrunc.f32 v1;
	v4 =	vmul.f32 $1.442695020e+00, v4  }
0x1c9: {  	(erf) = vpow2.f32 v9;
	v3 =	vmul.f32 v3, v49  }
0x1ca: {  	v2 =	vpop (erf);
	(erf) = vpow2.f32 v11;
	[tilespmem:$0x1FC60] =	vst v4;
	v4 =	vmul.f32 $1.442695020e+00, v7  }
0x1cb: {  	v2 =	vmul.f32 v2, v49;
	(erf) = vpow2.f32 v10  }
0x1cc: {  	(erf) = vpow2.f32 v8;
	[tilespmem:$0x1FC70] =	vst v4;
	v4 =	vmul.f32 v5, v49;
	v5 =	vpop (erf)  }
0x1cd: {  	v44 =	vtrunc.f32 v2;
	v7 =	vpop (erf);
	v5 =	vmul.f32 v5, v49  }
0x1ce: {  	v8 =	vpop (erf);
	v7 =	vmul.f32 v7, v49;
	v10 =	vtrunc.f32 v4  }
0x1cf: {  	v8 =	vmul.f32 v8, v49;
	v12 =	vcvt.f32.s32 v10  }
0x1d0: {  	v9 =	vpop (erf);
	v10 =	vtrunc.f32 v3;
	v14 =	vtrunc.f32 v5  }
0x1d1: {  	[tilespmem:$0x1FC90] =	vst v9;
	v9 =	vpop (erf);
	v45 =	vtrunc.f32 v7;
	v10 =	vcvt.f32.s32 v10  }
0x1d2: {  	v14 =	vcvt.f32.s32 v14;
	v11 =	vpop (erf);
	v16 =	vtrunc.f32 v8  }
0x1d3: {  	v17 =	vcvt.s32.f32 v12;
	[tilespmem:$0x1FCC0] =	vst v11;
	v11 =	vcvt.f32.s32 v13  }
0x1d4: {  	v6 =	vadd.f32 $1.000000000e+00, v6;
	[tilespmem:$0x1FCB0] =	vst v9;
	v9 =	vpop (erf);
	v13 =	vcvt.f32.s32 v44;
	v16 =	vcvt.f32.s32 v16  }
0x1d5: {  	v23 =	vadd.s32 $0x1, v12;
	v19 =	vcvt.s32.f32 v10;
	[tilespmem:$0x1FCD0] =	vst v9;
	v9 =	vtrunc.f32 v0  }
0x1d6: {  	v22 =	vcvt.s32.f32 v14;
	v27 =	vmul.u32 $0x30025795, v10;
	v9 =	vcvt.f32.s32 v9  }
0x1d7: {  	[tilespmem:$0x1FCA0] =	vst v6;
	v43 =	vpop (erf);
	v6 =	vcvt.s32.f32 v11;
	v20 =	vadd.s32 $0x1, v11;
	v21 =	vcvt.s32.f32 v13  }
0x1d8: {  	v15 =	vpop (erf);
	v26 =	vcvt.s32.f32 v16;
	v13 =	vmul.u32 $0xDB06C2F5, v13;
	v16 =	vmul.u32 $0xDB06C2F5, v16  }
0x1d9: {  	v28 =	vsub.f32 v3, v19;
	v30 =	vsub.f32 v5, v22;
	[tilespmem:$0x1FCF0] =	vst v15;
	v15 =	vcvt.f32.s32 v45  }
0x1da: {  	v18 =	vcvt.s32.f32 v9;
	v24 =	vmul.u32 $0x9E3779B1, v9;
	v10 =	vsub.f32 v1, v6  }
0x1db: {  	v1 =	vmul.u32 $0x9E3779B1, v14;
	v46 =	vadd.s32 $0xDB06C2F5, v13;
	v9 =	vsub.f32 v4, v17  }
0x1dc: {  	v4 =	vadd.s32 $0xDB06C2F5, v16;
	v29 =	vsub.f32 v2, v21;
	v26 =	vsub.f32 v8, v26  }
0x1dd: {  	s16 =	sadd.s32 $0x50, s10;
	v25 =	vcvt.s32.f32 v15;
	v6 =	vmul.u32 $0x30025795, v15;
	v15 =	vsub.f32 v0, v18  }
0x1de: {  	s10 =	smov.u32 s6;
	s26 =	sshll.u32 s16, $0x2;
	v0 =	vadd.s32 $0x30025795, v27;
	v3 =	vadd.s32 $0x9E3779B1, v24;
	v5 =	vxor.u32 v20, v24  }
0x1df: {  	s6 =	smov.u32 s24;
	s24 =	sand.u32 $0x70, s16;
	s25 =	sand.u32 $0x3FFFFE00, s26;
	v51 =	vxor.u32 v12, v1;
	v57 =	vmul.f32 v29, v28;
	v2 =	vadd.s32 $0x30025795, v6  }
0x1e0: {  	s25 =	sor.u32 s24, s25;
	v25 =	vsub.f32 v7, v25;
	v7 =	vadd.s32 $0x9E3779B1, v1;
	v52 =	vxor.u32 v0, v46  }
0x1e1: {  	s26 =	sadd.s32 $0x10000, s25;
	v55 =	vxor.u32 v20, v3;
	v8 =	vand.u32 $0xFFFF, v5;
	v31 =	vxor.u32 v2, v4  }
0x1e2: {  	v39 =	vld [tilespmem:s26+$0x80];
	v56 =	vxor.u32 v23, v7;
	v5 =	vxor.u32 v12, v7;
	v35 =	vand.u32 $0xFFFF, v52  }
0x1e3: {  	v41 =	vld [tilespmem:s26+$0x100];
	v22 =	vmul.f32 v15, v10;
	v17 =	vand.u32 $0xFFFF, v55;
	v31 =	vand.u32 $0xFFFF, v31  }
0x1e4: {  	v12 =	vand.u32 $0xFFFF, v5;
	v20 =	vand.u32 $0xFFFF, v56;
	v5 =	vxor.u32 v17, v35  }
0x1e5: {  	[tilespmem:$0x1FAC0] =	vst v5;
	v5 =	vxor.u32 v20, v31  }
0x1e6: {  	v48 =	vxor.u32 v11, v24;
	v11 =	vxor.u32 v11, v3;
	[tilespmem:$0x1FAE0] =	vst v5;
	v5 =	vmul.f32 v57, v22  }
0x1e7: {  	v53 =	vxor.u32 v6, v16;
	v2 =	vxor.u32 v16, v2;
	v16 =	vand.u32 $0xFFFF, v11  }
0x1e8: {  	v61 =	vsub.f32 $0.0e+00, v39;
	v63 =	vsub.f32 $0.0e+00, v41;
	[tilespmem:$0x1FC40] =	vst v5;
	v5 =	vxor.u32 v16, v35  }
0x1e9: {  	v59 =	vld [tilespmem:s25+$0x10000];
	v21 =	vmul.f32 v30, v9;
	v58 =	vmul.f32 v26, v25;
	[tilespmem:$0x1FA90] =	vst v5;
	v5 =	vxor.u32 v12, v31  }
0x1ea: {  	v50 =	vxor.u32 v27, v13;
	v14 =	vxor.u32 v27, v46;
	[tilespmem:$0x1FAB0] =	vst v5;
	v5 =	vxor.u32 v8, v35  }
0x1eb: {  	v47 =	vxor.u32 v23, v1;
	v32 =	vsub.f32 $1.000000000e+00, v10;
	[tilespmem:$0x1FA60] =	vst v5;
	v5 =	vmul.f32 v58, v21  }
0x1ec: {  	v54 =	vxor.u32 v6, v4;
	v13 =	vxor.u32 v13, v0;
	v6 =	vand.u32 $0xFFFF, v47  }
0x1ed: {  	v3 =	vand.u32 $0xFFFF, v51;
	v4 =	vand.u32 $0xFFFF, v48;
	[tilespmem:$0x1FC50] =	vst v5;
	v5 =	vxor.u32 v6, v31  }
0x1ee: {  	v18 =	vand.u32 $0xFFFF, v13;
	v11 =	vld [tilespmem:s26+$0x180];
	v13 =	vsub.f32 $0.0e+00, v59;
	[tilespmem:$0x1FA80] =	vst v5;
	v5 =	vxor.u32 v4, v35  }
0x1ef: {  	v34 =	vand.u32 $0xFFFF, v14;
	v1 =	vand.u32 $0xFFFF, v50;
	[tilespmem:$0x1FA40] =	vst v5;
	v5 =	vxor.u32 v3, v31  }
0x1f0: {  	v27 =	vand.u32 $0xFFFF, v54;
	v13 =	vmul.f32 $1.442695020e+00, v13;
	[tilespmem:$0x1FA50] =	vst v5;
	v5 =	vxor.u32 v17, v34  }
0x1f1: {  	v36 =	vsub.f32 $1.000000000e+00, v15;
	v50 =	vmul.f32 v15, v32;
	[tilespmem:$0x1FA10] =	vst v5;
	v5 =	vxor.u32 v20, v27  }
0x1f2: {  	v15 =	vmul.f32 $1.442695020e+00, v61;
	(erf) = vpow2.f32 v13;
	[tilespmem:$0x1FA20] =	vst v5;
	v5 =	vxor.u32 v16, v34  }
0x1f3: {  	v11 =	vsub.f32 $0.0e+00, v11;
	v35 =	vmul.f32 v36, v10;
	[tilespmem:$0x1F9F0] =	vst v5;
	v5 =	vmul.f32 v57, v50  }
0x1f4: {  	v39 =	vmul.f32 $1.442695020e+00, v63;
	v33 =	vsub.f32 $1.000000000e+00, v9;
	(erf) = vpow2.f32 v15  }
0x1f5: {  	v11 =	vmul.f32 $1.442695020e+00, v11;
	[tilespmem:$0x1FC20] =	vst v5;
	v5 =	vmul.f32 v57, v35  }
0x1f6: {  	v40 =	vsub.f32 $1.000000000e+00, v30;
	v30 =	vmul.f32 v30, v33;
	(erf) = vpow2.f32 v39  }
0x1f7: {  	(erf) = vpow2.f32 v11;
	[tilespmem:$0x1FC00] =	vst v5;
	v5 =	vxor.u32 v12, v27  }
0x1f8: {  	v11 =	vmul.f32 v36, v32;
	[tilespmem:$0x1FA00] =	vst v5;
	v5 =	vmul.f32 v58, v30;
	_ =	sdelay $0x1  }
0x1f9: {  	v37 =	vsub.f32 $1.000000000e+00, v28;
	v15 =	vmul.f32 v40, v9;
	[tilespmem:$0x1FC30] =	vst v5;
	v5 =	vmul.f32 v57, v11;
	_ =	sdelay $0x1  }
0x1fa: {  	v38 =	vsub.f32 $1.000000000e+00, v29;
	v29 =	vmul.f32 v29, v37;
	[tilespmem:$0x1FBE0] =	vst v5;
	v5 =	vmul.f32 v58, v15;
	_ =	sdelay $0x1  }
0x1fb: {  	v42 =	vsub.f32 $1.000000000e+00, v25;
	v9 =	vmul.f32 v40, v33;
	[tilespmem:$0x1FC10] =	vst v5;
	v5 =	vmul.f32 v29, v22  }
0x1fc: {  	[tilespmem:$0x1FCE0] =	vst v43  }
0x1fd: {  	v43 =	vsub.f32 $1.000000000e+00, v26;
	v26 =	vmul.f32 v26, v42;
	[tilespmem:$0x1FBC0] =	vst v5;
	v5 =	vmul.f32 v58, v9;
	_ =	sdelay $0x1  }
0x1fe: {  	[tilespmem:$0x1FBF0] =	vst v5;
	v5 =	vmul.f32 v26, v21;
	_ =	sdelay $0x1  }
0x1ff: {  	[tilespmem:$0x1FBD0] =	vst v5;
	v5 =	vmul.f32 v29, v50;
	_ =	sdelay $0x1  }
0x200: {  	[tilespmem:$0x1FBA0] =	vst v5;
	v5 =	vxor.u32 v8, v34  }
0x201: {  	[tilespmem:$0x1F9D0] =	vst v5;
	v5 =	vmul.f32 v26, v30;
	_ =	sdelay $0x1  }
0x202: {  	[tilespmem:$0x1FBB0] =	vst v5;
	v5 =	vmul.f32 v29, v35;
	_ =	sdelay $0x1  }
0x203: {  	[tilespmem:$0x1FB80] =	vst v5;
	v5 =	vxor.u32 v6, v27  }
0x204: {  	[tilespmem:$0x1F9E0] =	vst v5;
	v5 =	vmul.f32 v29, v11;
	_ =	sdelay $0x1  }
0x205: {  	v28 =	vmul.f32 v38, v28;
	[tilespmem:$0x1FB60] =	vst v5;
	v5 =	vmul.f32 v26, v15;
	_ =	sdelay $0x1  }
0x206: {  	[tilespmem:$0x1FB90] =	vst v5;
	v5 =	vmul.f32 v28, v22  }
0x207: {  	v10 =	vmul.f32 v38, v37;
	v37 =	vpop (erf)  }
0x208: {  	v38 =	vadd.f32 $1.000000000e+00, v37;
	v39 =	vpop (erf);
	[tilespmem:$0x1FB40] =	vst v5;
	v5 =	vmul.f32 v26, v9  }
0x209: {  	v25 =	vmul.f32 v43, v25;
	v40 =	vadd.f32 $1.000000000e+00, v39  }
0x20a: {  	v41 =	vpop (erf);
	(erf) = vrcp.f32 v38;
	[tilespmem:$0x1FB70] =	vst v5;
	v5 =	vmul.f32 v28, v50  }
0x20b: {  	v13 =	vmul.f32 v43, v42;
	v42 =	vpop (erf);
	(erf) = vrcp.f32 v40  }
0x20c: {  	[tilespmem:$0x1FB20] =	vst v5;
	v5 =	vmul.f32 v25, v21;
	_ =	sdelay $0x1  }
0x20d: {  	v31 =	vadd.f32 $1.000000000e+00, v41;
	[tilespmem:$0x1FB50] =	vst v5;
	v5 =	vmul.f32 v28, v35  }
0x20e: {  	v23 =	vadd.f32 $1.000000000e+00, v42  }
0x20f: {  	(erf) = vrcp.f32 v31;
	[tilespmem:$0x1FB00] =	vst v5;
	v5 =	vmul.f32 v25, v30  }
0x210: {  	v0 =	vand.u32 $0xFFFF, v53;
	(erf) = vrcp.f32 v23  }
0x211: {  	v62 =	vxor.u32 v8, v1;
	v19 =	vand.u32 $0xFFFF, v2;
	[tilespmem:$0x1FB30] =	vst v5;
	v5 =	vmul.f32 v28, v11  }
0x212: {  	v2 =	vxor.u32 v4, v1;
	v44 =	vxor.u32 v6, v0;
	v7 =	vxor.u32 v3, v0;
	v43 =	vpop (erf)  }
0x213: {  	v60 =	vxor.u32 v4, v34;
	v36 =	vxor.u32 v8, v18;
	v8 =	vpop (erf);
	[tilespmem:$0x1FAD0] =	vst v5;
	v5 =	vmul.f32 v25, v15  }
0x214: {  	v61 =	vxor.u32 v3, v27;
	v55 =	vxor.u32 v17, v18;
	v8 =	vmul.f32 v8, v49  }
0x215: {  	v45 =	vxor.u32 v16, v18;
	v63 =	vxor.u32 v4, v18;
	[tilespmem:$0x1FB10] =	vst v5;
	v5 =	vmul.f32 v10, v22  }
0x216: {  	v56 =	vxor.u32 v20, v19;
	v53 =	vmul.f32 v13, v30;
	v54 =	vtrunc.f32 v8  }
0x217: {  	v48 =	vxor.u32 v12, v19;
	v58 =	vcvt.f32.s32 v54;
	[tilespmem:$0x1FA70] =	vst v5;
	v5 =	vmul.f32 v25, v9  }
0x218: {  	v46 =	vxor.u32 v6, v19;
	v33 =	vmul.f32 v13, v15;
	v41 =	vmul.f32 v10, v35;
	v47 =	vpop (erf)  }
0x219: {  	v51 =	vpop (erf);
	v29 =	vxor.u32 v20, v0;
	v20 =	vcvt.s32.f32 v58;
	[tilespmem:$0x1FAF0] =	vst v5;
	v5 =	vmul.f32 v10, v50  }
0x21a: {  	v50 =	vmul.f32 v47, v49;
	v47 =	vxor.u32 v3, v19;
	v19 =	vmul.f32 v51, v49  }
0x21b: {  	v38 =	vxor.u32 v16, v1;
	[tilespmem:$0x1FA30] =	vst v5;
	v5 =	vmul.f32 v13, v21;
	v21 =	vmul.f32 v43, v49  }
0x21c: {  	v42 =	vxor.u32 v17, v1;
	v57 =	vtrunc.f32 v50;
	v59 =	vtrunc.f32 v19  }
0x21d: {  	v32 =	vsub.f32 v8, v20;
	v1 =	vcvt.f32.s32 v57;
	v23 =	vcvt.f32.s32 v59  }
0x21e: {  	v35 =	vxor.u32 v12, v0;
	v12 =	vmul.u32 $0x9E3779B1, v58;
	v52 =	vtrunc.f32 v21  }
0x21f: {  	v0 =	vcvt.f32.s32 v52;
	v24 =	vmul.u32 $0x30025795, v1;
	v14 =	vmul.u32 $0xDB06C2F5, v23  }
0x220: {  	v22 =	vadd.s32 $0x9E3779B1, v12;
	v1 =	vcvt.s32.f32 v1;
	v23 =	vcvt.s32.f32 v23  }
0x221: {  	v16 =	vcvt.s32.f32 v0;
	v39 =	vxor.u32 v0, v12;
	v40 =	vxor.u32 v24, v14  }
0x222: {  	v17 =	vadd.s32 $0x1, v0;
	v58 =	vand.u32 $0xFFFF, v39;
	v43 =	vand.u32 $0xFFFF, v40  }
0x223: {  	v37 =	vadd.s32 $0x30025795, v24;
	v49 =	vxor.u32 v17, v12;
	v31 =	vxor.u32 v58, v43  }
0x224: {  	v0 =	vxor.u32 v0, v22;
	v51 =	vsub.f32 v50, v1;
	v59 =	vand.u32 $0xFFFF, v49  }
0x225: {  	v57 =	vsub.f32 v19, v23;
	v19 =	vsub.f32 $1.000000000e+00, v32;
	v8 =	vxor.u32 v59, v43  }
0x226: {  	[tilespmem:$0x1FAA0] =	vst v5;
	v5 =	vand.u32 $0xFFFF, v0;
	v1 =	vxor.u32 v17, v22;
	v21 =	vsub.f32 v21, v16  }
0x227: {  	v50 =	vxor.u32 v5, v43;
	v4 =	vand.u32 $0xFFFF, v1;
	v28 =	vsub.f32 $1.000000000e+00, v51  }
0x228: {  	v1 =	vxor.u32 v14, v37;
	v23 =	vsub.f32 $1.000000000e+00, v57;
	v0 =	vsub.f32 $1.000000000e+00, v21;
	v54 =	vld.idx.msk [tilespmem:v31+s17+$0x0], $0xffff  }
0x229: {  	v26 =	vld.idx.msk [tilespmem:v38+s17+$0x0], $0xffff;
	v12 =	vmul.f32 v10, v11;
	v22 =	vxor.u32 v4, v43;
	v34 =	vand.u32 $0xFFFF, v1  }
0x22a: {  	v40 =	vmul.f32 v23, v28;
	v52 =	vxor.u32 v58, v34;
	v3 =	vmul.f32 v19, v0;
	v39 =	vld.idx.msk [tilespmem:v8+s17+$0x0], $0xffff  }
0x22b: {  	v17 =	vld.idx.msk [tilespmem:v7+s17+$0x0], $0xffff;
	v7 =	vmul.f32 v19, v21;
	v6 =	vmul.f32 v32, v0;
	v31 =	vadd.s32 $0xDB06C2F5, v14  }
0x22c: {  	v14 =	vmul.f32 v13, v9;
	v49 =	vld.idx.msk [tilespmem:v50+s17+$0x0], $0xffff;
	v1 =	vxor.u32 v24, v31;
	v13 =	vmul.f32 v40, v3  }
0x22d: {  	v20 =	vld.idx.msk [tilespmem:v35+s17+$0x0], $0xffff;
	v9 =	vxor.u32 v59, v34;
	v15 =	vand.u32 $0xFFFF, v1;
	v1 =	vshll.u32 v54, $0x10  }
0x22e: {  	v11 =	vxor.u32 v5, v34;
	v43 =	vld.idx.msk [tilespmem:v22+s17+$0x0], $0xffff;
	v22 =	vmul.f32 v40, v7;
	v10 =	vmul.f32 v1, v13  }
0x22f: {  	v25 =	vld.idx.msk [tilespmem:v62+s17+$0x0], $0xffff;
	v8 =	vmul.f32 v32, v21;
	v24 =	vxor.u32 v4, v34;
	v32 =	vshll.u32 v39, $0x10  }
0x230: {  	v50 =	vld.idx.msk [tilespmem:v52+s17+$0x0], $0xffff;
	v18 =	vmul.f32 v32, v22;
	v32 =	vmul.f32 v40, v6;
	v52 =	vadd.f32 $0.0e+00, v10  }
0x231: {  	v16 =	vld.idx.msk [tilespmem:v2+s17+$0x0], $0xffff;
	v30 =	vmul.f32 v23, v51;
	v0 =	vmul.f32 v57, v28;
	v62 =	vshll.u32 v49, $0x10  }
0x232: {  	v35 =	vmul.f32 v40, v8;
	v38 =	vld.idx.msk [tilespmem:v9+s17+$0x0], $0xffff;
	v19 =	vmul.f32 v62, v32;
	v18 =	vadd.f32 v52, v18  }
0x233: {  	v21 =	vld.idx.msk [tilespmem:v42+s17+$0x0], $0xffff;
	v23 =	vmul.f32 v30, v3;
	v9 =	vxor.u32 v58, v15;
	v27 =	vshll.u32 v43, $0x10  }
0x234: {  	v31 =	vxor.u32 v37, v31;
	v40 =	vmul.f32 v27, v35;
	v52 =	vld.idx.msk [tilespmem:v11+s17+$0x0], $0xffff;
	v18 =	vadd.f32 v18, v19  }
0x235: {  	v2 =	vxor.u32 v5, v15;
	v37 =	vld.idx.msk [tilespmem:v24+s17+$0x0], $0xffff;
	v42 =	vshll.u32 v50, $0x10;
	v62 =	vxor.u32 v59, v15  }
0x236: {  	v24 =	vmul.f32 v30, v7;
	v19 =	vld.idx.msk [tilespmem:v29+s17+$0x0], $0xffff;
	v29 =	vmul.f32 v42, v23;
	v27 =	vadd.f32 v18, v40  }
0x237: {  	v15 =	vxor.u32 v4, v15;
	v11 =	vld.idx.msk [tilespmem:v47+s17+$0x0], $0xffff;
	v40 =	vand.u32 $0xFFFF, v31;
	v31 =	vshll.u32 v38, $0x10  }
0x238: {  	v42 =	vld.idx.msk [tilespmem:v9+s17+$0x0], $0xffff;
	v31 =	vmul.f32 v31, v24;
	v29 =	vadd.f32 v27, v29;
	v27 =	vmul.f32 v30, v6  }
0x239: {  	v34 =	vshll.u32 v16, $0x10;
	v1 =	vshll.u32 v17, $0x10;
	v18 =	vld.idx.msk [tilespmem:v63+s17+$0x0], $0xffff;
	v28 =	vshll.u32 v52, $0x10  }
0x23a: {  	v63 =	vld.idx.msk [tilespmem:v62+s17+$0x0], $0xffff;
	v31 =	vadd.f32 v29, v31;
	v47 =	vmul.f32 v28, v27;
	v28 =	vmul.f32 v30, v8  }
0x23b: {  	v62 =	vld.idx.msk [tilespmem:v2+s17+$0x0], $0xffff;
	v58 =	vxor.u32 v58, v40;
	v2 =	vxor.u32 v59, v40;
	v30 =	vshll.u32 v37, $0x10  }
0x23c: {  	v29 =	vld.idx.msk [tilespmem:v36+s17+$0x0], $0xffff;
	v31 =	vadd.f32 v31, v47;
	v36 =	vmul.f32 v30, v28;
	v30 =	vmul.f32 v0, v3  }
0x23d: {  	v59 =	vld.idx.msk [tilespmem:v15+s17+$0x0], $0xffff;
	v15 =	vxor.u32 v5, v40;
	v47 =	vmul.f32 v34, v12;
	v34 =	vshll.u32 v42, $0x10  }
0x23e: {  	v9 =	vld.idx.msk [tilespmem:v46+s17+$0x0], $0xffff;
	v46 =	vadd.f32 v31, v36;
	v34 =	vmul.f32 v34, v30;
	v31 =	vmul.f32 v0, v7  }
0x23f: {  	v5 =	vmul.f32 v1, v14;
	v4 =	vxor.u32 v4, v40;
	v1 =	vshll.u32 v63, $0x10  }
0x240: {  	v40 =	vadd.f32 v46, v34;
	v1 =	vmul.f32 v1, v31;
	v34 =	vmul.f32 v0, v6  }
0x241: {  	v36 =	vld.idx.msk [tilespmem:v45+s17+$0x0], $0xffff;
	v45 =	vmul.f32 v57, v51;
	v51 =	vshll.u32 v62, $0x10  }
0x242: {  	v57 =	vld.idx.msk [tilespmem:v2+s17+$0x0], $0xffff;
	v1 =	vadd.f32 v40, v1;
	v2 =	vmul.f32 v51, v34;
	_ =	sdelay $0x1  }
0x243: {  	v1 =	vadd.f32 v1, v2;
	v2 =	vld [tilespmem:$0x1F9D0];
	_ =	sdelay $0x2  }
0x244: {  	v51 =	vmul.f32 v0, v8  }
0x245: {  	v46 =	vld.idx.msk [tilespmem:v48+s17+$0x0], $0xffff;
	v48 =	vshll.u32 v59, $0x10;
	v0 =	vmul.f32 v17, v14  }
0x246: {  	v14 =	vmul.f32 v54, v13;
	v13 =	vmul.f32 v48, v51;
	_ =	sdelay $0x1  }
0x247: {  	v1 =	vadd.f32 v1, v13;
	v13 =	vmul.f32 v45, v7;
	v7 =	vld.idx.msk [tilespmem:v61+s17+$0x0], $0xffff  }
0x248: {  	v61 =	vld.idx.msk [tilespmem:v2+s17+$0x0], $0xffff  }
0x249: {  	v2 =	vadd.f32 $0.0e+00, v0;
	v0 =	vld [tilespmem:$0x1F9E0];
	_ =	sdelay $0x4  }
0x24a: {  	v58 =	vld.idx.msk [tilespmem:v58+s17+$0x0], $0xffff  }
0x24b: {  	v16 =	vmul.f32 v16, v12;
	v12 =	vld.idx.msk [tilespmem:v4+s17+$0x0], $0xffff  }
0x24c: {  	v4 =	vld.idx.msk [tilespmem:v56+s17+$0x0], $0xffff  }
0x24d: {  	v56 =	vld.idx.msk [tilespmem:v0+s17+$0x0], $0xffff  }
0x24e: {  	v0 =	vld [tilespmem:$0x1F9F0];
	_ =	sdelay $0x1  }
0x24f: {  	v54 =	vld.idx.msk [tilespmem:v15+s17+$0x0], $0xffff;
	v40 =	vmul.f32 v45, v3  }
0x250: {  	v15 =	vld.idx.msk [tilespmem:v55+s17+$0x0], $0xffff;
	v55 =	vshll.u32 v58, $0x10  }
0x251: {  	v48 =	vmul.f32 v55, v40  }
0x252: {  	v10 =	vld.idx.msk [tilespmem:v60+s17+$0x0], $0xffff;
	v60 =	vshll.u32 v57, $0x10  }
0x253: {  	v55 =	vadd.f32 $0.0e+00, v47;
	v1 =	vadd.f32 v1, v48;
	v47 =	vmul.f32 v60, v13;
	_ =	sdelay $0x1  }
0x254: {  	v1 =	vadd.f32 v1, v47;
	v47 =	vld.idx.msk [tilespmem:v0+s17+$0x0], $0xffff  }
0x255: {  	v0 =	vld [tilespmem:$0x1FA00];
	_ =	sdelay $0x1  }
0x256: {  	v44 =	vld.idx.msk [tilespmem:v44+s17+$0x0], $0xffff;
	_ =	sdelay $0x2  }
0x257: {  	v60 =	vmul.f32 v45, v6  }
0x258: {  	v6 =	vshll.u32 v54, $0x10  }
0x259: {  	v17 =	vshll.u32 v44, $0x10;
	v48 =	vmul.f32 v6, v60  }
0x25a: {  	v6 =	vmul.f32 v45, v8;
	v45 =	vmul.f32 v17, v33;
	v17 =	vld.idx.msk [tilespmem:v0+s17+$0x0], $0xffff  }
0x25b: {  	v0 =	vld [tilespmem:$0x1FA10]  }
0x25c: {  	v8 =	vadd.f32 $0.0e+00, v14;
	v14 =	vshll.u32 v12, $0x10  }
0x25d: {  	v3 =	vshll.u32 v25, $0x10;
	v1 =	vadd.f32 v1, v48;
	v48 =	vmul.f32 v14, v6  }
0x25e: {  	v3 =	vmul.f32 v3, v41  }
0x25f: {  	v1 =	vadd.f32 v1, v48;
	v48 =	vld [tilespmem:$0x1FA30]  }
0x260: {  	v3 =	vadd.f32 v55, v3;
	v55 =	vld [tilespmem:$0x1FA40]  }
0x261: {  	s16 =	sshll.u32 s16, $0x1;
	v16 =	vadd.f32 $0.0e+00, v16;
	v41 =	vmul.f32 v25, v41  }
0x262: {  	s16 =	sand.u32 $0x3FFFFF00, s16;
	v5 =	vadd.f32 $0.0e+00, v5  }
0x263: {  	s24 =	sor.u32 s24, s16;
	v41 =	vadd.f32 v16, v41;
	v14 =	vld.idx.msk [tilespmem:v0+s17+$0x0], $0xffff;
	v0 =	vshll.u32 v20, $0x10  }
0x264: {  	v5 =	vadd.f32 v5, v45;
	[tilespmem:s24+$0x12000] =	vst v1;
	v1 =	vmul.f32 v26, v48;
	v0 =	vmul.f32 v0, v53  }
0x265: {  	v45 =	vld [tilespmem:$0x1FA50]  }
0x266: {  	v0 =	vadd.f32 v5, v0;
	v5 =	vadd.f32 v41, v1;
	v1 =	vld [tilespmem:$0x1FA90];
	_ =	sdelay $0x1  }
0x267: {  	v39 =	vmul.f32 v39, v22;
	v22 =	vld.idx.msk [tilespmem:v55+s17+$0x0], $0xffff  }
0x268: {  	v55 =	vld [tilespmem:$0x1FA70];
	_ =	sdelay $0x1  }
0x269: {  	v25 =	vshll.u32 v26, $0x10  }
0x26a: {  	v25 =	vmul.f32 v25, v48;
	v48 =	vld [tilespmem:$0x1FA60]  }
0x26b: {  	v26 =	vadd.f32 v8, v39;
	v8 =	vshll.u32 v21, $0x10;
	v16 =	vld.idx.msk [tilespmem:v45+s17+$0x0], $0xffff  }
0x26c: {  	v45 =	vmul.f32 v8, v55;
	v8 =	vld.idx.msk [tilespmem:v1+s17+$0x0], $0xffff  }
0x26d: {  	v1 =	vld [tilespmem:$0x1FAA0];
	_ =	sdelay $0x3  }
0x26e: {  	v20 =	vmul.f32 v20, v53;
	v53 =	vshll.u32 v19, $0x10  }
0x26f: {  	v32 =	vmul.f32 v49, v32;
	v39 =	vld.idx.msk [tilespmem:v48+s17+$0x0], $0xffff;
	v49 =	vmul.f32 v53, v1  }
0x270: {  	v48 =	vld [tilespmem:$0x1FAD0]  }
0x271: {  	v41 =	vadd.f32 v0, v49;
	v49 =	vld [tilespmem:$0x1FAF0]  }
0x272: {  	v35 =	vmul.f32 v43, v35;
	v44 =	vmul.f32 v44, v33  }
0x273: {  	v23 =	vmul.f32 v50, v23;
	v24 =	vmul.f32 v38, v24  }
0x274: {  	v2 =	vadd.f32 v2, v44;
	v21 =	vmul.f32 v21, v55;
	v53 =	vshll.u32 v18, $0x10  }
0x275: {  	v55 =	vshll.u32 v11, $0x10;
	v26 =	vadd.f32 v26, v32;
	v32 =	vmul.f32 v53, v48  }
0x276: {  	v53 =	vmul.f32 v55, v49;
	v11 =	vmul.f32 v11, v49;
	v49 =	vld [tilespmem:$0x1FB10]  }
0x277: {  	v25 =	vadd.f32 v3, v25;
	v20 =	vadd.f32 v2, v20;
	v19 =	vmul.f32 v19, v1  }
0x278: {  	v38 =	vld [tilespmem:$0x1FB30];
	v5 =	vadd.f32 v5, v21;
	v18 =	vmul.f32 v18, v48;
	v55 =	vadd.f32 v26, v35  }
0x279: {  	v27 =	vmul.f32 v52, v27;
	v25 =	vadd.f32 v25, v45;
	v19 =	vadd.f32 v20, v19  }
0x27a: {  	v45 =	vshll.u32 v9, $0x10;
	v5 =	vadd.f32 v5, v18;
	v21 =	vadd.f32 v55, v23  }
0x27b: {  	v48 =	vld [tilespmem:$0x1FB00];
	v25 =	vadd.f32 v25, v32;
	v20 =	vadd.f32 v41, v53;
	v50 =	vmul.f32 v45, v49  }
0x27c: {  	v32 =	vshll.u32 v46, $0x10;
	v11 =	vadd.f32 v19, v11;
	v21 =	vadd.f32 v21, v24  }
0x27d: {  	v9 =	vmul.f32 v9, v49;
	v18 =	vadd.f32 v20, v50;
	v20 =	vmul.f32 v46, v38;
	v46 =	vld [tilespmem:$0x1FB50]  }
0x27e: {  	v44 =	vshll.u32 v29, $0x10  }
0x27f: {  	v49 =	vadd.f32 v21, v27;
	v27 =	vld [tilespmem:$0x1FB70];
	v9 =	vadd.f32 v11, v9;
	v11 =	vmul.f32 v32, v38  }
0x280: {  	v26 =	vmul.f32 v44, v48  }
0x281: {  	v44 =	vshll.u32 v4, $0x10;
	v53 =	vmul.f32 v29, v48;
	v11 =	vadd.f32 v18, v11  }
0x282: {  	v9 =	vadd.f32 v9, v20;
	v48 =	vmul.f32 v44, v46;
	v4 =	vmul.f32 v4, v46  }
0x283: {  	v52 =	vshll.u32 v7, $0x10  }
0x284: {  	v11 =	vadd.f32 v11, v48;
	v4 =	vadd.f32 v9, v4;
	v9 =	vmul.f32 v52, v27;
	_ =	sdelay $0x1  }
0x285: {  	v9 =	vadd.f32 v11, v9;
	v11 =	vld [tilespmem:$0x1FB90];
	_ =	sdelay $0x2  }
0x286: {  	v7 =	vmul.f32 v7, v27  }
0x287: {  	v32 =	vshll.u32 v56, $0x10  }
0x288: {  	v33 =	vld [tilespmem:$0x1FA20];
	v4 =	vadd.f32 v4, v7;
	v7 =	vmul.f32 v32, v11;
	v11 =	vmul.f32 v56, v11;
	_ =	sdelay $0x1  }
0x289: {  	v4 =	vadd.f32 v4, v11;
	v11 =	vld [tilespmem:$0x1FBB0];
	_ =	sdelay $0x3  }
0x28a: {  	v3 =	vld [tilespmem:$0x1FA80];
	v38 =	vshll.u32 v17, $0x10  }
0x28b: {  	v7 =	vadd.f32 v9, v7;
	v9 =	vmul.f32 v38, v11;
	v11 =	vmul.f32 v17, v11  }
0x28c: {  	v33 =	vld.idx.msk [tilespmem:v33+s17+$0x0], $0xffff  }
0x28d: {  	v4 =	vadd.f32 v4, v11;
	v11 =	vld [tilespmem:$0x1FBD0];
	_ =	sdelay $0x3  }
0x28e: {  	v35 =	vld [tilespmem:$0x1FB20];
	v44 =	vshll.u32 v33, $0x10  }
0x28f: {  	v3 =	vld.idx.msk [tilespmem:v3+s17+$0x0], $0xffff;
	v7 =	vadd.f32 v7, v9;
	v9 =	vmul.f32 v44, v11;
	v11 =	vmul.f32 v33, v11  }
0x290: {  	v1 =	vld [tilespmem:$0x1FAB0]  }
0x291: {  	v43 =	vshll.u32 v15, $0x10;
	v13 =	vmul.f32 v57, v13;
	v4 =	vadd.f32 v4, v11;
	v11 =	vld [tilespmem:$0x1FBF0]  }
0x292: {  	v55 =	vshll.u32 v36, $0x10;
	v25 =	vadd.f32 v25, v26;
	v29 =	vshll.u32 v61, $0x10;
	v45 =	vld [tilespmem:$0x1FB40]  }
0x293: {  	v5 =	vadd.f32 v5, v53;
	v53 =	vmul.f32 v37, v28;
	v23 =	vmul.f32 v55, v35;
	v55 =	vld [tilespmem:$0x1FB60]  }
0x294: {  	v37 =	vshll.u32 v47, $0x10;
	v41 =	vmul.f32 v36, v35;
	v35 =	vmul.f32 v42, v30;
	v36 =	vld [tilespmem:$0x1FB80]  }
0x295: {  	v42 =	vld [tilespmem:$0x1FBA0];
	v23 =	vadd.f32 v25, v23;
	v28 =	vadd.f32 v49, v53;
	v49 =	vshll.u32 v16, $0x10  }
0x296: {  	v7 =	vadd.f32 v7, v9;
	v9 =	vmul.f32 v49, v11;
	v11 =	vmul.f32 v16, v11  }
0x297: {  	v5 =	vadd.f32 v5, v41;
	v50 =	vshll.u32 v10, $0x10;
	v41 =	vmul.f32 v63, v31  }
0x298: {  	v24 =	vmul.f32 v43, v45;
	v15 =	vmul.f32 v15, v45;
	v4 =	vadd.f32 v4, v11;
	v11 =	vld [tilespmem:$0x1FC10]  }
0x299: {  	v0 =	vld [tilespmem:$0x1FAE0];
	v53 =	vshll.u32 v3, $0x10;
	v20 =	vmul.f32 v50, v55;
	v10 =	vmul.f32 v10, v55  }
0x29a: {  	v2 =	vld.idx.msk [tilespmem:v1+s17+$0x0], $0xffff;
	v18 =	vmul.f32 v29, v36;
	v19 =	vmul.f32 v37, v42;
	v5 =	vadd.f32 v5, v15  }
0x29b: {  	v1 =	vld [tilespmem:$0x1FAC0];
	v43 =	vshll.u32 v14, $0x10;
	v45 =	vmul.f32 v62, v34;
	v50 =	vmul.f32 v59, v51  }
0x29c: {  	v55 =	vmul.f32 v58, v40;
	v23 =	vadd.f32 v23, v24;
	v46 =	vld [tilespmem:$0x1FBC0];
	v5 =	vadd.f32 v5, v10  }
0x29d: {  	v10 =	vmul.f32 v61, v36;
	v7 =	vadd.f32 v7, v9;
	v9 =	vmul.f32 v53, v11  }
0x29e: {  	v51 =	vld [tilespmem:$0x1FBE0];
	v58 =	vshll.u32 v8, $0x10;
	v15 =	vadd.f32 v28, v35;
	v20 =	vadd.f32 v23, v20  }
0x29f: {  	v5 =	vadd.f32 v5, v10;
	v10 =	vmul.f32 v47, v42;
	v7 =	vadd.f32 v7, v9;
	v9 =	vld [tilespmem:$0x1FC30]  }
0x2a0: {  	v59 =	vshll.u32 v2, $0x10;
	v15 =	vadd.f32 v15, v41;
	v48 =	vshll.u32 v22, $0x10  }
0x2a1: {  	v18 =	vadd.f32 v20, v18;
	v5 =	vadd.f32 v5, v10;
	v10 =	vmul.f32 v14, v46;
	v56 =	vld [tilespmem:$0x1FC00]  }
0x2a2: {  	v0 =	vld.idx.msk [tilespmem:v0+s17+$0x0], $0xffff;
	v52 =	vshll.u32 v39, $0x10;
	v47 =	vadd.f32 v15, v45;
	v3 =	vmul.f32 v3, v11  }
0x2a3: {  	v61 =	vld [tilespmem:$0x1FC20];
	v18 =	vadd.f32 v18, v19;
	v5 =	vadd.f32 v5, v10;
	v17 =	vmul.f32 v43, v46  }
0x2a4: {  	v1 =	vld.idx.msk [tilespmem:v1+s17+$0x0], $0xffff;
	v10 =	vmul.f32 v22, v51;
	v3 =	vadd.f32 v4, v3;
	v4 =	vmul.f32 v59, v9  }
0x2a5: {  	v63 =	vld [tilespmem:$0x1FC40];
	v15 =	vmul.f32 v48, v51;
	v14 =	vadd.f32 v47, v50;
	v17 =	vadd.f32 v18, v17  }
0x2a6: {  	v5 =	vadd.f32 v5, v10;
	v10 =	vmul.f32 v39, v56;
	v4 =	vadd.f32 v7, v4;
	v7 =	vld [tilespmem:$0x1FC50]  }
0x2a7: {  	v62 =	vmul.f32 v54, v60;
	v15 =	vadd.f32 v17, v15;
	v16 =	vmul.f32 v52, v56  }
0x2a8: {  	v8 =	vmul.f32 v8, v61;
	v5 =	vadd.f32 v5, v10;
	v11 =	vadd.f32 v14, v55  }
0x2a9: {  	v10 =	vshll.u32 v1, $0x10;
	v15 =	vadd.f32 v15, v16;
	v2 =	vmul.f32 v2, v9  }
0x2aa: {  	v14 =	vmul.f32 v58, v61;
	v9 =	vadd.f32 v11, v13;
	v11 =	vshll.u32 v0, $0x10  }
0x2ab: {  	v1 =	vmul.f32 v1, v63;
	v2 =	vadd.f32 v3, v2;
	v3 =	vmul.f32 v11, v7  }
0x2ac: {  	v10 =	vmul.f32 v10, v63;
	v5 =	vadd.f32 v5, v8;
	v14 =	vadd.f32 v15, v14  }
0x2ad: {  	v0 =	vmul.f32 v0, v7;
	v7 =	vadd.f32 v9, v62;
	v11 =	vadd.f32 v4, v3;
	v4 =	vld [tilespmem:$0x1FC60]  }
0x2ae: {  	v9 =	vadd.f32 v14, v10;
	v10 =	vadd.f32 v5, v1;
	v1 =	vld [tilespmem:$0x1FC70];
	_ =	sdelay $0x1  }
0x2af: {  	v3 =	vmul.f32 v12, v6  }
0x2b0: {  	v5 =	vld [tilespmem:$0x1FCA0]  }
0x2b1: {  	v8 =	vadd.f32 v2, v0;
	v2 =	vadd.f32 v7, v3;
	v3 =	vld [tilespmem:$0x1FC90];
	(erf) = vpow2.f32 v4  }
0x2b2: {  	s14 =	sshll.u32 s14, $0x1;
	p0 =	slt.u32 s20, $0x7B0;
	(erf) = vpow2.f32 v1;
	v1 =	vld [tilespmem:$0x1FC80]  }
.Ltmp0:
0x2b3: {  	s14 =	sand.u32 $0x3FFFFF00, s14;
	s26 =	sshll.u32 s8, $0x1;
	(pc) =	sbr.rel @p0 .LBB2_3-.Ltmp0, $4  }
0x2b4: {  	s18 =	sor.u32 s18, s14;
	s16 =	sadd.s32 $0x12000, s24;
	s24 =	sand.u32 $0x3FFFFF00, s26  }
0x2b5: {  	s14 =	smov.u32 s11;
	s23 =	sadd.s32 $0x10000, s23;
	s15 =	sor.u32 s15, s24  }
0x2b6: {  	s11 =	smov.u32 s19;
	s8 =	smov.u32 s1;
	s1 =	smov.u32 s20;
	v0 =	vld [tilespmem:s23+$0x80];
	[tilespmem:s15+$0x12000] =	vst v9  }
0x2b7: {  	s19 =	sadd.s32 $0x12000, s15;
	s15 =	smov.u32 s9;
	s9 =	smov.u32 s22;
	[tilespmem:s18+$0x12000] =	vst v11;
	v3 =	vadd.f32 $1.000000000e+00, v3;
	(erf) = vrcp.f32 v5;
	v4 =	vadd.f32 $1.000000000e+00, v1;
	v1 =	vld [tilespmem:s23+$0x100]  }
0x2b8: {  	v6 =	vld [tilespmem:$0x1FCB0]  }
0x2b9: {  	v7 =	vld [tilespmem:$0x1FCC0]  }
0x2ba: {  	v9 =	vld [tilespmem:$0x1FCD0]  }
0x2bb: {  	v11 =	vld [tilespmem:$0x1FCE0]  }
0x2bc: {  	v63 =	vld [tilespmem:$0x1FCF0]  }
0x2bd: {  	(erf) = vrcp.f32 v4;
	v6 =	vadd.f32 $1.000000000e+00, v6  }
0x2be: {  	v5 =	vld [tilespmem:s23+$0x180];
	s17 =	sadd.s32 $0x10000, s21;
	(erf) = vrcp.f32 v3;
	v7 =	vadd.f32 $1.000000000e+00, v7  }
0x2bf: {  	s20 =	sadd.s32 $0x50, s10;
	v60 =	vld [tilespmem:s17+$0x80];
	v9 =	vadd.f32 $1.000000000e+00, v9;
	(erf) = vrcp.f32 v6  }
0x2c0: {  	v61 =	vld [tilespmem:s17+$0x100];
	s10 =	sshll.u32 s20, $0x2;
	v12 =	vpop (erf);
	v11 =	vadd.f32 $1.000000000e+00, v11;
	(erf) = vrcp.f32 v7  }
0x2c1: {  	v62 =	vld [tilespmem:s17+$0x180];
	s24 =	sand.u32 $0x70, s20;
	s10 =	sand.u32 $0x3FFFFE00, s10;
	[tilespmem:$0x1F4F0] =	vst v12;
	v13 =	vpop (erf);
	v7 =	vadd.f32 $1.000000000e+00, v63;
	(erf) = vrcp.f32 v9  }
0x2c2: {  	v0 =	vsub.f32 $0.0e+00, v0;
	s10 =	sor.u32 s24, s10;
	[tilespmem:$0x1F5A0] =	vst v13;
	(erf) = vrcp.f32 v11  }
0x2c3: {  	v1 =	vsub.f32 $0.0e+00, v1;
	s25 =	sadd.s32 $0x10000, s10;
	v19 =	vld [tilespmem:s10+$0x10000];
	(erf) = vrcp.f32 v7  }
0x2c4: {  	v0 =	vmul.f32 $1.442695020e+00, v0;
	v5 =	vsub.f32 $0.0e+00, v5;
	v21 =	vld [tilespmem:s25+$0x80]  }
0x2c5: {  	v1 =	vmul.f32 $1.442695020e+00, v1;
	v4 =	vsub.f32 $0.0e+00, v60;
	v16 =	vpop (erf);
	v9 =	vld [tilespmem:s25+$0x100]  }
0x2c6: {  	v12 =	vld [tilespmem:s25+$0x180];
	v3 =	vsub.f32 $0.0e+00, v61;
	v5 =	vmul.f32 $1.442695020e+00, v5;
	v17 =	vpop (erf);
	(erf) = vpow2.f32 v0  }
0x2c7: {  	v15 =	vsub.f32 $0.0e+00, v62;
	v14 =	vmul.f32 $1.442695020e+00, v4;
	v18 =	vpop (erf);
	(erf) = vpow2.f32 v1  }
0x2c8: {  	v3 =	vmul.f32 $1.442695020e+00, v3;
	v6 =	vsub.f32 $0.0e+00, v19;
	(erf) = vpow2.f32 v5;
	v20 =	vpop (erf)  }
0x2c9: {  	v4 =	vmul.f32 $1.442695020e+00, v15;
	v25 =	vsub.f32 $0.0e+00, v21;
	(erf) = vpow2.f32 v14;
	v22 =	vpop (erf)  }
0x2ca: {  	v6 =	vmul.f32 $1.442695020e+00, v6;
	v9 =	vsub.f32 $0.0e+00, v9;
	(erf) = vpow2.f32 v3;
	v23 =	vpop (erf)  }
0x2cb: {  	v42 =	vld [tilespmem:$0x1FFD0];
	v12 =	vsub.f32 $0.0e+00, v12;
	v0 =	vmul.f32 $1.442695020e+00, v25;
	(erf) = vpow2.f32 v4;
	v24 =	vpop (erf)  }
0x2cc: {  	v9 =	vmul.f32 $1.442695020e+00, v9;
	v14 =	vpop (erf);
	(erf) = vpow2.f32 v6  }
0x2cd: {  	v27 =	vmul.f32 $1.442695020e+00, v12;
	(erf) = vpow2.f32 v0  }
0x2ce: {  	(erf) = vpow2.f32 v9  }
0x2cf: {  	v28 =	vpop (erf);
	(erf) = vpow2.f32 v27  }
0x2d0: {  	v13 =	vmul.f32 v18, v42;
	v1 =	vmul.f32 v16, v42;
	v29 =	vpop (erf)  }
0x2d1: {  	v5 =	vmul.f32 v17, v42;
	v32 =	vpop (erf)  }
0x2d2: {  	v30 =	vtrunc.f32 v13;
	v26 =	vtrunc.f32 v1;
	v35 =	vpop (erf)  }
0x2d3: {  	v18 =	vcvt.f32.s32 v30;
	v14 =	vmul.f32 v14, v42;
	v37 =	vpop (erf)  }
0x2d4: {  	v16 =	vtrunc.f32 v5;
	v19 =	vcvt.f32.s32 v26;
	v38 =	vpop (erf)  }
0x2d5: {  	v3 =	vmul.f32 v20, v42;
	v17 =	vtrunc.f32 v14;
	v43 =	vpop (erf)  }
0x2d6: {  	v4 =	vmul.f32 v22, v42;
	v41 =	vcvt.f32.s32 v17;
	v17 =	vadd.f32 $1.000000000e+00, v43;
	v22 =	vpop (erf)  }
0x2d7: {  	v40 =	vcvt.f32.s32 v16;
	v20 =	vcvt.s32.f32 v19;
	v22 =	vadd.f32 $1.000000000e+00, v22;
	v25 =	vpop (erf)  }
0x2d8: {  	v11 =	vmul.f32 v23, v42;
	v25 =	vadd.f32 $1.000000000e+00, v25;
	(erf) = vrcp.f32 v17;
	v44 =	vpop (erf)  }
0x2d9: {  	v31 =	vtrunc.f32 v3;
	v17 =	vadd.f32 $1.000000000e+00, v44;
	(erf) = vrcp.f32 v22  }
0x2da: {  	v23 =	vcvt.s32.f32 v18;
	(erf) = vrcp.f32 v25  }
0x2db: {  	v18 =	vmul.u32 $0x9E3779B1, v18;
	v15 =	vmul.f32 v24, v42;
	(erf) = vrcp.f32 v17  }
0x2dc: {  	v26 =	vadd.s32 $0x1, v19;
	v33 =	vtrunc.f32 v4;
	v6 =	vcvt.f32.s32 v31  }
0x2dd: {  	v34 =	vtrunc.f32 v11;
	v55 =	vxor.u32 v26, v18;
	v36 =	vtrunc.f32 v15  }
0x2de: {  	v60 =	vxor.u32 v19, v18;
	v9 =	vcvt.f32.s32 v33;
	v0 =	vcvt.f32.s32 v34  }
0x2df: {  	[tilespmem:$0x1F5B0] =	vst v28;
	v24 =	vcvt.s32.f32 v6;
	v6 =	vmul.u32 $0x30025795, v6;
	v39 =	vcvt.f32.s32 v36  }
0x2e0: {  	[tilespmem:$0x1F5C0] =	vst v29;
	v36 =	vadd.s32 $0x9E3779B1, v18;
	v27 =	vcvt.s32.f32 v9;
	v28 =	vmul.u32 $0xDB06C2F5, v9  }
0x2e1: {  	v48 =	vadd.s32 $0x30025795, v6;
	v46 =	vcvt.s32.f32 v39;
	v29 =	vmul.u32 $0x30025795, v39;
	[tilespmem:$0x1F620] =	vst v37;
	v37 =	vpop (erf)  }
0x2e2: {  	v47 =	vcvt.s32.f32 v41;
	v16 =	vmul.u32 $0xDB06C2F5, v41;
	v30 =	vadd.s32 $0xDB06C2F5, v28;
	[tilespmem:$0x1F650] =	vst v38;
	v38 =	vpop (erf)  }
0x2e3: {  	v4 =	vsub.f32 v4, v27;
	v49 =	vadd.s32 $0x30025795, v29;
	v43 =	vmul.f32 v37, v42;
	v50 =	vpop (erf)  }
0x2e4: {  	v18 =	vxor.u32 v6, v30;
	v27 =	vmul.f32 v38, v42;
	v34 =	vmul.f32 v50, v42;
	v51 =	vpop (erf)  }
0x2e5: {  	v44 =	vxor.u32 v6, v28;
	v52 =	vtrunc.f32 v43;
	v6 =	vmul.f32 v51, v42  }
0x2e6: {  	v31 =	vadd.s32 $0xDB06C2F5, v16;
	v54 =	vtrunc.f32 v27;
	v56 =	vtrunc.f32 v34  }
0x2e7: {  	v39 =	vxor.u32 v29, v16;
	v57 =	vcvt.f32.s32 v54;
	v58 =	vtrunc.f32 v6  }
0x2e8: {  	v61 =	vxor.u32 v16, v49;
	v62 =	vcvt.f32.s32 v56;
	v63 =	vcvt.f32.s32 v58  }
0x2e9: {  	v41 =	vxor.u32 v49, v31;
	v49 =	vxor.u32 v19, v36;
	v7 =	vcvt.f32.s32 v52  }
0x2ea: {  	v12 =	vmul.u32 $0x9E3779B1, v57;
	v16 =	vmul.u32 $0x30025795, v62;
	v19 =	vmul.u32 $0xDB06C2F5, v63;
	_ =	sdelay $0x1  }
0x2eb: {  	v59 =	vxor.u32 v48, v30;
	v30 =	vxor.u32 v7, v12;
	v38 =	vxor.u32 v16, v19  }
0x2ec: {  	[tilespmem:$0x1F5F0] =	vst v32;
	v30 =	vand.u32 $0xFFFF, v30;
	v38 =	vand.u32 $0xFFFF, v38  }
0x2ed: {  	[tilespmem:$0x1F360] =	vst v39;
	v39 =	vxor.u32 v30, v38  }
0x2ee: {  	[tilespmem:$0x1F610] =	vst v35  }
0x2ef: {  	v9 =	vxor.u32 v26, v36;
	[tilespmem:$0x1F390] =	vst v61;
	v36 =	vcvt.s32.f32 v7  }
0x2f0: {  	v32 =	vsub.f32 v13, v23;
	v53 =	vxor.u32 v29, v31;
	[tilespmem:$0x1F370] =	vst v41;
	v37 =	vadd.s32 $0x1, v7  }
0x2f1: {  	s10 =	simm.s32 $0x0;
	[tilespmem:$0x1F380] =	vst v53;
	v25 =	vsub.f32 v43, v36;
	v13 =	vxor.u32 v37, v12;
	v43 =	vadd.s32 $0x9E3779B1, v12  }
0x2f2: {  	v23 =	vsub.f32 v14, v47;
	v50 =	vand.u32 $0xFFFF, v13;
	v14 =	vxor.u32 v7, v43;
	v7 =	vld.idx.msk [tilespmem:v39+s10+$0x0], $0xffff  }
0x2f3: {  	v36 =	vxor.u32 v50, v38;
	_ =	sdelay $0x3  }
0x2f4: {  	v21 =	vcvt.s32.f32 v40;
	v1 =	vsub.f32 v1, v20;
	[tilespmem:$0x1F3A0] =	vst v7  }
0x2f5: {  	v45 =	vcvt.s32.f32 v0;
	v41 =	vand.u32 $0xFFFF, v14;
	v22 =	vld.idx.msk [tilespmem:v36+s10+$0x0], $0xffff  }
0x2f6: {  	v5 =	vsub.f32 v5, v21;
	v33 =	vsub.f32 $1.000000000e+00, v1;
	v17 =	vxor.u32 v41, v38  }
0x2f7: {  	v3 =	vsub.f32 v3, v24;
	v35 =	vsub.f32 v11, v45  }
0x2f8: {  	v45 =	vxor.u32 v28, v48;
	v20 =	vsub.f32 v15, v46;
	v24 =	vcvt.s32.f32 v57  }
0x2f9: {  	v46 =	vsub.f32 $1.000000000e+00, v32;
	v11 =	vcvt.s32.f32 v62;
	v29 =	vcvt.s32.f32 v63  }
0x2fa: {  	v48 =	vmul.f32 v4, v3;
	v47 =	vsub.f32 v27, v24;
	v15 =	vxor.u32 v37, v43;
	[tilespmem:$0x1F3B0] =	vst v22  }
0x2fb: {  	v24 =	vsub.f32 v34, v11;
	v26 =	vsub.f32 v6, v29;
	v62 =	vand.u32 $0xFFFF, v15;
	v11 =	vld.idx.msk [tilespmem:v17+s10+$0x0], $0xffff  }
0x2fc: {  	v6 =	vsub.f32 $1.000000000e+00, v25;
	v34 =	vsub.f32 $1.000000000e+00, v47;
	v38 =	vxor.u32 v62, v38  }
0x2fd: {  	v61 =	vmul.f32 v46, v33;
	v29 =	vsub.f32 $1.000000000e+00, v24;
	v39 =	vsub.f32 $1.000000000e+00, v26  }
0x2fe: {  	v53 =	vsub.f32 $1.000000000e+00, v3;
	v54 =	vmul.f32 v32, v1;
	v56 =	vmul.f32 v32, v33  }
0x2ff: {  	v28 =	vadd.s32 $0x30025795, v16;
	v27 =	vmul.f32 v34, v6;
	v51 =	vmul.f32 v39, v29  }
0x300: {  	v33 =	vsub.f32 $1.000000000e+00, v4;
	v57 =	vmul.f32 v46, v1;
	v21 =	vxor.u32 v19, v28;
	[tilespmem:$0x1F3D0] =	vst v11  }
0x301: {  	v52 =	vand.u32 $0xFFFF, v21;
	v43 =	vmul.f32 v51, v27;
	v36 =	vmul.f32 v34, v25;
	v17 =	vld.idx.msk [tilespmem:v38+s10+$0x0], $0xffff  }
0x302: {  	v58 =	vmul.f32 v4, v53;
	v32 =	vxor.u32 v30, v52;
	v15 =	vshll.u32 v7, $0x10  }
0x303: {  	v0 =	vmul.u32 $0x9E3779B1, v0;
	v1 =	vmul.f32 v15, v43;
	v21 =	vmul.f32 v51, v36  }
0x304: {  	v12 =	vmul.f32 v33, v3;
	v46 =	vmul.f32 v47, v6;
	v22 =	vshll.u32 v22, $0x10  }
0x305: {  	v31 =	vmul.f32 v47, v25;
	v1 =	vadd.f32 $0.0e+00, v1;
	v25 =	vmul.f32 v22, v21;
	[tilespmem:$0x1F3C0] =	vst v21  }
0x306: {  	v37 =	vxor.u32 v50, v52;
	v63 =	vmul.f32 v39, v24;
	v38 =	vmul.f32 v51, v46;
	[tilespmem:$0x1F400] =	vst v17  }
0x307: {  	v1 =	vadd.f32 v1, v25;
	v39 =	vshll.u32 v11, $0x10;
	v51 =	vmul.f32 v51, v31;
	v34 =	vld.idx.msk [tilespmem:v32+s10+$0x0], $0xffff  }
0x308: {  	v21 =	vmul.f32 v33, v53;
	v33 =	vsub.f32 $1.000000000e+00, v35;
	v4 =	vmul.f32 v39, v38  }
0x309: {  	v6 =	vadd.s32 $0x9E3779B1, v0;
	v15 =	vxor.u32 v40, v0;
	v22 =	vmul.f32 v63, v27;
	[tilespmem:$0x1F3E0] =	vst v38  }
0x30a: {  	v53 =	vxor.u32 v40, v6;
	v14 =	vmul.f32 v33, v5;
	v1 =	vadd.f32 v1, v4;
	[tilespmem:$0x1F410] =	vst v51  }
0x30b: {  	v4 =	vmul.f32 v23, v20;
	v17 =	vshll.u32 v17, $0x10;
	[tilespmem:$0x1F440] =	vst v22;
	v32 =	vsub.f32 $1.000000000e+00, v5  }
0x30c: {  	v39 =	vadd.s32 $0x1, v40;
	v3 =	vmul.f32 v17, v51;
	v51 =	vmul.f32 v48, v56;
	[tilespmem:$0x1F430] =	vst v34  }
0x30d: {  	v17 =	vmul.f32 v33, v32;
	v33 =	vsub.f32 $1.000000000e+00, v23;
	v34 =	vshll.u32 v34, $0x10;
	v7 =	vld.idx.msk [tilespmem:v37+s10+$0x0], $0xffff  }
0x30e: {  	v37 =	vadd.f32 v1, v3;
	v38 =	vmul.f32 v34, v22;
	v22 =	vxor.u32 v39, v0  }
0x30f: {  	v34 =	vmul.f32 v63, v36;
	v1 =	vxor.u32 v39, v6;
	v6 =	vmul.f32 v33, v20  }
0x310: {  	v0 =	vand.u32 $0xFFFF, v49;
	v49 =	vmul.f32 v48, v54;
	[tilespmem:$0x1F670] =	vst v51;
	v25 =	vadd.f32 v37, v38  }
0x311: {  	[tilespmem:$0x1F470] =	vst v34;
	v37 =	vsub.f32 $1.000000000e+00, v20;
	v20 =	vand.u32 $0xFFFF, v55;
	v55 =	vmul.f32 v48, v57  }
0x312: {  	v13 =	vmul.f32 v35, v5;
	v47 =	vand.u32 $0xFFFF, v9;
	[tilespmem:$0x1F690] =	vst v49;
	v38 =	vshll.u32 v7, $0x10  }
0x313: {  	v11 =	vmul.f32 v35, v32;
	[tilespmem:$0x1F5E0] =	vst v55;
	v39 =	vmul.f32 v38, v34;
	v34 =	vand.u32 $0xFFFF, v59  }
0x314: {  	v5 =	vmul.f32 v23, v37;
	[tilespmem:$0x1F460] =	vst v7;
	v7 =	vmul.f32 v33, v37;
	v37 =	vxor.u32 v47, v34  }
0x315: {  	v35 =	vxor.u32 v41, v52;
	v59 =	vmul.f32 v48, v61;
	v38 =	vxor.u32 v0, v34;
	[tilespmem:$0x1F630] =	vst v37  }
0x316: {  	[tilespmem:$0x1F5D0] =	vst v38  }
0x317: {  	v23 =	vadd.f32 v25, v39;
	v25 =	vand.u32 $0xFFFF, v60;
	v39 =	vxor.u32 v20, v34;
	[tilespmem:$0x1F590] =	vst v59  }
0x318: {  	v18 =	vand.u32 $0xFFFF, v18;
	[tilespmem:$0x1F570] =	vst v39;
	v40 =	vxor.u32 v25, v34  }
0x319: {  	v9 =	vxor.u32 v47, v18;
	[tilespmem:$0x1F540] =	vst v40  }
0x31a: {  	v32 =	vxor.u32 v0, v18;
	v51 =	vld.idx.msk [tilespmem:v35+s10+$0x0], $0xffff;
	[tilespmem:$0x1F510] =	vst v9  }
0x31b: {  	v45 =	vand.u32 $0xFFFF, v45;
	v33 =	vxor.u32 v20, v18;
	[tilespmem:$0x1F4D0] =	vst v32  }
0x31c: {  	v19 =	vadd.s32 $0xDB06C2F5, v19;
	v37 =	vmul.f32 v58, v56;
	v34 =	vxor.u32 v25, v18;
	[tilespmem:$0x1F4B0] =	vst v33  }
0x31d: {  	v44 =	vand.u32 $0xFFFF, v44;
	v16 =	vxor.u32 v16, v19;
	v38 =	vmul.f32 v58, v57;
	[tilespmem:$0x1F490] =	vst v34  }
0x31e: {  	v16 =	vand.u32 $0xFFFF, v16;
	v15 =	vand.u32 $0xFFFF, v15;
	v60 =	vxor.u32 v62, v52;
	[tilespmem:$0x1F530] =	vst v37  }
0x31f: {  	v22 =	vand.u32 $0xFFFF, v22;
	v55 =	vmul.f32 v58, v61;
	v39 =	vxor.u32 v20, v45;
	[tilespmem:$0x1F500] =	vst v38  }
0x320: {  	v59 =	vmul.f32 v63, v46;
	v40 =	vxor.u32 v25, v45;
	v35 =	vmul.f32 v58, v54;
	[tilespmem:$0x1F420] =	vst v39  }
0x321: {  	v49 =	vxor.u32 v20, v44;
	[tilespmem:$0x1F3F0] =	vst v40;
	v38 =	vmul.f32 v63, v31;
	v63 =	vmul.f32 v26, v29;
	v29 =	vld [tilespmem:$0x1F370]  }
0x322: {  	v48 =	vxor.u32 v47, v45;
	v32 =	vxor.u32 v25, v44;
	v34 =	vmul.f32 v12, v56;
	v37 =	vld [tilespmem:$0x1F380];
	[tilespmem:$0x1F560] =	vst v35  }
0x323: {  	v39 =	vxor.u32 v47, v44;
	v47 =	vmul.f32 v12, v57;
	v25 =	vmul.f32 v21, v54;
	v52 =	vld.idx.msk [tilespmem:v60+s10+$0x0], $0xffff  }
0x324: {  	v33 =	vxor.u32 v0, v44;
	v44 =	vmul.f32 v21, v56;
	v56 =	vmul.f32 v21, v57  }
0x325: {  	v57 =	vmul.f32 v4, v14;
	v60 =	vxor.u32 v0, v45;
	v58 =	vshll.u32 v51, $0x10  }
0x326: {  	[tilespmem:$0x1F480] =	vst v48;
	v48 =	vmul.f32 v12, v61;
	v35 =	vand.u32 $0xFFFF, v29;
	v3 =	vmul.f32 v58, v59  }
0x327: {  	v40 =	vld [tilespmem:$0x1F390];
	v29 =	vand.u32 $0xFFFF, v37;
	v58 =	vmul.f32 v12, v54;
	v12 =	vmul.f32 v21, v61  }
0x328: {  	v61 =	vxor.u32 v28, v19;
	v9 =	vadd.f32 v23, v3;
	v23 =	vshll.u32 v52, $0x10  }
0x329: {  	[tilespmem:$0x1F450] =	vst v60;
	v21 =	vxor.u32 v30, v16;
	v18 =	vxor.u32 v22, v35;
	v54 =	vmul.f32 v23, v38  }
0x32a: {  	v19 =	vand.u32 $0xFFFF, v53;
	v20 =	vxor.u32 v15, v35;
	[tilespmem:$0x1F580] =	vst v18;
	v3 =	vmul.f32 v26, v24  }
0x32b: {  	[tilespmem:$0x1F550] =	vst v20;
	v26 =	vld [tilespmem:$0x1F360];
	v28 =	vadd.f32 v9, v54;
	v54 =	vand.u32 $0xFFFF, v1;
	v9 =	vxor.u32 v19, v35  }
0x32c: {  	v45 =	vand.u32 $0xFFFF, v40;
	v53 =	vmul.f32 v4, v11;
	v60 =	vxor.u32 v54, v35;
	[tilespmem:$0x1F600] =	vst v9  }
0x32d: {  	v40 =	vxor.u32 v19, v45;
	v23 =	vxor.u32 v54, v29;
	v35 =	vxor.u32 v50, v16;
	[tilespmem:$0x1F660] =	vst v60  }
0x32e: {  	v0 =	vand.u32 $0xFFFF, v61;
	v24 =	vxor.u32 v19, v29;
	v37 =	vld.idx.msk [tilespmem:v21+s10+$0x0], $0xffff;
	[tilespmem:$0x1F520] =	vst v23;
	v23 =	vxor.u32 v41, v16  }
0x32f: {  	v1 =	vxor.u32 v30, v0;
	v9 =	vxor.u32 v15, v29;
	v60 =	vxor.u32 v22, v29;
	[tilespmem:$0x1F4E0] =	vst v24  }
0x330: {  	v26 =	vand.u32 $0xFFFF, v26;
	v29 =	vxor.u32 v22, v45;
	[tilespmem:$0x1F4C0] =	vst v60;
	v21 =	vxor.u32 v15, v45  }
0x331: {  	[tilespmem:$0x1F4A0] =	vst v9;
	v60 =	vxor.u32 v54, v45;
	v16 =	vxor.u32 v62, v16;
	v45 =	vmul.f32 v4, v13  }
0x332: {  	v18 =	vxor.u32 v22, v26;
	v9 =	vxor.u32 v15, v26;
	v24 =	vmul.f32 v63, v27;
	v35 =	vld.idx.msk [tilespmem:v35+s10+$0x0], $0xffff  }
0x333: {  	v20 =	vxor.u32 v54, v26;
	v19 =	vxor.u32 v19, v26;
	v15 =	vshll.u32 v37, $0x10;
	v61 =	vld.idx.msk [tilespmem:v23+s10+$0x0], $0xffff;
	[tilespmem:$0x1F6A0] =	vst v45  }
0x334: {  	v26 =	vmul.f32 v5, v11;
	v54 =	vxor.u32 v50, v0;
	[tilespmem:$0x1F680] =	vst v53;
	v22 =	vmul.f32 v15, v24  }
0x335: {  	v50 =	vmul.f32 v5, v17;
	v41 =	vxor.u32 v41, v0;
	[tilespmem:$0x1F640] =	vst v57;
	v53 =	vmul.f32 v4, v17  }
0x336: {  	v57 =	vmul.f32 v5, v13;
	v23 =	vmul.f32 v63, v36;
	v30 =	vld.idx.msk [tilespmem:v16+s10+$0x0], $0xffff;
	v4 =	vadd.f32 v28, v22  }
0x337: {  	v22 =	vmul.f32 v5, v14;
	v15 =	vshll.u32 v35, $0x10;
	v28 =	vmul.f32 v63, v46  }
0x338: {  	v63 =	vmul.f32 v63, v31;
	v5 =	vmul.f32 v15, v23;
	v16 =	vshll.u32 v61, $0x10  }
0x339: {  	v62 =	vxor.u32 v62, v0;
	v45 =	vld.idx.msk [tilespmem:v1+s10+$0x0], $0xffff;
	v15 =	vmul.f32 v6, v14;
	v1 =	vmul.f32 v16, v28  }
0x33a: {  	v4 =	vadd.f32 v4, v5;
	v5 =	vld.idx.msk [tilespmem:v32+s10+$0x0], $0xffff;
	v16 =	vmul.f32 v6, v13;
	v32 =	vmul.f32 v6, v11  }
0x33b: {  	v54 =	vld.idx.msk [tilespmem:v54+s10+$0x0], $0xffff;
	v6 =	vmul.f32 v6, v17;
	v0 =	vshll.u32 v30, $0x10;
	v13 =	vmul.f32 v7, v13  }
0x33c: {  	v17 =	vmul.f32 v7, v17;
	v0 =	vmul.f32 v0, v63;
	v4 =	vadd.f32 v4, v1  }
0x33d: {  	v9 =	vld.idx.msk [tilespmem:v9+s10+$0x0], $0xffff;
	v1 =	vmul.f32 v3, v27;
	v27 =	vmul.f32 v7, v11  }
0x33e: {  	v11 =	vld.idx.msk [tilespmem:v41+s10+$0x0], $0xffff;
	v41 =	vshll.u32 v45, $0x10;
	v0 =	vadd.f32 v4, v0;
	v4 =	vmul.f32 v7, v14  }
0x33f: {  	v14 =	vmul.f32 v41, v1;
	v41 =	vld.idx.msk [tilespmem:v49+s10+$0x0], $0xffff;
	v7 =	vmul.f32 v3, v36  }
0x340: {  	v36 =	vld.idx.msk [tilespmem:v62+s10+$0x0], $0xffff;
	v62 =	vshll.u32 v54, $0x10;
	v49 =	vshll.u32 v5, $0x10  }
0x341: {  	v0 =	vadd.f32 v0, v14;
	v14 =	vmul.f32 v49, v12;
	v49 =	vmul.f32 v62, v7;
	_ =	sdelay $0x1  }
0x342: {  	v0 =	vadd.f32 v0, v49;
	v49 =	vld [tilespmem:$0x1F3A0];
	_ =	sdelay $0x1  }
0x343: {  	v46 =	vmul.f32 v3, v46;
	v62 =	vshll.u32 v9, $0x10;
	v12 =	vmul.f32 v5, v12  }
0x344: {  	v18 =	vld.idx.msk [tilespmem:v18+s10+$0x0], $0xffff;
	v9 =	vmul.f32 v9, v17;
	v62 =	vmul.f32 v62, v17;
	v5 =	vshll.u32 v11, $0x10  }
0x345: {  	v17 =	vmul.f32 v5, v46;
	v5 =	vmul.f32 v3, v31  }
0x346: {  	v31 =	vshll.u32 v41, $0x10;
	v43 =	vmul.f32 v49, v43;
	v49 =	vshll.u32 v36, $0x10  }
0x347: {  	v0 =	vadd.f32 v0, v17;
	v17 =	vld.idx.msk [tilespmem:v33+s10+$0x0], $0xffff;
	v3 =	vmul.f32 v31, v56;
	v31 =	vmul.f32 v49, v5  }
0x348: {  	v49 =	vadd.f32 $0.0e+00, v62;
	v62 =	vld [tilespmem:$0x1F3B0]  }
0x349: {  	v33 =	vmul.f32 v41, v56;
	v56 =	vshll.u32 v18, $0x10;
	v0 =	vadd.f32 v0, v31;
	v31 =	vld [tilespmem:$0x1F3C0]  }
0x34a: {  	v14 =	vadd.f32 $0.0e+00, v14;
	v41 =	vmul.f32 v56, v4  }
0x34b: {  	v19 =	vld.idx.msk [tilespmem:v19+s10+$0x0], $0xffff;
	v56 =	vadd.f32 $0.0e+00, v12  }
0x34c: {  	v4 =	vmul.f32 v18, v4;
	v3 =	vadd.f32 v14, v3;
	v14 =	vadd.f32 v49, v41;
	[tilespmem:$0x1F930] =	vst v0  }
0x34d: {  	v49 =	vshll.u32 v17, $0x10;
	v41 =	vmul.f32 v17, v44;
	v0 =	vadd.f32 v56, v33;
	v18 =	vld.idx.msk [tilespmem:v39+s10+$0x0], $0xffff  }
0x34e: {  	v56 =	vadd.f32 $0.0e+00, v43;
	v12 =	vmul.f32 v62, v31;
	v31 =	vmul.f32 v49, v44;
	v44 =	vld [tilespmem:$0x1F3D0]  }
0x34f: {  	v49 =	vld [tilespmem:$0x1F3E0]  }
0x350: {  	v12 =	vadd.f32 v56, v12;
	v56 =	vld [tilespmem:$0x1F3F0]  }
0x351: {  	v20 =	vld.idx.msk [tilespmem:v20+s10+$0x0], $0xffff;
	v62 =	vshll.u32 v19, $0x10  }
0x352: {  	v1 =	vmul.f32 v45, v1;
	v45 =	vld [tilespmem:$0x1F5F0];
	v43 =	vmul.f32 v62, v27  }
0x353: {  	v17 =	vld.idx.msk [tilespmem:v21+s10+$0x0], $0xffff  }
0x354: {  	v14 =	vadd.f32 v14, v43;
	v43 =	vld [tilespmem:$0x1F400]  }
0x355: {  	v19 =	vmul.f32 v19, v27;
	v27 =	vmul.f32 v44, v49;
	v49 =	vld [tilespmem:$0x1F420]  }
0x356: {  	v0 =	vadd.f32 v0, v41;
	v62 =	vshll.u32 v18, $0x10;
	v39 =	vshll.u32 v20, $0x10;
	v44 =	vld [tilespmem:$0x1F410]  }
0x357: {  	v3 =	vadd.f32 v3, v31;
	v31 =	vmul.f32 v62, v25;
	v41 =	vmul.f32 v39, v13;
	v62 =	vld.idx.msk [tilespmem:v29+s10+$0x0], $0xffff  }
0x358: {  	v33 =	vld.idx.msk [tilespmem:v56+s10+$0x0], $0xffff  }
0x359: {  	v56 =	vadd.f32 v14, v41;
	v41 =	vld [tilespmem:$0x1F450]  }
0x35a: {  	v39 =	vld [tilespmem:$0x1F440]  }
0x35b: {  	v9 =	vadd.f32 $0.0e+00, v9;
	v13 =	vmul.f32 v20, v13;
	v20 =	vmul.f32 v43, v44;
	v43 =	vld.idx.msk [tilespmem:v40+s10+$0x0], $0xffff  }
0x35c: {  	v40 =	vld [tilespmem:$0x1F490]  }
0x35d: {  	v4 =	vadd.f32 v9, v4;
	v18 =	vmul.f32 v18, v25;
	v29 =	vshll.u32 v17, $0x10;
	v21 =	vld.idx.msk [tilespmem:v49+s10+$0x0], $0xffff  }
0x35e: {  	v3 =	vadd.f32 v3, v31;
	v14 =	vmul.f32 v62, v15;
	v49 =	vshll.u32 v62, $0x10;
	v62 =	vld [tilespmem:$0x1F460]  }
0x35f: {  	v12 =	vadd.f32 v12, v27;
	v25 =	vshll.u32 v33, $0x10;
	v31 =	vmul.f32 v33, v48;
	v33 =	vld [tilespmem:$0x1F430]  }
0x360: {  	v4 =	vadd.f32 v4, v19;
	v19 =	vmul.f32 v29, v6;
	v27 =	vmul.f32 v25, v48;
	v25 =	vld [tilespmem:$0x1F480]  }
0x361: {  	v0 =	vadd.f32 v0, v18;
	v12 =	vadd.f32 v12, v20;
	v20 =	vld.idx.msk [tilespmem:v41+s10+$0x0], $0xffff  }
0x362: {  	v9 =	vadd.f32 v56, v19;
	v44 =	vshll.u32 v21, $0x10;
	v56 =	vmul.f32 v21, v47;
	v21 =	vld [tilespmem:$0x1F470]  }
0x363: {  	v6 =	vmul.f32 v17, v6;
	v18 =	vmul.f32 v43, v32;
	v3 =	vadd.f32 v3, v27;
	v27 =	vld.idx.msk [tilespmem:v60+s10+$0x0], $0xffff  }
0x364: {  	v0 =	vadd.f32 v0, v31;
	v17 =	vmul.f32 v33, v39;
	v33 =	vshll.u32 v43, $0x10;
	v43 =	vld [tilespmem:$0x1F4A0]  }
0x365: {  	v39 =	vmul.f32 v51, v59;
	v51 =	vmul.f32 v52, v38;
	v52 =	vld [tilespmem:$0x1F4B0]  }
0x366: {  	v19 =	vmul.f32 v49, v15;
	v0 =	vadd.f32 v0, v56;
	v56 =	vld [tilespmem:$0x1F4C0]  }
0x367: {  	v38 =	vld [tilespmem:$0x1F500]  }
0x368: {  	v9 =	vadd.f32 v9, v19;
	v48 =	vmul.f32 v44, v47;
	v19 =	vmul.f32 v33, v32;
	v32 =	vld [tilespmem:$0x1F4E0]  }
0x369: {  	v4 =	vadd.f32 v4, v13;
	v33 =	vld [tilespmem:$0x1F4F0]  }
0x36a: {  	v3 =	vadd.f32 v3, v48;
	v48 =	vshll.u32 v27, $0x10;
	v13 =	vmul.f32 v27, v16;
	v27 =	vld [tilespmem:$0x1F580]  }
0x36b: {  	v12 =	vadd.f32 v12, v17;
	v29 =	vshll.u32 v20, $0x10;
	v17 =	vld.idx.msk [tilespmem:v25+s10+$0x0], $0xffff  }
0x36c: {  	v31 =	vmul.f32 v29, v34;
	v34 =	vmul.f32 v20, v34;
	v20 =	vld.idx.msk [tilespmem:v40+s10+$0x0], $0xffff  }
0x36d: {  	v41 =	vadd.f32 v9, v19;
	v49 =	vmul.f32 v48, v16;
	v29 =	vld [tilespmem:$0x1F4D0]  }
0x36e: {  	v15 =	vmul.f32 v62, v21;
	v48 =	vld [tilespmem:$0x1F530]  }
0x36f: {  	v4 =	vadd.f32 v4, v6;
	v6 =	vadd.f32 v41, v49;
	v41 =	vld [tilespmem:$0x1F520]  }
0x370: {  	v12 =	vadd.f32 v12, v15;
	v49 =	vld [tilespmem:$0x1F540]  }
0x371: {  	v21 =	vadd.f32 $1.000000000e+00, v33;
	v33 =	vld [tilespmem:$0x1F590]  }
0x372: {  	v12 =	vadd.f32 v12, v39;
	v39 =	vld [tilespmem:$0x1F510]  }
0x373: {  	v9 =	vld.idx.msk [tilespmem:v43+s10+$0x0], $0xffff  }
0x374: {  	v7 =	vmul.f32 v54, v7;
	v16 =	vld.idx.msk [tilespmem:v52+s10+$0x0], $0xffff  }
0x375: {  	v11 =	vmul.f32 v11, v46;
	v4 =	vadd.f32 v4, v14;
	v3 =	vadd.f32 v3, v31;
	v14 =	vld.idx.msk [tilespmem:v56+s10+$0x0], $0xffff  }
0x376: {  	v44 =	vshll.u32 v17, $0x10;
	v17 =	vmul.f32 v17, v58;
	v12 =	vadd.f32 v12, v51;
	v51 =	vld [tilespmem:$0x1F550]  }
0x377: {  	v62 =	vmul.f32 v20, v55;
	v47 =	vmul.f32 v44, v58;
	v58 =	vshll.u32 v20, $0x10;
	v20 =	vld.idx.msk [tilespmem:v32+s10+$0x0], $0xffff  }
0x378: {  	v4 =	vadd.f32 v4, v18;
	v59 =	vmul.f32 v58, v55;
	v58 =	vmul.f32 v61, v28;
	v61 =	vld [tilespmem:$0x1F570]  }
0x379: {  	v5 =	vmul.f32 v36, v5;
	v31 =	vmul.f32 v37, v24;
	v3 =	vadd.f32 v3, v47;
	v19 =	vld.idx.msk [tilespmem:v29+s10+$0x0], $0xffff  }
0x37a: {  	v4 =	vadd.f32 v4, v13;
	v0 =	vadd.f32 v0, v34;
	(erf) = vrcp.f32 v21;
	v13 =	vld.idx.msk [tilespmem:v41+s10+$0x0], $0xffff  }
0x37b: {  	v12 =	vadd.f32 v12, v31;
	v47 =	vmul.f32 v35, v23;
	v3 =	vadd.f32 v3, v59;
	v59 =	vld [tilespmem:$0x1F560]  }
0x37c: {  	v32 =	vmul.f32 v30, v63;
	v0 =	vadd.f32 v0, v17;
	v60 =	vshll.u32 v9, $0x10;
	v41 =	vld [tilespmem:$0x1F5C0]  }
0x37d: {  	v9 =	vmul.f32 v9, v50;
	v34 =	vshll.u32 v16, $0x10;
	v12 =	vadd.f32 v12, v47;
	v47 =	vld [tilespmem:$0x1F600]  }
0x37e: {  	v37 =	vshll.u32 v14, $0x10;
	v0 =	vadd.f32 v0, v62;
	v16 =	vmul.f32 v16, v38;
	v24 =	vld.idx.msk [tilespmem:v39+s10+$0x0], $0xffff  }
0x37f: {  	v14 =	vmul.f32 v14, v22;
	v18 =	vmul.f32 v60, v50;
	v4 =	vadd.f32 v4, v9;
	v9 =	vld.idx.msk [tilespmem:v49+s10+$0x0], $0xffff  }
0x380: {  	v21 =	vadd.f32 $1.000000000e+00, v45;
	v17 =	vmul.f32 v34, v38;
	v40 =	vmul.f32 v37, v22;
	v39 =	vld [tilespmem:$0x1F5A0]  }
0x381: {  	v44 =	vshll.u32 v20, $0x10;
	v0 =	vadd.f32 v0, v16;
	v52 =	vmul.f32 v20, v26;
	v49 =	vld [tilespmem:$0x1F620]  }
0x382: {  	v6 =	vadd.f32 v6, v18;
	v3 =	vadd.f32 v3, v17;
	v50 =	vmul.f32 v44, v26;
	v18 =	vld.idx.msk [tilespmem:v27+s10+$0x0], $0xffff  }
0x383: {  	v12 =	vadd.f32 v12, v58;
	v44 =	vld [tilespmem:$0x1F5E0];
	v43 =	vshll.u32 v19, $0x10;
	v17 =	vmul.f32 v19, v48  }
0x384: {  	v58 =	vld [tilespmem:$0x1F670];
	v4 =	vadd.f32 v4, v14;
	v15 =	vmul.f32 v43, v48;
	v6 =	vadd.f32 v6, v40  }
0x385: {  	v16 =	vld.idx.msk [tilespmem:v51+s10+$0x0], $0xffff;
	v12 =	vadd.f32 v12, v32;
	v56 =	vshll.u32 v13, $0x10;
	v0 =	vadd.f32 v0, v17  }
0x386: {  	v51 =	vld [tilespmem:$0x1F640];
	v4 =	vadd.f32 v4, v52;
	v13 =	vmul.f32 v13, v57;
	v55 =	vshll.u32 v24, $0x10  }
0x387: {  	v40 =	vld [tilespmem:$0x1F5B0];
	v3 =	vadd.f32 v3, v15;
	v6 =	vadd.f32 v6, v50;
	v62 =	vmul.f32 v56, v57  }
0x388: {  	v43 =	vld [tilespmem:$0x1F5D0];
	v28 =	vmul.f32 v24, v59;
	v29 =	vshll.u32 v9, $0x10;
	v20 =	vadd.f32 $1.000000000e+00, v39  }
0x389: {  	v48 =	vld [tilespmem:$0x1F610];
	v9 =	vmul.f32 v9, v33;
	v15 =	vadd.f32 $1.000000000e+00, v41;
	v1 =	vadd.f32 v12, v1  }
0x38a: {  	s26 =	sadd.s32 $0x50, s6;
	v14 =	vld.idx.msk [tilespmem:v61+s10+$0x0], $0xffff;
	v60 =	vmul.f32 v55, v59;
	v34 =	vmul.f32 v29, v33;
	v4 =	vadd.f32 v4, v13  }
0x38b: {  	s22 =	sshll.u32 s26, $0x2;
	v52 =	vld [tilespmem:$0x1F650];
	v38 =	vshll.u32 v18, $0x10;
	v31 =	vshll.u32 v16, $0x10;
	v6 =	vadd.f32 v6, v62  }
0x38c: {  	s6 =	sand.u32 $0x70, s26;
	s22 =	sand.u32 $0x3FFFFE00, s22;
	v50 =	vld [tilespmem:$0x1F630];
	v0 =	vadd.f32 v0, v28;
	v16 =	vmul.f32 v16, v53;
	(erf) = vrcp.f32 v20  }
0x38d: {  	s22 =	sor.u32 s6, s22;
	v59 =	vld [tilespmem:$0x1F680];
	v19 =	vmul.f32 v38, v51;
	v55 =	vmul.f32 v18, v51;
	v1 =	vadd.f32 v1, v7  }
0x38e: {  	v33 =	vld [tilespmem:s22+$0x10000];
	s22 =	sadd.s32 $0x10000, s22;
	v3 =	vadd.f32 v3, v60;
	v35 =	vmul.f32 v31, v53;
	v22 =	vadd.f32 $1.000000000e+00, v40  }
0x38f: {  	v41 =	vld [tilespmem:s22+$0x80];
	v13 =	vadd.f32 $1.000000000e+00, v48;
	v37 =	vshll.u32 v14, $0x10;
	v0 =	vadd.f32 v0, v9  }
0x390: {  	v45 =	vld [tilespmem:s22+$0x180];
	v9 =	vadd.f32 $1.000000000e+00, v49;
	v4 =	vadd.f32 v4, v16;
	v14 =	vmul.f32 v14, v44  }
0x391: {  	v53 =	vld [tilespmem:$0x1F660];
	v1 =	vadd.f32 v1, v11;
	v3 =	vadd.f32 v3, v34;
	(erf) = vrcp.f32 v22  }
0x392: {  	v17 =	vmul.f32 v37, v44;
	v22 =	vld.idx.msk [tilespmem:v47+s10+$0x0], $0xffff;
	v6 =	vadd.f32 v6, v35;
	v60 =	vpop (erf);
	(erf) = vrcp.f32 v15  }
0x393: {  	v44 =	vld [tilespmem:s22+$0x100];
	v0 =	vadd.f32 v0, v14;
	v46 =	vmul.f32 v60, v42;
	v25 =	vsub.f32 $0.0e+00, v33  }
0x394: {  	v20 =	vld.idx.msk [tilespmem:v43+s10+$0x0], $0xffff;
	(erf) = vrcp.f32 v21;
	v21 =	vadd.f32 $1.000000000e+00, v52;
	v51 =	vsub.f32 $0.0e+00, v41  }
0x395: {  	v28 =	vsub.f32 $0.0e+00, v45;
	(erf) = vrcp.f32 v13;
	v52 =	vtrunc.f32 v46  }
0x396: {  	v4 =	vadd.f32 v4, v55;
	v25 =	vmul.f32 $1.442695020e+00, v25;
	(erf) = vrcp.f32 v9  }
0x397: {  	v31 =	vld [tilespmem:$0x1F690];
	v1 =	vadd.f32 v1, v5;
	v7 =	vmul.f32 $1.442695020e+00, v51;
	v55 =	vmul.f32 $1.442695020e+00, v28  }
0x398: {  	v15 =	vld.idx.msk [tilespmem:v50+s10+$0x0], $0xffff;
	(erf) = vrcp.f32 v21;
	v57 =	vshll.u32 v22, $0x10;
	v61 =	vmul.f32 v22, v59  }
0x399: {  	v27 =	vsub.f32 $0.0e+00, v44;
	v16 =	vmul.f32 v57, v59;
	v18 =	vmul.f32 v20, v58  }
0x39a: {  	v56 =	vshll.u32 v20, $0x10;
	v63 =	vpop (erf);
	(erf) = vpow2.f32 v25;
	v25 =	vcvt.f32.s32 v52  }
0x39b: {  	v34 =	vld [tilespmem:$0x1F6A0];
	v3 =	vadd.f32 v3, v17;
	v12 =	vmul.f32 v56, v58;
	v17 =	vmul.f32 v63, v42  }
0x39c: {  	v6 =	vadd.f32 v6, v19;
	v13 =	vld.idx.msk [tilespmem:v53+s10+$0x0], $0xffff;
	v54 =	vmul.f32 $1.442695020e+00, v27;
	(erf) = vpow2.f32 v7  }
0x39d: {  	v62 =	vshll.u32 v15, $0x10;
	v15 =	vmul.f32 v15, v31;
	v33 =	vcvt.s32.f32 v25  }
0x39e: {  	v4 =	vadd.f32 v4, v61;
	v21 =	vmul.f32 v62, v31;
	v32 =	vpop (erf);
	(erf) = vpow2.f32 v54  }
0x39f: {  	v6 =	vadd.f32 v6, v16;
	v53 =	vtrunc.f32 v17;
	v40 =	vpop (erf);
	(erf) = vpow2.f32 v55  }
0x3a0: {  	v0 =	vadd.f32 v0, v18;
	v24 =	vmul.f32 v32, v42;
	v39 =	vcvt.f32.s32 v53  }
0x3a1: {  	v30 =	vshll.u32 v13, $0x10;
	v13 =	vmul.f32 v13, v34;
	v43 =	vpop (erf);
	v23 =	vmul.f32 v40, v42  }
0x3a2: {  	v26 =	vadd.s32 $0x1, v25;
	v35 =	vmul.f32 v30, v34;
	v47 =	vpop (erf);
	v14 =	vmul.f32 v43, v42  }
0x3a3: {  	v3 =	vadd.f32 v3, v12;
	v56 =	vtrunc.f32 v24;
	v34 =	vcvt.s32.f32 v39;
	v48 =	vpop (erf)  }
0x3a4: {  	v0 =	vadd.f32 v0, v15;
	v22 =	vmul.f32 v47, v42;
	v57 =	vtrunc.f32 v23;
	v49 =	vpop (erf)  }
0x3a5: {  	v3 =	vadd.f32 v3, v21;
	v11 =	vcvt.f32.s32 v56;
	v50 =	vmul.f32 v48, v42;
	v32 =	vpop (erf)  }
0x3a6: {  	v58 =	vtrunc.f32 v14;
	v6 =	vadd.f32 v6, v35;
	v5 =	vadd.f32 $1.000000000e+00, v32;
	v35 =	vpop (erf)  }
0x3a7: {  	v12 =	vcvt.f32.s32 v57;
	v29 =	vmul.f32 v49, v42;
	v15 =	vadd.f32 $1.000000000e+00, v35;
	v38 =	vpop (erf)  }
0x3a8: {  	v59 =	vtrunc.f32 v22;
	(erf) = vrcp.f32 v5;
	v19 =	vadd.f32 $1.000000000e+00, v38;
	v40 =	vpop (erf)  }
0x3a9: {  	[tilespmem:$0x1F950] =	vst v3;
	v3 =	vcvt.f32.s32 v58;
	(erf) = vrcp.f32 v15;
	v5 =	vadd.f32 $1.000000000e+00, v40  }
0x3aa: {  	v27 =	vsub.f32 v46, v33;
	v36 =	vcvt.s32.f32 v11;
	(erf) = vrcp.f32 v19  }
0x3ab: {  	v62 =	vadd.f32 v4, v13;
	v60 =	vtrunc.f32 v50;
	(erf) = vrcp.f32 v5  }
0x3ac: {  	[tilespmem:$0x1F980] =	vst v0;
	v11 =	vmul.u32 $0x9E3779B1, v11;
	v0 =	vcvt.f32.s32 v59;
	v37 =	vcvt.s32.f32 v12  }
0x3ad: {  	v12 =	vmul.u32 $0x30025795, v12;
	v61 =	vtrunc.f32 v29;
	v63 =	vcvt.f32.s32 v60  }
0x3ae: {  	v41 =	vcvt.s32.f32 v3;
	v3 =	vmul.u32 $0xDB06C2F5, v3;
	v31 =	vcvt.f32.s32 v61  }
0x3af: {  	v56 =	vadd.s32 $0x9E3779B1, v11;
	v18 =	vxor.u32 v26, v11;
	v54 =	vadd.s32 $0x30025795, v12  }
0x3b0: {  	[tilespmem:$0x1F9C0] =	vst v1;
	v44 =	vcvt.s32.f32 v63;
	v1 =	vmul.u32 $0x30025795, v63;
	v4 =	vmul.u32 $0xDB06C2F5, v31  }
0x3b1: {  	v46 =	vadd.s32 $0xDB06C2F5, v3;
	v60 =	vxor.u32 v12, v3;
	v45 =	vcvt.s32.f32 v31;
	v57 =	vpop (erf)  }
0x3b2: {  	v31 =	vsub.f32 v17, v34;
	v55 =	vadd.s32 $0x30025795, v1;
	v47 =	vadd.s32 $0xDB06C2F5, v4;
	v58 =	vpop (erf)  }
0x3b3: {  	[tilespmem:$0x1F9A0] =	vst v62;
	v59 =	vxor.u32 v1, v4;
	v1 =	vxor.u32 v1, v47;
	v19 =	vmul.f32 v58, v42;
	v62 =	vpop (erf)  }
0x3b4: {  	v34 =	vsub.f32 v23, v37;
	[tilespmem:$0x1F6D0] =	vst v1;
	v5 =	vmul.f32 v57, v42;
	v63 =	vpop (erf);
	v1 =	vmul.f32 v62, v42  }
0x3b5: {  	v23 =	vxor.u32 v25, v11;
	v49 =	vtrunc.f32 v19;
	v11 =	vmul.f32 v63, v42  }
0x3b6: {  	[tilespmem:$0x1F970] =	vst v6;
	v51 =	vxor.u32 v54, v46;
	v48 =	vtrunc.f32 v5;
	v6 =	vcvt.f32.s32 v49  }
0x3b7: {  	v21 =	vsub.f32 v50, v44;
	v50 =	vtrunc.f32 v1;
	v52 =	vtrunc.f32 v11  }
0x3b8: {  	v42 =	vxor.u32 v3, v54;
	v53 =	vcvt.f32.s32 v50;
	v54 =	vcvt.f32.s32 v52  }
0x3b9: {  	v4 =	vxor.u32 v4, v55;
	v61 =	vxor.u32 v55, v47;
	v3 =	vcvt.f32.s32 v48  }
0x3ba: {  	v55 =	vmul.u32 $0x9E3779B1, v6;
	v15 =	vmul.u32 $0x30025795, v53;
	v16 =	vmul.u32 $0xDB06C2F5, v54  }
0x3bb: {  	[tilespmem:$0x1F6B0] =	vst v59  }
0x3bc: {  	[tilespmem:$0x1F6C0] =	vst v61;
	v59 =	vxor.u32 v3, v55;
	v61 =	vxor.u32 v15, v16  }
0x3bd: {  	v24 =	vsub.f32 v24, v36;
	[tilespmem:$0x1F6E0] =	vst v4;
	v4 =	vand.u32 $0xFFFF, v59;
	v36 =	vand.u32 $0xFFFF, v61  }
0x3be: {  	v9 =	vxor.u32 v4, v36;
	_ =	sdelay $0x2  }
0x3bf: {  	v58 =	vadd.s32 $0x1, v3  }
0x3c0: {  	v57 =	vcvt.s32.f32 v6;
	v6 =	vxor.u32 v58, v55  }
0x3c1: {  	v49 =	vand.u32 $0xFFFF, v6;
	v9 =	vld.idx.msk [tilespmem:v9+s10+$0x0], $0xffff  }
0x3c2: {  	v43 =	vcvt.s32.f32 v0;
	v32 =	vxor.u32 v49, v36;
	_ =	sdelay $0x1  }
0x3c3: {  	v37 =	vsub.f32 v14, v41;
	v38 =	vsub.f32 v22, v43;
	v14 =	vxor.u32 v12, v46  }
0x3c4: {  	v46 =	vxor.u32 v26, v56;
	v30 =	vsub.f32 v29, v45;
	v29 =	vadd.s32 $0x9E3779B1, v55  }
0x3c5: {  	v63 =	vxor.u32 v25, v56;
	v56 =	vcvt.s32.f32 v3;
	v3 =	vxor.u32 v3, v29;
	[tilespmem:$0x1F6F0] =	vst v9  }
0x3c6: {  	v25 =	vcvt.s32.f32 v53;
	v62 =	vcvt.s32.f32 v54;
	v52 =	vand.u32 $0xFFFF, v3;
	v20 =	vld.idx.msk [tilespmem:v32+s10+$0x0], $0xffff  }
0x3c7: {  	v5 =	vsub.f32 v5, v56;
	v45 =	vsub.f32 v19, v57;
	v12 =	vxor.u32 v52, v36  }
0x3c8: {  	v19 =	vsub.f32 v1, v25;
	v22 =	vsub.f32 v11, v62  }
0x3c9: {  	v1 =	vsub.f32 $1.000000000e+00, v5;
	v44 =	vsub.f32 $1.000000000e+00, v45  }
0x3ca: {  	v50 =	vsub.f32 $1.000000000e+00, v19;
	v3 =	vsub.f32 $1.000000000e+00, v22  }
0x3cb: {  	v11 =	vxor.u32 v58, v29;
	[tilespmem:$0x1F710] =	vst v20  }
0x3cc: {  	v62 =	vand.u32 $0xFFFF, v11;
	v33 =	vmul.f32 v44, v1;
	v54 =	vmul.f32 v3, v50;
	v11 =	vld.idx.msk [tilespmem:v12+s10+$0x0], $0xffff  }
0x3cd: {  	v17 =	vxor.u32 v62, v36  }
0x3ce: {  	v32 =	vmul.f32 v44, v5;
	v44 =	vmul.f32 v54, v33;
	_ =	sdelay $0x1  }
0x3cf: {  	v43 =	vadd.s32 $0x30025795, v15;
	[tilespmem:$0x1F700] =	vst v44  }
0x3d0: {  	v13 =	vxor.u32 v16, v43;
	[tilespmem:$0x1F720] =	vst v11  }
0x3d1: {  	v28 =	vsub.f32 $1.000000000e+00, v27;
	v53 =	vand.u32 $0xFFFF, v13;
	v17 =	vld.idx.msk [tilespmem:v17+s10+$0x0], $0xffff  }
0x3d2: {  	v0 =	vmul.u32 $0x9E3779B1, v0;
	v57 =	vsub.f32 $1.000000000e+00, v34;
	v36 =	vxor.u32 v4, v53  }
0x3d3: {  	v7 =	vmul.f32 v24, v27;
	v47 =	vmul.f32 v37, v34;
	v61 =	vsub.f32 $1.000000000e+00, v24  }
0x3d4: {  	v48 =	vmul.f32 v37, v57;
	v41 =	vmul.f32 v45, v1;
	v13 =	vsub.f32 $1.000000000e+00, v37  }
0x3d5: {  	v56 =	vmul.f32 v61, v27;
	v59 =	vmul.f32 v61, v28;
	v61 =	vshll.u32 v9, $0x10  }
0x3d6: {  	v18 =	vand.u32 $0xFFFF, v18;
	v1 =	vmul.f32 v61, v44;
	v61 =	vmul.f32 v45, v5;
	[tilespmem:$0x1F740] =	vst v17  }
0x3d7: {  	v34 =	vmul.f32 v13, v34;
	v35 =	vshll.u32 v20, $0x10;
	v20 =	vmul.f32 v3, v19;
	v36 =	vld.idx.msk [tilespmem:v36+s10+$0x0], $0xffff  }
0x3d8: {  	v26 =	vxor.u32 v49, v53;
	v40 =	vmul.f32 v54, v32;
	v55 =	vmul.f32 v54, v61  }
0x3d9: {  	v23 =	vand.u32 $0xFFFF, v23;
	v57 =	vmul.f32 v13, v57;
	v13 =	vmul.f32 v20, v33  }
0x3da: {  	v45 =	vmul.f32 v54, v41;
	v1 =	vadd.f32 $0.0e+00, v1;
	v5 =	vmul.f32 v35, v40;
	[tilespmem:$0x1F750] =	vst v55  }
0x3db: {  	v24 =	vmul.f32 v24, v28;
	v37 =	vsub.f32 $1.000000000e+00, v31;
	v44 =	vshll.u32 v11, $0x10;
	[tilespmem:$0x1F780] =	vst v13  }
0x3dc: {  	v27 =	vmul.f32 v38, v31;
	v1 =	vadd.f32 v1, v5;
	v3 =	vmul.f32 v44, v45;
	[tilespmem:$0x1F770] =	vst v36  }
0x3dd: {  	v35 =	vsub.f32 $1.000000000e+00, v21;
	v44 =	vsub.f32 $1.000000000e+00, v38;
	v9 =	vshll.u32 v17, $0x10;
	v17 =	vld.idx.msk [tilespmem:v26+s10+$0x0], $0xffff  }
0x3de: {  	v29 =	vmul.f32 v20, v32;
	v1 =	vadd.f32 v1, v3;
	v12 =	vmul.f32 v9, v55  }
0x3df: {  	v28 =	vmul.f32 v44, v37;
	v55 =	vmul.f32 v47, v7;
	v58 =	vshll.u32 v36, $0x10  }
0x3e0: {  	v6 =	vadd.f32 v1, v12;
	v12 =	vadd.s32 $0x1, v39;
	v54 =	vmul.f32 v58, v13  }
0x3e1: {  	v25 =	vxor.u32 v12, v0;
	v58 =	vmul.f32 v44, v31;
	v13 =	vadd.s32 $0x9E3779B1, v0  }
0x3e2: {  	v44 =	vxor.u32 v39, v0;
	v31 =	vadd.f32 v6, v54;
	v5 =	vshll.u32 v17, $0x10  }
0x3e3: {  	[tilespmem:$0x1F7B0] =	vst v29;
	v54 =	vand.u32 $0xFFFF, v46;
	v6 =	vmul.f32 v5, v29;
	v29 =	vsub.f32 $1.000000000e+00, v30  }
0x3e4: {  	[tilespmem:$0x1F7A0] =	vst v17;
	v17 =	vxor.u32 v12, v13;
	v13 =	vxor.u32 v39, v13;
	v5 =	vmul.f32 v47, v56  }
0x3e5: {  	[tilespmem:$0x1F990] =	vst v55;
	v39 =	vmul.f32 v30, v35;
	v12 =	vmul.f32 v29, v35;
	v35 =	vand.u32 $0xFFFF, v51  }
0x3e6: {  	v63 =	vand.u32 $0xFFFF, v63;
	v1 =	vmul.f32 v30, v21;
	[tilespmem:$0x1F900] =	vst v5;
	v36 =	vxor.u32 v54, v35  }
0x3e7: {  	v26 =	vmul.f32 v38, v37;
	v30 =	vxor.u32 v52, v53;
	v37 =	vxor.u32 v63, v35;
	[tilespmem:$0x1F910] =	vst v36  }
0x3e8: {  	v11 =	vmul.f32 v29, v21;
	v21 =	vadd.f32 v31, v6;
	v46 =	vxor.u32 v18, v35;
	[tilespmem:$0x1F8E0] =	vst v37  }
0x3e9: {  	v31 =	vand.u32 $0xFFFF, v60;
	v60 =	vmul.f32 v47, v24;
	v51 =	vxor.u32 v23, v35;
	[tilespmem:$0x1F8B0] =	vst v46  }
0x3ea: {  	v6 =	vmul.f32 v47, v59;
	[tilespmem:$0x1F880] =	vst v51  }
0x3eb: {  	v14 =	vand.u32 $0xFFFF, v14;
	[tilespmem:$0x1F940] =	vst v60  }
0x3ec: {  	v29 =	vxor.u32 v54, v14;
	[tilespmem:$0x1F8D0] =	vst v6  }
0x3ed: {  	v35 =	vxor.u32 v18, v14;
	v47 =	vld.idx.msk [tilespmem:v30+s10+$0x0], $0xffff;
	[tilespmem:$0x1F850] =	vst v29  }
0x3ee: {  	v38 =	vmul.f32 v48, v24;
	v36 =	vxor.u32 v23, v14;
	[tilespmem:$0x1F7F0] =	vst v35  }
0x3ef: {  	v42 =	vand.u32 $0xFFFF, v42;
	[tilespmem:$0x1F7D0] =	vst v36  }
0x3f0: {  	v51 =	vxor.u32 v18, v42;
	[tilespmem:$0x1F870] =	vst v38  }
0x3f1: {  	v9 =	vxor.u32 v62, v53;
	v53 =	vxor.u32 v23, v42;
	[tilespmem:$0x1F760] =	vst v51  }
0x3f2: {  	v37 =	vmul.f32 v48, v7;
	v30 =	vxor.u32 v63, v14;
	[tilespmem:$0x1F730] =	vst v53  }
0x3f3: {  	v16 =	vadd.s32 $0xDB06C2F5, v16;
	v46 =	vmul.f32 v48, v56;
	[tilespmem:$0x1F820] =	vst v30  }
0x3f4: {  	v15 =	vxor.u32 v15, v16;
	v16 =	vxor.u32 v43, v16;
	v48 =	vmul.f32 v48, v59;
	[tilespmem:$0x1F8A0] =	vst v37  }
0x3f5: {  	v3 =	vmul.f32 v22, v50;
	v55 =	vmul.f32 v20, v41;
	v0 =	vand.u32 $0xFFFF, v16;
	v53 =	vld [tilespmem:$0x1F6D0];
	[tilespmem:$0x1F840] =	vst v46  }
0x3f6: {  	v17 =	vand.u32 $0xFFFF, v17;
	v60 =	vxor.u32 v54, v42;
	v6 =	vxor.u32 v63, v42;
	[tilespmem:$0x1F810] =	vst v48;
	v46 =	vld [tilespmem:$0x1F6C0]  }
0x3f7: {  	v42 =	vxor.u32 v54, v31;
	v54 =	vmul.f32 v34, v7;
	v35 =	vxor.u32 v18, v31;
	v48 =	vld.idx.msk [tilespmem:v9+s10+$0x0], $0xffff  }
0x3f8: {  	v29 =	vxor.u32 v23, v31;
	v23 =	vxor.u32 v63, v31;
	v63 =	vmul.f32 v34, v24  }
0x3f9: {  	v31 =	vmul.f32 v34, v59;
	v38 =	vmul.f32 v20, v61;
	v5 =	vshll.u32 v47, $0x10  }
0x3fa: {  	v13 =	vand.u32 $0xFFFF, v13;
	v51 =	vmul.f32 v57, v56;
	v18 =	vmul.f32 v5, v55  }
0x3fb: {  	v59 =	vmul.f32 v57, v59;
	[tilespmem:$0x1F7C0] =	vst v60;
	v60 =	vand.u32 $0xFFFF, v53;
	v50 =	vand.u32 $0xFFFF, v46  }
0x3fc: {  	v46 =	vxor.u32 v13, v60;
	v36 =	vshll.u32 v48, $0x10;
	v9 =	vadd.f32 v21, v18  }
0x3fd: {  	v21 =	vmul.f32 v34, v56;
	v56 =	vand.u32 $0xFFFF, v15;
	v15 =	vand.u32 $0xFFFF, v44;
	v44 =	vld [tilespmem:$0x1F6B0]  }
0x3fe: {  	[tilespmem:$0x1F790] =	vst v6;
	v5 =	vld [tilespmem:$0x1F6E0];
	v30 =	vxor.u32 v17, v50;
	v34 =	vmul.f32 v57, v7;
	v20 =	vxor.u32 v4, v56  }
0x3ff: {  	v18 =	vmul.f32 v57, v24;
	v37 =	vmul.f32 v36, v38;
	[tilespmem:$0x1F920] =	vst v30;
	v36 =	vxor.u32 v13, v50  }
0x400: {  	v7 =	vand.u32 $0xFFFF, v25;
	[tilespmem:$0x1F8F0] =	vst v36;
	v43 =	vxor.u32 v15, v50;
	v30 =	vxor.u32 v49, v56  }
0x401: {  	v53 =	vxor.u32 v15, v60;
	v57 =	vadd.f32 v9, v37;
	v37 =	vxor.u32 v7, v50;
	[tilespmem:$0x1F890] =	vst v43  }
0x402: {  	v9 =	vmul.f32 v22, v19;
	[tilespmem:$0x1F8C0] =	vst v37;
	v19 =	vand.u32 $0xFFFF, v44;
	v44 =	vxor.u32 v17, v60  }
0x403: {  	v50 =	vxor.u32 v7, v60;
	v6 =	vand.u32 $0xFFFF, v5;
	v60 =	vxor.u32 v52, v56;
	v36 =	vld.idx.msk [tilespmem:v20+s10+$0x0], $0xffff;
	[tilespmem:$0x1F860] =	vst v44  }
0x404: {  	v25 =	vxor.u32 v4, v0;
	v22 =	vmul.f32 v3, v33;
	v37 =	vxor.u32 v7, v6;
	[tilespmem:$0x1F830] =	vst v46  }
0x405: {  	v43 =	vxor.u32 v13, v6;
	[tilespmem:$0x1F800] =	vst v50;
	v50 =	vxor.u32 v7, v19;
	v46 =	vxor.u32 v15, v19  }
0x406: {  	[tilespmem:$0x1F7E0] =	vst v53;
	v20 =	vxor.u32 v15, v6;
	v53 =	vxor.u32 v17, v6;
	v7 =	vxor.u32 v62, v56  }
0x407: {  	v15 =	vxor.u32 v17, v19;
	v56 =	vmul.f32 v1, v27;
	v14 =	vxor.u32 v13, v19;
	v24 =	vld.idx.msk [tilespmem:v30+s10+$0x0], $0xffff  }
0x408: {  	v19 =	vmul.f32 v39, v26;
	v44 =	vld.idx.msk [tilespmem:v60+s10+$0x0], $0xffff;
	v60 =	vmul.f32 v1, v26;
	v6 =	vshll.u32 v36, $0x10  }
0x409: {  	v17 =	vmul.f32 v39, v58;
	[tilespmem:$0x1F9B0] =	vst v56;
	v16 =	vmul.f32 v6, v22  }
0x40a: {  	v62 =	vxor.u32 v62, v0;
	v30 =	vmul.f32 v1, v28;
	v56 =	vmul.f32 v39, v27;
	[tilespmem:$0x1F960] =	vst v60  }
0x40b: {  	v6 =	vxor.u32 v49, v0;
	v49 =	vmul.f32 v3, v32;
	v5 =	vadd.f32 v57, v16;
	v57 =	vld.idx.msk [tilespmem:v7+s10+$0x0], $0xffff  }
0x40c: {  	v60 =	vmul.f32 v1, v58;
	v13 =	vshll.u32 v24, $0x10;
	v16 =	vmul.f32 v39, v28  }
0x40d: {  	v39 =	vmul.f32 v3, v41;
	v7 =	vxor.u32 v52, v0;
	v52 =	vld.idx.msk [tilespmem:v25+s10+$0x0], $0xffff;
	v1 =	vmul.f32 v13, v49  }
0x40e: {  	v25 =	vmul.f32 v3, v61;
	v3 =	vld.idx.msk [tilespmem:v29+s10+$0x0], $0xffff;
	v29 =	vmul.f32 v11, v27;
	v13 =	vshll.u32 v44, $0x10  }
0x40f: {  	v27 =	vmul.f32 v12, v27;
	v4 =	vmul.f32 v13, v39;
	v1 =	vadd.f32 v5, v1  }
0x410: {  	v41 =	vmul.f32 v9, v41;
	v5 =	vmul.f32 v11, v26;
	v6 =	vld.idx.msk [tilespmem:v6+s10+$0x0], $0xffff;
	v0 =	vshll.u32 v57, $0x10  }
0x411: {  	v1 =	vadd.f32 v1, v4;
	v4 =	vld.idx.msk [tilespmem:v46+s10+$0x0], $0xffff;
	v46 =	vmul.f32 v0, v25;
	v0 =	vmul.f32 v9, v33  }
0x412: {  	v13 =	vmul.f32 v11, v58;
	v11 =	vmul.f32 v11, v28;
	v33 =	vld.idx.msk [tilespmem:v7+s10+$0x0], $0xffff;
	v7 =	vshll.u32 v52, $0x10  }
0x413: {  	v26 =	vmul.f32 v12, v26;
	v1 =	vadd.f32 v1, v46;
	v7 =	vmul.f32 v7, v0  }
0x414: {  	v46 =	vmul.f32 v12, v58;
	v58 =	vmul.f32 v9, v32  }
0x415: {  	v12 =	vmul.f32 v12, v28;
	v1 =	vadd.f32 v1, v7;
	v7 =	vld.idx.msk [tilespmem:v62+s10+$0x0], $0xffff;
	v62 =	vshll.u32 v6, $0x10  }
0x416: {  	v28 =	vld.idx.msk [tilespmem:v35+s10+$0x0], $0xffff;
	v32 =	vshll.u32 v3, $0x10;
	v3 =	vmul.f32 v3, v59;
	v35 =	vmul.f32 v62, v58  }
0x417: {  	v32 =	vmul.f32 v32, v59;
	v62 =	vshll.u32 v4, $0x10;
	v4 =	vmul.f32 v4, v12  }
0x418: {  	v59 =	vmul.f32 v62, v12;
	v62 =	vshll.u32 v33, $0x10;
	v12 =	vadd.f32 v1, v35;
	v1 =	vld [tilespmem:$0x1F6F0]  }
0x419: {  	v35 =	vmul.f32 v62, v41;
	v62 =	vld [tilespmem:$0x1F700];
	_ =	sdelay $0x2  }
0x41a: {  	v50 =	vld.idx.msk [tilespmem:v50+s10+$0x0], $0xffff  }
0x41b: {  	v23 =	vld.idx.msk [tilespmem:v23+s10+$0x0], $0xffff;
	v3 =	vadd.f32 $0.0e+00, v3  }
0x41c: {  	v62 =	vmul.f32 v1, v62;
	v1 =	vmul.f32 v9, v61;
	v61 =	vshll.u32 v28, $0x10  }
0x41d: {  	v14 =	vld.idx.msk [tilespmem:v14+s10+$0x0], $0xffff;
	v32 =	vadd.f32 $0.0e+00, v32;
	v9 =	vmul.f32 v61, v51;
	v61 =	vshll.u32 v7, $0x10  }
0x41e: {  	v59 =	vadd.f32 $0.0e+00, v59;
	v12 =	vadd.f32 v12, v35;
	v35 =	vmul.f32 v61, v1  }
0x41f: {  	v28 =	vmul.f32 v28, v51;
	v61 =	vshll.u32 v50, $0x10;
	v50 =	vmul.f32 v50, v46  }
0x420: {  	v51 =	vmul.f32 v61, v46;
	v61 =	vshll.u32 v23, $0x10;
	v46 =	vadd.f32 v12, v35;
	v35 =	vld [tilespmem:$0x1F710]  }
0x421: {  	v3 =	vadd.f32 v3, v28;
	v28 =	vmul.f32 v61, v18;
	v61 =	vld [tilespmem:$0x1F720]  }
0x422: {  	v9 =	vadd.f32 v32, v9;
	v32 =	vadd.f32 v59, v51;
	v51 =	vshll.u32 v14, $0x10  }
0x423: {  	v15 =	vld.idx.msk [tilespmem:v15+s10+$0x0], $0xffff;
	v59 =	vmul.f32 v51, v26  }
0x424: {  	v51 =	vld [tilespmem:$0x1F740]  }
0x425: {  	v18 =	vmul.f32 v23, v18;
	v14 =	vmul.f32 v14, v26;
	v23 =	vadd.f32 v32, v59;
	v59 =	vld [tilespmem:$0x1F750]  }
0x426: {  	v62 =	vadd.f32 $0.0e+00, v62;
	v12 =	vmul.f32 v35, v40;
	v26 =	vmul.f32 v61, v45;
	v61 =	vld [tilespmem:$0x1F760]  }
0x427: {  	v35 =	vld.idx.msk [tilespmem:v42+s10+$0x0], $0xffff  }
0x428: {  	v45 =	vshll.u32 v15, $0x10;
	v12 =	vadd.f32 v62, v12;
	v62 =	vld [tilespmem:$0x1F730]  }
0x429: {  	v9 =	vadd.f32 v9, v28;
	v28 =	vmul.f32 v45, v27;
	v45 =	vld [tilespmem:$0x1F790];
	_ =	sdelay $0x2  }
0x42a: {  	v20 =	vld.idx.msk [tilespmem:v20+s10+$0x0], $0xffff;
	v32 =	vshll.u32 v35, $0x10  }
0x42b: {  	v12 =	vadd.f32 v12, v26;
	v26 =	vmul.f32 v51, v59;
	v51 =	vld.idx.msk [tilespmem:v43+s10+$0x0], $0xffff;
	v42 =	vmul.f32 v32, v34  }
0x42c: {  	v4 =	vadd.f32 $0.0e+00, v4;
	v15 =	vmul.f32 v15, v27;
	v27 =	vld.idx.msk [tilespmem:v61+s10+$0x0], $0xffff  }
0x42d: {  	v9 =	vadd.f32 v9, v42;
	v42 =	vld [tilespmem:$0x1F780]  }
0x42e: {  	v4 =	vadd.f32 v4, v50;
	v40 =	vld.idx.msk [tilespmem:v62+s10+$0x0], $0xffff  }
0x42f: {  	v50 =	vmul.f32 v35, v34;
	v35 =	vshll.u32 v20, $0x10;
	v12 =	vadd.f32 v12, v26;
	v26 =	vld.idx.msk [tilespmem:v45+s10+$0x0], $0xffff  }
0x430: {  	v3 =	vadd.f32 v3, v18;
	v62 =	vadd.f32 v23, v28;
	v28 =	vmul.f32 v35, v11;
	v35 =	vld [tilespmem:$0x1F7C0]  }
0x431: {  	v23 =	vld.idx.msk [tilespmem:v37+s10+$0x0], $0xffff  }
0x432: {  	v3 =	vadd.f32 v3, v50;
	v50 =	vadd.f32 v62, v28;
	v28 =	vld [tilespmem:$0x1F800]  }
0x433: {  	v32 =	vshll.u32 v40, $0x10;
	v37 =	vmul.f32 v40, v31;
	v40 =	vld [tilespmem:$0x1F770]  }
0x434: {  	v34 =	vmul.f32 v32, v31;
	v32 =	vld [tilespmem:$0x1F7A0]  }
0x435: {  	v4 =	vadd.f32 v4, v14;
	v3 =	vadd.f32 v3, v37;
	v37 =	vld.idx.msk [tilespmem:v53+s10+$0x0], $0xffff  }
0x436: {  	v62 =	vshll.u32 v23, $0x10;
	v53 =	vld [tilespmem:$0x1F7E0]  }
0x437: {  	v4 =	vadd.f32 v4, v15;
	v31 =	vmul.f32 v62, v13;
	v9 =	vadd.f32 v9, v34;
	v34 =	vld [tilespmem:$0x1F7B0]  }
0x438: {  	v43 =	vshll.u32 v51, $0x10;
	v11 =	vmul.f32 v20, v11;
	v13 =	vmul.f32 v23, v13;
	v23 =	vld.idx.msk [tilespmem:v35+s10+$0x0], $0xffff  }
0x439: {  	v59 =	vshll.u32 v27, $0x10;
	v27 =	vmul.f32 v27, v21;
	v14 =	vadd.f32 v50, v31;
	v50 =	vld [tilespmem:$0x1F7D0]  }
0x43a: {  	v4 =	vadd.f32 v4, v11;
	v61 =	vmul.f32 v59, v21;
	v21 =	vmul.f32 v43, v5;
	v31 =	vld [tilespmem:$0x1F810]  }
0x43b: {  	v3 =	vadd.f32 v3, v27;
	v27 =	vld [tilespmem:$0x1F7F0];
	v20 =	vmul.f32 v40, v42;
	v40 =	vshll.u32 v26, $0x10  }
0x43c: {  	v4 =	vadd.f32 v4, v13;
	v9 =	vadd.f32 v9, v61;
	v13 =	vld.idx.msk [tilespmem:v28+s10+$0x0], $0xffff;
	v42 =	vmul.f32 v40, v63  }
0x43d: {  	v5 =	vmul.f32 v51, v5;
	v40 =	vld [tilespmem:$0x1F820];
	v61 =	vshll.u32 v37, $0x10  }
0x43e: {  	v51 =	vadd.f32 v14, v21;
	v9 =	vadd.f32 v9, v42;
	v21 =	vmul.f32 v61, v29;
	v42 =	vld [tilespmem:$0x1F830]  }
0x43f: {  	v14 =	vld.idx.msk [tilespmem:v53+s10+$0x0], $0xffff  }
0x440: {  	v47 =	vmul.f32 v47, v55;
	v11 =	vadd.f32 v51, v21;
	v51 =	vld [tilespmem:$0x1F850]  }
0x441: {  	v12 =	vadd.f32 v12, v20;
	v20 =	vmul.f32 v32, v34;
	v55 =	vshll.u32 v23, $0x10;
	v53 =	vld [tilespmem:$0x1F860]  }
0x442: {  	v59 =	vmul.f32 v55, v54;
	v21 =	vld [tilespmem:$0x1F890]  }
0x443: {  	v12 =	vadd.f32 v12, v20;
	v20 =	vld.idx.msk [tilespmem:v50+s10+$0x0], $0xffff  }
0x444: {  	v9 =	vadd.f32 v9, v59;
	v59 =	vld [tilespmem:$0x1F870]  }
0x445: {  	v45 =	vmul.f32 v26, v63;
	v50 =	vmul.f32 v24, v49;
	v24 =	vld [tilespmem:$0x1F8A0]  }
0x446: {  	v62 =	vmul.f32 v23, v54;
	v23 =	vld.idx.msk [tilespmem:v27+s10+$0x0], $0xffff  }
0x447: {  	v3 =	vadd.f32 v3, v45;
	v63 =	vmul.f32 v48, v38;
	v12 =	vadd.f32 v12, v47;
	v47 =	vld [tilespmem:$0x1F840]  }
0x448: {  	v15 =	vmul.f32 v37, v29;
	v18 =	vld.idx.msk [tilespmem:v40+s10+$0x0], $0xffff  }
0x449: {  	v3 =	vadd.f32 v3, v62;
	v12 =	vadd.f32 v12, v63;
	v63 =	vld [tilespmem:$0x1F880];
	v29 =	vshll.u32 v20, $0x10  }
0x44a: {  	v34 =	vshll.u32 v14, $0x10;
	v35 =	vmul.f32 v20, v31;
	v32 =	vmul.f32 v29, v31;
	v29 =	vld [tilespmem:$0x1F8B0]  }
0x44b: {  	v37 =	vmul.f32 v34, v16;
	v31 =	vld [tilespmem:$0x1F8C0]  }
0x44c: {  	v3 =	vadd.f32 v3, v35;
	v35 =	vld [tilespmem:$0x1F8D0]  }
0x44d: {  	v11 =	vadd.f32 v11, v37;
	v37 =	vld [tilespmem:$0x1F8E0]  }
0x44e: {  	s18 =	sadd.s32 $0x12000, s18;
	v4 =	vadd.f32 v4, v5;
	[tilespmem:s19+$0x80] =	vst v10;
	v5 =	vadd.f32 v9, v32;
	v9 =	vld.idx.msk [tilespmem:v42+s10+$0x0], $0xffff  }
0x44f: {  	v10 =	vld [tilespmem:$0x1F8F0];
	[tilespmem:s18+$0x80] =	vst v8  }
0x450: {  	v40 =	vld [tilespmem:$0x1F900]  }
0x451: {  	v43 =	vshll.u32 v23, $0x10;
	v48 =	vmul.f32 v23, v47;
	v42 =	vld [tilespmem:$0x1F910]  }
0x452: {  	v20 =	vmul.f32 v43, v47;
	v43 =	vld [tilespmem:$0x1F920];
	[tilespmem:s16+$0x80] =	vst v2  }
0x453: {  	v3 =	vadd.f32 v3, v48;
	v48 =	vld [tilespmem:$0x1F930];
	_ =	sdelay $0x1  }
0x454: {  	s19 =	sshll.u32 s20, $0x1  }
0x455: {  	v38 =	vmul.f32 v36, v22;
	v45 =	vshll.u32 v13, $0x10;
	s18 =	sand.u32 $0x3FFFFF00, s19  }
0x456: {  	v4 =	vadd.f32 v4, v15;
	v13 =	vmul.f32 v13, v17;
	v15 =	vmul.f32 v45, v17;
	v17 =	vld.idx.msk [tilespmem:v51+s10+$0x0], $0xffff;
	s20 =	sor.u32 s24, s18  }
0x457: {  	v14 =	vmul.f32 v14, v16;
	v5 =	vadd.f32 v5, v20;
	v20 =	vld.idx.msk [tilespmem:v53+s10+$0x0], $0xffff;
	[tilespmem:s20+$0x12000] =	vst v48  }
0x458: {  	v12 =	vadd.f32 v12, v38;
	v51 =	vld [tilespmem:$0x1F950]  }
0x459: {  	v4 =	vadd.f32 v4, v14;
	v54 =	vshll.u32 v18, $0x10;
	v61 =	vmul.f32 v18, v59  }
0x45a: {  	s8 =	sshll.u32 s8, $0x1;
	v12 =	vadd.f32 v12, v50;
	v11 =	vadd.f32 v11, v15;
	v15 =	vmul.f32 v54, v59;
	v18 =	vld.idx.msk [tilespmem:v63+s10+$0x0], $0xffff  }
0x45b: {  	s8 =	sand.u32 $0x3FFFFF00, s8;
	v4 =	vadd.f32 v4, v13;
	v3 =	vadd.f32 v3, v61;
	v55 =	vshll.u32 v9, $0x10  }
0x45c: {  	s8 =	sor.u32 s15, s8;
	v5 =	vadd.f32 v5, v15;
	v9 =	vmul.f32 v9, v19;
	v14 =	vmul.f32 v55, v19;
	v19 =	vld.idx.msk [tilespmem:v29+s10+$0x0], $0xffff  }
0x45d: {  	v22 =	vshll.u32 v17, $0x10;
	v26 =	vmul.f32 v17, v24;
	v23 =	vshll.u32 v20, $0x10;
	v50 =	vld [tilespmem:$0x1F940];
	[tilespmem:s8+$0x12000] =	vst v51  }
0x45e: {  	v11 =	vadd.f32 v11, v14;
	v14 =	vmul.f32 v22, v24;
	v13 =	vmul.f32 v23, v56;
	v54 =	vld [tilespmem:$0x1F970]  }
0x45f: {  	v3 =	vadd.f32 v3, v26;
	v32 =	vshll.u32 v18, $0x10;
	v36 =	vmul.f32 v18, v35  }
0x460: {  	s14 =	sshll.u32 s14, $0x1;
	v5 =	vadd.f32 v5, v14;
	v11 =	vadd.f32 v11, v13;
	v13 =	vmul.f32 v32, v35  }
0x461: {  	s14 =	sand.u32 $0x3FFFFF00, s14  }
0x462: {  	s3 =	sor.u32 s3, s14;
	v3 =	vadd.f32 v3, v36;
	v5 =	vadd.f32 v5, v13;
	v13 =	vmul.f32 v19, v40  }
0x463: {  	v62 =	vmul.f32 v44, v39;
	v53 =	vld [tilespmem:$0x1F960];
	[tilespmem:s3+$0x12000] =	vst v54  }
0x464: {  	v3 =	vadd.f32 v3, v13;
	v13 =	vld [tilespmem:$0x1F980]  }
0x465: {  	v28 =	vmul.f32 v57, v25;
	v12 =	vadd.f32 v12, v62;
	v15 =	vld.idx.msk [tilespmem:v21+s10+$0x0], $0xffff;
	_ =	sdelay $0x1  }
0x466: {  	v0 =	vmul.f32 v52, v0;
	v12 =	vadd.f32 v12, v28;
	v16 =	vld.idx.msk [tilespmem:v37+s10+$0x0], $0xffff  }
0x467: {  	v4 =	vadd.f32 v4, v9;
	v27 =	vmul.f32 v20, v56;
	v14 =	vld.idx.msk [tilespmem:v31+s10+$0x0], $0xffff;
	s8 =	sadd.s32 $0x12000, s8  }
0x468: {  	v6 =	vmul.f32 v6, v58;
	v0 =	vadd.f32 v12, v0;
	v10 =	vld.idx.msk [tilespmem:v10+s10+$0x0], $0xffff;
	[tilespmem:s8+$0x80] =	vst v13  }
0x469: {  	v34 =	vshll.u32 v15, $0x10;
	v4 =	vadd.f32 v4, v27;
	v15 =	vmul.f32 v15, v30;
	v13 =	vld [tilespmem:$0x1F9A0]  }
0x46a: {  	v58 =	vmul.f32 v33, v41;
	v0 =	vadd.f32 v0, v6;
	v12 =	vld.idx.msk [tilespmem:v43+s10+$0x0], $0xffff  }
0x46b: {  	v1 =	vmul.f32 v7, v1;
	v9 =	vmul.f32 v34, v30;
	v4 =	vadd.f32 v4, v15;
	v15 =	vld.idx.msk [tilespmem:v42+s10+$0x0], $0xffff  }
0x46c: {  	v0 =	vadd.f32 v0, v58;
	v38 =	vshll.u32 v19, $0x10;
	v39 =	vshll.u32 v14, $0x10;
	v57 =	vld [tilespmem:$0x1F990]  }
0x46d: {  	v9 =	vadd.f32 v11, v9;
	v11 =	vmul.f32 v38, v40;
	v8 =	vmul.f32 v39, v60;
	s3 =	sadd.s32 $0x12000, s3  }
0x46e: {  	v0 =	vadd.f32 v0, v1;
	v47 =	vshll.u32 v16, $0x10;
	v49 =	vshll.u32 v10, $0x10;
	[tilespmem:s3+$0x80] =	vst v13  }
0x46f: {  	v44 =	vadd.f32 v5, v11;
	v45 =	vadd.f32 v9, v8;
	v8 =	vmul.f32 v47, v50;
	v59 =	vld [tilespmem:$0x1F9B0]  }
0x470: {  	s21 =	sshll.u32 s26, $0x1;
	v52 =	vmul.f32 v16, v50;
	v56 =	vshll.u32 v12, $0x10;
	v55 =	vshll.u32 v15, $0x10  }
0x471: {  	v14 =	vmul.f32 v14, v60;
	v2 =	vadd.f32 v44, v8;
	s8 =	sand.u32 $0x3FFFFF00, s21;
	v6 =	vmul.f32 v55, v57  }
0x472: {  	s1 =	sshll.u32 s1, $0x1;
	v3 =	vadd.f32 v3, v52;
	v9 =	vmul.f32 v49, v53;
	s23 =	sor.u32 s6, s8;
	v61 =	vmul.f32 v15, v57;
	v60 =	vld [tilespmem:$0x1F9C0]  }
0x473: {  	s1 =	sand.u32 $0x3FFFFF00, s1;
	v4 =	vadd.f32 v4, v14;
	v10 =	vmul.f32 v10, v53;
	s26 =	sadd.s32 $0x12000, s23;
	[tilespmem:s23+$0x12000] =	vst v46;
	v2 =	vadd.f32 v2, v6  }
0x474: {  	s1 =	sor.u32 s9, s1;
	v5 =	vadd.f32 v45, v9;
	v3 =	vadd.f32 v3, v61;
	[tilespmem:s26+$0x80] =	vst v0;
	v8 =	vmul.f32 v56, v59  }
0x475: {  	s24 =	sshll.u32 s11, $0x1;
	v4 =	vadd.f32 v4, v10;
	[tilespmem:s1+$0x12000] =	vst v2;
	s1 =	sadd.s32 $0x12000, s1;
	v62 =	vmul.f32 v12, v59  }
0x476: {  	s22 =	sadd.s32 $0x12000, s20;
	s6 =	sand.u32 $0x3FFFFF00, s24;
	[tilespmem:s1+$0x80] =	vst v3;
	v5 =	vadd.f32 v5, v8  }
0x477: {  	s6 =	sor.u32 s12, s6;
	[tilespmem:s22+$0x80] =	vst v60;
	v63 =	vadd.f32 v4, v62  }
0x478: {  	s25 =	sadd.s32 $0x12000, s6;
	[tilespmem:s6+$0x12000] =	vst v5  }
0x479: {  	[tilespmem:s25+$0x80] =	vst v63  }
0x47a: {  	s3 =	simm.s32 $0x7D0;
	s1 =	simm.s32 $0x7E0;
	v33 =	vld [tilespmem:$0x1FFD0]  }
.LBB2_5:
0x47b: {  	s8 =	sshll.u32 s1, $0x2  }
0x47c: {  	s6 =	sshra.s32 s10, $0x2;
	s8 =	sand.u32 $0x3FFFFE00, s8  }
0x47d: {  	s8 =	sadd.s32 s6, s8  }
0x47e: {  	s8 =	sadd.s32 $0x10000, s8  }
0x47f: {  	v0 =	vld [tilespmem:s8+$0x60];
	_ =	sdelay $0x4  }
0x480: {  	v0 =	vsub.f32 $0.0e+00, v0;
	_ =	sdelay $0x1  }
0x481: {  	v0 =	vmul.f32 $1.442695020e+00, v0;
	_ =	sdelay $0x1  }
0x482: {  	(erf) = vpow2.f32 v0;
	_ =	sdelay $0x3  }
0x483: {  	v42 =	vld [tilespmem:s8+$0xE0];
	_ =	sdelay $0x4  }
0x484: {  	v0 =	vsub.f32 $0.0e+00, v42;
	v1 =	vpop (erf)  }
0x485: {  	v1 =	vadd.f32 $1.000000000e+00, v1  }
0x486: {  	v0 =	vmul.f32 $1.442695020e+00, v0  }
0x487: {  	(erf) = vrcp.f32 v1  }
0x488: {  	(erf) = vpow2.f32 v0;
	_ =	sdelay $0x3  }
0x489: {  	v43 =	vld [tilespmem:s8+$0x160];
	_ =	sdelay $0x3  }
0x48a: {  	v1 =	vpop (erf)  }
0x48b: {  	v0 =	vsub.f32 $0.0e+00, v43;
	v2 =	vpop (erf)  }
0x48c: {  	v2 =	vadd.f32 $1.000000000e+00, v2  }
0x48d: {  	v0 =	vmul.f32 $1.442695020e+00, v0  }
0x48e: {  	(erf) = vrcp.f32 v2  }
0x48f: {  	(erf) = vpow2.f32 v0;
	_ =	sdelay $0x3  }
0x490: {  	v44 =	vld [tilespmem:s8+$0x1E0];
	_ =	sdelay $0x3  }
0x491: {  	v2 =	vpop (erf)  }
0x492: {  	v0 =	vsub.f32 $0.0e+00, v44;
	v3 =	vpop (erf)  }
0x493: {  	v3 =	vadd.f32 $1.000000000e+00, v3  }
0x494: {  	v0 =	vmul.f32 $1.442695020e+00, v0  }
0x495: {  	(erf) = vrcp.f32 v3  }
0x496: {  	(erf) = vpow2.f32 v0;
	_ =	sdelay $0x7  }
0x497: {  	v45 =	vpop (erf)  }
0x498: {  	v46 =	vpop (erf)  }
0x499: {  	v3 =	vadd.f32 $1.000000000e+00, v46;
	_ =	sdelay $0x1  }
0x49a: {  	(erf) = vrcp.f32 v3  }
0x49b: {  	v1 =	vmul.f32 v1, v33;
	_ =	sdelay $0x1  }
0x49c: {  	v4 =	vtrunc.f32 v1  }
0x49d: {  	v4 =	vcvt.f32.s32 v4;
	v2 =	vmul.f32 v2, v33;
	_ =	sdelay $0x1  }
0x49e: {  	v8 =	vcvt.s32.f32 v4;
	v5 =	vtrunc.f32 v2  }
0x49f: {  	v5 =	vcvt.f32.s32 v5  }
0x4a0: {  	v1 =	vsub.f32 v1, v8  }
0x4a1: {  	v13 =	vadd.s32 $0x1, v4;
	v9 =	vmul.u32 $0x9E3779B1, v5;
	v5 =	vcvt.s32.f32 v5;
	v3 =	vpop (erf)  }
0x4a2: {  	v50 =	vsub.f32 $1.000000000e+00, v1;
	v0 =	vmul.f32 v45, v33;
	v3 =	vmul.f32 v3, v33  }
0x4a3: {  	v47 =	vxor.u32 v4, v9;
	v14 =	vxor.u32 v13, v9;
	v2 =	vsub.f32 v2, v5  }
0x4a4: {  	v48 =	vadd.s32 $0x9E3779B1, v9;
	v6 =	vtrunc.f32 v0;
	v7 =	vtrunc.f32 v3  }
0x4a5: {  	v8 =	vand.u32 $0xFFFF, v47;
	v6 =	vcvt.f32.s32 v6;
	v7 =	vcvt.f32.s32 v7  }
0x4a6: {  	v4 =	vxor.u32 v4, v48;
	v5 =	vxor.u32 v13, v48;
	v51 =	vsub.f32 $1.000000000e+00, v2  }
0x4a7: {  	v10 =	vmul.u32 $0x30025795, v6;
	v6 =	vcvt.s32.f32 v6;
	v11 =	vmul.u32 $0xDB06C2F5, v7  }
0x4a8: {  	v14 =	vand.u32 $0xFFFF, v14;
	v4 =	vand.u32 $0xFFFF, v4;
	v5 =	vand.u32 $0xFFFF, v5  }
0x4a9: {  	v13 =	vmul.f32 v51, v50;
	v0 =	vsub.f32 v0, v6;
	v12 =	vxor.u32 v10, v11  }
0x4aa: {  	v20 =	vadd.s32 $0x30025795, v10;
	v7 =	vcvt.s32.f32 v7;
	v12 =	vand.u32 $0xFFFF, v12  }
0x4ab: {  	v6 =	vmul.f32 v2, v50;
	v16 =	vsub.f32 $1.000000000e+00, v0;
	v15 =	vxor.u32 v8, v12  }
0x4ac: {  	v3 =	vsub.f32 v3, v7;
	v7 =	vmul.f32 v51, v1;
	v22 =	vxor.u32 v11, v20  }
0x4ad: {  	v1 =	vmul.f32 v2, v1;
	v11 =	vadd.s32 $0xDB06C2F5, v11;
	v49 =	vxor.u32 v14, v12  }
0x4ae: {  	v22 =	vand.u32 $0xFFFF, v22;
	v10 =	vxor.u32 v10, v11;
	v11 =	vxor.u32 v20, v11  }
0x4af: {  	v17 =	vsub.f32 $1.000000000e+00, v3;
	v18 =	vxor.u32 v4, v12;
	v12 =	vxor.u32 v5, v12  }
0x4b0: {  	v26 =	vxor.u32 v8, v22;
	v55 =	vxor.u32 v14, v22;
	v58 =	vxor.u32 v4, v22;
	v15 =	vld.idx.msk [tilespmem:v15+s4+$0x0], $0xffff  }
0x4b1: {  	v10 =	vand.u32 $0xFFFF, v10;
	v22 =	vxor.u32 v5, v22;
	v11 =	vand.u32 $0xFFFF, v11  }
0x4b2: {  	v31 =	vxor.u32 v14, v10;
	v19 =	vmul.f32 v17, v16;
	v17 =	vmul.f32 v17, v0;
	v9 =	vld.idx.msk [tilespmem:v49+s4+$0x0], $0xffff  }
0x4b3: {  	v37 =	vxor.u32 v4, v10;
	v16 =	vmul.f32 v3, v16;
	v0 =	vmul.f32 v3, v0  }
0x4b4: {  	v14 =	vxor.u32 v14, v11;
	v21 =	vmul.f32 v19, v13;
	v24 =	vmul.f32 v19, v7;
	v18 =	vld.idx.msk [tilespmem:v18+s4+$0x0], $0xffff  }
0x4b5: {  	v54 =	vmul.f32 v19, v6;
	v59 =	vmul.f32 v19, v1;
	v23 =	vshll.u32 v15, $0x10  }
0x4b6: {  	v4 =	vxor.u32 v4, v11;
	v62 =	vmul.f32 v17, v13;
	v12 =	vld.idx.msk [tilespmem:v12+s4+$0x0], $0xffff;
	v23 =	vmul.f32 v23, v21  }
0x4b7: {  	v27 =	vmul.f32 v17, v7;
	v25 =	vshll.u32 v9, $0x10;
	v15 =	vmul.f32 v15, v21  }
0x4b8: {  	v34 =	vmul.f32 v17, v6;
	v57 =	vld.idx.msk [tilespmem:v26+s4+$0x0], $0xffff;
	v53 =	vmul.f32 v25, v24;
	v52 =	vadd.f32 $0.0e+00, v23  }
0x4b9: {  	v9 =	vmul.f32 v9, v24;
	v56 =	vshll.u32 v18, $0x10;
	v15 =	vadd.f32 $0.0e+00, v15  }
0x4ba: {  	v61 =	vld.idx.msk [tilespmem:v55+s4+$0x0], $0xffff;
	v18 =	vmul.f32 v18, v54;
	v23 =	vmul.f32 v56, v54;
	v2 =	vadd.f32 v52, v53  }
0x4bb: {  	v60 =	vshll.u32 v12, $0x10;
	v25 =	vxor.u32 v8, v10;
	v9 =	vadd.f32 v15, v9  }
0x4bc: {  	v38 =	vmul.f32 v17, v1;
	v19 =	vmul.f32 v60, v59;
	v24 =	vld.idx.msk [tilespmem:v58+s4+$0x0], $0xffff;
	v2 =	vadd.f32 v2, v23  }
0x4bd: {  	v30 =	vld.idx.msk [tilespmem:v22+s4+$0x0], $0xffff;
	v12 =	vmul.f32 v12, v59;
	v63 =	vshll.u32 v57, $0x10;
	v9 =	vadd.f32 v9, v18  }
0x4be: {  	v42 =	vmul.f32 v16, v13;
	v26 =	vmul.f32 v63, v62;
	v2 =	vadd.f32 v2, v19  }
0x4bf: {  	v28 =	vshll.u32 v61, $0x10;
	v15 =	vmul.f32 v57, v62;
	v9 =	vadd.f32 v9, v12  }
0x4c0: {  	v32 =	vmul.f32 v61, v27;
	v29 =	vmul.f32 v28, v27;
	v36 =	vld.idx.msk [tilespmem:v25+s4+$0x0], $0xffff;
	v2 =	vadd.f32 v2, v26  }
0x4c1: {  	v10 =	vxor.u32 v5, v10;
	v35 =	vshll.u32 v24, $0x10;
	v9 =	vadd.f32 v9, v15  }
0x4c2: {  	v41 =	vld.idx.msk [tilespmem:v31+s4+$0x0], $0xffff;
	v40 =	vshll.u32 v30, $0x10;
	v3 =	vmul.f32 v35, v34;
	v2 =	vadd.f32 v2, v29  }
0x4c3: {  	v45 =	vld.idx.msk [tilespmem:v37+s4+$0x0], $0xffff;
	v8 =	vxor.u32 v8, v11;
	v39 =	vmul.f32 v24, v34;
	v9 =	vadd.f32 v9, v32  }
0x4c4: {  	v47 =	vmul.f32 v16, v7;
	v15 =	vmul.f32 v40, v38;
	v2 =	vadd.f32 v2, v3  }
0x4c5: {  	v43 =	vmul.f32 v30, v38;
	v44 =	vshll.u32 v36, $0x10;
	v3 =	vadd.f32 v9, v39  }
0x4c6: {  	v50 =	vmul.f32 v16, v6;
	v10 =	vld.idx.msk [tilespmem:v10+s4+$0x0], $0xffff;
	v12 =	vmul.f32 v44, v42;
	v2 =	vadd.f32 v2, v15  }
0x4c7: {  	v48 =	vshll.u32 v41, $0x10;
	v46 =	vmul.f32 v36, v42;
	v3 =	vadd.f32 v3, v43  }
0x4c8: {  	v51 =	vshll.u32 v45, $0x10;
	v49 =	vmul.f32 v48, v47;
	v8 =	vld.idx.msk [tilespmem:v8+s4+$0x0], $0xffff;
	v2 =	vadd.f32 v2, v12  }
0x4c9: {  	v5 =	vxor.u32 v5, v11;
	v15 =	vmul.f32 v41, v47;
	v3 =	vadd.f32 v3, v46  }
0x4ca: {  	v14 =	vld.idx.msk [tilespmem:v14+s4+$0x0], $0xffff;
	v52 =	vmul.f32 v51, v50;
	v53 =	vmul.f32 v16, v1;
	v2 =	vadd.f32 v2, v49  }
0x4cb: {  	v54 =	vshll.u32 v10, $0x10;
	v12 =	vmul.f32 v45, v50;
	v3 =	vadd.f32 v3, v15  }
0x4cc: {  	v13 =	vmul.f32 v0, v13;
	v4 =	vld.idx.msk [tilespmem:v4+s4+$0x0], $0xffff;
	v55 =	vmul.f32 v54, v53;
	v2 =	vadd.f32 v2, v52  }
0x4cd: {  	v10 =	vmul.f32 v10, v53;
	v56 =	vshll.u32 v8, $0x10;
	v3 =	vadd.f32 v3, v12  }
0x4ce: {  	v7 =	vmul.f32 v0, v7;
	v5 =	vld.idx.msk [tilespmem:v5+s4+$0x0], $0xffff;
	v57 =	vmul.f32 v56, v13;
	v2 =	vadd.f32 v2, v55  }
0x4cf: {  	v58 =	vshll.u32 v14, $0x10;
	v8 =	vmul.f32 v8, v13;
	v3 =	vadd.f32 v3, v10  }
0x4d0: {  	v6 =	vmul.f32 v0, v6;
	v59 =	vmul.f32 v58, v7;
	v2 =	vadd.f32 v2, v57  }
0x4d1: {  	v60 =	vshll.u32 v4, $0x10;
	v7 =	vmul.f32 v14, v7;
	v3 =	vadd.f32 v3, v8  }
0x4d2: {  	v0 =	vmul.f32 v0, v1;
	v8 =	vmul.f32 v60, v6;
	v2 =	vadd.f32 v2, v59  }
0x4d3: {  	s3 =	sadd.s32 $0x10, s3;
	v62 =	vmul.f32 v4, v6;
	v63 =	vshll.u32 v5, $0x10;
	v61 =	vadd.f32 v3, v7  }
0x4d4: {  	s26 =	sshll.u32 s1, $0x1;
	p0 =	slt.u32 s3, $0x7F0;
	v4 =	vmul.f32 v63, v0;
	v2 =	vadd.f32 v2, v8  }
.Ltmp1:
0x4d5: {  	s8 =	sand.u32 $0x3FFFFF00, s26;
	v0 =	vmul.f32 v5, v0;
	v1 =	vadd.f32 v61, v62;
	(pc) =	sbr.rel @p0 .LBB2_5-.Ltmp1, $4  }
0x4d6: {  	s6 =	sadd.s32 s6, s8;
	v2 =	vadd.f32 v2, v4  }
0x4d7: {  	s6 =	sadd.s32 $0x12000, s6;
	v0 =	vadd.f32 v1, v0  }
0x4d8: {  	[tilespmem:s6+$0x60] =	vst v2  }
0x4d9: {  	s1 =	sadd.s32 $0x10, s1;
	s10 =	sadd.s32 $0x40, s10;
	[tilespmem:s6+$0xE0] =	vst v0  }
0x4da: {  	s1 =	rddreg [dreg:$0x5]  }
0x4db: {  	s1 =	sor.u32 s2, s1  }
0x4dc: {  	s1 =	sshrl.u32 s1, $0x3  }
0x4dd: {  	s8 =	simm.s32 $0x12000;
	s1 =	sadd.s32 s5, s1  }
0x4de: {  	[hbm4b:s1+s4] =	stream.linear.scatter [tilespmem:s8], [sflag:$0x1], $0x80, $0x38;
	[tilespmem:$0x13080] =	vst v63  }
0x4df: {  	s3 =	simm.s32 $0x12100;
	s9 =	sadd.s32 $0x80, s1  }
0x4e0: {  	[hbm4b:s9+s4] =	stream.linear.scatter [tilespmem:s3], [sflag:$0x1], $0x80, $0x38;
	[tilespmem:$0x13080] =	vst v63  }
0x4e1: {  	s11 =	simm.s32 $0x12200;
	s10 =	sadd.s32 $0x100, s1  }
0x4e2: {  	[hbm4b:s10+s4] =	stream.linear.scatter [tilespmem:s11], [sflag:$0x1], $0x80, $0x38;
	[tilespmem:$0x13080] =	vst v63  }
0x4e3: {  	s14 =	simm.s32 $0x12300;
	s12 =	sadd.s32 $0x180, s1  }
0x4e4: {  	[hbm4b:s12+s4] =	stream.linear.scatter [tilespmem:s14], [sflag:$0x1], $0x80, $0x38;
	[tilespmem:$0x13080] =	vst v63  }
0x4e5: {  	s16 =	simm.s32 $0x12400;
	s15 =	sadd.s32 $0x200, s1  }
0x4e6: {  	[hbm4b:s15+s4] =	stream.linear.scatter [tilespmem:s16], [sflag:$0x1], $0x80, $0x38;
	[tilespmem:$0x13080] =	vst v63  }
0x4e7: {  	s18 =	simm.s32 $0x12500;
	s17 =	sadd.s32 $0x280, s1  }
0x4e8: {  	[hbm4b:s17+s4] =	stream.linear.scatter [tilespmem:s18], [sflag:$0x1], $0x80, $0x38;
	[tilespmem:$0x13080] =	vst v63  }
0x4e9: {  	s20 =	simm.s32 $0x12600;
	s19 =	sadd.s32 $0x300, s1  }
0x4ea: {  	[hbm4b:s19+s4] =	stream.linear.scatter [tilespmem:s20], [sflag:$0x1], $0x80, $0x38;
	[tilespmem:$0x13080] =	vst v63  }
0x4eb: {  	s22 =	simm.s32 $0x12700;
	s21 =	sadd.s32 $0x380, s1  }
0x4ec: {  	[hbm4b:s21+s4] =	stream.linear.scatter [tilespmem:s22], [sflag:$0x1], $0x80, $0x38;
	[tilespmem:$0x13080] =	vst v63  }
0x4ed: {  	s24 =	simm.s32 $0x12800;
	s23 =	sadd.s32 $0x400, s1  }
0x4ee: {  	[hbm4b:s23+s4] =	stream.linear.scatter [tilespmem:s24], [sflag:$0x1], $0x80, $0x38;
	[tilespmem:$0x13080] =	vst v63  }
0x4ef: {  	s26 =	simm.s32 $0x12900;
	s25 =	sadd.s32 $0x480, s1  }
0x4f0: {  	[hbm4b:s25+s4] =	stream.linear.scatter [tilespmem:s26], [sflag:$0x1], $0x80, $0x38;
	[tilespmem:$0x13080] =	vst v63  }
0x4f1: {  	s6 =	simm.s32 $0x12A00;
	s3 =	sadd.s32 $0x500, s1  }
0x4f2: {  	[hbm4b:s3+s4] =	stream.linear.scatter [tilespmem:s6], [sflag:$0x1], $0x80, $0x38;
	[tilespmem:$0x13080] =	vst v63  }
0x4f3: {  	s8 =	sadd.s32 $0x580, s1;
	s9 =	simm.s32 $0x12B00  }
0x4f4: {  	[hbm4b:s8+s4] =	stream.linear.scatter [tilespmem:s9], [sflag:$0x1], $0x80, $0x38;
	[tilespmem:$0x13080] =	vst v63  }
0x4f5: {  	s10 =	sadd.s32 $0x600, s1;
	s11 =	simm.s32 $0x12C00  }
0x4f6: {  	[hbm4b:s10+s4] =	stream.linear.scatter [tilespmem:s11], [sflag:$0x1], $0x80, $0x38;
	[tilespmem:$0x13080] =	vst v63  }
0x4f7: {  	s12 =	sadd.s32 $0x680, s1;
	s14 =	simm.s32 $0x12D00  }
0x4f8: {  	[hbm4b:s12+s4] =	stream.linear.scatter [tilespmem:s14], [sflag:$0x1], $0x80, $0x38;
	[tilespmem:$0x13080] =	vst v63  }
0x4f9: {  	s15 =	sadd.s32 $0x700, s1;
	s16 =	simm.s32 $0x12E00  }
0x4fa: {  	[hbm4b:s15+s4] =	stream.linear.scatter [tilespmem:s16], [sflag:$0x1], $0x80, $0x38;
	[tilespmem:$0x13080] =	vst v63  }
0x4fb: {  	s17 =	sadd.s32 $0x780, s1;
	s18 =	simm.s32 $0x12F00  }
0x4fc: {  	[hbm4b:s17+s4] =	stream.linear.scatter [tilespmem:s18], [sflag:$0x1], $0x80, $0x38;
	[tilespmem:$0x13080] =	vst v63  }
0x4fd: {  	_ =	swait.ge [sflag:s13], $0x800  }
0x4fe: {  	[sflag:s13] =	ssyncset.done $0x0  }
0x4ff: {  	s19 =	sadd.s32 $0x10, s1;
	s20 =	simm.s32 $0x12080;
	[sflag:s13] =	ssyncadd.s32 $0xFFFFF800  }
0x500: {  	[hbm4b:s19+s4] =	stream.linear.scatter [tilespmem:s20], [sflag:$0x1], $0x80, $0x38;
	[tilespmem:$0x13080] =	vst v63  }
0x501: {  	s21 =	sadd.s32 $0x90, s1;
	s22 =	simm.s32 $0x12180  }
0x502: {  	[hbm4b:s21+s4] =	stream.linear.scatter [tilespmem:s22], [sflag:$0x1], $0x80, $0x38;
	[tilespmem:$0x13080] =	vst v63  }
0x503: {  	s23 =	sadd.s32 $0x110, s1;
	s24 =	simm.s32 $0x12280  }
0x504: {  	[hbm4b:s23+s4] =	stream.linear.scatter [tilespmem:s24], [sflag:$0x1], $0x80, $0x38;
	[tilespmem:$0x13080] =	vst v63  }
0x505: {  	s25 =	sadd.s32 $0x190, s1;
	s26 =	simm.s32 $0x12380  }
0x506: {  	[hbm4b:s25+s4] =	stream.linear.scatter [tilespmem:s26], [sflag:$0x1], $0x80, $0x38;
	[tilespmem:$0x13080] =	vst v63  }
0x507: {  	s6 =	sadd.s32 $0x210, s1;
	s8 =	simm.s32 $0x12480  }
0x508: {  	[hbm4b:s6+s4] =	stream.linear.scatter [tilespmem:s8], [sflag:$0x1], $0x80, $0x38;
	[tilespmem:$0x13080] =	vst v63  }
0x509: {  	s9 =	sadd.s32 $0x290, s1;
	s10 =	simm.s32 $0x12580  }
0x50a: {  	[hbm4b:s9+s4] =	stream.linear.scatter [tilespmem:s10], [sflag:$0x1], $0x80, $0x38;
	[tilespmem:$0x13080] =	vst v63  }
0x50b: {  	s11 =	sadd.s32 $0x310, s1;
	s12 =	simm.s32 $0x12680  }
0x50c: {  	[hbm4b:s11+s4] =	stream.linear.scatter [tilespmem:s12], [sflag:$0x1], $0x80, $0x38;
	[tilespmem:$0x13080] =	vst v63  }
0x50d: {  	s14 =	sadd.s32 $0x390, s1;
	s15 =	simm.s32 $0x12780  }
0x50e: {  	[hbm4b:s14+s4] =	stream.linear.scatter [tilespmem:s15], [sflag:$0x1], $0x80, $0x38;
	[tilespmem:$0x13080] =	vst v63  }
0x50f: {  	s16 =	sadd.s32 $0x410, s1;
	s17 =	simm.s32 $0x12880  }
0x510: {  	[hbm4b:s16+s4] =	stream.linear.scatter [tilespmem:s17], [sflag:$0x1], $0x80, $0x38;
	[tilespmem:$0x13080] =	vst v63  }
0x511: {  	s18 =	sadd.s32 $0x490, s1;
	s19 =	simm.s32 $0x12980  }
0x512: {  	[hbm4b:s18+s4] =	stream.linear.scatter [tilespmem:s19], [sflag:$0x1], $0x80, $0x38;
	[tilespmem:$0x13080] =	vst v63  }
0x513: {  	s20 =	sadd.s32 $0x510, s1;
	s21 =	simm.s32 $0x12A80  }
0x514: {  	[hbm4b:s20+s4] =	stream.linear.scatter [tilespmem:s21], [sflag:$0x1], $0x80, $0x38;
	[tilespmem:$0x13080] =	vst v63  }
0x515: {  	s22 =	sadd.s32 $0x590, s1;
	s23 =	simm.s32 $0x12B80  }
0x516: {  	[hbm4b:s22+s4] =	stream.linear.scatter [tilespmem:s23], [sflag:$0x1], $0x80, $0x38;
	[tilespmem:$0x13080] =	vst v63  }
0x517: {  	s24 =	sadd.s32 $0x610, s1  }
0x518: {  	[hbm4b:s24+s4] =	stream.linear.scatter [tilespmem:s28], [sflag:$0x1], $0x80, $0x38;
	[tilespmem:$0x13080] =	vst v63  }
0x519: {  	s0 =	sadd.s32 $0x1, s0;
	s25 =	sadd.s32 $0x690, s1  }
0x51a: {  	[hbm4b:s25+s4] =	stream.linear.scatter [tilespmem:s29], [sflag:$0x1], $0x80, $0x38;
	[tilespmem:$0x13080] =	vst v63  }
0x51b: {  	p0 =	sne.s32 s0, $0x8;
	s26 =	sadd.s32 $0x710, s1  }
0x51c: {  	[hbm4b:s26+s4] =	stream.linear.scatter [tilespmem:s30], [sflag:$0x1], $0x80, $0x38;
	[tilespmem:$0x13080] =	vst v63  }
.Ltmp2:
0x51d: {  	s1 =	sadd.s32 $0x790, s1;
	(pc) =	sbr.rel @p0 .LBB2_2-.Ltmp2, $4  }
0x51e: {  	[hbm4b:s1+s4] =	stream.linear.scatter [tilespmem:s31], [sflag:$0x1], $0x80, $0x38;
	[tilespmem:$0x13080] =	vst v63  }
0x51f: {  	_ =	swait.ge [sflag:s13], $0x800  }
0x520: {  	[sflag:s13] =	ssyncset.done $0x0  }
0x521: {  	[sflag:s13] =	ssyncadd.s32 $0xFFFFF800  }
0x522: {  	s0 =	simm.s32 $0x0  }
0x523: {  	s1 =	rddreg [dreg:$0x6];
	s2 =	simm.s32 $0x80;
	s3 =	simm.s32 $0x400  }
0x524: {  	[tilespmem:s0], [sflag:$0x1] =	stream.strided.gather [hbm4b:s1+s2], $0x10000, s3, s2, $0x38;
	[tilespmem:$0x13080] =	vst v63  }
0x525: {  	_ =	swait.ge [sflag:s13], $0x10000  }
0x526: {  	v0 =	vld [tilespmem:$0x1FFF0];
	_ =	sdelay $0x5  }
0x527: {  	[sflag:s13] =	ssyncset.done $0x0  }
0x528: {  	s26 =	simm.s32 $0x13000;
	[sflag:s13] =	ssyncadd.s32 $0xFFFF0000  }
0x529: {  	v30 =	vld.idx.msk [tilespmem:v0+s26+$0x0], $0xffff;
	_ =	sdelay $0x4  }
0x52a: {  	s2 =	simm.s32 $0x0;
	[tilespmem:$0x1F350] =	vst v30  }
.LBB2_8:
0x52b: {  	s3 =	sshll.u32 s2, $0xE  }
0x52c: {  	s1 =	sor.u32 s3, s7  }
0x52d: {  	s6 =	rddreg [dreg:$0x0];
	s1 =	sshrl.u32 s1, $0x3  }
0x52e: {  	s19 =	simm.s32 $0x10000;
	s1 =	sadd.s32 s6, s1  }
0x52f: {  	[tilespmem:s19], [sflag:$0x1] =	stream.linear.gather [hbm4b:s1+s4], $0x80, $0x38;
	[tilespmem:$0x13080] =	vst v63  }
0x530: {  	s8 =	simm.s32 $0x10200;
	s20 =	sadd.s32 $0x80, s1  }
0x531: {  	[tilespmem:s8], [sflag:$0x1] =	stream.linear.gather [hbm4b:s20+s4], $0x80, $0x38;
	[tilespmem:$0x13080] =	vst v63  }
0x532: {  	s22 =	simm.s32 $0x10400;
	s21 =	sadd.s32 $0x100, s1  }
0x533: {  	[tilespmem:s22], [sflag:$0x1] =	stream.linear.gather [hbm4b:s21+s4], $0x80, $0x38;
	[tilespmem:$0x13080] =	vst v63  }
0x534: {  	s24 =	simm.s32 $0x10600;
	s23 =	sadd.s32 $0x180, s1  }
0x535: {  	[tilespmem:s24], [sflag:$0x1] =	stream.linear.gather [hbm4b:s23+s4], $0x80, $0x38;
	[tilespmem:$0x13080] =	vst v63  }
0x536: {  	s26 =	simm.s32 $0x10800;
	s25 =	sadd.s32 $0x200, s1  }
0x537: {  	[tilespmem:s26], [sflag:$0x1] =	stream.linear.gather [hbm4b:s25+s4], $0x80, $0x38;
	[tilespmem:$0x13080] =	vst v63  }
0x538: {  	s9 =	simm.s32 $0x10A00;
	s8 =	sadd.s32 $0x280, s1  }
0x539: {  	[tilespmem:s9], [sflag:$0x1] =	stream.linear.gather [hbm4b:s8+s4], $0x80, $0x38;
	[tilespmem:$0x13080] =	vst v63  }
0x53a: {  	s11 =	simm.s32 $0x10C00;
	s10 =	sadd.s32 $0x300, s1  }
0x53b: {  	[tilespmem:s11], [sflag:$0x1] =	stream.linear.gather [hbm4b:s10+s4], $0x80, $0x38;
	[tilespmem:$0x13080] =	vst v63  }
0x53c: {  	s14 =	simm.s32 $0x10E00;
	s12 =	sadd.s32 $0x380, s1  }
0x53d: {  	[tilespmem:s14], [sflag:$0x1] =	stream.linear.gather [hbm4b:s12+s4], $0x80, $0x38;
	[tilespmem:$0x13080] =	vst v63  }
0x53e: {  	s16 =	simm.s32 $0x11000;
	s15 =	sadd.s32 $0x400, s1  }
0x53f: {  	[tilespmem:s16], [sflag:$0x1] =	stream.linear.gather [hbm4b:s15+s4], $0x80, $0x38;
	[tilespmem:$0x13080] =	vst v63  }
0x540: {  	s18 =	simm.s32 $0x11200;
	s17 =	sadd.s32 $0x480, s1  }
0x541: {  	[tilespmem:s18], [sflag:$0x1] =	stream.linear.gather [hbm4b:s17+s4], $0x80, $0x38;
	[tilespmem:$0x13080] =	vst v63  }
0x542: {  	s19 =	sadd.s32 $0x500, s1;
	s20 =	simm.s32 $0x11400  }
0x543: {  	[tilespmem:s20], [sflag:$0x1] =	stream.linear.gather [hbm4b:s19+s4], $0x80, $0x38;
	[tilespmem:$0x13080] =	vst v63  }
0x544: {  	s21 =	sadd.s32 $0x580, s1;
	s22 =	simm.s32 $0x11600  }
0x545: {  	[tilespmem:s22], [sflag:$0x1] =	stream.linear.gather [hbm4b:s21+s4], $0x80, $0x38;
	[tilespmem:$0x13080] =	vst v63  }
0x546: {  	s23 =	sadd.s32 $0x600, s1;
	s24 =	simm.s32 $0x11800  }
0x547: {  	[tilespmem:s24], [sflag:$0x1] =	stream.linear.gather [hbm4b:s23+s4], $0x80, $0x38;
	[tilespmem:$0x13080] =	vst v63  }
0x548: {  	s25 =	sadd.s32 $0x680, s1;
	s26 =	simm.s32 $0x11A00  }
0x549: {  	[tilespmem:s26], [sflag:$0x1] =	stream.linear.gather [hbm4b:s25+s4], $0x80, $0x38;
	[tilespmem:$0x13080] =	vst v63  }
0x54a: {  	s8 =	sadd.s32 $0x700, s1;
	s9 =	simm.s32 $0x11C00  }
0x54b: {  	[tilespmem:s9], [sflag:$0x1] =	stream.linear.gather [hbm4b:s8+s4], $0x80, $0x38;
	[tilespmem:$0x13080] =	vst v63  }
0x54c: {  	s10 =	sadd.s32 $0x780, s1;
	s11 =	simm.s32 $0x11E00  }
0x54d: {  	[tilespmem:s11], [sflag:$0x1] =	stream.linear.gather [hbm4b:s10+s4], $0x80, $0x38;
	[tilespmem:$0x13080] =	vst v63  }
0x54e: {  	_ =	swait.ge [sflag:s13], $0x800  }
0x54f: {  	[sflag:s13] =	ssyncset.done $0x0  }
0x550: {  	s12 =	sadd.s32 $0x10, s1;
	s14 =	simm.s32 $0x10080;
	[sflag:s13] =	ssyncadd.s32 $0xFFFFF800  }
0x551: {  	[tilespmem:s14], [sflag:$0x1] =	stream.linear.gather [hbm4b:s12+s4], $0x80, $0x38;
	[tilespmem:$0x13080] =	vst v63  }
0x552: {  	s15 =	sadd.s32 $0x90, s1;
	s16 =	simm.s32 $0x10280  }
0x553: {  	[tilespmem:s16], [sflag:$0x1] =	stream.linear.gather [hbm4b:s15+s4], $0x80, $0x38;
	[tilespmem:$0x13080] =	vst v63  }
0x554: {  	s17 =	sadd.s32 $0x110, s1;
	s18 =	simm.s32 $0x10480  }
0x555: {  	[tilespmem:s18], [sflag:$0x1] =	stream.linear.gather [hbm4b:s17+s4], $0x80, $0x38;
	[tilespmem:$0x13080] =	vst v63  }
0x556: {  	s19 =	sadd.s32 $0x190, s1;
	s20 =	simm.s32 $0x10680  }
0x557: {  	[tilespmem:s20], [sflag:$0x1] =	stream.linear.gather [hbm4b:s19+s4], $0x80, $0x38;
	[tilespmem:$0x13080] =	vst v63  }
0x558: {  	s21 =	sadd.s32 $0x210, s1;
	s22 =	simm.s32 $0x10880  }
0x559: {  	[tilespmem:s22], [sflag:$0x1] =	stream.linear.gather [hbm4b:s21+s4], $0x80, $0x38;
	[tilespmem:$0x13080] =	vst v63  }
0x55a: {  	s23 =	sadd.s32 $0x290, s1;
	s24 =	simm.s32 $0x10A80  }
0x55b: {  	[tilespmem:s24], [sflag:$0x1] =	stream.linear.gather [hbm4b:s23+s4], $0x80, $0x38;
	[tilespmem:$0x13080] =	vst v63  }
0x55c: {  	s25 =	sadd.s32 $0x310, s1;
	s26 =	simm.s32 $0x10C80  }
0x55d: {  	[tilespmem:s26], [sflag:$0x1] =	stream.linear.gather [hbm4b:s25+s4], $0x80, $0x38;
	[tilespmem:$0x13080] =	vst v63  }
0x55e: {  	s8 =	sadd.s32 $0x390, s1;
	s9 =	simm.s32 $0x10E80  }
0x55f: {  	[tilespmem:s9], [sflag:$0x1] =	stream.linear.gather [hbm4b:s8+s4], $0x80, $0x38;
	[tilespmem:$0x13080] =	vst v63  }
0x560: {  	s10 =	sadd.s32 $0x410, s1;
	s11 =	simm.s32 $0x11080  }
0x561: {  	[tilespmem:s11], [sflag:$0x1] =	stream.linear.gather [hbm4b:s10+s4], $0x80, $0x38;
	[tilespmem:$0x13080] =	vst v63  }
0x562: {  	s12 =	sadd.s32 $0x490, s1;
	s14 =	simm.s32 $0x11280  }
0x563: {  	[tilespmem:s14], [sflag:$0x1] =	stream.linear.gather [hbm4b:s12+s4], $0x80, $0x38;
	[tilespmem:$0x13080] =	vst v63  }
0x564: {  	s15 =	sadd.s32 $0x510, s1;
	s16 =	simm.s32 $0x11480  }
0x565: {  	[tilespmem:s16], [sflag:$0x1] =	stream.linear.gather [hbm4b:s15+s4], $0x80, $0x38;
	[tilespmem:$0x13080] =	vst v63  }
0x566: {  	s17 =	sadd.s32 $0x590, s1;
	s18 =	simm.s32 $0x11680  }
0x567: {  	[tilespmem:s18], [sflag:$0x1] =	stream.linear.gather [hbm4b:s17+s4], $0x80, $0x38;
	[tilespmem:$0x13080] =	vst v63  }
0x568: {  	s19 =	sadd.s32 $0x610, s1;
	s20 =	simm.s32 $0x11880  }
0x569: {  	[tilespmem:s20], [sflag:$0x1] =	stream.linear.gather [hbm4b:s19+s4], $0x80, $0x38;
	[tilespmem:$0x13080] =	vst v63  }
0x56a: {  	s21 =	sadd.s32 $0x690, s1;
	s22 =	simm.s32 $0x11A80  }
0x56b: {  	[tilespmem:s22], [sflag:$0x1] =	stream.linear.gather [hbm4b:s21+s4], $0x80, $0x38;
	[tilespmem:$0x13080] =	vst v63  }
0x56c: {  	s23 =	sadd.s32 $0x710, s1;
	s24 =	simm.s32 $0x11C80  }
0x56d: {  	[tilespmem:s24], [sflag:$0x1] =	stream.linear.gather [hbm4b:s23+s4], $0x80, $0x38;
	[tilespmem:$0x13080] =	vst v63  }
0x56e: {  	s25 =	sadd.s32 $0x790, s1;
	s26 =	simm.s32 $0x11E80  }
0x56f: {  	[tilespmem:s26], [sflag:$0x1] =	stream.linear.gather [hbm4b:s25+s4], $0x80, $0x38;
	[tilespmem:$0x13080] =	vst v63  }
0x570: {  	_ =	swait.ge [sflag:s13], $0x800  }
0x571: {  	[sflag:s13] =	ssyncset.done $0x0  }
0x572: {  	s8 =	sadd.s32 $0x20, s1;
	s9 =	simm.s32 $0x10100;
	[sflag:s13] =	ssyncadd.s32 $0xFFFFF800  }
0x573: {  	[tilespmem:s9], [sflag:$0x1] =	stream.linear.gather [hbm4b:s8+s4], $0x80, $0x38;
	[tilespmem:$0x13080] =	vst v63  }
0x574: {  	s10 =	sadd.s32 $0xA0, s1;
	s11 =	simm.s32 $0x10300  }
0x575: {  	[tilespmem:s11], [sflag:$0x1] =	stream.linear.gather [hbm4b:s10+s4], $0x80, $0x38;
	[tilespmem:$0x13080] =	vst v63  }
0x576: {  	s12 =	sadd.s32 $0x120, s1;
	s14 =	simm.s32 $0x10500  }
0x577: {  	[tilespmem:s14], [sflag:$0x1] =	stream.linear.gather [hbm4b:s12+s4], $0x80, $0x38;
	[tilespmem:$0x13080] =	vst v63  }
0x578: {  	s15 =	sadd.s32 $0x1A0, s1;
	s16 =	simm.s32 $0x10700  }
0x579: {  	[tilespmem:s16], [sflag:$0x1] =	stream.linear.gather [hbm4b:s15+s4], $0x80, $0x38;
	[tilespmem:$0x13080] =	vst v63  }
0x57a: {  	s17 =	sadd.s32 $0x220, s1;
	s18 =	simm.s32 $0x10900  }
0x57b: {  	[tilespmem:s18], [sflag:$0x1] =	stream.linear.gather [hbm4b:s17+s4], $0x80, $0x38;
	[tilespmem:$0x13080] =	vst v63  }
0x57c: {  	s19 =	sadd.s32 $0x2A0, s1;
	s20 =	simm.s32 $0x10B00  }
0x57d: {  	[tilespmem:s20], [sflag:$0x1] =	stream.linear.gather [hbm4b:s19+s4], $0x80, $0x38;
	[tilespmem:$0x13080] =	vst v63  }
0x57e: {  	s21 =	sadd.s32 $0x320, s1;
	s22 =	simm.s32 $0x10D00  }
0x57f: {  	[tilespmem:s22], [sflag:$0x1] =	stream.linear.gather [hbm4b:s21+s4], $0x80, $0x38;
	[tilespmem:$0x13080] =	vst v63  }
0x580: {  	s23 =	sadd.s32 $0x3A0, s1;
	s24 =	simm.s32 $0x10F00  }
0x581: {  	[tilespmem:s24], [sflag:$0x1] =	stream.linear.gather [hbm4b:s23+s4], $0x80, $0x38;
	[tilespmem:$0x13080] =	vst v63  }
0x582: {  	s25 =	sadd.s32 $0x420, s1;
	s26 =	simm.s32 $0x11100  }
0x583: {  	[tilespmem:s26], [sflag:$0x1] =	stream.linear.gather [hbm4b:s25+s4], $0x80, $0x38;
	[tilespmem:$0x13080] =	vst v63  }
0x584: {  	s8 =	sadd.s32 $0x4A0, s1;
	s9 =	simm.s32 $0x11300  }
0x585: {  	[tilespmem:s9], [sflag:$0x1] =	stream.linear.gather [hbm4b:s8+s4], $0x80, $0x38;
	[tilespmem:$0x13080] =	vst v63  }
0x586: {  	s10 =	sadd.s32 $0x520, s1;
	s11 =	simm.s32 $0x11500  }
0x587: {  	[tilespmem:s11], [sflag:$0x1] =	stream.linear.gather [hbm4b:s10+s4], $0x80, $0x38;
	[tilespmem:$0x13080] =	vst v63  }
0x588: {  	s12 =	sadd.s32 $0x5A0, s1;
	s14 =	simm.s32 $0x11700  }
0x589: {  	[tilespmem:s14], [sflag:$0x1] =	stream.linear.gather [hbm4b:s12+s4], $0x80, $0x38;
	[tilespmem:$0x13080] =	vst v63  }
0x58a: {  	s15 =	sadd.s32 $0x620, s1;
	s16 =	simm.s32 $0x11900  }
0x58b: {  	[tilespmem:s16], [sflag:$0x1] =	stream.linear.gather [hbm4b:s15+s4], $0x80, $0x38;
	[tilespmem:$0x13080] =	vst v63  }
0x58c: {  	s17 =	sadd.s32 $0x6A0, s1;
	s18 =	simm.s32 $0x11B00  }
0x58d: {  	[tilespmem:s18], [sflag:$0x1] =	stream.linear.gather [hbm4b:s17+s4], $0x80, $0x38;
	[tilespmem:$0x13080] =	vst v63  }
0x58e: {  	s19 =	sadd.s32 $0x720, s1;
	s20 =	simm.s32 $0x11D00  }
0x58f: {  	[tilespmem:s20], [sflag:$0x1] =	stream.linear.gather [hbm4b:s19+s4], $0x80, $0x38;
	[tilespmem:$0x13080] =	vst v63  }
0x590: {  	s21 =	sadd.s32 $0x7A0, s1;
	s22 =	simm.s32 $0x11F00  }
0x591: {  	[tilespmem:s22], [sflag:$0x1] =	stream.linear.gather [hbm4b:s21+s4], $0x80, $0x38;
	[tilespmem:$0x13080] =	vst v63  }
0x592: {  	_ =	swait.ge [sflag:s13], $0x800  }
0x593: {  	[sflag:s13] =	ssyncset.done $0x0  }
0x594: {  	s23 =	sadd.s32 $0x30, s1;
	s24 =	simm.s32 $0x10180;
	[sflag:s13] =	ssyncadd.s32 $0xFFFFF800  }
0x595: {  	[tilespmem:s24], [sflag:$0x1] =	stream.linear.gather [hbm4b:s23+s4], $0x80, $0x38;
	[tilespmem:$0x13080] =	vst v63  }
0x596: {  	s25 =	sadd.s32 $0xB0, s1;
	s26 =	simm.s32 $0x10380  }
0x597: {  	[tilespmem:s26], [sflag:$0x1] =	stream.linear.gather [hbm4b:s25+s4], $0x80, $0x38;
	[tilespmem:$0x13080] =	vst v63  }
0x598: {  	s8 =	sadd.s32 $0x130, s1;
	s9 =	simm.s32 $0x10580  }
0x599: {  	[tilespmem:s9], [sflag:$0x1] =	stream.linear.gather [hbm4b:s8+s4], $0x80, $0x38;
	[tilespmem:$0x13080] =	vst v63  }
0x59a: {  	s10 =	sadd.s32 $0x1B0, s1;
	s11 =	simm.s32 $0x10780  }
0x59b: {  	[tilespmem:s11], [sflag:$0x1] =	stream.linear.gather [hbm4b:s10+s4], $0x80, $0x38;
	[tilespmem:$0x13080] =	vst v63  }
0x59c: {  	s12 =	sadd.s32 $0x230, s1;
	s14 =	simm.s32 $0x10980  }
0x59d: {  	[tilespmem:s14], [sflag:$0x1] =	stream.linear.gather [hbm4b:s12+s4], $0x80, $0x38;
	[tilespmem:$0x13080] =	vst v63  }
0x59e: {  	s15 =	sadd.s32 $0x2B0, s1;
	s16 =	simm.s32 $0x10B80  }
0x59f: {  	[tilespmem:s16], [sflag:$0x1] =	stream.linear.gather [hbm4b:s15+s4], $0x80, $0x38;
	[tilespmem:$0x13080] =	vst v63  }
0x5a0: {  	s17 =	sadd.s32 $0x330, s1;
	s18 =	simm.s32 $0x10D80  }
0x5a1: {  	[tilespmem:s18], [sflag:$0x1] =	stream.linear.gather [hbm4b:s17+s4], $0x80, $0x38;
	[tilespmem:$0x13080] =	vst v63  }
0x5a2: {  	s19 =	sadd.s32 $0x3B0, s1;
	s20 =	simm.s32 $0x10F80  }
0x5a3: {  	[tilespmem:s20], [sflag:$0x1] =	stream.linear.gather [hbm4b:s19+s4], $0x80, $0x38;
	[tilespmem:$0x13080] =	vst v63  }
0x5a4: {  	s21 =	sadd.s32 $0x430, s1;
	s22 =	simm.s32 $0x11180  }
0x5a5: {  	[tilespmem:s22], [sflag:$0x1] =	stream.linear.gather [hbm4b:s21+s4], $0x80, $0x38;
	[tilespmem:$0x13080] =	vst v63  }
0x5a6: {  	s23 =	sadd.s32 $0x4B0, s1;
	s24 =	simm.s32 $0x11380  }
0x5a7: {  	[tilespmem:s24], [sflag:$0x1] =	stream.linear.gather [hbm4b:s23+s4], $0x80, $0x38;
	[tilespmem:$0x13080] =	vst v63  }
0x5a8: {  	s25 =	sadd.s32 $0x530, s1;
	s26 =	simm.s32 $0x11580  }
0x5a9: {  	[tilespmem:s26], [sflag:$0x1] =	stream.linear.gather [hbm4b:s25+s4], $0x80, $0x38;
	[tilespmem:$0x13080] =	vst v63  }
0x5aa: {  	s8 =	sadd.s32 $0x5B0, s1;
	s9 =	simm.s32 $0x11780  }
0x5ab: {  	[tilespmem:s9], [sflag:$0x1] =	stream.linear.gather [hbm4b:s8+s4], $0x80, $0x38;
	[tilespmem:$0x13080] =	vst v63  }
0x5ac: {  	s10 =	sadd.s32 $0x630, s1;
	s11 =	simm.s32 $0x11980  }
0x5ad: {  	[tilespmem:s11], [sflag:$0x1] =	stream.linear.gather [hbm4b:s10+s4], $0x80, $0x38;
	[tilespmem:$0x13080] =	vst v63  }
0x5ae: {  	s12 =	sadd.s32 $0x6B0, s1;
	s14 =	simm.s32 $0x11B80;
	s15 =	sadd.s32 $0x730, s1  }
0x5af: {  	[tilespmem:s14], [sflag:$0x1] =	stream.linear.gather [hbm4b:s12+s4], $0x80, $0x38;
	[tilespmem:$0x13080] =	vst v63  }
0x5b0: {  	s16 =	simm.s32 $0x11D80;
	s1 =	sadd.s32 $0x7B0, s1;
	s17 =	simm.s32 $0x11F80  }
0x5b1: {  	[tilespmem:s16], [sflag:$0x1] =	stream.linear.gather [hbm4b:s15+s4], $0x80, $0x38;
	[tilespmem:$0x13080] =	vst v63  }
0x5b2: {  	s18 =	simm.s32 $0x0;
	s19 =	simm.s32 $0x10;
	s9 =	simm.s32 $0x40  }
0x5b3: {  	[tilespmem:s17], [sflag:$0x1] =	stream.linear.gather [hbm4b:s1+s4], $0x80, $0x38;
	[tilespmem:$0x13080] =	vst v63  }
0x5b4: {  	s8 =	sand.u32 $0x70, s19;
	s17 =	simm.s32 $0x0;
	_ =	swait.ge [sflag:s13], $0x800  }
0x5b5: {  	s1 =	sand.u32 $0x3FFFFE00, s18;
	s10 =	sand.u32 $0x70, s17;
	[sflag:s13] =	ssyncset.done $0x0  }
0x5b6: {  	s20 =	sand.u32 $0x3FFFFE00, s9;
	s1 =	sor.u32 s10, s1;
	[sflag:s13] =	ssyncadd.s32 $0xFFFFF800  }
0x5b7: {  	s6 =	sor.u32 s8, s20;
	v0 =	vld [tilespmem:s1+$0x10000]  }
0x5b8: {  	v1 =	vld [tilespmem:s6+$0x10000];
	s1 =	sadd.s32 $0x10000, s1  }
0x5b9: {  	v2 =	vld [tilespmem:s1+$0x80]  }
0x5ba: {  	v3 =	vld [tilespmem:s1+$0x100]  }
0x5bb: {  	s21 =	sadd.s32 $0x10000, s6;
	v4 =	vld [tilespmem:s1+$0x180]  }
0x5bc: {  	v5 =	vld [tilespmem:s21+$0x80];
	v0 =	vsub.f32 $0.0e+00, v0  }
0x5bd: {  	v1 =	vsub.f32 $0.0e+00, v1  }
0x5be: {  	s23 =	simm.s32 $0x100;
	s9 =	simm.s32 $0x30;
	s11 =	simm.s32 $0xC0;
	v7 =	vld [tilespmem:s21+$0x180];
	v2 =	vsub.f32 $0.0e+00, v2;
	v0 =	vmul.f32 $1.442695020e+00, v0  }
0x5bf: {  	s22 =	sand.u32 $0x3FFFFE00, s11;
	s15 =	simm.s32 $0x40;
	v6 =	vld [tilespmem:s21+$0x100];
	s6 =	sand.u32 $0x70, s9;
	v3 =	vsub.f32 $0.0e+00, v3;
	v1 =	vmul.f32 $1.442695020e+00, v1  }
0x5c0: {  	s11 =	sand.u32 $0x3FFFFE00, s23;
	s14 =	sand.u32 $0x70, s15;
	s1 =	sor.u32 s6, s22;
	(erf) = vpow2.f32 v0;
	v0 =	vmul.f32 $1.442695020e+00, v2;
	v2 =	vsub.f32 $0.0e+00, v4  }
0x5c1: {  	s11 =	sor.u32 s14, s11;
	v4 =	vsub.f32 $0.0e+00, v5;
	(erf) = vpow2.f32 v1;
	v1 =	vld [tilespmem:s1+$0x10000]  }
0x5c2: {  	v3 =	vmul.f32 $1.442695020e+00, v3;
	v5 =	vld [tilespmem:s11+$0x10000];
	v2 =	vmul.f32 $1.442695020e+00, v2  }
0x5c3: {  	(erf) = vpow2.f32 v0;
	v0 =	vmul.f32 $1.442695020e+00, v4;
	v4 =	vsub.f32 $0.0e+00, v7  }
0x5c4: {  	v6 =	vsub.f32 $0.0e+00, v6;
	(erf) = vpow2.f32 v3  }
0x5c5: {  	(erf) = vpow2.f32 v2;
	v2 =	vmul.f32 $1.442695020e+00, v4  }
0x5c6: {  	v3 =	vmul.f32 $1.442695020e+00, v6;
	(erf) = vpow2.f32 v0;
	v0 =	vsub.f32 $0.0e+00, v1  }
0x5c7: {  	v1 =	vsub.f32 $0.0e+00, v5  }
0x5c8: {  	(erf) = vpow2.f32 v3;
	v0 =	vmul.f32 $1.442695020e+00, v0  }
0x5c9: {  	(erf) = vpow2.f32 v2;
	v1 =	vmul.f32 $1.442695020e+00, v1;
	v2 =	vpop (erf)  }
0x5ca: {  	s1 =	sadd.s32 $0x10000, s1;
	v3 =	vpop (erf);
	v2 =	vadd.f32 $1.000000000e+00, v2;
	(erf) = vpow2.f32 v0  }
0x5cb: {  	v4 =	vld [tilespmem:s1+$0x80];
	(erf) = vpow2.f32 v1;
	v1 =	vadd.f32 $1.000000000e+00, v3  }
0x5cc: {  	v0 =	vpop (erf)  }
0x5cd: {  	(erf) = vrcp.f32 v2;
	v3 =	vpop (erf);
	v0 =	vadd.f32 $1.000000000e+00, v0  }
0x5ce: {  	v5 =	vld [tilespmem:s1+$0x100];
	(erf) = vrcp.f32 v1;
	v2 =	vpop (erf);
	v3 =	vadd.f32 $1.000000000e+00, v3  }
0x5cf: {  	s24 =	sadd.s32 $0x10000, s11;
	v6 =	vld [tilespmem:s1+$0x180];
	v1 =	vpop (erf);
	v2 =	vadd.f32 $1.000000000e+00, v2;
	(erf) = vrcp.f32 v0  }
0x5d0: {  	v7 =	vld [tilespmem:s24+$0x80];
	v4 =	vsub.f32 $0.0e+00, v4;
	v1 =	vadd.f32 $1.000000000e+00, v1;
	(erf) = vrcp.f32 v3  }
0x5d1: {  	v8 =	vld [tilespmem:s24+$0x100];
	v0 =	vpop (erf);
	(erf) = vrcp.f32 v2  }
0x5d2: {  	v9 =	vld [tilespmem:s24+$0x180];
	v3 =	vpop (erf);
	v0 =	vadd.f32 $1.000000000e+00, v0;
	(erf) = vrcp.f32 v1;
	v1 =	vmul.f32 $1.442695020e+00, v4  }
0x5d3: {  	v2 =	vsub.f32 $0.0e+00, v5;
	v3 =	vadd.f32 $1.000000000e+00, v3  }
0x5d4: {  	v4 =	vsub.f32 $0.0e+00, v6;
	(erf) = vrcp.f32 v0  }
0x5d5: {  	v5 =	vpop (erf);
	v0 =	vmul.f32 $1.442695020e+00, v2;
	v2 =	vsub.f32 $0.0e+00, v7;
	(erf) = vrcp.f32 v3  }
0x5d6: {  	v3 =	vmul.f32 $1.442695020e+00, v4;
	v4 =	vsub.f32 $0.0e+00, v8;
	(erf) = vpow2.f32 v1;
	v1 =	vpop (erf)  }
0x5d7: {  	[tilespmem:$0x1F330] =	vst v1;
	v1 =	vmul.f32 $1.442695020e+00, v2;
	v2 =	vsub.f32 $0.0e+00, v9  }
0x5d8: {  	s25 =	simm.s32 $0x20;
	s26 =	simm.s32 $0x80;
	v4 =	vmul.f32 $1.442695020e+00, v4  }
0x5d9: {  	s12 =	sand.u32 $0x3FFFFE00, s26;
	s16 =	sand.u32 $0x70, s25;
	(erf) = vpow2.f32 v0;
	v0 =	vpop (erf);
	v2 =	vmul.f32 $1.442695020e+00, v2  }
0x5da: {  	s1 =	sor.u32 s16, s12;
	[tilespmem:$0x1F320] =	vst v5;
	(erf) = vpow2.f32 v3;
	v3 =	vpop (erf)  }
0x5db: {  	s18 =	sadd.s32 $0x10000, s1;
	v5 =	vld [tilespmem:s1+$0x10000];
	(erf) = vpow2.f32 v1;
	v1 =	vpop (erf)  }
0x5dc: {  	v6 =	vld [tilespmem:s18+$0x80];
	(erf) = vpow2.f32 v4;
	v4 =	vpop (erf)  }
0x5dd: {  	v7 =	vld [tilespmem:s18+$0x100];
	(erf) = vpow2.f32 v2;
	v2 =	vpop (erf)  }
0x5de: {  	v8 =	vld [tilespmem:s18+$0x180];
	v9 =	vmul.f32 v0, v30;
	v0 =	vpop (erf)  }
0x5df: {  	v10 =	vpop (erf)  }
0x5e0: {  	v5 =	vsub.f32 $0.0e+00, v5;
	v11 =	vmul.f32 v0, v30;
	v0 =	vpop (erf)  }
0x5e1: {  	v12 =	vmul.f32 v0, v30;
	v0 =	vsub.f32 $0.0e+00, v6  }
0x5e2: {  	v7 =	vsub.f32 $0.0e+00, v7;
	v5 =	vmul.f32 $1.442695020e+00, v5  }
0x5e3: {  	v8 =	vsub.f32 $0.0e+00, v8;
	v0 =	vmul.f32 $1.442695020e+00, v0  }
0x5e4: {  	v7 =	vmul.f32 $1.442695020e+00, v7;
	(erf) = vpow2.f32 v5  }
0x5e5: {  	v5 =	vmul.f32 $1.442695020e+00, v8;
	(erf) = vpow2.f32 v0  }
0x5e6: {  	v6 =	vtrunc.f32 v9;
	(erf) = vpow2.f32 v7  }
0x5e7: {  	v1 =	vmul.f32 v1, v30;
	v0 =	vpop (erf);
	(erf) = vpow2.f32 v5  }
0x5e8: {  	v3 =	vmul.f32 v3, v30;
	[tilespmem:$0x1F340] =	vst v0;
	v0 =	vpop (erf)  }
0x5e9: {  	v16 =	vcvt.f32.s32 v6;
	[tilespmem:$0x1F030] =	vst v0;
	v0 =	vtrunc.f32 v1;
	v6 =	vpop (erf)  }
0x5ea: {  	v8 =	vpop (erf)  }
0x5eb: {  	v13 =	vtrunc.f32 v3;
	v4 =	vmul.f32 v4, v30;
	[tilespmem:$0x1F050] =	vst v8;
	v8 =	vpop (erf)  }
0x5ec: {  	v31 =	vcvt.f32.s32 v13;
	v15 =	vcvt.f32.s32 v0;
	v0 =	vpop (erf)  }
0x5ed: {  	v10 =	vmul.f32 v10, v30;
	v14 =	vtrunc.f32 v12;
	v50 =	vpop (erf)  }
0x5ee: {  	v2 =	vmul.f32 v2, v30;
	v49 =	vcvt.f32.s32 v14;
	v14 =	vadd.f32 $1.000000000e+00, v50;
	v19 =	vpop (erf)  }
0x5ef: {  	v18 =	vcvt.s32.f32 v31;
	v48 =	vtrunc.f32 v10;
	v19 =	vadd.f32 $1.000000000e+00, v19;
	v22 =	vpop (erf)  }
0x5f0: {  	v17 =	vcvt.s32.f32 v16;
	v22 =	vadd.f32 $1.000000000e+00, v22;
	(erf) = vrcp.f32 v14;
	v51 =	vpop (erf)  }
0x5f1: {  	v7 =	vtrunc.f32 v11;
	v14 =	vadd.f32 $1.000000000e+00, v51;
	(erf) = vrcp.f32 v19  }
0x5f2: {  	v5 =	vtrunc.f32 v4;
	(erf) = vrcp.f32 v22  }
0x5f3: {  	v29 =	vsub.f32 v3, v18;
	[tilespmem:$0x1F040] =	vst v6;
	v6 =	vtrunc.f32 v2;
	(erf) = vrcp.f32 v14  }
0x5f4: {  	v27 =	vmul.u32 $0xDB06C2F5, v49;
	v5 =	vcvt.f32.s32 v5;
	v6 =	vcvt.f32.s32 v6  }
0x5f5: {  	v28 =	vsub.f32 v9, v17;
	[tilespmem:$0x1F070] =	vst v0;
	v0 =	vcvt.f32.s32 v7;
	v7 =	vcvt.f32.s32 v48  }
0x5f6: {  	v21 =	vcvt.s32.f32 v5;
	v26 =	vmul.u32 $0x30025795, v5;
	v25 =	vmul.u32 $0xDB06C2F5, v6  }
0x5f7: {  	v3 =	vadd.s32 $0xDB06C2F5, v27;
	v20 =	vcvt.s32.f32 v15;
	v53 =	vcvt.s32.f32 v7  }
0x5f8: {  	v54 =	vadd.s32 $0x30025795, v26;
	v7 =	vmul.u32 $0x30025795, v7;
	v9 =	vadd.s32 $0xDB06C2F5, v25  }
0x5f9: {  	v24 =	vcvt.s32.f32 v6;
	v5 =	vxor.u32 v54, v9;
	v14 =	vsub.f32 v10, v53;
	v10 =	vpop (erf)  }
0x5fa: {  	v6 =	vcvt.s32.f32 v49;
	v55 =	vadd.s32 $0x30025795, v7;
	[tilespmem:$0x1F080] =	vst v5;
	v5 =	vxor.u32 v7, v27;
	v57 =	vpop (erf)  }
0x5fb: {  	v1 =	vsub.f32 v1, v20;
	[tilespmem:$0x1F090] =	vst v5;
	v5 =	vxor.u32 v55, v3;
	v60 =	vmul.f32 v10, v30;
	v59 =	vpop (erf)  }
0x5fc: {  	v3 =	vxor.u32 v7, v3;
	v20 =	vmul.f32 v57, v30;
	v10 =	vpop (erf);
	v62 =	vmul.f32 v59, v30  }
0x5fd: {  	[tilespmem:$0x1F0B0] =	vst v3;
	v3 =	vtrunc.f32 v60;
	v63 =	vmul.f32 v10, v30  }
0x5fe: {  	v37 =	vxor.u32 v26, v9;
	v7 =	vtrunc.f32 v20;
	v9 =	vtrunc.f32 v62  }
0x5ff: {  	v47 =	vcvt.f32.s32 v7;
	v10 =	vtrunc.f32 v63  }
0x600: {  	v23 =	vadd.s32 $0x1, v16;
	v48 =	vcvt.f32.s32 v9;
	v49 =	vcvt.f32.s32 v10  }
0x601: {  	v15 =	vmul.u32 $0x9E3779B1, v15;
	v52 =	vcvt.s32.f32 v0;
	v32 =	vcvt.f32.s32 v3  }
0x602: {  	v33 =	vmul.u32 $0x9E3779B1, v47;
	v9 =	vmul.u32 $0x30025795, v48;
	v10 =	vmul.u32 $0xDB06C2F5, v49  }
0x603: {  	v4 =	vsub.f32 v4, v21;
	v61 =	vxor.u32 v26, v25;
	v39 =	vadd.s32 $0x1, v32  }
0x604: {  	v19 =	vsub.f32 v11, v52;
	v52 =	vxor.u32 v39, v33;
	v40 =	vxor.u32 v9, v10  }
0x605: {  	v50 =	vxor.u32 v25, v54;
	v25 =	vand.u32 $0xFFFF, v52;
	v40 =	vand.u32 $0xFFFF, v40  }
0x606: {  	v58 =	vxor.u32 v23, v15;
	v2 =	vsub.f32 v2, v24;
	v44 =	vxor.u32 v25, v40  }
0x607: {  	v24 =	vadd.s32 $0x9E3779B1, v15;
	v35 =	vsub.f32 v12, v6;
	v15 =	vxor.u32 v16, v15  }
0x608: {  	[tilespmem:$0x1F060] =	vst v8;
	v6 =	vxor.u32 v27, v55;
	v27 =	vxor.u32 v16, v24;
	v36 =	vcvt.s32.f32 v32  }
0x609: {  	[tilespmem:$0x1F0A0] =	vst v5;
	v38 =	vcvt.s32.f32 v47;
	v51 =	vxor.u32 v32, v33;
	v33 =	vadd.s32 $0x9E3779B1, v33  }
0x60a: {  	[tilespmem:$0x1F0C0] =	vst v6;
	v16 =	vcvt.s32.f32 v49;
	v21 =	vand.u32 $0xFFFF, v51;
	v32 =	vxor.u32 v32, v33  }
0x60b: {  	v41 =	vand.u32 $0xFFFF, v32;
	v53 =	vxor.u32 v21, v40;
	v3 =	vld.idx.msk [tilespmem:v44+s0+$0x0], $0xffff  }
0x60c: {  	v38 =	vsub.f32 v20, v38;
	v20 =	vsub.f32 v63, v16;
	v63 =	vxor.u32 v41, v40;
	_ =	sdelay $0x1  }
0x60d: {  	v18 =	vcvt.s32.f32 v48  }
0x60e: {  	v34 =	vsub.f32 $1.000000000e+00, v28  }
0x60f: {  	v42 =	vsub.f32 $1.000000000e+00, v4;
	v22 =	vsub.f32 v62, v18;
	v62 =	vxor.u32 v39, v33;
	v39 =	vld.idx.msk [tilespmem:v53+s0+$0x0], $0xffff;
	[tilespmem:$0x1F0D0] =	vst v3  }
0x610: {  	v0 =	vmul.u32 $0x9E3779B1, v0;
	v43 =	vsub.f32 v60, v36;
	v56 =	vand.u32 $0xFFFF, v62;
	v7 =	vld.idx.msk [tilespmem:v63+s0+$0x0], $0xffff  }
0x611: {  	v13 =	vmul.f32 v1, v28;
	v54 =	vmul.f32 v2, v42;
	v45 =	vxor.u32 v56, v40  }
0x612: {  	v24 =	vxor.u32 v23, v24;
	v60 =	vsub.f32 $1.000000000e+00, v43;
	v12 =	vsub.f32 $1.000000000e+00, v38  }
0x613: {  	v23 =	vadd.s32 $0x9E3779B1, v0;
	v52 =	vsub.f32 $1.000000000e+00, v22;
	v47 =	vsub.f32 $1.000000000e+00, v20  }
0x614: {  	v5 =	vmul.f32 v2, v4;
	v48 =	vsub.f32 $1.000000000e+00, v2;
	v17 =	vadd.s32 $0x30025795, v9  }
0x615: {  	v16 =	vxor.u32 v10, v17;
	v36 =	vmul.f32 v12, v60;
	v51 =	vmul.f32 v47, v52;
	[tilespmem:$0x1F0E0] =	vst v7  }
0x616: {  	v57 =	vmul.f32 v48, v4;
	v55 =	vmul.f32 v38, v43;
	v49 =	vand.u32 $0xFFFF, v16;
	v6 =	vld.idx.msk [tilespmem:v45+s0+$0x0], $0xffff  }
0x617: {  	v2 =	vxor.u32 v21, v49;
	v32 =	vmul.f32 v12, v43;
	v40 =	vmul.f32 v51, v36  }
0x618: {  	v26 =	vxor.u32 v25, v49;
	v53 =	vmul.f32 v1, v34;
	v44 =	vmul.f32 v38, v60  }
0x619: {  	v1 =	vsub.f32 $1.000000000e+00, v1;
	v60 =	vmul.f32 v47, v22;
	v4 =	vshll.u32 v39, $0x10  }
0x61a: {  	v12 =	vxor.u32 v31, v0;
	v4 =	vmul.f32 v4, v40;
	v45 =	vmul.f32 v51, v32  }
0x61b: {  	v38 =	vmul.f32 v51, v44;
	v59 =	vmul.f32 v1, v28;
	v30 =	vshll.u32 v3, $0x10;
	[tilespmem:$0x1F100] =	vst v6  }
0x61c: {  	v62 =	vmul.f32 v1, v34;
	v3 =	vld.idx.msk [tilespmem:v2+s0+$0x0], $0xffff;
	v2 =	vadd.f32 $0.0e+00, v4;
	v4 =	vmul.f32 v30, v45  }
0x61d: {  	v63 =	vmul.f32 v48, v42;
	v33 =	vshll.u32 v7, $0x10;
	v7 =	vmul.f32 v51, v55  }
0x61e: {  	v1 =	vshll.u32 v6, $0x10;
	v2 =	vadd.f32 v2, v4;
	v4 =	vmul.f32 v33, v38  }
0x61f: {  	v34 =	vsub.f32 $1.000000000e+00, v19;
	[tilespmem:$0x1F110] =	vst v7;
	v1 =	vmul.f32 v1, v7;
	v7 =	vmul.f32 v60, v36  }
0x620: {  	v48 =	vadd.s32 $0x1, v31;
	v2 =	vadd.f32 v2, v4;
	v4 =	vsub.f32 $1.000000000e+00, v29  }
0x621: {  	v16 =	vxor.u32 v48, v0;
	v0 =	vsub.f32 $1.000000000e+00, v14;
	v51 =	vmul.f32 v34, v29;
	[tilespmem:$0x1F140] =	vst v7  }
0x622: {  	[tilespmem:$0x1F130] =	vst v3;
	v46 =	vshll.u32 v3, $0x10;
	v18 =	vmul.f32 v34, v4;
	v34 =	vsub.f32 $1.000000000e+00, v35  }
0x623: {  	v6 =	vld.idx.msk [tilespmem:v26+s0+$0x0], $0xffff;
	v42 =	vmul.f32 v46, v7  }
0x624: {  	v46 =	vmul.f32 v35, v0;
	v7 =	vmul.f32 v34, v0;
	v0 =	vld [tilespmem:$0x1F080];
	_ =	sdelay $0x1  }
0x625: {  	v11 =	vmul.f32 v19, v29;
	v28 =	vand.u32 $0xFFFF, v27;
	v47 =	vadd.f32 v2, v1  }
0x626: {  	v8 =	vmul.f32 v19, v4;
	v1 =	vmul.f32 v60, v32;
	v26 =	vxor.u32 v48, v23  }
0x627: {  	v19 =	vadd.f32 v47, v42;
	v47 =	vxor.u32 v31, v23;
	v30 =	vshll.u32 v6, $0x10  }
0x628: {  	[tilespmem:$0x1F170] =	vst v1;
	v23 =	vand.u32 $0xFFFF, v24;
	v33 =	vmul.f32 v30, v1;
	v43 =	vand.u32 $0xFFFF, v0  }
0x629: {  	[tilespmem:$0x1F160] =	vst v6;
	v6 =	vmul.f32 v34, v14;
	v1 =	vmul.f32 v35, v14;
	v0 =	vxor.u32 v23, v43  }
0x62a: {  	v14 =	vadd.f32 v19, v33;
	v19 =	vand.u32 $0xFFFF, v58;
	[tilespmem:$0x1F2D0] =	vst v0;
	v0 =	vxor.u32 v28, v43  }
0x62b: {  	v15 =	vand.u32 $0xFFFF, v15;
	[tilespmem:$0x1F2A0] =	vst v0;
	v0 =	vxor.u32 v19, v43  }
0x62c: {  	[tilespmem:$0x1F270] =	vst v0;
	v0 =	vxor.u32 v15, v43  }
0x62d: {  	[tilespmem:$0x1F240] =	vst v0;
	v0 =	vmul.f32 v5, v13;
	_ =	sdelay $0x1  }
0x62e: {  	[tilespmem:$0x1F300] =	vst v0;
	v0 =	vmul.f32 v5, v53;
	_ =	sdelay $0x1  }
0x62f: {  	v42 =	vxor.u32 v41, v49;
	[tilespmem:$0x1F2F0] =	vst v0;
	v0 =	vmul.f32 v5, v59;
	_ =	sdelay $0x1  }
0x630: {  	[tilespmem:$0x1F2C0] =	vst v0;
	v0 =	vmul.f32 v5, v62  }
0x631: {  	v30 =	vand.u32 $0xFFFF, v37  }
0x632: {  	[tilespmem:$0x1F290] =	vst v0;
	v0 =	vxor.u32 v23, v30  }
0x633: {  	v42 =	vld.idx.msk [tilespmem:v42+s0+$0x0], $0xffff;
	[tilespmem:$0x1F210] =	vst v0;
	v0 =	vxor.u32 v28, v30  }
0x634: {  	[tilespmem:$0x1F1E0] =	vst v0;
	v0 =	vxor.u32 v19, v30  }
0x635: {  	[tilespmem:$0x1F1B0] =	vst v0;
	v0 =	vxor.u32 v15, v30  }
0x636: {  	[tilespmem:$0x1F190] =	vst v0;
	v0 =	vmul.f32 v54, v13;
	_ =	sdelay $0x1  }
0x637: {  	[tilespmem:$0x1F260] =	vst v0;
	v0 =	vmul.f32 v54, v53;
	_ =	sdelay $0x1  }
0x638: {  	[tilespmem:$0x1F230] =	vst v0;
	v0 =	vmul.f32 v54, v59;
	_ =	sdelay $0x1  }
0x639: {  	v5 =	vxor.u32 v56, v49;
	[tilespmem:$0x1F200] =	vst v0;
	v0 =	vmul.f32 v54, v62  }
0x63a: {  	v31 =	vand.u32 $0xFFFF, v61;
	v61 =	vand.u32 $0xFFFF, v50  }
0x63b: {  	[tilespmem:$0x1F1D0] =	vst v0;
	v0 =	vxor.u32 v19, v61  }
0x63c: {  	[tilespmem:$0x1F120] =	vst v0;
	v0 =	vxor.u32 v15, v61  }
0x63d: {  	[tilespmem:$0x1F0F0] =	vst v0  }
0x63e: {  	v43 =	vld.idx.msk [tilespmem:v5+s0+$0x0], $0xffff  }
0x63f: {  	v0 =	vxor.u32 v23, v61  }
0x640: {  	v34 =	vxor.u32 v23, v31;
	v49 =	vmul.f32 v60, v44;
	[tilespmem:$0x1F180] =	vst v0;
	v0 =	vxor.u32 v28, v61  }
0x641: {  	v24 =	vxor.u32 v19, v31;
	v30 =	vxor.u32 v28, v31;
	v5 =	vshll.u32 v42, $0x10;
	[tilespmem:$0x1F150] =	vst v0;
	v0 =	vld [tilespmem:$0x1F090]  }
0x642: {  	v19 =	vxor.u32 v15, v31;
	v31 =	vmul.f32 v60, v55;
	v5 =	vmul.f32 v5, v49  }
0x643: {  	v29 =	vshll.u32 v43, $0x10  }
0x644: {  	v5 =	vadd.f32 v14, v5;
	v50 =	vmul.f32 v29, v31;
	_ =	sdelay $0x1  }
0x645: {  	v50 =	vadd.f32 v5, v50;
	v5 =	vmul.f32 v20, v52;
	v52 =	vand.u32 $0xFFFF, v0;
	v0 =	vld [tilespmem:$0x1F0A0];
	_ =	sdelay $0x4  }
0x646: {  	v35 =	vand.u32 $0xFFFF, v0;
	v0 =	vld [tilespmem:$0x1F0B0];
	_ =	sdelay $0x4  }
0x647: {  	v58 =	vmul.f32 v57, v53;
	v15 =	vmul.f32 v63, v53;
	v53 =	vand.u32 $0xFFFF, v0;
	v0 =	vld [tilespmem:$0x1F0C0]  }
0x648: {  	v10 =	vadd.s32 $0xDB06C2F5, v10  }
0x649: {  	v9 =	vxor.u32 v9, v10  }
0x64a: {  	v9 =	vand.u32 $0xFFFF, v9  }
0x64b: {  	v37 =	vand.u32 $0xFFFF, v26;
	v33 =	vxor.u32 v21, v9  }
0x64c: {  	v60 =	vand.u32 $0xFFFF, v47;
	v26 =	vand.u32 $0xFFFF, v0;
	v0 =	vxor.u32 v37, v35  }
0x64d: {  	v12 =	vand.u32 $0xFFFF, v12;
	v16 =	vand.u32 $0xFFFF, v16;
	[tilespmem:$0x1F2E0] =	vst v0;
	v0 =	vxor.u32 v60, v35  }
0x64e: {  	v27 =	vmul.f32 v57, v59;
	v48 =	vmul.f32 v57, v13;
	[tilespmem:$0x1F2B0] =	vst v0;
	v0 =	vxor.u32 v16, v35  }
0x64f: {  	v4 =	vmul.f32 v20, v22;
	v2 =	vmul.f32 v1, v11;
	[tilespmem:$0x1F280] =	vst v0;
	v0 =	vxor.u32 v12, v35  }
0x650: {  	v10 =	vxor.u32 v17, v10;
	v59 =	vmul.f32 v63, v59;
	v54 =	vmul.f32 v63, v13;
	[tilespmem:$0x1F250] =	vst v0  }
0x651: {  	v23 =	vmul.f32 v57, v62;
	v0 =	vxor.u32 v37, v53;
	v57 =	vld.idx.msk [tilespmem:v33+s0+$0x0], $0xffff;
	v33 =	vxor.u32 v25, v9  }
0x652: {  	v47 =	vmul.f32 v1, v8;
	v14 =	vmul.f32 v63, v62;
	[tilespmem:$0x1F220] =	vst v0;
	v0 =	vxor.u32 v60, v53  }
0x653: {  	v20 =	vxor.u32 v16, v52;
	v35 =	vxor.u32 v41, v9;
	[tilespmem:$0x1F1F0] =	vst v0;
	v0 =	vxor.u32 v16, v53  }
0x654: {  	v63 =	vxor.u32 v12, v52;
	v13 =	vxor.u32 v60, v52;
	[tilespmem:$0x1F1C0] =	vst v0;
	v0 =	vxor.u32 v12, v53  }
0x655: {  	v22 =	vmul.f32 v5, v36;
	v17 =	vmul.f32 v5, v32;
	v9 =	vxor.u32 v56, v9;
	[tilespmem:$0x1F1A0] =	vst v0  }
0x656: {  	v28 =	vxor.u32 v16, v26;
	v61 =	vxor.u32 v37, v26;
	v29 =	vxor.u32 v60, v26;
	v62 =	vld.idx.msk [tilespmem:v33+s0+$0x0], $0xffff  }
0x657: {  	v60 =	vmul.f32 v46, v8;
	v16 =	vxor.u32 v12, v26;
	v0 =	vand.u32 $0xFFFF, v10  }
0x658: {  	v12 =	vxor.u32 v37, v52;
	v37 =	vmul.f32 v1, v51;
	v21 =	vxor.u32 v21, v0;
	v53 =	vld.idx.msk [tilespmem:v35+s0+$0x0], $0xffff  }
0x659: {  	v35 =	vmul.f32 v1, v18;
	v25 =	vxor.u32 v25, v0;
	v26 =	vshll.u32 v57, $0x10;
	[tilespmem:$0x1F310] =	vst v2  }
0x65a: {  	v41 =	vxor.u32 v41, v0;
	v56 =	vxor.u32 v56, v0;
	v10 =	vmul.f32 v26, v22;
	v52 =	vld.idx.msk [tilespmem:v9+s0+$0x0], $0xffff  }
0x65b: {  	v26 =	vmul.f32 v5, v44;
	v9 =	vmul.f32 v6, v11;
	v1 =	vshll.u32 v62, $0x10  }
0x65c: {  	v3 =	vadd.f32 v50, v10;
	v50 =	vmul.f32 v46, v11;
	v2 =	vmul.f32 v1, v17  }
0x65d: {  	v19 =	vld.idx.msk [tilespmem:v19+s0+$0x0], $0xffff;
	v10 =	vmul.f32 v46, v51;
	v46 =	vmul.f32 v46, v18;
	v1 =	vshll.u32 v53, $0x10  }
0x65e: {  	v33 =	vld.idx.msk [tilespmem:v21+s0+$0x0], $0xffff;
	v21 =	vmul.f32 v5, v55;
	v1 =	vmul.f32 v1, v26;
	v3 =	vadd.f32 v3, v2  }
0x65f: {  	v11 =	vmul.f32 v7, v11;
	v5 =	vmul.f32 v6, v8;
	v0 =	vshll.u32 v52, $0x10  }
0x660: {  	v63 =	vld.idx.msk [tilespmem:v63+s0+$0x0], $0xffff;
	v8 =	vmul.f32 v7, v8;
	v0 =	vmul.f32 v0, v21;
	v1 =	vadd.f32 v3, v1  }
0x661: {  	v25 =	vld.idx.msk [tilespmem:v25+s0+$0x0], $0xffff;
	v2 =	vmul.f32 v6, v51;
	v6 =	vmul.f32 v6, v18  }
0x662: {  	v3 =	vmul.f32 v4, v36;
	v36 =	vld.idx.msk [tilespmem:v41+s0+$0x0], $0xffff;
	v0 =	vadd.f32 v1, v0;
	v1 =	vmul.f32 v7, v51  }
0x663: {  	v7 =	vmul.f32 v7, v18;
	v18 =	vld.idx.msk [tilespmem:v24+s0+$0x0], $0xffff;
	v51 =	vmul.f32 v4, v32;
	v32 =	vshll.u32 v19, $0x10  }
0x664: {  	v41 =	vshll.u32 v33, $0x10;
	v24 =	vmul.f32 v32, v14;
	v32 =	vld.idx.msk [tilespmem:v56+s0+$0x0], $0xffff  }
0x665: {  	v39 =	vmul.f32 v39, v40;
	v41 =	vmul.f32 v41, v3  }
0x666: {  	v40 =	vmul.f32 v4, v55;
	v44 =	vmul.f32 v4, v44;
	v56 =	vshll.u32 v25, $0x10  }
0x667: {  	v0 =	vadd.f32 v0, v41;
	v41 =	vmul.f32 v56, v51;
	v56 =	vshll.u32 v63, $0x10  }
0x668: {  	v20 =	vld.idx.msk [tilespmem:v20+s0+$0x0], $0xffff;
	v14 =	vmul.f32 v19, v14;
	v19 =	vmul.f32 v56, v7;
	v56 =	vshll.u32 v36, $0x10  }
0x669: {  	v30 =	vld.idx.msk [tilespmem:v30+s0+$0x0], $0xffff;
	v7 =	vmul.f32 v63, v7;
	v63 =	vmul.f32 v56, v44;
	v56 =	vshll.u32 v32, $0x10  }
0x66a: {  	v0 =	vadd.f32 v0, v41;
	v41 =	vmul.f32 v56, v40;
	v56 =	vld [tilespmem:$0x1F0D0];
	_ =	sdelay $0x1  }
0x66b: {  	v4 =	vshll.u32 v18, $0x10;
	v18 =	vmul.f32 v18, v59;
	v0 =	vadd.f32 v0, v63  }
0x66c: {  	v4 =	vmul.f32 v4, v59;
	v63 =	vshll.u32 v20, $0x10;
	v20 =	vmul.f32 v20, v1  }
0x66d: {  	v55 =	vmul.f32 v63, v1;
	v1 =	vadd.f32 v0, v41;
	v0 =	vadd.f32 $0.0e+00, v14  }
0x66e: {  	v59 =	vshll.u32 v30, $0x10;
	v63 =	vadd.f32 $0.0e+00, v39;
	v14 =	vmul.f32 v56, v45  }
0x66f: {  	v0 =	vadd.f32 v0, v18;
	v18 =	vmul.f32 v59, v15;
	v59 =	vld [tilespmem:$0x1F0E0]  }
0x670: {  	v56 =	vadd.f32 v63, v14;
	v63 =	vld [tilespmem:$0x1F0F0]  }
0x671: {  	v13 =	vld.idx.msk [tilespmem:v13+s0+$0x0], $0xffff;
	_ =	sdelay $0x2  }
0x672: {  	v12 =	vld.idx.msk [tilespmem:v12+s0+$0x0], $0xffff;
	v24 =	vadd.f32 $0.0e+00, v24  }
0x673: {  	v16 =	vld.idx.msk [tilespmem:v16+s0+$0x0], $0xffff;
	v19 =	vadd.f32 $0.0e+00, v19;
	v14 =	vmul.f32 v59, v38  }
0x674: {  	v7 =	vadd.f32 $0.0e+00, v7;
	v4 =	vadd.f32 v24, v4;
	v24 =	vld.idx.msk [tilespmem:v34+s0+$0x0], $0xffff;
	v45 =	vshll.u32 v13, $0x10  }
0x675: {  	v19 =	vadd.f32 v19, v55;
	v55 =	vmul.f32 v45, v8;
	v45 =	vadd.f32 v56, v14;
	v56 =	vld [tilespmem:$0x1F120]  }
0x676: {  	v15 =	vmul.f32 v30, v15;
	v30 =	vld.idx.msk [tilespmem:v63+s0+$0x0], $0xffff  }
0x677: {  	v7 =	vadd.f32 v7, v20;
	v41 =	vshll.u32 v12, $0x10;
	v8 =	vmul.f32 v13, v8  }
0x678: {  	v0 =	vadd.f32 v0, v15;
	v34 =	vadd.f32 v19, v55;
	v19 =	vmul.f32 v41, v11  }
0x679: {  	v7 =	vadd.f32 v7, v8;
	v8 =	vmul.f32 v24, v54;
	v55 =	vld [tilespmem:$0x1F110];
	v38 =	vshll.u32 v24, $0x10  }
0x67a: {  	v4 =	vadd.f32 v4, v18;
	v39 =	vmul.f32 v38, v54;
	v59 =	vadd.f32 v34, v19;
	v38 =	vld [tilespmem:$0x1F150]  }
0x67b: {  	v0 =	vadd.f32 v0, v8;
	v63 =	vld.idx.msk [tilespmem:v28+s0+$0x0], $0xffff;
	v28 =	vshll.u32 v16, $0x10;
	v24 =	vshll.u32 v30, $0x10  }
0x67c: {  	v54 =	vld [tilespmem:$0x1F100];
	v4 =	vadd.f32 v4, v39;
	v19 =	vmul.f32 v28, v6;
	v8 =	vmul.f32 v24, v23  }
0x67d: {  	v14 =	vld.idx.msk [tilespmem:v56+s0+$0x0], $0xffff  }
0x67e: {  	v4 =	vadd.f32 v4, v8;
	v8 =	vadd.f32 v59, v19;
	v59 =	vld [tilespmem:$0x1F180]  }
0x67f: {  	v11 =	vmul.f32 v12, v11;
	_ =	sdelay $0x1  }
0x680: {  	v7 =	vadd.f32 v7, v11;
	v11 =	vmul.f32 v30, v23  }
0x681: {  	v13 =	vmul.f32 v54, v55;
	v6 =	vmul.f32 v16, v6;
	v16 =	vld.idx.msk [tilespmem:v38+s0+$0x0], $0xffff;
	v41 =	vshll.u32 v14, $0x10  }
0x682: {  	v39 =	vld.idx.msk [tilespmem:v29+s0+$0x0], $0xffff;
	v0 =	vadd.f32 v0, v11;
	v11 =	vmul.f32 v41, v27  }
0x683: {  	v12 =	vadd.f32 v45, v13;
	v45 =	vshll.u32 v63, $0x10;
	v23 =	vld [tilespmem:$0x1F190]  }
0x684: {  	v54 =	vmul.f32 v45, v2;
	v4 =	vadd.f32 v4, v11;
	v11 =	vld.idx.msk [tilespmem:v61+s0+$0x0], $0xffff  }
0x685: {  	v6 =	vadd.f32 v7, v6;
	v2 =	vmul.f32 v63, v2;
	v7 =	vmul.f32 v14, v27;
	v18 =	vld.idx.msk [tilespmem:v59+s0+$0x0], $0xffff  }
0x686: {  	v63 =	vshll.u32 v16, $0x10  }
0x687: {  	v34 =	vld [tilespmem:$0x1F140];
	v2 =	vadd.f32 v6, v2;
	v6 =	vmul.f32 v16, v58;
	v0 =	vadd.f32 v0, v7  }
0x688: {  	v29 =	vld [tilespmem:$0x1F1B0];
	v28 =	vmul.f32 v43, v31;
	v19 =	vshll.u32 v39, $0x10;
	v7 =	vmul.f32 v63, v58  }
0x689: {  	v31 =	vld [tilespmem:$0x1F1D0];
	v14 =	vmul.f32 v19, v5;
	v8 =	vadd.f32 v8, v54;
	v0 =	vadd.f32 v0, v6  }
0x68a: {  	v30 =	vld [tilespmem:$0x1F130];
	v4 =	vadd.f32 v4, v7;
	v27 =	vshll.u32 v11, $0x10;
	v24 =	vshll.u32 v18, $0x10  }
0x68b: {  	v7 =	vadd.f32 v8, v14;
	v8 =	vld [tilespmem:$0x1F1A0];
	v14 =	vmul.f32 v27, v9;
	v6 =	vmul.f32 v24, v48  }
0x68c: {  	v15 =	vld.idx.msk [tilespmem:v23+s0+$0x0], $0xffff  }
0x68d: {  	v4 =	vadd.f32 v4, v6;
	v6 =	vadd.f32 v7, v14;
	v7 =	vld [tilespmem:$0x1F1C0]  }
0x68e: {  	v55 =	vld [tilespmem:$0x1F160];
	v5 =	vmul.f32 v39, v5  }
0x68f: {  	v56 =	vld [tilespmem:$0x1F170]  }
0x690: {  	v39 =	vld [tilespmem:$0x1F1E0];
	v2 =	vadd.f32 v2, v5;
	v5 =	vmul.f32 v18, v48  }
0x691: {  	v20 =	vmul.f32 v42, v49;
	v42 =	vld [tilespmem:$0x1F200];
	v13 =	vmul.f32 v30, v34;
	v30 =	vshll.u32 v15, $0x10  }
0x692: {  	v43 =	vld [tilespmem:$0x1F210];
	v0 =	vadd.f32 v0, v5;
	v5 =	vmul.f32 v30, v31  }
0x693: {  	v8 =	vld.idx.msk [tilespmem:v8+s0+$0x0], $0xffff  }
0x694: {  	v12 =	vadd.f32 v12, v13;
	v13 =	vmul.f32 v55, v56;
	v4 =	vadd.f32 v4, v5;
	v5 =	vld [tilespmem:$0x1F1F0]  }
0x695: {  	v7 =	vld.idx.msk [tilespmem:v7+s0+$0x0], $0xffff  }
0x696: {  	v12 =	vadd.f32 v12, v13;
	v13 =	vld.idx.msk [tilespmem:v29+s0+$0x0], $0xffff;
	v9 =	vmul.f32 v11, v9  }
0x697: {  	v45 =	vld [tilespmem:$0x1F220]  }
0x698: {  	v2 =	vadd.f32 v2, v9;
	v9 =	vmul.f32 v15, v31;
	v15 =	vld.idx.msk [tilespmem:v39+s0+$0x0], $0xffff;
	v34 =	vshll.u32 v8, $0x10  }
0x699: {  	v8 =	vmul.f32 v8, v46;
	v14 =	vmul.f32 v34, v46;
	v46 =	vld [tilespmem:$0x1F230]  }
0x69a: {  	v48 =	vld [tilespmem:$0x1F240];
	v0 =	vadd.f32 v0, v9;
	v9 =	vshll.u32 v7, $0x10  }
0x69b: {  	v41 =	vshll.u32 v13, $0x10;
	v6 =	vadd.f32 v6, v14;
	v9 =	vmul.f32 v9, v10  }
0x69c: {  	v11 =	vadd.f32 v12, v20;
	v14 =	vmul.f32 v41, v42;
	v5 =	vld.idx.msk [tilespmem:v5+s0+$0x0], $0xffff  }
0x69d: {  	v49 =	vld [tilespmem:$0x1F260];
	v2 =	vadd.f32 v2, v8;
	v6 =	vadd.f32 v6, v9;
	v9 =	vshll.u32 v15, $0x10  }
0x69e: {  	v12 =	vld.idx.msk [tilespmem:v43+s0+$0x0], $0xffff;
	v8 =	vmul.f32 v13, v42;
	v4 =	vadd.f32 v4, v14;
	v9 =	vmul.f32 v9, v46  }
0x69f: {  	v13 =	vld.idx.msk [tilespmem:v45+s0+$0x0], $0xffff;
	v7 =	vmul.f32 v7, v10  }
0x6a0: {  	v0 =	vadd.f32 v0, v8;
	v4 =	vadd.f32 v4, v9;
	v9 =	vld [tilespmem:$0x1F250]  }
0x6a1: {  	v54 =	vld [tilespmem:$0x1F270];
	v8 =	vshll.u32 v5, $0x10;
	v2 =	vadd.f32 v2, v7;
	v7 =	vmul.f32 v15, v46  }
0x6a2: {  	v14 =	vld.idx.msk [tilespmem:v48+s0+$0x0], $0xffff;
	v8 =	vmul.f32 v8, v60  }
0x6a3: {  	v55 =	vld [tilespmem:$0x1F290];
	v0 =	vadd.f32 v0, v7  }
0x6a4: {  	v7 =	vshll.u32 v13, $0x10;
	v6 =	vadd.f32 v6, v8;
	v8 =	vshll.u32 v12, $0x10  }
0x6a5: {  	v7 =	vmul.f32 v7, v50;
	v8 =	vmul.f32 v8, v49  }
0x6a6: {  	v38 =	vmul.f32 v57, v22;
	v11 =	vadd.f32 v11, v28  }
0x6a7: {  	v6 =	vadd.f32 v6, v7;
	v7 =	vshll.u32 v14, $0x10;
	v4 =	vadd.f32 v4, v8;
	v8 =	vld [tilespmem:$0x1F280]  }
0x6a8: {  	v10 =	vadd.f32 v11, v38;
	v11 =	vmul.f32 v62, v17;
	v7 =	vmul.f32 v7, v55;
	v9 =	vld.idx.msk [tilespmem:v9+s0+$0x0], $0xffff  }
0x6a9: {  	v5 =	vmul.f32 v5, v60  }
0x6aa: {  	v10 =	vadd.f32 v10, v11;
	v11 =	vmul.f32 v53, v26;
	v4 =	vadd.f32 v4, v7;
	v7 =	vld [tilespmem:$0x1F2B0]  }
0x6ab: {  	v53 =	vmul.f32 v13, v50;
	v2 =	vadd.f32 v2, v5;
	v5 =	vmul.f32 v12, v49;
	v13 =	vld.idx.msk [tilespmem:v54+s0+$0x0], $0xffff  }
0x6ac: {  	v58 =	vld [tilespmem:$0x1F2C0];
	v10 =	vadd.f32 v10, v11  }
0x6ad: {  	v11 =	vmul.f32 v52, v21;
	v0 =	vadd.f32 v0, v5;
	v5 =	vshll.u32 v9, $0x10  }
0x6ae: {  	v5 =	vmul.f32 v5, v35  }
0x6af: {  	v10 =	vadd.f32 v10, v11;
	v11 =	vld [tilespmem:$0x1F2A0]  }
0x6b0: {  	v8 =	vld.idx.msk [tilespmem:v8+s0+$0x0], $0xffff;
	v5 =	vadd.f32 v6, v5;
	v6 =	vshll.u32 v13, $0x10  }
0x6b1: {  	v6 =	vmul.f32 v6, v58  }
0x6b2: {  	v56 =	vmul.f32 v14, v55;
	v7 =	vld.idx.msk [tilespmem:v7+s0+$0x0], $0xffff  }
0x6b3: {  	v2 =	vadd.f32 v2, v53;
	v9 =	vmul.f32 v9, v35;
	v4 =	vadd.f32 v4, v6;
	v6 =	vld [tilespmem:$0x1F2D0]  }
0x6b4: {  	v0 =	vadd.f32 v0, v56  }
0x6b5: {  	v57 =	vshll.u32 v8, $0x10;
	v2 =	vadd.f32 v2, v9;
	v9 =	vmul.f32 v13, v58  }
0x6b6: {  	v61 =	vld [tilespmem:$0x1F2E0];
	v12 =	vmul.f32 v57, v37  }
0x6b7: {  	v62 =	vld [tilespmem:$0x1F2F0];
	v0 =	vadd.f32 v0, v9;
	v9 =	vshll.u32 v7, $0x10  }
0x6b8: {  	v11 =	vld.idx.msk [tilespmem:v11+s0+$0x0], $0xffff;
	v5 =	vadd.f32 v5, v12;
	v9 =	vmul.f32 v9, v47;
	_ =	sdelay $0x1  }
0x6b9: {  	s19 =	simm.s32 $0x180;
	s21 =	simm.s32 $0x60;
	v3 =	vmul.f32 v33, v3;
	v5 =	vadd.f32 v5, v9;
	v9 =	vld [tilespmem:$0x1F300]  }
0x6ba: {  	s11 =	sand.u32 $0x70, s21;
	s1 =	sand.u32 $0x3FFFFE00, s19;
	v8 =	vmul.f32 v8, v37;
	v6 =	vld.idx.msk [tilespmem:v6+s0+$0x0], $0xffff  }
0x6bb: {  	s12 =	simm.s32 $0x70;
	s19 =	simm.s32 $0x1C0;
	s18 =	sor.u32 s11, s1;
	v3 =	vadd.f32 v10, v3;
	v10 =	vmul.f32 v25, v51  }
0x6bc: {  	s1 =	sand.u32 $0x70, s12;
	s19 =	sand.u32 $0x3FFFFE00, s19;
	v59 =	vld [tilespmem:s18+$0x10000];
	v2 =	vadd.f32 v2, v8;
	v8 =	vmul.f32 v11, v62  }
0x6bd: {  	s20 =	simm.s32 $0x40;
	s22 =	sor.u32 s1, s19;
	v14 =	vld.idx.msk [tilespmem:v61+s0+$0x0], $0xffff;
	v3 =	vadd.f32 v3, v10;
	v7 =	vmul.f32 v7, v47  }
0x6be: {  	s19 =	sand.u32 $0x3FFFFF00, s20;
	v10 =	vmul.f32 v36, v44;
	v60 =	vshll.u32 v11, $0x10;
	v11 =	vld [tilespmem:s22+$0x10000];
	v0 =	vadd.f32 v0, v8  }
0x6bf: {  	s16 =	sor.u32 s16, s19;
	v63 =	vld [tilespmem:$0x1F310];
	v2 =	vadd.f32 v2, v7;
	v7 =	vshll.u32 v6, $0x10;
	v6 =	vmul.f32 v6, v9  }
0x6c0: {  	v12 =	vmul.f32 v60, v62;
	[tilespmem:s16+$0x12000] =	vst v1  }
0x6c1: {  	v3 =	vadd.f32 v3, v10;
	v10 =	vadd.f32 v0, v6;
	v0 =	vld [tilespmem:$0x1F320]  }
0x6c2: {  	v8 =	vsub.f32 $0.0e+00, v59;
	v4 =	vadd.f32 v4, v12;
	v7 =	vmul.f32 v7, v9  }
0x6c3: {  	v11 =	vsub.f32 $0.0e+00, v11;
	v9 =	vshll.u32 v14, $0x10  }
0x6c4: {  	s20 =	simm.s32 $0x0;
	v9 =	vmul.f32 v9, v63;
	v4 =	vadd.f32 v4, v7;
	v7 =	vmul.f32 $1.442695020e+00, v8  }
0x6c5: {  	s25 =	simm.s32 $0x20;
	s23 =	sand.u32 $0x3FFFFF00, s20;
	v12 =	vmul.f32 v14, v63;
	v11 =	vmul.f32 $1.442695020e+00, v11  }
0x6c6: {  	s26 =	sand.u32 $0x3FFFFF00, s25;
	s10 =	sor.u32 s10, s23;
	v5 =	vadd.f32 v5, v9;
	(erf) = vpow2.f32 v7;
	v1 =	vadd.f32 $1.000000000e+00, v0  }
0x6c7: {  	s19 =	sor.u32 s8, s26;
	v9 =	vmul.f32 v32, v40;
	[tilespmem:s10+$0x12000] =	vst v4;
	(erf) = vpow2.f32 v11  }
0x6c8: {  	(erf) = vrcp.f32 v1;
	v1 =	vld [tilespmem:$0x1F330];
	[tilespmem:s19+$0x12000] =	vst v5  }
0x6c9: {  	v8 =	vadd.f32 v2, v12;
	v2 =	vadd.f32 v3, v9;
	v3 =	vld [tilespmem:$0x1F340];
	_ =	sdelay $0x2  }
0x6ca: {  	s24 =	sadd.s32 $0x10000, s18  }
0x6cb: {  	s8 =	simm.s32 $0x60;
	v0 =	vld [tilespmem:s24+$0x80]  }
0x6cc: {  	s20 =	sadd.s32 $0x12000, s10;
	s18 =	sadd.s32 $0x12000, s16;
	s10 =	simm.s32 $0x30;
	v4 =	vadd.f32 $1.000000000e+00, v1;
	v1 =	vld [tilespmem:s24+$0x100];
	v3 =	vadd.f32 $1.000000000e+00, v3  }
.LBB2_9:
0x6cd: {  	v6 =	vld [tilespmem:$0x1F030];
	_ =	sdelay $0x2  }
0x6ce: {  	v5 =	vld [tilespmem:s24+$0x180]  }
0x6cf: {  	s22 =	sadd.s32 $0x10000, s22;
	v7 =	vld [tilespmem:$0x1F040]  }
0x6d0: {  	s23 =	sadd.s32 $0x12000, s19;
	(erf) = vrcp.f32 v4;
	v4 =	vld [tilespmem:s22+$0x80];
	v6 =	vadd.f32 $1.000000000e+00, v6  }
0x6d1: {  	[tilespmem:s23+$0x80] =	vst v8;
	v8 =	vld [tilespmem:$0x1F050];
	(erf) = vrcp.f32 v3  }
0x6d2: {  	(erf) = vrcp.f32 v6;
	v6 =	vld [tilespmem:$0x1F060]  }
0x6d3: {  	s16 =	smov.u32 s21;
	s21 =	sadd.s32 $0x30, s21;
	s19 =	smov.u32 s14;
	v9 =	vld [tilespmem:$0x1F070]  }
0x6d4: {  	[tilespmem:s20+$0x80] =	vst v10;
	s14 =	smov.u32 s1;
	v49 =	vld [tilespmem:$0x1F350];
	s24 =	sshll.u32 s21, $0x2;
	s20 =	sadd.s32 $0x40, s16  }
0x6d5: {  	s23 =	sand.u32 $0x70, s21;
	s1 =	sand.u32 $0x3FFFFE00, s24;
	s25 =	sshll.u32 s20, $0x2;
	v3 =	vld [tilespmem:s22+$0x100];
	v0 =	vsub.f32 $0.0e+00, v0;
	v7 =	vadd.f32 $1.000000000e+00, v7  }
0x6d6: {  	[tilespmem:s18+$0x80] =	vst v2;
	v2 =	vld [tilespmem:s22+$0x180];
	s24 =	sor.u32 s23, s1;
	s1 =	sand.u32 $0x70, s20;
	s25 =	sand.u32 $0x3FFFFE00, s25;
	v1 =	vsub.f32 $0.0e+00, v1;
	v8 =	vadd.f32 $1.000000000e+00, v8  }
0x6d7: {  	s22 =	sor.u32 s1, s25;
	(erf) = vrcp.f32 v7;
	v7 =	vld [tilespmem:s24+$0x10000];
	v10 =	vadd.f32 $1.000000000e+00, v6  }
0x6d8: {  	v9 =	vadd.f32 $1.000000000e+00, v9;
	v5 =	vsub.f32 $0.0e+00, v5;
	(erf) = vrcp.f32 v8;
	v8 =	vld [tilespmem:s22+$0x10000];
	v6 =	vpop (erf)  }
0x6d9: {  	v11 =	vmul.f32 $1.442695020e+00, v0;
	v4 =	vsub.f32 $0.0e+00, v4;
	v0 =	vpop (erf);
	(erf) = vrcp.f32 v10  }
0x6da: {  	v3 =	vsub.f32 $0.0e+00, v3;
	v10 =	vmul.f32 $1.442695020e+00, v1;
	v1 =	vpop (erf);
	(erf) = vrcp.f32 v9  }
0x6db: {  	v2 =	vsub.f32 $0.0e+00, v2;
	v9 =	vmul.f32 $1.442695020e+00, v5;
	v1 =	vmul.f32 v1, v49  }
0x6dc: {  	v5 =	vpop (erf);
	(erf) = vpow2.f32 v11;
	v11 =	vmul.f32 $1.442695020e+00, v4;
	v4 =	vsub.f32 $0.0e+00, v7  }
0x6dd: {  	[tilespmem:$0x1F000] =	vst v0;
	v7 =	vsub.f32 $0.0e+00, v8;
	v8 =	vmul.f32 $1.442695020e+00, v2;
	v0 =	vpop (erf);
	(erf) = vpow2.f32 v10  }
0x6de: {  	v10 =	vmul.f32 $1.442695020e+00, v3;
	v0 =	vmul.f32 v0, v49  }
0x6df: {  	v3 =	vpop (erf);
	v13 =	vtrunc.f32 v1;
	v4 =	vmul.f32 $1.442695020e+00, v4  }
0x6e0: {  	(erf) = vpow2.f32 v9;
	v3 =	vmul.f32 v3, v49  }
0x6e1: {  	v2 =	vpop (erf);
	(erf) = vpow2.f32 v11;
	[tilespmem:$0x1EFE0] =	vst v4;
	v4 =	vmul.f32 $1.442695020e+00, v7  }
0x6e2: {  	v2 =	vmul.f32 v2, v49;
	(erf) = vpow2.f32 v10  }
0x6e3: {  	(erf) = vpow2.f32 v8;
	[tilespmem:$0x1EFF0] =	vst v4;
	v4 =	vmul.f32 v5, v49;
	v5 =	vpop (erf)  }
0x6e4: {  	v44 =	vtrunc.f32 v2;
	v7 =	vpop (erf);
	v5 =	vmul.f32 v5, v49  }
0x6e5: {  	v8 =	vpop (erf);
	v7 =	vmul.f32 v7, v49;
	v10 =	vtrunc.f32 v4  }
0x6e6: {  	v8 =	vmul.f32 v8, v49;
	v12 =	vcvt.f32.s32 v10  }
0x6e7: {  	v9 =	vpop (erf);
	v10 =	vtrunc.f32 v3;
	v14 =	vtrunc.f32 v5  }
0x6e8: {  	[tilespmem:$0x1F010] =	vst v9;
	v9 =	vpop (erf);
	v45 =	vtrunc.f32 v7;
	v10 =	vcvt.f32.s32 v10  }
0x6e9: {  	v14 =	vcvt.f32.s32 v14;
	v11 =	vpop (erf);
	v16 =	vtrunc.f32 v8  }
0x6ea: {  	v17 =	vcvt.s32.f32 v12;
	[tilespmem:$0x1F040] =	vst v11;
	v11 =	vcvt.f32.s32 v13  }
0x6eb: {  	v6 =	vadd.f32 $1.000000000e+00, v6;
	[tilespmem:$0x1F030] =	vst v9;
	v9 =	vpop (erf);
	v13 =	vcvt.f32.s32 v44;
	v16 =	vcvt.f32.s32 v16  }
0x6ec: {  	v23 =	vadd.s32 $0x1, v12;
	v19 =	vcvt.s32.f32 v10;
	[tilespmem:$0x1F050] =	vst v9;
	v9 =	vtrunc.f32 v0  }
0x6ed: {  	v22 =	vcvt.s32.f32 v14;
	v27 =	vmul.u32 $0x30025795, v10;
	v9 =	vcvt.f32.s32 v9  }
0x6ee: {  	[tilespmem:$0x1F020] =	vst v6;
	v43 =	vpop (erf);
	v6 =	vcvt.s32.f32 v11;
	v20 =	vadd.s32 $0x1, v11;
	v21 =	vcvt.s32.f32 v13  }
0x6ef: {  	v15 =	vpop (erf);
	v26 =	vcvt.s32.f32 v16;
	v13 =	vmul.u32 $0xDB06C2F5, v13;
	v16 =	vmul.u32 $0xDB06C2F5, v16  }
0x6f0: {  	v28 =	vsub.f32 v3, v19;
	v30 =	vsub.f32 v5, v22;
	[tilespmem:$0x1F070] =	vst v15;
	v15 =	vcvt.f32.s32 v45  }
0x6f1: {  	v18 =	vcvt.s32.f32 v9;
	v24 =	vmul.u32 $0x9E3779B1, v9;
	v10 =	vsub.f32 v1, v6  }
0x6f2: {  	v1 =	vmul.u32 $0x9E3779B1, v14;
	v46 =	vadd.s32 $0xDB06C2F5, v13;
	v9 =	vsub.f32 v4, v17  }
0x6f3: {  	v4 =	vadd.s32 $0xDB06C2F5, v16;
	v29 =	vsub.f32 v2, v21;
	v26 =	vsub.f32 v8, v26  }
0x6f4: {  	v25 =	vcvt.s32.f32 v15;
	v6 =	vmul.u32 $0x30025795, v15;
	v15 =	vsub.f32 v0, v18  }
0x6f5: {  	v0 =	vadd.s32 $0x30025795, v27;
	v3 =	vadd.s32 $0x9E3779B1, v24;
	v5 =	vxor.u32 v20, v24  }
0x6f6: {  	v51 =	vxor.u32 v12, v1;
	v57 =	vmul.f32 v29, v28;
	v2 =	vadd.s32 $0x30025795, v6  }
0x6f7: {  	v25 =	vsub.f32 v7, v25;
	v7 =	vadd.s32 $0x9E3779B1, v1;
	v52 =	vxor.u32 v0, v46  }
0x6f8: {  	v55 =	vxor.u32 v20, v3;
	v8 =	vand.u32 $0xFFFF, v5;
	v31 =	vxor.u32 v2, v4  }
0x6f9: {  	v56 =	vxor.u32 v23, v7;
	v5 =	vxor.u32 v12, v7;
	v35 =	vand.u32 $0xFFFF, v52  }
0x6fa: {  	v22 =	vmul.f32 v15, v10;
	v17 =	vand.u32 $0xFFFF, v55;
	v31 =	vand.u32 $0xFFFF, v31  }
0x6fb: {  	v12 =	vand.u32 $0xFFFF, v5;
	v20 =	vand.u32 $0xFFFF, v56;
	v5 =	vxor.u32 v17, v35  }
0x6fc: {  	[tilespmem:$0x1EE40] =	vst v5;
	v5 =	vxor.u32 v20, v31  }
0x6fd: {  	v48 =	vxor.u32 v11, v24;
	v11 =	vxor.u32 v11, v3;
	[tilespmem:$0x1EE60] =	vst v5;
	v5 =	vmul.f32 v57, v22  }
0x6fe: {  	v53 =	vxor.u32 v6, v16;
	v2 =	vxor.u32 v16, v2;
	v16 =	vand.u32 $0xFFFF, v11  }
0x6ff: {  	[tilespmem:$0x1EFC0] =	vst v5;
	v5 =	vxor.u32 v16, v35  }
0x700: {  	v21 =	vmul.f32 v30, v9;
	v58 =	vmul.f32 v26, v25;
	[tilespmem:$0x1EE10] =	vst v5;
	v5 =	vxor.u32 v12, v31  }
0x701: {  	s18 =	sadd.s32 $0x50, s17;
	[tilespmem:$0x1EE30] =	vst v5;
	v5 =	vxor.u32 v8, v35  }
0x702: {  	s17 =	smov.u32 s9;
	s26 =	sshll.u32 s18, $0x2;
	v47 =	vxor.u32 v23, v1;
	[tilespmem:$0x1EDE0] =	vst v5;
	v5 =	vmul.f32 v58, v21  }
0x703: {  	s9 =	smov.u32 s16;
	s16 =	sand.u32 $0x3FFFFE00, s26;
	s25 =	sand.u32 $0x70, s18;
	v50 =	vxor.u32 v27, v13;
	v54 =	vxor.u32 v6, v4;
	v6 =	vand.u32 $0xFFFF, v47  }
0x704: {  	s16 =	sor.u32 s25, s16;
	v14 =	vxor.u32 v27, v46;
	v4 =	vand.u32 $0xFFFF, v48;
	[tilespmem:$0x1EFD0] =	vst v5;
	v5 =	vxor.u32 v6, v31  }
0x705: {  	v59 =	vld [tilespmem:s16+$0x10000];
	v32 =	vsub.f32 $1.000000000e+00, v10;
	v3 =	vand.u32 $0xFFFF, v51;
	[tilespmem:$0x1EE00] =	vst v5;
	v5 =	vxor.u32 v4, v35  }
0x706: {  	s26 =	sadd.s32 $0x10000, s16;
	v34 =	vand.u32 $0xFFFF, v14;
	v13 =	vxor.u32 v13, v0;
	[tilespmem:$0x1EDC0] =	vst v5;
	v5 =	vxor.u32 v3, v31  }
0x707: {  	v39 =	vld [tilespmem:s26+$0x80];
	v1 =	vand.u32 $0xFFFF, v50;
	v27 =	vand.u32 $0xFFFF, v54;
	[tilespmem:$0x1EDD0] =	vst v5;
	v5 =	vxor.u32 v17, v34  }
0x708: {  	v36 =	vsub.f32 $1.000000000e+00, v15;
	v50 =	vmul.f32 v15, v32;
	[tilespmem:$0x1ED90] =	vst v5;
	v5 =	vxor.u32 v20, v27  }
0x709: {  	v18 =	vand.u32 $0xFFFF, v13;
	[tilespmem:$0x1EDA0] =	vst v5;
	v5 =	vxor.u32 v16, v34  }
0x70a: {  	v13 =	vsub.f32 $0.0e+00, v59;
	v35 =	vmul.f32 v36, v10;
	[tilespmem:$0x1ED70] =	vst v5;
	v5 =	vmul.f32 v57, v50  }
0x70b: {  	v33 =	vsub.f32 $1.000000000e+00, v9  }
0x70c: {  	v61 =	vsub.f32 $0.0e+00, v39;
	v13 =	vmul.f32 $1.442695020e+00, v13;
	[tilespmem:$0x1EFA0] =	vst v5;
	v5 =	vmul.f32 v57, v35  }
0x70d: {  	v40 =	vsub.f32 $1.000000000e+00, v30;
	v30 =	vmul.f32 v30, v33  }
0x70e: {  	v15 =	vmul.f32 $1.442695020e+00, v61;
	(erf) = vpow2.f32 v13;
	[tilespmem:$0x1EF80] =	vst v5;
	v5 =	vxor.u32 v12, v27  }
0x70f: {  	v10 =	vmul.f32 v36, v32;
	[tilespmem:$0x1ED80] =	vst v5;
	v5 =	vmul.f32 v58, v30  }
0x710: {  	(erf) = vpow2.f32 v15  }
0x711: {  	v37 =	vsub.f32 $1.000000000e+00, v28;
	v15 =	vmul.f32 v40, v9;
	[tilespmem:$0x1EFB0] =	vst v5;
	v5 =	vmul.f32 v57, v10;
	_ =	sdelay $0x1  }
0x712: {  	v38 =	vsub.f32 $1.000000000e+00, v29;
	v29 =	vmul.f32 v29, v37;
	[tilespmem:$0x1EF60] =	vst v5;
	v5 =	vmul.f32 v58, v15;
	_ =	sdelay $0x1  }
0x713: {  	v42 =	vsub.f32 $1.000000000e+00, v25;
	v13 =	vmul.f32 v40, v33;
	[tilespmem:$0x1EF90] =	vst v5;
	v5 =	vmul.f32 v29, v22  }
0x714: {  	[tilespmem:$0x1F060] =	vst v43  }
0x715: {  	v43 =	vsub.f32 $1.000000000e+00, v26;
	v26 =	vmul.f32 v26, v42;
	[tilespmem:$0x1EF40] =	vst v5;
	v5 =	vmul.f32 v58, v13;
	_ =	sdelay $0x1  }
0x716: {  	[tilespmem:$0x1EF70] =	vst v5;
	v5 =	vmul.f32 v26, v21;
	_ =	sdelay $0x1  }
0x717: {  	[tilespmem:$0x1EF50] =	vst v5;
	v5 =	vmul.f32 v29, v50  }
0x718: {  	v41 =	vld [tilespmem:s26+$0x100]  }
0x719: {  	v11 =	vld [tilespmem:s26+$0x180];
	[tilespmem:$0x1EF20] =	vst v5;
	v5 =	vxor.u32 v8, v34  }
0x71a: {  	[tilespmem:$0x1ED50] =	vst v5;
	v5 =	vmul.f32 v26, v30;
	_ =	sdelay $0x1  }
0x71b: {  	[tilespmem:$0x1EF30] =	vst v5;
	v5 =	vmul.f32 v29, v35  }
0x71c: {  	v63 =	vsub.f32 $0.0e+00, v41  }
0x71d: {  	v11 =	vsub.f32 $0.0e+00, v11;
	[tilespmem:$0x1EF00] =	vst v5;
	v5 =	vxor.u32 v6, v27  }
0x71e: {  	v39 =	vmul.f32 $1.442695020e+00, v63;
	[tilespmem:$0x1ED60] =	vst v5;
	v5 =	vmul.f32 v29, v10  }
0x71f: {  	v28 =	vmul.f32 v38, v28;
	v11 =	vmul.f32 $1.442695020e+00, v11  }
0x720: {  	(erf) = vpow2.f32 v39;
	[tilespmem:$0x1EEE0] =	vst v5;
	v5 =	vmul.f32 v26, v15  }
0x721: {  	(erf) = vpow2.f32 v11  }
0x722: {  	[tilespmem:$0x1EF10] =	vst v5;
	v5 =	vmul.f32 v28, v22;
	_ =	sdelay $0x1  }
0x723: {  	[tilespmem:$0x1EEC0] =	vst v5;
	v5 =	vmul.f32 v26, v13  }
0x724: {  	v25 =	vmul.f32 v43, v25  }
0x725: {  	v11 =	vmul.f32 v38, v37;
	v37 =	vpop (erf);
	[tilespmem:$0x1EEF0] =	vst v5;
	v5 =	vmul.f32 v28, v50  }
0x726: {  	v38 =	vadd.f32 $1.000000000e+00, v37;
	v39 =	vpop (erf)  }
0x727: {  	v40 =	vadd.f32 $1.000000000e+00, v39;
	[tilespmem:$0x1EEA0] =	vst v5;
	v5 =	vmul.f32 v25, v21  }
0x728: {  	v9 =	vmul.f32 v43, v42;
	v41 =	vpop (erf);
	(erf) = vrcp.f32 v38  }
0x729: {  	v42 =	vpop (erf);
	(erf) = vrcp.f32 v40;
	[tilespmem:$0x1EED0] =	vst v5;
	v5 =	vmul.f32 v28, v35;
	_ =	sdelay $0x1  }
0x72a: {  	v31 =	vadd.f32 $1.000000000e+00, v41;
	[tilespmem:$0x1EE80] =	vst v5;
	v5 =	vmul.f32 v25, v30  }
0x72b: {  	v23 =	vadd.f32 $1.000000000e+00, v42  }
0x72c: {  	(erf) = vrcp.f32 v31;
	[tilespmem:$0x1EEB0] =	vst v5;
	v5 =	vmul.f32 v28, v10  }
0x72d: {  	(erf) = vrcp.f32 v23  }
0x72e: {  	v0 =	vand.u32 $0xFFFF, v53;
	v62 =	vxor.u32 v8, v1;
	[tilespmem:$0x1EE50] =	vst v5;
	v5 =	vmul.f32 v25, v15  }
0x72f: {  	v19 =	vand.u32 $0xFFFF, v2;
	v2 =	vxor.u32 v4, v1;
	v44 =	vxor.u32 v6, v0  }
0x730: {  	v7 =	vxor.u32 v3, v0;
	v60 =	vxor.u32 v4, v34;
	v43 =	vpop (erf);
	[tilespmem:$0x1EE90] =	vst v5;
	v5 =	vmul.f32 v11, v22  }
0x731: {  	v61 =	vxor.u32 v3, v27;
	v54 =	vxor.u32 v17, v18;
	v36 =	vxor.u32 v8, v18;
	v8 =	vpop (erf)  }
0x732: {  	v45 =	vxor.u32 v16, v18;
	v8 =	vmul.f32 v8, v49;
	[tilespmem:$0x1EDF0] =	vst v5;
	v5 =	vmul.f32 v25, v13  }
0x733: {  	v63 =	vxor.u32 v4, v18;
	v53 =	vmul.f32 v9, v30;
	v33 =	vmul.f32 v9, v15  }
0x734: {  	v56 =	vxor.u32 v20, v19;
	v55 =	vtrunc.f32 v8;
	[tilespmem:$0x1EE70] =	vst v5;
	v5 =	vmul.f32 v11, v50  }
0x735: {  	v48 =	vxor.u32 v12, v19;
	v41 =	vmul.f32 v11, v35;
	v58 =	vcvt.f32.s32 v55;
	v50 =	vpop (erf)  }
0x736: {  	v46 =	vxor.u32 v6, v19;
	v18 =	vmul.f32 v50, v49;
	v51 =	vpop (erf);
	[tilespmem:$0x1EDB0] =	vst v5;
	v5 =	vmul.f32 v9, v21  }
0x737: {  	v47 =	vxor.u32 v3, v19;
	v21 =	vmul.f32 v43, v49;
	v19 =	vmul.f32 v51, v49  }
0x738: {  	v29 =	vxor.u32 v20, v0;
	v20 =	vcvt.s32.f32 v58;
	v57 =	vtrunc.f32 v18  }
0x739: {  	v38 =	vxor.u32 v16, v1;
	v52 =	vtrunc.f32 v21;
	v59 =	vtrunc.f32 v19  }
0x73a: {  	v42 =	vxor.u32 v17, v1;
	v1 =	vcvt.f32.s32 v57;
	v23 =	vcvt.f32.s32 v59  }
0x73b: {  	v35 =	vxor.u32 v12, v0;
	v12 =	vmul.u32 $0x9E3779B1, v58;
	v0 =	vcvt.f32.s32 v52  }
0x73c: {  	v32 =	vsub.f32 v8, v20;
	v24 =	vmul.u32 $0x30025795, v1;
	v14 =	vmul.u32 $0xDB06C2F5, v23  }
0x73d: {  	v22 =	vadd.s32 $0x9E3779B1, v12;
	v1 =	vcvt.s32.f32 v1;
	v16 =	vcvt.s32.f32 v0  }
0x73e: {  	v17 =	vadd.s32 $0x1, v0;
	v40 =	vxor.u32 v0, v12;
	v43 =	vxor.u32 v24, v14  }
0x73f: {  	v23 =	vcvt.s32.f32 v23;
	v58 =	vand.u32 $0xFFFF, v40;
	v49 =	vand.u32 $0xFFFF, v43  }
0x740: {  	v0 =	vxor.u32 v0, v22;
	v50 =	vxor.u32 v17, v12;
	v31 =	vxor.u32 v58, v49  }
0x741: {  	v37 =	vadd.s32 $0x30025795, v24;
	v52 =	vsub.f32 v18, v1;
	v59 =	vand.u32 $0xFFFF, v50  }
0x742: {  	[tilespmem:$0x1EE20] =	vst v5;
	v5 =	vand.u32 $0xFFFF, v0;
	v21 =	vsub.f32 v21, v16;
	v8 =	vxor.u32 v59, v49  }
0x743: {  	v1 =	vxor.u32 v17, v22;
	v57 =	vsub.f32 v19, v23;
	v19 =	vsub.f32 $1.000000000e+00, v32  }
0x744: {  	s16 =	simm.s32 $0x0;
	v4 =	vand.u32 $0xFFFF, v1;
	v28 =	vsub.f32 $1.000000000e+00, v52;
	v51 =	vxor.u32 v5, v49  }
0x745: {  	v1 =	vxor.u32 v14, v37;
	v0 =	vsub.f32 $1.000000000e+00, v21;
	v23 =	vsub.f32 $1.000000000e+00, v57;
	v55 =	vld.idx.msk [tilespmem:v31+s16+$0x0], $0xffff  }
0x746: {  	v26 =	vld.idx.msk [tilespmem:v38+s16+$0x0], $0xffff;
	v12 =	vmul.f32 v11, v10;
	v34 =	vand.u32 $0xFFFF, v1;
	v22 =	vxor.u32 v4, v49  }
0x747: {  	v30 =	vxor.u32 v58, v34;
	v3 =	vmul.f32 v19, v0;
	v40 =	vmul.f32 v23, v28;
	v39 =	vld.idx.msk [tilespmem:v8+s16+$0x0], $0xffff  }
0x748: {  	v17 =	vld.idx.msk [tilespmem:v7+s16+$0x0], $0xffff;
	v7 =	vmul.f32 v19, v21;
	v6 =	vmul.f32 v32, v0;
	v31 =	vadd.s32 $0xDB06C2F5, v14  }
0x749: {  	v14 =	vmul.f32 v9, v13;
	v49 =	vld.idx.msk [tilespmem:v51+s16+$0x0], $0xffff;
	v13 =	vmul.f32 v40, v3;
	v1 =	vxor.u32 v24, v31  }
0x74a: {  	v20 =	vld.idx.msk [tilespmem:v35+s16+$0x0], $0xffff;
	v9 =	vxor.u32 v59, v34;
	v15 =	vand.u32 $0xFFFF, v1;
	v1 =	vshll.u32 v55, $0x10  }
0x74b: {  	v11 =	vxor.u32 v5, v34;
	v43 =	vld.idx.msk [tilespmem:v22+s16+$0x0], $0xffff;
	v22 =	vmul.f32 v40, v7;
	v10 =	vmul.f32 v1, v13  }
0x74c: {  	v25 =	vld.idx.msk [tilespmem:v62+s16+$0x0], $0xffff;
	v8 =	vmul.f32 v32, v21;
	v24 =	vxor.u32 v4, v34;
	v32 =	vshll.u32 v39, $0x10  }
0x74d: {  	v50 =	vld.idx.msk [tilespmem:v30+s16+$0x0], $0xffff;
	v18 =	vmul.f32 v32, v22;
	v32 =	vmul.f32 v40, v6;
	v51 =	vadd.f32 $0.0e+00, v10  }
0x74e: {  	v16 =	vld.idx.msk [tilespmem:v2+s16+$0x0], $0xffff;
	v0 =	vmul.f32 v57, v28;
	v30 =	vmul.f32 v23, v52;
	v62 =	vshll.u32 v49, $0x10  }
0x74f: {  	v35 =	vmul.f32 v40, v8;
	v38 =	vld.idx.msk [tilespmem:v9+s16+$0x0], $0xffff;
	v19 =	vmul.f32 v62, v32;
	v18 =	vadd.f32 v51, v18  }
0x750: {  	v21 =	vld.idx.msk [tilespmem:v42+s16+$0x0], $0xffff;
	v31 =	vxor.u32 v37, v31;
	v9 =	vxor.u32 v58, v15;
	v27 =	vshll.u32 v43, $0x10  }
0x751: {  	v23 =	vmul.f32 v30, v3;
	v40 =	vmul.f32 v27, v35;
	v51 =	vld.idx.msk [tilespmem:v11+s16+$0x0], $0xffff;
	v18 =	vadd.f32 v18, v19  }
0x752: {  	v2 =	vxor.u32 v5, v15;
	v42 =	vshll.u32 v50, $0x10;
	v37 =	vld.idx.msk [tilespmem:v24+s16+$0x0], $0xffff;
	v62 =	vxor.u32 v59, v15  }
0x753: {  	v24 =	vmul.f32 v30, v7;
	v19 =	vld.idx.msk [tilespmem:v29+s16+$0x0], $0xffff;
	v29 =	vmul.f32 v42, v23;
	v27 =	vadd.f32 v18, v40  }
0x754: {  	v15 =	vxor.u32 v4, v15;
	v11 =	vld.idx.msk [tilespmem:v47+s16+$0x0], $0xffff;
	v40 =	vand.u32 $0xFFFF, v31;
	v31 =	vshll.u32 v38, $0x10  }
0x755: {  	v42 =	vld.idx.msk [tilespmem:v9+s16+$0x0], $0xffff;
	v31 =	vmul.f32 v31, v24;
	v29 =	vadd.f32 v27, v29;
	v27 =	vmul.f32 v30, v6  }
0x756: {  	v34 =	vshll.u32 v16, $0x10;
	v1 =	vshll.u32 v17, $0x10;
	v18 =	vld.idx.msk [tilespmem:v63+s16+$0x0], $0xffff;
	v28 =	vshll.u32 v51, $0x10  }
0x757: {  	v63 =	vld.idx.msk [tilespmem:v62+s16+$0x0], $0xffff;
	v31 =	vadd.f32 v29, v31;
	v47 =	vmul.f32 v28, v27;
	v28 =	vmul.f32 v30, v8  }
0x758: {  	v62 =	vld.idx.msk [tilespmem:v2+s16+$0x0], $0xffff;
	v58 =	vxor.u32 v58, v40;
	v2 =	vxor.u32 v59, v40;
	v30 =	vshll.u32 v37, $0x10  }
0x759: {  	v29 =	vld.idx.msk [tilespmem:v36+s16+$0x0], $0xffff;
	v31 =	vadd.f32 v31, v47;
	v36 =	vmul.f32 v30, v28;
	v30 =	vmul.f32 v0, v3  }
0x75a: {  	v59 =	vld.idx.msk [tilespmem:v15+s16+$0x0], $0xffff;
	v15 =	vxor.u32 v5, v40;
	v47 =	vmul.f32 v34, v12;
	v34 =	vshll.u32 v42, $0x10  }
0x75b: {  	v9 =	vld.idx.msk [tilespmem:v46+s16+$0x0], $0xffff;
	v46 =	vadd.f32 v31, v36;
	v34 =	vmul.f32 v34, v30;
	v31 =	vmul.f32 v0, v7  }
0x75c: {  	v5 =	vmul.f32 v1, v14;
	v4 =	vxor.u32 v4, v40;
	v1 =	vshll.u32 v63, $0x10  }
0x75d: {  	v40 =	vadd.f32 v46, v34;
	v1 =	vmul.f32 v1, v31;
	v34 =	vmul.f32 v0, v6  }
0x75e: {  	v36 =	vld.idx.msk [tilespmem:v45+s16+$0x0], $0xffff;
	v45 =	vmul.f32 v57, v52;
	v52 =	vshll.u32 v62, $0x10  }
0x75f: {  	v57 =	vld.idx.msk [tilespmem:v2+s16+$0x0], $0xffff;
	v1 =	vadd.f32 v40, v1;
	v2 =	vmul.f32 v52, v34;
	_ =	sdelay $0x1  }
0x760: {  	v1 =	vadd.f32 v1, v2;
	v2 =	vld [tilespmem:$0x1ED50];
	_ =	sdelay $0x2  }
0x761: {  	v52 =	vmul.f32 v0, v8  }
0x762: {  	v46 =	vld.idx.msk [tilespmem:v48+s16+$0x0], $0xffff;
	v48 =	vshll.u32 v59, $0x10;
	v0 =	vmul.f32 v17, v14  }
0x763: {  	v14 =	vmul.f32 v55, v13;
	v13 =	vmul.f32 v48, v52;
	_ =	sdelay $0x1  }
0x764: {  	v1 =	vadd.f32 v1, v13;
	v13 =	vmul.f32 v45, v7;
	v7 =	vld.idx.msk [tilespmem:v61+s16+$0x0], $0xffff  }
0x765: {  	v61 =	vld.idx.msk [tilespmem:v2+s16+$0x0], $0xffff  }
0x766: {  	v2 =	vadd.f32 $0.0e+00, v0;
	v0 =	vld [tilespmem:$0x1ED60];
	_ =	sdelay $0x4  }
0x767: {  	v58 =	vld.idx.msk [tilespmem:v58+s16+$0x0], $0xffff  }
0x768: {  	v16 =	vmul.f32 v16, v12;
	v12 =	vld.idx.msk [tilespmem:v4+s16+$0x0], $0xffff  }
0x769: {  	v4 =	vld.idx.msk [tilespmem:v56+s16+$0x0], $0xffff  }
0x76a: {  	v56 =	vld.idx.msk [tilespmem:v0+s16+$0x0], $0xffff  }
0x76b: {  	v0 =	vld [tilespmem:$0x1ED70];
	_ =	sdelay $0x1  }
0x76c: {  	v55 =	vld.idx.msk [tilespmem:v15+s16+$0x0], $0xffff;
	v40 =	vmul.f32 v45, v3  }
0x76d: {  	v15 =	vld.idx.msk [tilespmem:v54+s16+$0x0], $0xffff;
	v54 =	vshll.u32 v58, $0x10  }
0x76e: {  	v48 =	vmul.f32 v54, v40  }
0x76f: {  	v10 =	vld.idx.msk [tilespmem:v60+s16+$0x0], $0xffff;
	v60 =	vshll.u32 v57, $0x10  }
0x770: {  	v54 =	vadd.f32 $0.0e+00, v47;
	v1 =	vadd.f32 v1, v48;
	v47 =	vmul.f32 v60, v13;
	_ =	sdelay $0x1  }
0x771: {  	v1 =	vadd.f32 v1, v47;
	v47 =	vld.idx.msk [tilespmem:v0+s16+$0x0], $0xffff  }
0x772: {  	v0 =	vld [tilespmem:$0x1ED80];
	_ =	sdelay $0x1  }
0x773: {  	v44 =	vld.idx.msk [tilespmem:v44+s16+$0x0], $0xffff;
	_ =	sdelay $0x2  }
0x774: {  	v60 =	vmul.f32 v45, v6  }
0x775: {  	v6 =	vshll.u32 v55, $0x10  }
0x776: {  	v17 =	vshll.u32 v44, $0x10;
	v48 =	vmul.f32 v6, v60  }
0x777: {  	v6 =	vmul.f32 v45, v8;
	v45 =	vmul.f32 v17, v33;
	v17 =	vld.idx.msk [tilespmem:v0+s16+$0x0], $0xffff  }
0x778: {  	v0 =	vld [tilespmem:$0x1ED90]  }
0x779: {  	v8 =	vadd.f32 $0.0e+00, v14;
	v14 =	vshll.u32 v12, $0x10  }
0x77a: {  	v3 =	vshll.u32 v25, $0x10;
	v1 =	vadd.f32 v1, v48;
	v48 =	vmul.f32 v14, v6  }
0x77b: {  	v3 =	vmul.f32 v3, v41  }
0x77c: {  	v1 =	vadd.f32 v1, v48;
	v48 =	vld [tilespmem:$0x1EDB0]  }
0x77d: {  	v3 =	vadd.f32 v54, v3;
	v54 =	vld [tilespmem:$0x1EDC0]  }
0x77e: {  	s18 =	sshll.u32 s18, $0x1;
	v16 =	vadd.f32 $0.0e+00, v16;
	v41 =	vmul.f32 v25, v41  }
0x77f: {  	s18 =	sand.u32 $0x3FFFFF00, s18;
	v5 =	vadd.f32 $0.0e+00, v5  }
0x780: {  	s25 =	sor.u32 s25, s18;
	v41 =	vadd.f32 v16, v41;
	v14 =	vld.idx.msk [tilespmem:v0+s16+$0x0], $0xffff;
	v0 =	vshll.u32 v20, $0x10  }
0x781: {  	v5 =	vadd.f32 v5, v45;
	[tilespmem:s25+$0x12000] =	vst v1;
	v1 =	vmul.f32 v26, v48;
	v0 =	vmul.f32 v0, v53  }
0x782: {  	v45 =	vld [tilespmem:$0x1EDD0]  }
0x783: {  	v0 =	vadd.f32 v5, v0;
	v5 =	vadd.f32 v41, v1;
	v1 =	vld [tilespmem:$0x1EE10];
	_ =	sdelay $0x1  }
0x784: {  	v39 =	vmul.f32 v39, v22;
	v22 =	vld.idx.msk [tilespmem:v54+s16+$0x0], $0xffff  }
0x785: {  	v54 =	vld [tilespmem:$0x1EDF0];
	_ =	sdelay $0x1  }
0x786: {  	v25 =	vshll.u32 v26, $0x10  }
0x787: {  	v25 =	vmul.f32 v25, v48;
	v48 =	vld [tilespmem:$0x1EDE0]  }
0x788: {  	v26 =	vadd.f32 v8, v39;
	v8 =	vshll.u32 v21, $0x10;
	v16 =	vld.idx.msk [tilespmem:v45+s16+$0x0], $0xffff  }
0x789: {  	v45 =	vmul.f32 v8, v54;
	v8 =	vld.idx.msk [tilespmem:v1+s16+$0x0], $0xffff  }
0x78a: {  	v1 =	vld [tilespmem:$0x1EE20];
	_ =	sdelay $0x3  }
0x78b: {  	v20 =	vmul.f32 v20, v53;
	v53 =	vshll.u32 v19, $0x10  }
0x78c: {  	v32 =	vmul.f32 v49, v32;
	v39 =	vld.idx.msk [tilespmem:v48+s16+$0x0], $0xffff;
	v49 =	vmul.f32 v53, v1  }
0x78d: {  	v48 =	vld [tilespmem:$0x1EE50]  }
0x78e: {  	v41 =	vadd.f32 v0, v49;
	v49 =	vld [tilespmem:$0x1EE70]  }
0x78f: {  	v35 =	vmul.f32 v43, v35;
	v44 =	vmul.f32 v44, v33  }
0x790: {  	v23 =	vmul.f32 v50, v23;
	v24 =	vmul.f32 v38, v24  }
0x791: {  	v2 =	vadd.f32 v2, v44;
	v21 =	vmul.f32 v21, v54;
	v53 =	vshll.u32 v18, $0x10  }
0x792: {  	v54 =	vshll.u32 v11, $0x10;
	v26 =	vadd.f32 v26, v32;
	v32 =	vmul.f32 v53, v48  }
0x793: {  	v53 =	vmul.f32 v54, v49;
	v11 =	vmul.f32 v11, v49;
	v49 =	vld [tilespmem:$0x1EE90]  }
0x794: {  	v25 =	vadd.f32 v3, v25;
	v20 =	vadd.f32 v2, v20;
	v19 =	vmul.f32 v19, v1  }
0x795: {  	v38 =	vld [tilespmem:$0x1EEB0];
	v5 =	vadd.f32 v5, v21;
	v18 =	vmul.f32 v18, v48;
	v54 =	vadd.f32 v26, v35  }
0x796: {  	v27 =	vmul.f32 v51, v27;
	v25 =	vadd.f32 v25, v45;
	v19 =	vadd.f32 v20, v19  }
0x797: {  	v45 =	vshll.u32 v9, $0x10;
	v5 =	vadd.f32 v5, v18;
	v21 =	vadd.f32 v54, v23  }
0x798: {  	v48 =	vld [tilespmem:$0x1EE80];
	v25 =	vadd.f32 v25, v32;
	v20 =	vadd.f32 v41, v53;
	v50 =	vmul.f32 v45, v49  }
0x799: {  	v32 =	vshll.u32 v46, $0x10;
	v11 =	vadd.f32 v19, v11;
	v21 =	vadd.f32 v21, v24  }
0x79a: {  	v9 =	vmul.f32 v9, v49;
	v18 =	vadd.f32 v20, v50;
	v20 =	vmul.f32 v46, v38;
	v46 =	vld [tilespmem:$0x1EED0]  }
0x79b: {  	v44 =	vshll.u32 v29, $0x10  }
0x79c: {  	v49 =	vadd.f32 v21, v27;
	v27 =	vld [tilespmem:$0x1EEF0];
	v9 =	vadd.f32 v11, v9;
	v11 =	vmul.f32 v32, v38  }
0x79d: {  	v26 =	vmul.f32 v44, v48  }
0x79e: {  	v44 =	vshll.u32 v4, $0x10;
	v53 =	vmul.f32 v29, v48;
	v11 =	vadd.f32 v18, v11  }
0x79f: {  	v9 =	vadd.f32 v9, v20;
	v48 =	vmul.f32 v44, v46;
	v4 =	vmul.f32 v4, v46  }
0x7a0: {  	v51 =	vshll.u32 v7, $0x10  }
0x7a1: {  	v11 =	vadd.f32 v11, v48;
	v4 =	vadd.f32 v9, v4;
	v9 =	vmul.f32 v51, v27;
	_ =	sdelay $0x1  }
0x7a2: {  	v9 =	vadd.f32 v11, v9;
	v11 =	vld [tilespmem:$0x1EF10];
	_ =	sdelay $0x2  }
0x7a3: {  	v7 =	vmul.f32 v7, v27  }
0x7a4: {  	v32 =	vshll.u32 v56, $0x10  }
0x7a5: {  	v33 =	vld [tilespmem:$0x1EDA0];
	v4 =	vadd.f32 v4, v7;
	v7 =	vmul.f32 v32, v11;
	v11 =	vmul.f32 v56, v11;
	_ =	sdelay $0x1  }
0x7a6: {  	v4 =	vadd.f32 v4, v11;
	v11 =	vld [tilespmem:$0x1EF30];
	_ =	sdelay $0x3  }
0x7a7: {  	v3 =	vld [tilespmem:$0x1EE00];
	v38 =	vshll.u32 v17, $0x10  }
0x7a8: {  	v7 =	vadd.f32 v9, v7;
	v9 =	vmul.f32 v38, v11;
	v11 =	vmul.f32 v17, v11  }
0x7a9: {  	v33 =	vld.idx.msk [tilespmem:v33+s16+$0x0], $0xffff  }
0x7aa: {  	v4 =	vadd.f32 v4, v11;
	v11 =	vld [tilespmem:$0x1EF50];
	_ =	sdelay $0x3  }
0x7ab: {  	v35 =	vld [tilespmem:$0x1EEA0];
	v44 =	vshll.u32 v33, $0x10  }
0x7ac: {  	v3 =	vld.idx.msk [tilespmem:v3+s16+$0x0], $0xffff;
	v7 =	vadd.f32 v7, v9;
	v9 =	vmul.f32 v44, v11;
	v11 =	vmul.f32 v33, v11  }
0x7ad: {  	v1 =	vld [tilespmem:$0x1EE30]  }
0x7ae: {  	v43 =	vshll.u32 v15, $0x10;
	v13 =	vmul.f32 v57, v13;
	v4 =	vadd.f32 v4, v11;
	v11 =	vld [tilespmem:$0x1EF70]  }
0x7af: {  	v54 =	vshll.u32 v36, $0x10;
	v25 =	vadd.f32 v25, v26;
	v29 =	vshll.u32 v61, $0x10;
	v45 =	vld [tilespmem:$0x1EEC0]  }
0x7b0: {  	v5 =	vadd.f32 v5, v53;
	v53 =	vmul.f32 v37, v28;
	v23 =	vmul.f32 v54, v35;
	v54 =	vld [tilespmem:$0x1EEE0]  }
0x7b1: {  	v37 =	vshll.u32 v47, $0x10;
	v41 =	vmul.f32 v36, v35;
	v35 =	vmul.f32 v42, v30;
	v36 =	vld [tilespmem:$0x1EF00]  }
0x7b2: {  	v42 =	vld [tilespmem:$0x1EF20];
	v23 =	vadd.f32 v25, v23;
	v28 =	vadd.f32 v49, v53;
	v49 =	vshll.u32 v16, $0x10  }
0x7b3: {  	v7 =	vadd.f32 v7, v9;
	v9 =	vmul.f32 v49, v11;
	v11 =	vmul.f32 v16, v11  }
0x7b4: {  	v5 =	vadd.f32 v5, v41;
	v50 =	vshll.u32 v10, $0x10;
	v41 =	vmul.f32 v63, v31  }
0x7b5: {  	v24 =	vmul.f32 v43, v45;
	v15 =	vmul.f32 v15, v45;
	v4 =	vadd.f32 v4, v11;
	v11 =	vld [tilespmem:$0x1EF90]  }
0x7b6: {  	v0 =	vld [tilespmem:$0x1EE60];
	v53 =	vshll.u32 v3, $0x10;
	v20 =	vmul.f32 v50, v54;
	v10 =	vmul.f32 v10, v54  }
0x7b7: {  	v2 =	vld.idx.msk [tilespmem:v1+s16+$0x0], $0xffff;
	v18 =	vmul.f32 v29, v36;
	v19 =	vmul.f32 v37, v42;
	v5 =	vadd.f32 v5, v15  }
0x7b8: {  	v1 =	vld [tilespmem:$0x1EE40];
	v43 =	vshll.u32 v14, $0x10;
	v45 =	vmul.f32 v62, v34;
	v50 =	vmul.f32 v59, v52  }
0x7b9: {  	v52 =	vshll.u32 v39, $0x10;
	v23 =	vadd.f32 v23, v24;
	v46 =	vld [tilespmem:$0x1EF40];
	v5 =	vadd.f32 v5, v10  }
0x7ba: {  	v10 =	vmul.f32 v61, v36;
	v7 =	vadd.f32 v7, v9;
	v9 =	vmul.f32 v53, v11  }
0x7bb: {  	v54 =	vmul.f32 v58, v40;
	v15 =	vadd.f32 v28, v35;
	v20 =	vadd.f32 v23, v20;
	v51 =	vld [tilespmem:$0x1EF60]  }
0x7bc: {  	v5 =	vadd.f32 v5, v10;
	v10 =	vmul.f32 v47, v42;
	v7 =	vadd.f32 v7, v9;
	v9 =	vld [tilespmem:$0x1EFB0]  }
0x7bd: {  	v58 =	vshll.u32 v8, $0x10;
	v59 =	vshll.u32 v2, $0x10;
	v15 =	vadd.f32 v15, v41  }
0x7be: {  	v18 =	vadd.f32 v20, v18;
	v5 =	vadd.f32 v5, v10;
	v10 =	vmul.f32 v14, v46;
	v56 =	vld [tilespmem:$0x1EF80]  }
0x7bf: {  	v0 =	vld.idx.msk [tilespmem:v0+s16+$0x0], $0xffff;
	v48 =	vshll.u32 v22, $0x10;
	v47 =	vadd.f32 v15, v45;
	v3 =	vmul.f32 v3, v11  }
0x7c0: {  	v61 =	vld [tilespmem:$0x1EFA0];
	v18 =	vadd.f32 v18, v19;
	v5 =	vadd.f32 v5, v10;
	v17 =	vmul.f32 v43, v46  }
0x7c1: {  	v1 =	vld.idx.msk [tilespmem:v1+s16+$0x0], $0xffff;
	v10 =	vmul.f32 v22, v51;
	v3 =	vadd.f32 v4, v3;
	v4 =	vmul.f32 v59, v9  }
0x7c2: {  	v63 =	vld [tilespmem:$0x1EFC0];
	v14 =	vadd.f32 v47, v50;
	v15 =	vmul.f32 v48, v51;
	v17 =	vadd.f32 v18, v17  }
0x7c3: {  	v5 =	vadd.f32 v5, v10;
	v10 =	vmul.f32 v39, v56;
	v4 =	vadd.f32 v7, v4;
	v7 =	vld [tilespmem:$0x1EFD0]  }
0x7c4: {  	v62 =	vmul.f32 v55, v60;
	v15 =	vadd.f32 v17, v15;
	v16 =	vmul.f32 v52, v56  }
0x7c5: {  	v8 =	vmul.f32 v8, v61;
	v5 =	vadd.f32 v5, v10;
	v11 =	vadd.f32 v14, v54  }
0x7c6: {  	v10 =	vshll.u32 v1, $0x10;
	v15 =	vadd.f32 v15, v16;
	v2 =	vmul.f32 v2, v9  }
0x7c7: {  	v14 =	vmul.f32 v58, v61;
	v9 =	vadd.f32 v11, v13;
	v11 =	vshll.u32 v0, $0x10  }
0x7c8: {  	v1 =	vmul.f32 v1, v63;
	v2 =	vadd.f32 v3, v2;
	v3 =	vmul.f32 v11, v7  }
0x7c9: {  	v10 =	vmul.f32 v10, v63;
	v5 =	vadd.f32 v5, v8;
	v14 =	vadd.f32 v15, v14  }
0x7ca: {  	v0 =	vmul.f32 v0, v7;
	v7 =	vadd.f32 v9, v62;
	v11 =	vadd.f32 v4, v3;
	v4 =	vld [tilespmem:$0x1EFE0]  }
0x7cb: {  	v9 =	vadd.f32 v14, v10;
	v10 =	vadd.f32 v5, v1;
	v1 =	vld [tilespmem:$0x1EFF0];
	_ =	sdelay $0x1  }
0x7cc: {  	v3 =	vmul.f32 v12, v6  }
0x7cd: {  	v5 =	vld [tilespmem:$0x1F020]  }
0x7ce: {  	v8 =	vadd.f32 v2, v0;
	v2 =	vadd.f32 v7, v3;
	v3 =	vld [tilespmem:$0x1F010];
	(erf) = vpow2.f32 v4  }
0x7cf: {  	s15 =	sshll.u32 s15, $0x1;
	p0 =	slt.u32 s21, $0x7B0;
	(erf) = vpow2.f32 v1;
	v1 =	vld [tilespmem:$0x1F000]  }
.Ltmp3:
0x7d0: {  	s15 =	sand.u32 $0x3FFFFF00, s15;
	s26 =	sshll.u32 s10, $0x1;
	(pc) =	sbr.rel @p0 .LBB2_9-.Ltmp3, $4  }
0x7d1: {  	s19 =	sor.u32 s19, s15;
	s18 =	sadd.s32 $0x12000, s25;
	s25 =	sand.u32 $0x3FFFFF00, s26  }
0x7d2: {  	s15 =	smov.u32 s12;
	s24 =	sadd.s32 $0x10000, s24;
	s6 =	sor.u32 s6, s25  }
0x7d3: {  	s12 =	smov.u32 s20;
	s10 =	smov.u32 s8;
	s8 =	smov.u32 s21;
	v0 =	vld [tilespmem:s24+$0x80];
	[tilespmem:s6+$0x12000] =	vst v9  }
0x7d4: {  	s20 =	sadd.s32 $0x12000, s6;
	s6 =	smov.u32 s11;
	s11 =	smov.u32 s23;
	[tilespmem:s19+$0x12000] =	vst v11;
	v3 =	vadd.f32 $1.000000000e+00, v3;
	(erf) = vrcp.f32 v5;
	v4 =	vadd.f32 $1.000000000e+00, v1;
	v1 =	vld [tilespmem:s24+$0x100]  }
0x7d5: {  	v6 =	vld [tilespmem:$0x1F030]  }
0x7d6: {  	v7 =	vld [tilespmem:$0x1F040]  }
0x7d7: {  	v9 =	vld [tilespmem:$0x1F050]  }
0x7d8: {  	v11 =	vld [tilespmem:$0x1F060]  }
0x7d9: {  	v44 =	vld [tilespmem:$0x1F070]  }
0x7da: {  	(erf) = vrcp.f32 v4;
	v6 =	vadd.f32 $1.000000000e+00, v6  }
0x7db: {  	v5 =	vld [tilespmem:s24+$0x180];
	s21 =	sadd.s32 $0x10000, s22;
	(erf) = vrcp.f32 v3;
	v7 =	vadd.f32 $1.000000000e+00, v7  }
0x7dc: {  	s26 =	sadd.s32 $0x50, s17;
	v41 =	vld [tilespmem:s21+$0x80];
	v9 =	vadd.f32 $1.000000000e+00, v9;
	(erf) = vrcp.f32 v6  }
0x7dd: {  	v42 =	vld [tilespmem:s21+$0x100];
	s23 =	sshll.u32 s26, $0x2;
	v45 =	vpop (erf);
	v11 =	vadd.f32 $1.000000000e+00, v11;
	(erf) = vrcp.f32 v7  }
0x7de: {  	v43 =	vld [tilespmem:s21+$0x180];
	s17 =	sand.u32 $0x70, s26;
	s22 =	sand.u32 $0x3FFFFE00, s23;
	[tilespmem:$0x1E860] =	vst v45;
	v46 =	vpop (erf);
	v7 =	vadd.f32 $1.000000000e+00, v44;
	(erf) = vrcp.f32 v9  }
0x7df: {  	v0 =	vsub.f32 $0.0e+00, v0;
	s22 =	sor.u32 s17, s22;
	[tilespmem:$0x1E910] =	vst v46;
	(erf) = vrcp.f32 v11  }
0x7e0: {  	v1 =	vsub.f32 $0.0e+00, v1;
	s23 =	sadd.s32 $0x10000, s22;
	v52 =	vld [tilespmem:s22+$0x10000];
	(erf) = vrcp.f32 v7  }
0x7e1: {  	v0 =	vmul.f32 $1.442695020e+00, v0;
	v5 =	vsub.f32 $0.0e+00, v5;
	v54 =	vld [tilespmem:s23+$0x80]  }
0x7e2: {  	v1 =	vmul.f32 $1.442695020e+00, v1;
	v4 =	vsub.f32 $0.0e+00, v41;
	v49 =	vpop (erf);
	v9 =	vld [tilespmem:s23+$0x100]  }
0x7e3: {  	v12 =	vld [tilespmem:s23+$0x180];
	v3 =	vsub.f32 $0.0e+00, v42;
	v5 =	vmul.f32 $1.442695020e+00, v5;
	v50 =	vpop (erf);
	(erf) = vpow2.f32 v0  }
0x7e4: {  	v48 =	vsub.f32 $0.0e+00, v43;
	v47 =	vmul.f32 $1.442695020e+00, v4;
	v51 =	vpop (erf);
	(erf) = vpow2.f32 v1  }
0x7e5: {  	v3 =	vmul.f32 $1.442695020e+00, v3;
	v6 =	vsub.f32 $0.0e+00, v52;
	(erf) = vpow2.f32 v5;
	v53 =	vpop (erf)  }
0x7e6: {  	v40 =	vld [tilespmem:$0x1F350];
	v4 =	vmul.f32 $1.442695020e+00, v48;
	v58 =	vsub.f32 $0.0e+00, v54;
	(erf) = vpow2.f32 v47;
	v55 =	vpop (erf)  }
0x7e7: {  	v6 =	vmul.f32 $1.442695020e+00, v6;
	v9 =	vsub.f32 $0.0e+00, v9;
	(erf) = vpow2.f32 v3;
	v56 =	vpop (erf)  }
0x7e8: {  	v12 =	vsub.f32 $0.0e+00, v12;
	v0 =	vmul.f32 $1.442695020e+00, v58;
	(erf) = vpow2.f32 v4;
	v57 =	vpop (erf)  }
0x7e9: {  	v9 =	vmul.f32 $1.442695020e+00, v9;
	v14 =	vpop (erf);
	(erf) = vpow2.f32 v6  }
0x7ea: {  	v60 =	vmul.f32 $1.442695020e+00, v12;
	(erf) = vpow2.f32 v0  }
0x7eb: {  	v13 =	vmul.f32 v51, v40;
	(erf) = vpow2.f32 v9  }
0x7ec: {  	v1 =	vmul.f32 v49, v40;
	v61 =	vpop (erf);
	(erf) = vpow2.f32 v60  }
0x7ed: {  	v5 =	vmul.f32 v50, v40;
	v62 =	vpop (erf)  }
0x7ee: {  	v63 =	vtrunc.f32 v13;
	v59 =	vtrunc.f32 v1;
	v22 =	vpop (erf)  }
0x7ef: {  	v19 =	vcvt.f32.s32 v63;
	v16 =	vtrunc.f32 v5;
	v25 =	vpop (erf)  }
0x7f0: {  	v17 =	vcvt.f32.s32 v59;
	v14 =	vmul.f32 v14, v40;
	v27 =	vpop (erf)  }
0x7f1: {  	v3 =	vmul.f32 v53, v40;
	v30 =	vcvt.f32.s32 v16;
	v32 =	vpop (erf)  }
0x7f2: {  	v4 =	vmul.f32 v55, v40;
	v18 =	vtrunc.f32 v14;
	v35 =	vpop (erf)  }
0x7f3: {  	v20 =	vcvt.s32.f32 v17;
	[tilespmem:$0x1E960] =	vst v22;
	v34 =	vcvt.f32.s32 v18;
	v18 =	vadd.f32 $1.000000000e+00, v35;
	v22 =	vpop (erf)  }
0x7f4: {  	v11 =	vmul.f32 v56, v40;
	v21 =	vtrunc.f32 v3;
	[tilespmem:$0x1E980] =	vst v25;
	v22 =	vadd.f32 $1.000000000e+00, v22;
	v25 =	vpop (erf)  }
0x7f5: {  	v15 =	vmul.f32 v57, v40;
	v25 =	vadd.f32 $1.000000000e+00, v25;
	(erf) = vrcp.f32 v18;
	v36 =	vpop (erf)  }
0x7f6: {  	v23 =	vtrunc.f32 v4;
	v18 =	vadd.f32 $1.000000000e+00, v36;
	(erf) = vrcp.f32 v22  }
0x7f7: {  	v6 =	vcvt.f32.s32 v21;
	(erf) = vrcp.f32 v25  }
0x7f8: {  	v24 =	vtrunc.f32 v11;
	(erf) = vrcp.f32 v18  }
0x7f9: {  	v26 =	vtrunc.f32 v15;
	v9 =	vcvt.f32.s32 v23  }
0x7fa: {  	v1 =	vsub.f32 v1, v20;
	v0 =	vcvt.f32.s32 v24;
	v23 =	vcvt.s32.f32 v19  }
0x7fb: {  	v24 =	vcvt.s32.f32 v6;
	v6 =	vmul.u32 $0x30025795, v6;
	v33 =	vcvt.f32.s32 v26  }
0x7fc: {  	v19 =	vmul.u32 $0x9E3779B1, v19;
	v26 =	vadd.s32 $0x1, v17;
	v37 =	vcvt.s32.f32 v0  }
0x7fd: {  	v3 =	vsub.f32 v3, v24;
	v41 =	vadd.s32 $0x30025795, v6;
	v38 =	vcvt.s32.f32 v33  }
0x7fe: {  	v43 =	vadd.s32 $0x9E3779B1, v19;
	v16 =	vxor.u32 v26, v19;
	v29 =	vmul.u32 $0x30025795, v33;
	v54 =	vpop (erf)  }
0x7ff: {  	[tilespmem:$0x1E990] =	vst v27;
	v27 =	vcvt.s32.f32 v9;
	v9 =	vmul.u32 $0xDB06C2F5, v9;
	v39 =	vcvt.s32.f32 v34;
	v56 =	vpop (erf)  }
0x800: {  	v28 =	vmul.u32 $0xDB06C2F5, v34;
	v35 =	vsub.f32 v11, v37;
	v59 =	vmul.f32 v54, v40;
	v37 =	vpop (erf)  }
0x801: {  	v20 =	vsub.f32 v15, v38;
	v34 =	vmul.f32 v56, v40;
	v36 =	vmul.f32 v37, v40;
	v38 =	vpop (erf)  }
0x802: {  	v25 =	vsub.f32 v14, v39;
	v39 =	vtrunc.f32 v59;
	v37 =	vmul.f32 v38, v40  }
0x803: {  	v31 =	vadd.s32 $0xDB06C2F5, v9;
	v18 =	vtrunc.f32 v34;
	v46 =	vtrunc.f32 v36  }
0x804: {  	v57 =	vxor.u32 v29, v28;
	v47 =	vcvt.f32.s32 v18;
	v48 =	vtrunc.f32 v37  }
0x805: {  	v55 =	vxor.u32 v41, v31;
	[tilespmem:$0x1E6D0] =	vst v57;
	v51 =	vcvt.f32.s32 v46;
	v24 =	vcvt.f32.s32 v48  }
0x806: {  	v45 =	vxor.u32 v17, v19;
	[tilespmem:$0x1E6C0] =	vst v55;
	v55 =	vxor.u32 v17, v43;
	v56 =	vcvt.f32.s32 v39  }
0x807: {  	v57 =	vmul.u32 $0x9E3779B1, v47;
	v17 =	vmul.u32 $0x30025795, v51;
	v19 =	vmul.u32 $0xDB06C2F5, v24  }
0x808: {  	v49 =	vxor.u32 v6, v9  }
0x809: {  	v31 =	vxor.u32 v6, v31;
	v6 =	vxor.u32 v56, v57;
	v38 =	vxor.u32 v17, v19  }
0x80a: {  	[tilespmem:$0x1E920] =	vst v61;
	v14 =	vand.u32 $0xFFFF, v6;
	v38 =	vand.u32 $0xFFFF, v38  }
0x80b: {  	[tilespmem:$0x1E930] =	vst v62;
	v42 =	vadd.s32 $0x30025795, v29;
	v61 =	vxor.u32 v14, v38  }
0x80c: {  	[tilespmem:$0x1E9C0] =	vst v32;
	v32 =	vadd.s32 $0xDB06C2F5, v28;
	v50 =	vxor.u32 v28, v42  }
0x80d: {  	v58 =	vxor.u32 v42, v32;
	v44 =	vxor.u32 v29, v32;
	[tilespmem:$0x1E700] =	vst v50;
	v29 =	vcvt.s32.f32 v56  }
0x80e: {  	[tilespmem:$0x1E6E0] =	vst v58;
	v58 =	vadd.s32 $0x1, v56  }
0x80f: {  	v42 =	vxor.u32 v26, v43;
	[tilespmem:$0x1E6F0] =	vst v44;
	v43 =	vsub.f32 v59, v29;
	v59 =	vxor.u32 v58, v57  }
0x810: {  	v50 =	vand.u32 $0xFFFF, v59;
	v7 =	vld.idx.msk [tilespmem:v61+s16+$0x0], $0xffff  }
0x811: {  	v44 =	vxor.u32 v50, v38;
	_ =	sdelay $0x1  }
0x812: {  	v21 =	vcvt.s32.f32 v30  }
0x813: {  	v29 =	vadd.s32 $0x9E3779B1, v57  }
0x814: {  	v5 =	vsub.f32 v5, v21;
	v62 =	vxor.u32 v56, v29;
	[tilespmem:$0x1E710] =	vst v7  }
0x815: {  	v23 =	vsub.f32 v13, v23;
	v60 =	vxor.u32 v9, v41;
	v41 =	vand.u32 $0xFFFF, v62;
	v6 =	vld.idx.msk [tilespmem:v44+s16+$0x0], $0xffff  }
0x816: {  	v33 =	vsub.f32 $1.000000000e+00, v1;
	v9 =	vcvt.s32.f32 v47;
	v13 =	vxor.u32 v41, v38  }
0x817: {  	v52 =	vsub.f32 $1.000000000e+00, v3;
	v11 =	vcvt.s32.f32 v51;
	v39 =	vcvt.s32.f32 v24  }
0x818: {  	v4 =	vsub.f32 v4, v27;
	v9 =	vsub.f32 v34, v9  }
0x819: {  	v24 =	vsub.f32 v36, v11;
	v26 =	vsub.f32 v37, v39  }
0x81a: {  	v34 =	vsub.f32 $1.000000000e+00, v43;
	v63 =	vxor.u32 v58, v29;
	v12 =	vsub.f32 $1.000000000e+00, v9;
	[tilespmem:$0x1E720] =	vst v6  }
0x81b: {  	v62 =	vand.u32 $0xFFFF, v63;
	v29 =	vsub.f32 $1.000000000e+00, v24;
	v39 =	vsub.f32 $1.000000000e+00, v26;
	v18 =	vld.idx.msk [tilespmem:v13+s16+$0x0], $0xffff  }
0x81c: {  	v54 =	vmul.f32 v23, v1;
	v46 =	vsub.f32 $1.000000000e+00, v23;
	v38 =	vxor.u32 v62, v38  }
0x81d: {  	v28 =	vadd.s32 $0x30025795, v17;
	v27 =	vmul.f32 v12, v34;
	v48 =	vmul.f32 v39, v29  }
0x81e: {  	v57 =	vmul.f32 v46, v1;
	v56 =	vmul.f32 v23, v33;
	v15 =	vxor.u32 v19, v28  }
0x81f: {  	v51 =	vand.u32 $0xFFFF, v15;
	v36 =	vmul.f32 v12, v43;
	v44 =	vmul.f32 v48, v27  }
0x820: {  	v32 =	vmul.f32 v9, v43;
	v23 =	vxor.u32 v14, v51;
	v59 =	vshll.u32 v7, $0x10;
	[tilespmem:$0x1E740] =	vst v18  }
0x821: {  	v43 =	vsub.f32 $1.000000000e+00, v5;
	v63 =	vmul.f32 v48, v36;
	v1 =	vmul.f32 v59, v44;
	v7 =	vld.idx.msk [tilespmem:v38+s16+$0x0], $0xffff  }
0x822: {  	v61 =	vmul.f32 v46, v33;
	v46 =	vmul.f32 v9, v34;
	v9 =	vshll.u32 v6, $0x10  }
0x823: {  	v47 =	vmul.f32 v4, v3;
	v1 =	vadd.f32 $0.0e+00, v1;
	v12 =	vmul.f32 v9, v63  }
0x824: {  	v0 =	vmul.u32 $0x9E3779B1, v0;
	v58 =	vmul.f32 v4, v52;
	v11 =	vmul.f32 v35, v43  }
0x825: {  	v33 =	vsub.f32 $1.000000000e+00, v4;
	v13 =	vmul.f32 v48, v46;
	v1 =	vadd.f32 v1, v12;
	[tilespmem:$0x1E730] =	vst v63  }
0x826: {  	v12 =	vmul.f32 v35, v5;
	v15 =	vshll.u32 v18, $0x10;
	v18 =	vmul.f32 v48, v32;
	[tilespmem:$0x1E770] =	vst v7  }
0x827: {  	v53 =	vxor.u32 v50, v51;
	v48 =	vmul.f32 v33, v52;
	v4 =	vmul.f32 v15, v13;
	v6 =	vld.idx.msk [tilespmem:v23+s16+$0x0], $0xffff  }
0x828: {  	v9 =	vsub.f32 $1.000000000e+00, v25;
	v52 =	vmul.f32 v47, v56;
	v63 =	vmul.f32 v39, v24  }
0x829: {  	v1 =	vadd.f32 v1, v4;
	v23 =	vmul.f32 v33, v3;
	v33 =	vshll.u32 v7, $0x10  }
0x82a: {  	v34 =	vmul.f32 v63, v27;
	[tilespmem:$0x1E780] =	vst v18;
	v3 =	vmul.f32 v33, v18;
	v18 =	vsub.f32 $1.000000000e+00, v35  }
0x82b: {  	v38 =	vsub.f32 $1.000000000e+00, v20;
	v37 =	vmul.f32 v63, v36;
	[tilespmem:$0x1E750] =	vst v13;
	v33 =	vadd.s32 $0x1, v30  }
0x82c: {  	[tilespmem:$0x1E7B0] =	vst v34;
	v22 =	vadd.f32 v1, v3;
	v13 =	vmul.f32 v18, v5;
	v21 =	vshll.u32 v6, $0x10  }
0x82d: {  	v15 =	vmul.f32 v18, v43;
	v18 =	vxor.u32 v30, v0;
	[tilespmem:$0x1E7A0] =	vst v6;
	v59 =	vmul.f32 v21, v34  }
0x82e: {  	v1 =	vmul.f32 v25, v20;
	v6 =	vmul.f32 v9, v20;
	v7 =	vld.idx.msk [tilespmem:v53+s16+$0x0], $0xffff;
	v34 =	vadd.s32 $0x9E3779B1, v0  }
0x82f: {  	v30 =	vxor.u32 v30, v34;
	v35 =	vadd.f32 v22, v59;
	v22 =	vxor.u32 v33, v34;
	v34 =	vld [tilespmem:$0x1E6C0]  }
0x830: {  	v20 =	vand.u32 $0xFFFF, v45;
	v45 =	vand.u32 $0xFFFF, v49;
	v49 =	vmul.f32 v47, v54;
	[tilespmem:$0x1E7E0] =	vst v37  }
0x831: {  	v21 =	vxor.u32 v33, v0;
	v0 =	vand.u32 $0xFFFF, v55;
	[tilespmem:$0x1E9E0] =	vst v52;
	v55 =	vmul.f32 v47, v57  }
0x832: {  	[tilespmem:$0x1EA00] =	vst v49;
	v59 =	vmul.f32 v47, v61  }
0x833: {  	v4 =	vmul.f32 v25, v38;
	[tilespmem:$0x1E950] =	vst v55;
	v39 =	vshll.u32 v7, $0x10  }
0x834: {  	v53 =	vand.u32 $0xFFFF, v42;
	[tilespmem:$0x1E900] =	vst v59;
	v43 =	vmul.f32 v39, v37;
	v37 =	vand.u32 $0xFFFF, v34  }
0x835: {  	v33 =	vxor.u32 v41, v51;
	[tilespmem:$0x1E7D0] =	vst v7;
	v7 =	vmul.f32 v9, v38;
	v38 =	vxor.u32 v53, v37  }
0x836: {  	v16 =	vand.u32 $0xFFFF, v16;
	v39 =	vxor.u32 v0, v37;
	[tilespmem:$0x1E9A0] =	vst v38  }
0x837: {  	v42 =	vxor.u32 v16, v37;
	[tilespmem:$0x1E940] =	vst v39  }
0x838: {  	v31 =	vand.u32 $0xFFFF, v31;
	v35 =	vadd.f32 v35, v43;
	v43 =	vxor.u32 v20, v37;
	[tilespmem:$0x1E8E0] =	vst v42  }
0x839: {  	v25 =	vxor.u32 v53, v31;
	[tilespmem:$0x1E8B0] =	vst v43  }
0x83a: {  	v9 =	vxor.u32 v62, v51;
	v34 =	vxor.u32 v16, v31;
	v51 =	vld.idx.msk [tilespmem:v33+s16+$0x0], $0xffff;
	[tilespmem:$0x1E880] =	vst v25  }
0x83b: {  	v60 =	vand.u32 $0xFFFF, v60;
	v37 =	vxor.u32 v20, v31;
	[tilespmem:$0x1E820] =	vst v34  }
0x83c: {  	v19 =	vadd.s32 $0xDB06C2F5, v19;
	v43 =	vxor.u32 v16, v60;
	[tilespmem:$0x1E800] =	vst v37  }
0x83d: {  	v17 =	vxor.u32 v17, v19;
	v19 =	vxor.u32 v28, v19;
	v52 =	vxor.u32 v20, v60;
	[tilespmem:$0x1E790] =	vst v43  }
0x83e: {  	v49 =	vmul.f32 v58, v61;
	v38 =	vmul.f32 v58, v54;
	v33 =	vxor.u32 v0, v31;
	[tilespmem:$0x1E760] =	vst v52  }
0x83f: {  	v55 =	vxor.u32 v53, v60;
	v47 =	vmul.f32 v48, v54;
	v39 =	vmul.f32 v58, v56;
	[tilespmem:$0x1E840] =	vst v33  }
0x840: {  	v30 =	vand.u32 $0xFFFF, v30;
	v59 =	vmul.f32 v63, v46;
	v42 =	vmul.f32 v58, v57;
	[tilespmem:$0x1E8D0] =	vst v38  }
0x841: {  	v22 =	vand.u32 $0xFFFF, v22;
	v60 =	vxor.u32 v0, v60;
	[tilespmem:$0x1E8A0] =	vst v39;
	v58 =	vshll.u32 v51, $0x10  }
0x842: {  	v31 =	vxor.u32 v16, v45;
	[tilespmem:$0x1E870] =	vst v42;
	v5 =	vmul.f32 v58, v59;
	v58 =	vmul.f32 v23, v54;
	v54 =	vld [tilespmem:$0x1E6E0]  }
0x843: {  	v25 =	vxor.u32 v20, v45;
	v43 =	vxor.u32 v53, v45;
	v34 =	vmul.f32 v23, v56;
	v52 =	vld.idx.msk [tilespmem:v9+s16+$0x0], $0xffff  }
0x844: {  	v16 =	vmul.f32 v48, v57;
	v33 =	vxor.u32 v0, v45;
	v39 =	vmul.f32 v63, v32  }
0x845: {  	v45 =	vmul.f32 v48, v56;
	v56 =	vand.u32 $0xFFFF, v17;
	v63 =	vmul.f32 v26, v29  }
0x846: {  	v17 =	vand.u32 $0xFFFF, v21;
	[tilespmem:$0x1E7F0] =	vst v55;
	v55 =	vmul.f32 v48, v61;
	v48 =	vld [tilespmem:$0x1E6D0];
	v9 =	vadd.f32 v35, v5  }
0x847: {  	v35 =	vmul.f32 v23, v57;
	v23 =	vmul.f32 v23, v61;
	v61 =	vld [tilespmem:$0x1E6F0];
	v57 =	vand.u32 $0xFFFF, v54  }
0x848: {  	[tilespmem:$0x1E7C0] =	vst v60;
	v28 =	vxor.u32 v14, v56;
	v38 =	vshll.u32 v52, $0x10;
	v20 =	vxor.u32 v22, v57  }
0x849: {  	v60 =	vmul.f32 v26, v24;
	v42 =	vmul.f32 v38, v39;
	v26 =	vxor.u32 v30, v57;
	[tilespmem:$0x1E9D0] =	vst v20  }
0x84a: {  	v18 =	vand.u32 $0xFFFF, v18;
	v37 =	vxor.u32 v17, v57;
	[tilespmem:$0x1E970] =	vst v26  }
0x84b: {  	v53 =	vadd.f32 v9, v42;
	v9 =	vld [tilespmem:$0x1E700];
	v38 =	vxor.u32 v18, v57;
	[tilespmem:$0x1E8F0] =	vst v37  }
0x84c: {  	v0 =	vand.u32 $0xFFFF, v19;
	v29 =	vand.u32 $0xFFFF, v48;
	v5 =	vand.u32 $0xFFFF, v61;
	[tilespmem:$0x1E8C0] =	vst v38  }
0x84d: {  	v38 =	vld.idx.msk [tilespmem:v28+s16+$0x0], $0xffff;
	v42 =	vxor.u32 v22, v5;
	v48 =	vxor.u32 v30, v5;
	v28 =	vxor.u32 v50, v56  }
0x84e: {  	v57 =	vxor.u32 v17, v5;
	v61 =	vxor.u32 v18, v5;
	v5 =	vxor.u32 v41, v56;
	[tilespmem:$0x1E890] =	vst v42  }
0x84f: {  	v14 =	vxor.u32 v14, v0;
	v24 =	vmul.f32 v63, v27;
	v20 =	vxor.u32 v22, v29;
	[tilespmem:$0x1E850] =	vst v48  }
0x850: {  	v54 =	vand.u32 $0xFFFF, v9;
	[tilespmem:$0x1E830] =	vst v57;
	v9 =	vxor.u32 v18, v29;
	v57 =	vmul.f32 v1, v13  }
0x851: {  	[tilespmem:$0x1E810] =	vst v61;
	v37 =	vxor.u32 v17, v54;
	v21 =	vxor.u32 v18, v54;
	v18 =	vmul.f32 v1, v12  }
0x852: {  	v48 =	vxor.u32 v22, v54;
	v42 =	vxor.u32 v30, v54;
	v54 =	vxor.u32 v62, v56;
	v22 =	vld.idx.msk [tilespmem:v28+s16+$0x0], $0xffff  }
0x853: {  	v61 =	vxor.u32 v17, v29;
	v56 =	vmul.f32 v1, v11;
	v17 =	vshll.u32 v38, $0x10;
	v26 =	vld.idx.msk [tilespmem:v5+s16+$0x0], $0xffff;
	[tilespmem:$0x1EA10] =	vst v18  }
0x854: {  	[tilespmem:$0x1E9B0] =	vst v57;
	v57 =	vmul.f32 v4, v12;
	v5 =	vxor.u32 v50, v0;
	v50 =	vmul.f32 v4, v15  }
0x855: {  	[tilespmem:$0x1E9F0] =	vst v56;
	v19 =	vmul.f32 v17, v24;
	v17 =	vxor.u32 v30, v29;
	v29 =	vmul.f32 v1, v15  }
0x856: {  	v30 =	vmul.f32 v63, v36;
	v28 =	vld.idx.msk [tilespmem:v14+s16+$0x0], $0xffff;
	v14 =	vmul.f32 v6, v11  }
0x857: {  	v41 =	vxor.u32 v41, v0;
	v56 =	vld.idx.msk [tilespmem:v54+s16+$0x0], $0xffff;
	v54 =	vmul.f32 v63, v46;
	v63 =	vmul.f32 v63, v32  }
0x858: {  	v46 =	vmul.f32 v60, v46;
	v3 =	vadd.f32 v53, v19;
	v19 =	vmul.f32 v4, v11  }
0x859: {  	v53 =	vmul.f32 v4, v13;
	v1 =	vshll.u32 v22, $0x10;
	v18 =	vshll.u32 v26, $0x10  }
0x85a: {  	v0 =	vxor.u32 v62, v0;
	v4 =	vmul.f32 v1, v30;
	v62 =	vmul.f32 v18, v54  }
0x85b: {  	v25 =	vld.idx.msk [tilespmem:v25+s16+$0x0], $0xffff;
	v18 =	vmul.f32 v6, v12;
	v1 =	vmul.f32 v6, v15  }
0x85c: {  	v4 =	vadd.f32 v3, v4;
	v3 =	vmul.f32 v6, v13;
	v6 =	vld.idx.msk [tilespmem:v5+s16+$0x0], $0xffff;
	v5 =	vshll.u32 v56, $0x10  }
0x85d: {  	v9 =	vld.idx.msk [tilespmem:v9+s16+$0x0], $0xffff;
	v12 =	vmul.f32 v7, v12;
	v5 =	vmul.f32 v5, v63  }
0x85e: {  	v4 =	vadd.f32 v4, v62;
	v62 =	vmul.f32 v60, v27;
	v27 =	vmul.f32 v7, v11;
	v11 =	vld.idx.msk [tilespmem:v41+s16+$0x0], $0xffff  }
0x85f: {  	v13 =	vmul.f32 v7, v13;
	v41 =	vshll.u32 v28, $0x10;
	v7 =	vmul.f32 v7, v15  }
0x860: {  	v15 =	vld.idx.msk [tilespmem:v31+s16+$0x0], $0xffff;
	v5 =	vadd.f32 v4, v5;
	v41 =	vmul.f32 v41, v62;
	v4 =	vmul.f32 v60, v36  }
0x861: {  	v31 =	vshll.u32 v25, $0x10;
	v25 =	vmul.f32 v25, v55;
	v36 =	vld.idx.msk [tilespmem:v0+s16+$0x0], $0xffff;
	v0 =	vshll.u32 v6, $0x10  }
0x862: {  	v5 =	vadd.f32 v5, v41;
	v41 =	vld.idx.msk [tilespmem:v61+s16+$0x0], $0xffff;
	v0 =	vmul.f32 v0, v4;
	v61 =	vshll.u32 v9, $0x10  }
0x863: {  	v31 =	vmul.f32 v31, v55;
	v55 =	vmul.f32 v61, v7;
	v61 =	vshll.u32 v11, $0x10  }
0x864: {  	v0 =	vadd.f32 v5, v0;
	v5 =	vmul.f32 v61, v46;
	v61 =	vld [tilespmem:$0x1E710];
	_ =	sdelay $0x3  }
0x865: {  	v7 =	vmul.f32 v9, v7  }
0x866: {  	v9 =	vmul.f32 v61, v44;
	v44 =	vmul.f32 v60, v32  }
0x867: {  	v60 =	vshll.u32 v15, $0x10;
	v61 =	vshll.u32 v36, $0x10  }
0x868: {  	v0 =	vadd.f32 v0, v5;
	v5 =	vld.idx.msk [tilespmem:v33+s16+$0x0], $0xffff;
	v32 =	vmul.f32 v60, v16;
	v60 =	vmul.f32 v61, v44  }
0x869: {  	v31 =	vadd.f32 $0.0e+00, v31;
	v15 =	vmul.f32 v15, v16;
	v16 =	vld.idx.msk [tilespmem:v17+s16+$0x0], $0xffff;
	v61 =	vshll.u32 v41, $0x10  }
0x86a: {  	v55 =	vadd.f32 $0.0e+00, v55;
	v33 =	vmul.f32 v61, v13;
	v61 =	vld [tilespmem:$0x1E720];
	v0 =	vadd.f32 v0, v60  }
0x86b: {  	v13 =	vmul.f32 v41, v13;
	v41 =	vld [tilespmem:$0x1E730];
	v60 =	vadd.f32 $0.0e+00, v25  }
0x86c: {  	v25 =	vadd.f32 v31, v32;
	v31 =	vadd.f32 v55, v33;
	v55 =	vld [tilespmem:$0x1E760];
	[tilespmem:$0x1ECB0] =	vst v0  }
0x86d: {  	v32 =	vld.idx.msk [tilespmem:v43+s16+$0x0], $0xffff  }
0x86e: {  	v0 =	vadd.f32 v60, v15;
	v15 =	vld.idx.msk [tilespmem:v20+s16+$0x0], $0xffff  }
0x86f: {  	v60 =	vshll.u32 v5, $0x10;
	v43 =	vld [tilespmem:$0x1E740]  }
0x870: {  	v5 =	vmul.f32 v5, v45;
	v20 =	vmul.f32 v60, v45;
	v45 =	vld [tilespmem:$0x1E750];
	_ =	sdelay $0x2  }
0x871: {  	v26 =	vmul.f32 v26, v54;
	v54 =	vld [tilespmem:$0x1E950];
	v9 =	vadd.f32 $0.0e+00, v9;
	v17 =	vmul.f32 v61, v41  }
0x872: {  	v7 =	vadd.f32 $0.0e+00, v7;
	v21 =	vld.idx.msk [tilespmem:v21+s16+$0x0], $0xffff;
	v61 =	vshll.u32 v16, $0x10  }
0x873: {  	v41 =	vmul.f32 v61, v27;
	v9 =	vadd.f32 v9, v17;
	v17 =	vmul.f32 v43, v45;
	v43 =	vld [tilespmem:$0x1E770]  }
0x874: {  	v7 =	vadd.f32 v7, v13;
	v16 =	vmul.f32 v16, v27;
	v0 =	vadd.f32 v0, v5;
	v45 =	vld [tilespmem:$0x1E780]  }
0x875: {  	v13 =	vadd.f32 v31, v41;
	v60 =	vshll.u32 v32, $0x10;
	v41 =	vmul.f32 v32, v47;
	v27 =	vld.idx.msk [tilespmem:v55+s16+$0x0], $0xffff  }
0x876: {  	v20 =	vadd.f32 v25, v20;
	v61 =	vmul.f32 v60, v47;
	v47 =	vld [tilespmem:$0x1E790]  }
0x877: {  	v33 =	vshll.u32 v15, $0x10;
	v0 =	vadd.f32 v0, v41;
	v41 =	vld [tilespmem:$0x1E7B0]  }
0x878: {  	v25 =	vmul.f32 v33, v12;
	v5 =	vadd.f32 v20, v61;
	v20 =	vld.idx.msk [tilespmem:v37+s16+$0x0], $0xffff  }
0x879: {  	v37 =	vld [tilespmem:$0x1E7A0]  }
0x87a: {  	v12 =	vmul.f32 v15, v12;
	v13 =	vadd.f32 v13, v25;
	v25 =	vld [tilespmem:$0x1E7D0]  }
0x87b: {  	v15 =	vmul.f32 v43, v45;
	v43 =	vld [tilespmem:$0x1E7C0];
	v32 =	vmul.f32 v27, v23  }
0x87c: {  	v55 =	vshll.u32 v27, $0x10;
	v27 =	vld [tilespmem:$0x1E7E0]  }
0x87d: {  	v0 =	vadd.f32 v0, v32;
	v32 =	vld [tilespmem:$0x1E7F0]  }
0x87e: {  	v9 =	vadd.f32 v9, v17;
	v17 =	vld.idx.msk [tilespmem:v47+s16+$0x0], $0xffff  }
0x87f: {  	v11 =	vmul.f32 v11, v46;
	v46 =	vld [tilespmem:$0x1EA00]  }
0x880: {  	v7 =	vadd.f32 v7, v16;
	v16 =	vld.idx.msk [tilespmem:v42+s16+$0x0], $0xffff;
	v9 =	vadd.f32 v9, v15;
	v15 =	vmul.f32 v37, v41  }
0x881: {  	v60 =	vmul.f32 v55, v23;
	v23 =	vld [tilespmem:$0x1E820]  }
0x882: {  	v61 =	vshll.u32 v21, $0x10;
	v9 =	vadd.f32 v9, v15;
	v15 =	vmul.f32 v25, v27;
	v27 =	vld [tilespmem:$0x1E830]  }
0x883: {  	v33 =	vmul.f32 v61, v1;
	v1 =	vmul.f32 v21, v1;
	v21 =	vld.idx.msk [tilespmem:v43+s16+$0x0], $0xffff;
	v45 =	vshll.u32 v17, $0x10  }
0x884: {  	v5 =	vadd.f32 v5, v60;
	v60 =	vmul.f32 v17, v35;
	v47 =	vmul.f32 v45, v35;
	v35 =	vld.idx.msk [tilespmem:v48+s16+$0x0], $0xffff  }
0x885: {  	v55 =	vshll.u32 v20, $0x10;
	v45 =	vmul.f32 v51, v59;
	v51 =	vld [tilespmem:$0x1E810]  }
0x886: {  	v61 =	vmul.f32 v55, v3;
	v3 =	vmul.f32 v20, v3;
	v9 =	vadd.f32 v9, v15;
	v20 =	vld.idx.msk [tilespmem:v32+s16+$0x0], $0xffff  }
0x887: {  	v7 =	vadd.f32 v7, v12;
	v5 =	vadd.f32 v5, v47;
	v47 =	vld [tilespmem:$0x1E800]  }
0x888: {  	v13 =	vadd.f32 v13, v33;
	v9 =	vadd.f32 v9, v45;
	v45 =	vld [tilespmem:$0x1E870]  }
0x889: {  	v37 =	vshll.u32 v21, $0x10;
	v43 =	vmul.f32 v21, v34;
	v21 =	vmul.f32 v52, v39;
	v39 =	vld [tilespmem:$0x1E850]  }
0x88a: {  	v42 =	vshll.u32 v16, $0x10;
	v1 =	vadd.f32 v7, v1;
	v7 =	vld.idx.msk [tilespmem:v27+s16+$0x0], $0xffff  }
0x88b: {  	v33 =	vadd.f32 v13, v61;
	v17 =	vmul.f32 v42, v14;
	v41 =	vmul.f32 v37, v34;
	v37 =	vld [tilespmem:$0x1E840]  }
0x88c: {  	v0 =	vadd.f32 v0, v60;
	v27 =	vld [tilespmem:$0x1E8D0];
	v60 =	vshll.u32 v35, $0x10  }
0x88d: {  	v48 =	vadd.f32 v33, v17;
	v13 =	vmul.f32 v35, v18;
	v17 =	vmul.f32 v60, v18;
	v18 =	vld.idx.msk [tilespmem:v23+s16+$0x0], $0xffff  }
0x88e: {  	v5 =	vadd.f32 v5, v41;
	v41 =	vld [tilespmem:$0x1E860]  }
0x88f: {  	v55 =	vshll.u32 v20, $0x10;
	v60 =	vld [tilespmem:$0x1E8C0]  }
0x890: {  	v61 =	vmul.f32 v20, v58;
	v59 =	vmul.f32 v55, v58;
	v58 =	vld [tilespmem:$0x1E8B0]  }
0x891: {  	v12 =	vld.idx.msk [tilespmem:v51+s16+$0x0], $0xffff  }
0x892: {  	v14 =	vmul.f32 v16, v14;
	v16 =	vld.idx.msk [tilespmem:v47+s16+$0x0], $0xffff  }
0x893: {  	v1 =	vadd.f32 v1, v3;
	v0 =	vadd.f32 v0, v43;
	v43 =	vshll.u32 v7, $0x10;
	v47 =	vld [tilespmem:$0x1E880]  }
0x894: {  	v25 =	vadd.f32 v48, v17;
	v7 =	vmul.f32 v7, v53;
	v48 =	vmul.f32 v43, v53;
	v53 =	vld [tilespmem:$0x1E8A0]  }
0x895: {  	v1 =	vadd.f32 v1, v14;
	v9 =	vadd.f32 v9, v21;
	v20 =	vld.idx.msk [tilespmem:v39+s16+$0x0], $0xffff  }
0x896: {  	v21 =	vadd.f32 $1.000000000e+00, v41;
	v42 =	vshll.u32 v18, $0x10;
	v41 =	vmul.f32 v56, v63;
	v56 =	vld [tilespmem:$0x1E970]  }
0x897: {  	v38 =	vmul.f32 v38, v24;
	v14 =	vmul.f32 v42, v45;
	v42 =	vld [tilespmem:$0x1E900]  }
0x898: {  	v22 =	vmul.f32 v22, v30;
	v1 =	vadd.f32 v1, v13;
	v15 =	vld.idx.msk [tilespmem:v60+s16+$0x0], $0xffff  }
0x899: {  	v9 =	vadd.f32 v9, v38;
	v34 =	vshll.u32 v12, $0x10;
	v12 =	vmul.f32 v12, v50;
	v60 =	vld [tilespmem:$0x1E9B0]  }
0x89a: {  	v32 =	vshll.u32 v16, $0x10;
	v35 =	vmul.f32 v16, v49;
	v16 =	vld.idx.msk [tilespmem:v37+s16+$0x0], $0xffff  }
0x89b: {  	v9 =	vadd.f32 v9, v22;
	v1 =	vadd.f32 v1, v12;
	v12 =	vld.idx.msk [tilespmem:v58+s16+$0x0], $0xffff  }
0x89c: {  	v0 =	vadd.f32 v0, v61;
	v58 =	vld [tilespmem:$0x1E990]  }
0x89d: {  	v9 =	vadd.f32 v9, v26;
	v17 =	vmul.f32 v34, v50;
	v33 =	vmul.f32 v32, v49;
	v49 =	vld [tilespmem:$0x1E890]  }
0x89e: {  	v3 =	vadd.f32 v5, v59;
	v52 =	vshll.u32 v20, $0x10;
	v0 =	vadd.f32 v0, v35;
	v35 =	vld [tilespmem:$0x1E8F0]  }
0x89f: {  	v9 =	vadd.f32 v9, v41;
	v5 =	vadd.f32 v25, v17;
	v59 =	vmul.f32 v52, v19;
	v52 =	vld [tilespmem:$0x1E930]  }
0x8a0: {  	v50 =	vmul.f32 v18, v45;
	v61 =	vmul.f32 v20, v19;
	v1 =	vadd.f32 v1, v7;
	v23 =	vld.idx.msk [tilespmem:v47+s16+$0x0], $0xffff  }
0x8a1: {  	v4 =	vmul.f32 v6, v4;
	v3 =	vadd.f32 v3, v33;
	v5 =	vadd.f32 v5, v48;
	v33 =	vld [tilespmem:$0x1E8E0]  }
0x8a2: {  	v0 =	vadd.f32 v0, v50;
	v1 =	vadd.f32 v1, v61;
	v61 =	vld [tilespmem:$0x1E9C0];
	v51 =	vshll.u32 v16, $0x10  }
0x8a3: {  	v50 =	vmul.f32 v28, v62;
	v3 =	vadd.f32 v3, v14;
	v55 =	vmul.f32 v51, v53;
	v51 =	vld [tilespmem:$0x1E920]  }
0x8a4: {  	(erf) = vrcp.f32 v21;
	v16 =	vmul.f32 v16, v53;
	v5 =	vadd.f32 v5, v59;
	v53 =	vld [tilespmem:$0x1E940]  }
0x8a5: {  	v39 =	vshll.u32 v15, $0x10;
	v9 =	vadd.f32 v9, v50;
	v3 =	vadd.f32 v3, v55;
	v55 =	vld [tilespmem:$0x1E960]  }
0x8a6: {  	v0 =	vadd.f32 v0, v16;
	v24 =	vshll.u32 v23, $0x10;
	v37 =	vmul.f32 v23, v27;
	v13 =	vld.idx.msk [tilespmem:v49+s16+$0x0], $0xffff  }
0x8a7: {  	v38 =	vshll.u32 v12, $0x10;
	v4 =	vadd.f32 v9, v4;
	v32 =	vmul.f32 v24, v27;
	v49 =	vld [tilespmem:$0x1E910]  }
0x8a8: {  	v12 =	vmul.f32 v12, v42;
	v14 =	vadd.f32 $1.000000000e+00, v52;
	v17 =	vld.idx.msk [tilespmem:v35+s16+$0x0], $0xffff;
	v0 =	vadd.f32 v0, v37  }
0x8a9: {  	v62 =	vld [tilespmem:$0x1E9D0];
	v43 =	vmul.f32 v38, v42;
	v4 =	vadd.f32 v4, v11;
	v3 =	vadd.f32 v3, v32  }
0x8aa: {  	v15 =	vmul.f32 v15, v29;
	v7 =	vld.idx.msk [tilespmem:v33+s16+$0x0], $0xffff;
	v22 =	vadd.f32 $1.000000000e+00, v51;
	v0 =	vadd.f32 v0, v12  }
0x8ab: {  	v45 =	vmul.f32 v39, v29;
	v59 =	vld [tilespmem:$0x1E9A0];
	v12 =	vadd.f32 $1.000000000e+00, v58;
	v3 =	vadd.f32 v3, v43  }
0x8ac: {  	s24 =	sadd.s32 $0x50, s9;
	v35 =	vld [tilespmem:$0x1E9F0];
	v25 =	vshll.u32 v13, $0x10;
	v13 =	vmul.f32 v13, v57;
	v19 =	vadd.f32 $1.000000000e+00, v49  }
0x8ad: {  	s25 =	sshll.u32 s24, $0x2;
	v33 =	vld [tilespmem:$0x1E9E0];
	v21 =	vadd.f32 $1.000000000e+00, v55;
	v34 =	vmul.f32 v25, v57;
	v48 =	vshll.u32 v17, $0x10  }
0x8ae: {  	s9 =	sand.u32 $0x70, s24;
	s23 =	sand.u32 $0x3FFFFE00, s25;
	v57 =	vld [tilespmem:$0x1E980];
	v63 =	vmul.f32 v17, v60;
	v1 =	vadd.f32 v1, v13;
	(erf) = vrcp.f32 v19  }
0x8af: {  	s23 =	sor.u32 s9, s23;
	v47 =	vshll.u32 v7, $0x10;
	v19 =	vld.idx.msk [tilespmem:v53+s16+$0x0], $0xffff;
	v18 =	vmul.f32 v48, v60;
	v7 =	vmul.f32 v7, v54  }
0x8b0: {  	v38 =	vpop (erf);
	v48 =	vld [tilespmem:s23+$0x10000];
	v53 =	vmul.f32 v36, v44;
	v5 =	vadd.f32 v5, v34;
	v16 =	vmul.f32 v47, v54  }
0x8b1: {  	s23 =	sadd.s32 $0x10000, s23;
	(erf) = vrcp.f32 v22;
	v22 =	vld.idx.msk [tilespmem:v56+s16+$0x0], $0xffff;
	v56 =	vmul.f32 v38, v40;
	v1 =	vadd.f32 v1, v15  }
0x8b2: {  	v52 =	vld [tilespmem:s23+$0x80];
	(erf) = vrcp.f32 v14;
	v0 =	vadd.f32 v0, v7;
	v5 =	vadd.f32 v5, v45  }
0x8b3: {  	v55 =	vld [tilespmem:s23+$0x100];
	(erf) = vrcp.f32 v21;
	v21 =	vadd.f32 $1.000000000e+00, v61;
	v3 =	vadd.f32 v3, v16  }
0x8b4: {  	v14 =	vld.idx.msk [tilespmem:v59+s16+$0x0], $0xffff;
	v13 =	vadd.f32 $1.000000000e+00, v57;
	v1 =	vadd.f32 v1, v63;
	v27 =	vshll.u32 v19, $0x10  }
0x8b5: {  	v28 =	vld [tilespmem:s23+$0x180];
	v39 =	vmul.f32 v19, v33;
	v5 =	vadd.f32 v5, v18;
	v24 =	vsub.f32 $0.0e+00, v48  }
0x8b6: {  	(erf) = vrcp.f32 v13;
	v32 =	vshll.u32 v22, $0x10;
	v34 =	vmul.f32 v27, v33  }
0x8b7: {  	v13 =	vld.idx.msk [tilespmem:v62+s16+$0x0], $0xffff;
	v41 =	vmul.f32 v22, v35;
	v61 =	vsub.f32 $0.0e+00, v52;
	v62 =	vtrunc.f32 v56  }
0x8b8: {  	v27 =	vsub.f32 $0.0e+00, v55;
	(erf) = vrcp.f32 v12;
	v37 =	vmul.f32 v32, v35  }
0x8b9: {  	v42 =	vshll.u32 v14, $0x10;
	v14 =	vmul.f32 v14, v46;
	v24 =	vmul.f32 $1.442695020e+00, v24  }
0x8ba: {  	v49 =	vld [tilespmem:$0x1EA10];
	v28 =	vsub.f32 $0.0e+00, v28;
	v17 =	vcvt.f32.s32 v62;
	(erf) = vrcp.f32 v21  }
0x8bb: {  	v0 =	vadd.f32 v0, v39;
	v20 =	vmul.f32 v42, v46;
	v7 =	vmul.f32 $1.442695020e+00, v61  }
0x8bc: {  	v3 =	vadd.f32 v3, v34;
	v63 =	vmul.f32 $1.442695020e+00, v27;
	v27 =	vmul.f32 $1.442695020e+00, v28  }
0x8bd: {  	v1 =	vadd.f32 v1, v41;
	v43 =	vpop (erf);
	(erf) = vpow2.f32 v24;
	v46 =	vcvt.s32.f32 v17  }
0x8be: {  	v41 =	vadd.f32 v4, v53;
	v57 =	vmul.f32 v43, v40;
	(erf) = vpow2.f32 v7  }
0x8bf: {  	v47 =	vpop (erf);
	v45 =	vshll.u32 v13, $0x10;
	v13 =	vmul.f32 v13, v49;
	(erf) = vpow2.f32 v63  }
0x8c0: {  	v5 =	vadd.f32 v5, v37;
	v51 =	vpop (erf);
	v9 =	vmul.f32 v47, v40;
	(erf) = vpow2.f32 v27  }
0x8c1: {  	v0 =	vadd.f32 v0, v14;
	v50 =	vmul.f32 v45, v49;
	v54 =	vpop (erf);
	v22 =	vmul.f32 v51, v40  }
0x8c2: {  	v24 =	vadd.s32 $0x1, v17;
	v31 =	vtrunc.f32 v57;
	v29 =	vmul.f32 v54, v40  }
0x8c3: {  	v3 =	vadd.f32 v3, v20;
	v43 =	vcvt.f32.s32 v31;
	v32 =	vtrunc.f32 v9;
	v58 =	vpop (erf)  }
0x8c4: {  	v27 =	vsub.f32 v56, v46;
	v33 =	vtrunc.f32 v22;
	v6 =	vcvt.f32.s32 v32;
	v59 =	vpop (erf)  }
0x8c5: {  	v5 =	vadd.f32 v5, v50;
	v34 =	vtrunc.f32 v29;
	v11 =	vcvt.f32.s32 v33;
	v60 =	vpop (erf)  }
0x8c6: {  	v38 =	vadd.f32 v1, v13;
	v47 =	vcvt.s32.f32 v43;
	v21 =	vmul.f32 v58, v40;
	v45 =	vpop (erf)  }
0x8c7: {  	[tilespmem:$0x1ECF0] =	vst v5;
	v39 =	vcvt.f32.s32 v34;
	v49 =	vcvt.s32.f32 v6;
	v5 =	vadd.f32 $1.000000000e+00, v45;
	v48 =	vpop (erf)  }
0x8c8: {  	v6 =	vmul.u32 $0x9E3779B1, v6;
	v23 =	vmul.f32 v59, v40;
	v15 =	vadd.f32 $1.000000000e+00, v48;
	v51 =	vpop (erf)  }
0x8c9: {  	v50 =	vcvt.s32.f32 v11;
	v20 =	vadd.f32 $1.000000000e+00, v51;
	(erf) = vrcp.f32 v5;
	v52 =	vpop (erf)  }
0x8ca: {  	v30 =	vmul.f32 v60, v40;
	v5 =	vadd.f32 $1.000000000e+00, v52;
	(erf) = vrcp.f32 v15  }
0x8cb: {  	v61 =	vmul.u32 $0x30025795, v11;
	v35 =	vtrunc.f32 v21;
	(erf) = vrcp.f32 v20  }
0x8cc: {  	v58 =	vsub.f32 v57, v47;
	v53 =	vcvt.s32.f32 v39;
	(erf) = vrcp.f32 v5  }
0x8cd: {  	[tilespmem:$0x1ED40] =	vst v41;
	v1 =	vmul.u32 $0xDB06C2F5, v39;
	v28 =	vsub.f32 v9, v49;
	v36 =	vtrunc.f32 v23  }
0x8ce: {  	[tilespmem:$0x1ED00] =	vst v0;
	v41 =	vadd.s32 $0x9E3779B1, v6;
	v0 =	vcvt.f32.s32 v35;
	v42 =	vcvt.f32.s32 v36  }
0x8cf: {  	v34 =	vsub.f32 v22, v50;
	v11 =	vadd.s32 $0x30025795, v61;
	v37 =	vtrunc.f32 v30  }
0x8d0: {  	v62 =	vadd.s32 $0xDB06C2F5, v1;
	v25 =	vsub.f32 v29, v53;
	v44 =	vcvt.f32.s32 v37  }
0x8d1: {  	v54 =	vcvt.s32.f32 v0;
	v51 =	vxor.u32 v24, v6;
	v45 =	vxor.u32 v11, v62  }
0x8d2: {  	[tilespmem:$0x1ECD0] =	vst v3;
	v26 =	vxor.u32 v61, v62;
	v55 =	vcvt.s32.f32 v42;
	v3 =	vmul.u32 $0x30025795, v42;
	v42 =	vpop (erf)  }
0x8d3: {  	[tilespmem:$0x1ED20] =	vst v38;
	v60 =	vcvt.s32.f32 v44;
	v4 =	vmul.u32 $0xDB06C2F5, v44;
	v38 =	vsub.f32 v21, v54;
	v46 =	vpop (erf)  }
0x8d4: {  	v44 =	vxor.u32 v61, v1;
	v39 =	vadd.s32 $0x30025795, v3;
	v5 =	vmul.f32 v42, v40;
	v49 =	vpop (erf)  }
0x8d5: {  	v21 =	vsub.f32 v23, v55;
	v33 =	vmul.f32 v46, v40;
	v50 =	vpop (erf);
	v52 =	vmul.f32 v49, v40  }
0x8d6: {  	v23 =	vxor.u32 v17, v6;
	v56 =	vtrunc.f32 v5;
	v53 =	vmul.f32 v50, v40  }
0x8d7: {  	v63 =	vadd.s32 $0xDB06C2F5, v4;
	v57 =	vtrunc.f32 v33;
	v59 =	vtrunc.f32 v52  }
0x8d8: {  	v48 =	vxor.u32 v39, v63;
	v6 =	vcvt.f32.s32 v57;
	v61 =	vtrunc.f32 v53  }
0x8d9: {  	v12 =	vxor.u32 v3, v63;
	v62 =	vcvt.f32.s32 v59;
	v63 =	vcvt.f32.s32 v61  }
0x8da: {  	v18 =	vxor.u32 v1, v11;
	v1 =	vcvt.f32.s32 v56  }
0x8db: {  	v9 =	vmul.u32 $0x9E3779B1, v6;
	v15 =	vmul.u32 $0x30025795, v62;
	v16 =	vmul.u32 $0xDB06C2F5, v63;
	_ =	sdelay $0x1  }
0x8dc: {  	v47 =	vxor.u32 v3, v4;
	v55 =	vxor.u32 v1, v9;
	v56 =	vxor.u32 v15, v16  }
0x8dd: {  	v4 =	vxor.u32 v4, v39;
	v39 =	vand.u32 $0xFFFF, v55;
	v59 =	vand.u32 $0xFFFF, v56  }
0x8de: {  	[tilespmem:$0x1EA30] =	vst v45;
	v7 =	vxor.u32 v39, v59  }
0x8df: {  	[tilespmem:$0x1EA20] =	vst v44  }
0x8e0: {  	[tilespmem:$0x1EA40] =	vst v47  }
0x8e1: {  	[tilespmem:$0x1EA60] =	vst v4;
	v14 =	vadd.s32 $0x1, v1  }
0x8e2: {  	[tilespmem:$0x1EA50] =	vst v48;
	v11 =	vcvt.s32.f32 v1;
	v13 =	vcvt.s32.f32 v6;
	v6 =	vxor.u32 v14, v9  }
0x8e3: {  	v49 =	vand.u32 $0xFFFF, v6;
	v7 =	vld.idx.msk [tilespmem:v7+s16+$0x0], $0xffff  }
0x8e4: {  	v5 =	vsub.f32 v5, v11;
	v11 =	vxor.u32 v49, v59;
	_ =	sdelay $0x2  }
0x8e5: {  	v54 =	vcvt.s32.f32 v62;
	v9 =	vadd.s32 $0x9E3779B1, v9  }
0x8e6: {  	v47 =	vsub.f32 v33, v13;
	v1 =	vxor.u32 v1, v9;
	v13 =	vxor.u32 v14, v9;
	[tilespmem:$0x1EA70] =	vst v7  }
0x8e7: {  	v19 =	vsub.f32 v52, v54;
	v52 =	vand.u32 $0xFFFF, v1;
	v62 =	vand.u32 $0xFFFF, v13;
	v13 =	vld.idx.msk [tilespmem:v11+s16+$0x0], $0xffff  }
0x8e8: {  	v14 =	vxor.u32 v52, v59;
	_ =	sdelay $0x3  }
0x8e9: {  	v29 =	vsub.f32 $1.000000000e+00, v27;
	v57 =	vcvt.s32.f32 v63;
	[tilespmem:$0x1EA80] =	vst v13  }
0x8ea: {  	v24 =	vxor.u32 v24, v41;
	v0 =	vmul.u32 $0x9E3779B1, v0;
	v20 =	vsub.f32 $1.000000000e+00, v28;
	v14 =	vld.idx.msk [tilespmem:v14+s16+$0x0], $0xffff  }
0x8eb: {  	v30 =	vsub.f32 v30, v60;
	v22 =	vsub.f32 v53, v57;
	v63 =	vxor.u32 v62, v59  }
0x8ec: {  	v60 =	vxor.u32 v17, v41;
	v1 =	vsub.f32 $1.000000000e+00, v5;
	v17 =	vsub.f32 $1.000000000e+00, v47  }
0x8ed: {  	v44 =	vmul.f32 v25, v34;
	v50 =	vsub.f32 $1.000000000e+00, v19;
	v3 =	vsub.f32 $1.000000000e+00, v22  }
0x8ee: {  	v4 =	vmul.f32 v28, v27;
	v46 =	vadd.s32 $0x30025795, v15;
	v57 =	vmul.f32 v20, v27  }
0x8ef: {  	v61 =	vxor.u32 v16, v46;
	v33 =	vmul.f32 v17, v1;
	v53 =	vmul.f32 v3, v50;
	[tilespmem:$0x1EAA0] =	vst v14  }
0x8f0: {  	v48 =	vand.u32 $0xFFFF, v61;
	v56 =	vmul.f32 v28, v29;
	v32 =	vmul.f32 v17, v5;
	v37 =	vld.idx.msk [tilespmem:v63+s16+$0x0], $0xffff  }
0x8f1: {  	v61 =	vmul.f32 v47, v5;
	v28 =	vxor.u32 v39, v48;
	v42 =	vmul.f32 v53, v33  }
0x8f2: {  	v59 =	vmul.f32 v20, v29;
	v40 =	vmul.f32 v53, v32;
	v36 =	vshll.u32 v7, $0x10  }
0x8f3: {  	v54 =	vsub.f32 $1.000000000e+00, v34;
	v41 =	vmul.f32 v47, v1;
	v1 =	vmul.f32 v36, v42  }
0x8f4: {  	v29 =	vsub.f32 $1.000000000e+00, v25;
	v45 =	vxor.u32 v49, v48;
	[tilespmem:$0x1EA90] =	vst v40;
	v63 =	vshll.u32 v13, $0x10  }
0x8f5: {  	v17 =	vmul.f32 v53, v41;
	v1 =	vadd.f32 $0.0e+00, v1;
	v5 =	vmul.f32 v63, v40;
	[tilespmem:$0x1EAC0] =	vst v37  }
0x8f6: {  	v20 =	vmul.f32 v3, v19;
	v63 =	vmul.f32 v25, v54;
	v25 =	vshll.u32 v14, $0x10;
	v13 =	vld.idx.msk [tilespmem:v28+s16+$0x0], $0xffff  }
0x8f7: {  	v27 =	vmul.f32 v53, v61;
	v3 =	vmul.f32 v25, v17;
	v1 =	vadd.f32 v1, v5  }
0x8f8: {  	v34 =	vmul.f32 v29, v34;
	v40 =	vmul.f32 v20, v33;
	v36 =	vshll.u32 v37, $0x10;
	[tilespmem:$0x1EAB0] =	vst v17  }
0x8f9: {  	v1 =	vadd.f32 v1, v3;
	[tilespmem:$0x1EAD0] =	vst v27;
	v37 =	vmul.f32 v36, v27;
	v17 =	vsub.f32 $1.000000000e+00, v38  }
0x8fa: {  	v31 =	vmul.f32 v29, v54;
	v29 =	vmul.f32 v38, v58;
	v14 =	vsub.f32 $1.000000000e+00, v58;
	[tilespmem:$0x1EB00] =	vst v40  }
0x8fb: {  	v36 =	vadd.f32 v1, v37;
	v58 =	vmul.f32 v17, v58;
	[tilespmem:$0x1EAF0] =	vst v13;
	v35 =	vshll.u32 v13, $0x10  }
0x8fc: {  	v37 =	vadd.s32 $0x1, v43;
	v11 =	vld.idx.msk [tilespmem:v45+s16+$0x0], $0xffff;
	v47 =	vmul.f32 v35, v40;
	v40 =	vadd.s32 $0x9E3779B1, v0  }
0x8fd: {  	v25 =	vmul.f32 v17, v14;
	v17 =	vxor.u32 v37, v40;
	v13 =	vxor.u32 v43, v40;
	v40 =	vld [tilespmem:$0x1EA30]  }
0x8fe: {  	v6 =	vsub.f32 $1.000000000e+00, v21;
	v5 =	vmul.f32 v20, v32  }
0x8ff: {  	v27 =	vmul.f32 v38, v14;
	v14 =	vxor.u32 v37, v0;
	v37 =	vsub.f32 $1.000000000e+00, v30  }
0x900: {  	v51 =	vand.u32 $0xFFFF, v51;
	v53 =	vmul.f32 v30, v6;
	v7 =	vmul.f32 v44, v56;
	[tilespmem:$0x1EB30] =	vst v5  }
0x901: {  	[tilespmem:$0x1EB20] =	vst v11;
	v35 =	vshll.u32 v11, $0x10;
	v11 =	vmul.f32 v37, v6;
	v6 =	vmul.f32 v44, v4  }
0x902: {  	v24 =	vand.u32 $0xFFFF, v24;
	v28 =	vxor.u32 v43, v0;
	[tilespmem:$0x1ECC0] =	vst v7;
	v43 =	vand.u32 $0xFFFF, v40  }
0x903: {  	v23 =	vand.u32 $0xFFFF, v23;
	v0 =	vand.u32 $0xFFFF, v60;
	v45 =	vxor.u32 v24, v43;
	[tilespmem:$0x1ED10] =	vst v6  }
0x904: {  	v1 =	vmul.f32 v30, v21;
	v38 =	vadd.f32 v36, v47;
	v47 =	vxor.u32 v0, v43;
	[tilespmem:$0x1EC80] =	vst v45  }
0x905: {  	v30 =	vxor.u32 v52, v48;
	v36 =	vmul.f32 v35, v5;
	v55 =	vxor.u32 v51, v43;
	[tilespmem:$0x1EC50] =	vst v47  }
0x906: {  	v35 =	vmul.f32 v44, v57;
	v60 =	vxor.u32 v23, v43;
	[tilespmem:$0x1EC20] =	vst v55  }
0x907: {  	v9 =	vmul.f32 v37, v21;
	v21 =	vadd.f32 v38, v36;
	[tilespmem:$0x1EBF0] =	vst v60;
	v36 =	vmul.f32 v44, v59  }
0x908: {  	v26 =	vand.u32 $0xFFFF, v26;
	[tilespmem:$0x1EC70] =	vst v35  }
0x909: {  	v40 =	vxor.u32 v0, v26;
	[tilespmem:$0x1EC40] =	vst v36  }
0x90a: {  	v43 =	vxor.u32 v51, v26;
	v47 =	vld.idx.msk [tilespmem:v30+s16+$0x0], $0xffff;
	[tilespmem:$0x1EB90] =	vst v40  }
0x90b: {  	v37 =	vxor.u32 v62, v48;
	v48 =	vmul.f32 v63, v4;
	v38 =	vld [tilespmem:$0x1EA20];
	v45 =	vxor.u32 v23, v26;
	[tilespmem:$0x1EB70] =	vst v43  }
0x90c: {  	v55 =	vmul.f32 v63, v56;
	[tilespmem:$0x1EB50] =	vst v45  }
0x90d: {  	v60 =	vmul.f32 v63, v57;
	[tilespmem:$0x1EC10] =	vst v48  }
0x90e: {  	v18 =	vand.u32 $0xFFFF, v18;
	[tilespmem:$0x1EBE0] =	vst v55  }
0x90f: {  	[tilespmem:$0x1EBB0] =	vst v60;
	v60 =	vmul.f32 v63, v59;
	v63 =	vxor.u32 v51, v18  }
0x910: {  	v16 =	vadd.s32 $0xDB06C2F5, v16;
	[tilespmem:$0x1EAE0] =	vst v63;
	v54 =	vand.u32 $0xFFFF, v38;
	v38 =	vxor.u32 v24, v26  }
0x911: {  	v15 =	vxor.u32 v15, v16;
	v19 =	vmul.f32 v22, v19;
	[tilespmem:$0x1EBC0] =	vst v38  }
0x912: {  	v3 =	vmul.f32 v22, v50;
	v22 =	vand.u32 $0xFFFF, v28;
	v17 =	vand.u32 $0xFFFF, v17;
	v48 =	vld.idx.msk [tilespmem:v37+s16+$0x0], $0xffff  }
0x913: {  	v6 =	vxor.u32 v24, v18;
	v44 =	vmul.f32 v34, v57;
	v55 =	vmul.f32 v20, v41  }
0x914: {  	v40 =	vmul.f32 v20, v61;
	v30 =	vand.u32 $0xFFFF, v15;
	v20 =	vmul.f32 v31, v59  }
0x915: {  	v63 =	vmul.f32 v34, v56;
	v35 =	vxor.u32 v51, v54;
	v37 =	vld [tilespmem:$0x1EA50];
	v7 =	vshll.u32 v47, $0x10  }
0x916: {  	v26 =	vxor.u32 v23, v54;
	v45 =	vxor.u32 v24, v54;
	v24 =	vmul.f32 v7, v55  }
0x917: {  	v51 =	vxor.u32 v23, v18;
	v23 =	vxor.u32 v0, v18;
	v5 =	vshll.u32 v48, $0x10  }
0x918: {  	v43 =	vld [tilespmem:$0x1EA60];
	v36 =	vxor.u32 v0, v54;
	[tilespmem:$0x1EB40] =	vst v6;
	v38 =	vadd.f32 v21, v24;
	v6 =	vmul.f32 v5, v40  }
0x919: {  	v54 =	vmul.f32 v34, v4;
	v34 =	vmul.f32 v34, v59;
	v59 =	vxor.u32 v46, v16;
	v16 =	vld [tilespmem:$0x1EA40]  }
0x91a: {  	[tilespmem:$0x1EB10] =	vst v23;
	v23 =	vmul.f32 v31, v56;
	v56 =	vadd.f32 v38, v6;
	v38 =	vand.u32 $0xFFFF, v37  }
0x91b: {  	v13 =	vand.u32 $0xFFFF, v13;
	v7 =	vxor.u32 v39, v30;
	v46 =	vxor.u32 v17, v38  }
0x91c: {  	v15 =	vand.u32 $0xFFFF, v14;
	v0 =	vand.u32 $0xFFFF, v59;
	v50 =	vxor.u32 v13, v38;
	[tilespmem:$0x1ECA0] =	vst v46  }
0x91d: {  	v43 =	vand.u32 $0xFFFF, v43;
	v21 =	vmul.f32 v31, v57;
	v57 =	vxor.u32 v15, v38;
	[tilespmem:$0x1EC60] =	vst v50  }
0x91e: {  	v24 =	vmul.f32 v31, v4;
	v28 =	vand.u32 $0xFFFF, v16;
	v4 =	vxor.u32 v22, v38;
	[tilespmem:$0x1EC30] =	vst v57  }
0x91f: {  	v31 =	vand.u32 $0xFFFF, v12;
	v16 =	vxor.u32 v62, v30;
	v62 =	vxor.u32 v62, v0;
	[tilespmem:$0x1EC00] =	vst v4  }
0x920: {  	v12 =	vxor.u32 v15, v31;
	v5 =	vxor.u32 v17, v31;
	v46 =	vld.idx.msk [tilespmem:v7+s16+$0x0], $0xffff;
	v7 =	vxor.u32 v49, v30  }
0x921: {  	v14 =	vxor.u32 v22, v31;
	v6 =	vxor.u32 v13, v31;
	v57 =	vxor.u32 v52, v30;
	[tilespmem:$0x1EBD0] =	vst v5  }
0x922: {  	v31 =	vmul.f32 v3, v33;
	v38 =	vxor.u32 v15, v43;
	v50 =	vxor.u32 v17, v43;
	[tilespmem:$0x1EB80] =	vst v12  }
0x923: {  	v17 =	vxor.u32 v17, v28;
	[tilespmem:$0x1EB60] =	vst v14;
	v14 =	vxor.u32 v15, v28;
	v12 =	vxor.u32 v22, v28  }
0x924: {  	[tilespmem:$0x1EBA0] =	vst v6;
	v22 =	vxor.u32 v22, v43;
	v43 =	vxor.u32 v13, v43;
	v15 =	vmul.f32 v1, v29  }
0x925: {  	v5 =	vxor.u32 v39, v0;
	v39 =	vmul.f32 v1, v27;
	v13 =	vxor.u32 v13, v28;
	v37 =	vld.idx.msk [tilespmem:v7+s16+$0x0], $0xffff  }
0x926: {  	v6 =	vxor.u32 v49, v0;
	v59 =	vld.idx.msk [tilespmem:v57+s16+$0x0], $0xffff;
	v57 =	vmul.f32 v1, v58;
	[tilespmem:$0x1ED30] =	vst v15  }
0x927: {  	v49 =	vmul.f32 v3, v32;
	v28 =	vmul.f32 v3, v61;
	v30 =	vshll.u32 v46, $0x10;
	[tilespmem:$0x1ECE0] =	vst v39  }
0x928: {  	v39 =	vmul.f32 v53, v58;
	v7 =	vxor.u32 v52, v0;
	v0 =	vmul.f32 v9, v25;
	[tilespmem:$0x1EC90] =	vst v57  }
0x929: {  	v18 =	vmul.f32 v30, v31;
	v30 =	vmul.f32 v1, v25;
	v57 =	vld.idx.msk [tilespmem:v16+s16+$0x0], $0xffff  }
0x92a: {  	v16 =	vmul.f32 v3, v41;
	v41 =	vmul.f32 v19, v41;
	v1 =	vshll.u32 v37, $0x10  }
0x92b: {  	v52 =	vld.idx.msk [tilespmem:v5+s16+$0x0], $0xffff;
	v4 =	vadd.f32 v56, v18;
	v56 =	vmul.f32 v53, v29;
	v1 =	vmul.f32 v1, v49  }
0x92c: {  	v18 =	vmul.f32 v53, v27;
	v53 =	vmul.f32 v53, v25;
	v15 =	vshll.u32 v59, $0x10  }
0x92d: {  	v26 =	vld.idx.msk [tilespmem:v26+s16+$0x0], $0xffff;
	v5 =	vmul.f32 v15, v16;
	v15 =	vmul.f32 v9, v29;
	v3 =	vadd.f32 v4, v1  }
0x92e: {  	v4 =	vmul.f32 v9, v27;
	v1 =	vmul.f32 v9, v58;
	v9 =	vld.idx.msk [tilespmem:v6+s16+$0x0], $0xffff;
	v6 =	vshll.u32 v57, $0x10  }
0x92f: {  	v3 =	vadd.f32 v3, v5;
	v5 =	vld.idx.msk [tilespmem:v12+s16+$0x0], $0xffff;
	v12 =	vmul.f32 v6, v28;
	v6 =	vmul.f32 v19, v33  }
0x930: {  	v29 =	vmul.f32 v11, v29;
	v27 =	vmul.f32 v11, v27;
	v33 =	vld.idx.msk [tilespmem:v7+s16+$0x0], $0xffff;
	v7 =	vshll.u32 v52, $0x10  }
0x931: {  	v3 =	vadd.f32 v3, v12;
	v12 =	vmul.f32 v11, v58;
	v7 =	vmul.f32 v7, v6  }
0x932: {  	v11 =	vmul.f32 v11, v25;
	v58 =	vmul.f32 v19, v32  }
0x933: {  	v32 =	vshll.u32 v26, $0x10;
	v3 =	vadd.f32 v3, v7;
	v7 =	vld.idx.msk [tilespmem:v62+s16+$0x0], $0xffff;
	v62 =	vshll.u32 v9, $0x10  }
0x934: {  	v25 =	vld.idx.msk [tilespmem:v35+s16+$0x0], $0xffff;
	v32 =	vmul.f32 v32, v20;
	v35 =	vmul.f32 v62, v58;
	v62 =	vshll.u32 v5, $0x10  }
0x935: {  	v20 =	vmul.f32 v26, v20;
	v26 =	vmul.f32 v62, v11;
	v62 =	vshll.u32 v33, $0x10  }
0x936: {  	v11 =	vmul.f32 v5, v11;
	v5 =	vadd.f32 v3, v35;
	v35 =	vmul.f32 v62, v41;
	v62 =	vld [tilespmem:$0x1EA70]  }
0x937: {  	v14 =	vld.idx.msk [tilespmem:v14+s16+$0x0], $0xffff;
	_ =	sdelay $0x2  }
0x938: {  	v3 =	vmul.f32 v19, v61;
	v61 =	vshll.u32 v25, $0x10  }
0x939: {  	v19 =	vmul.f32 v61, v21;
	v42 =	vmul.f32 v62, v42;
	v62 =	vshll.u32 v7, $0x10  }
0x93a: {  	v5 =	vadd.f32 v5, v35;
	v35 =	vld.idx.msk [tilespmem:v36+s16+$0x0], $0xffff;
	v61 =	vmul.f32 v62, v3;
	v62 =	vshll.u32 v14, $0x10  }
0x93b: {  	v36 =	vmul.f32 v62, v12;
	v62 =	vld [tilespmem:$0x1EA90]  }
0x93c: {  	v5 =	vadd.f32 v5, v61;
	v61 =	vld [tilespmem:$0x1EA80]  }
0x93d: {  	v13 =	vld.idx.msk [tilespmem:v13+s16+$0x0], $0xffff;
	v32 =	vadd.f32 $0.0e+00, v32  }
0x93e: {  	v17 =	vld.idx.msk [tilespmem:v17+s16+$0x0], $0xffff;
	v26 =	vadd.f32 $0.0e+00, v26  }
0x93f: {  	v22 =	vld.idx.msk [tilespmem:v22+s16+$0x0], $0xffff;
	v21 =	vmul.f32 v25, v21;
	v19 =	vadd.f32 v32, v19  }
0x940: {  	v32 =	vld.idx.msk [tilespmem:v51+s16+$0x0], $0xffff;
	v12 =	vmul.f32 v14, v12;
	v14 =	vadd.f32 $0.0e+00, v20;
	v25 =	vadd.f32 v26, v36  }
0x941: {  	v26 =	vld.idx.msk [tilespmem:v45+s16+$0x0], $0xffff;
	v36 =	vshll.u32 v35, $0x10;
	v45 =	vadd.f32 $0.0e+00, v42;
	v20 =	vmul.f32 v61, v62  }
0x942: {  	v14 =	vadd.f32 v14, v21;
	v42 =	vld [tilespmem:$0x1EAA0];
	v21 =	vmul.f32 v36, v23  }
0x943: {  	v20 =	vadd.f32 v45, v20;
	v45 =	vld [tilespmem:$0x1EAB0]  }
0x944: {  	v11 =	vadd.f32 $0.0e+00, v11;
	v19 =	vadd.f32 v19, v21;
	v21 =	vld.idx.msk [tilespmem:v38+s16+$0x0], $0xffff;
	v61 =	vshll.u32 v13, $0x10  }
0x945: {  	v38 =	vld [tilespmem:$0x1EB10];
	v62 =	vmul.f32 v35, v23;
	v36 =	vmul.f32 v61, v27  }
0x946: {  	v11 =	vadd.f32 v11, v12;
	v61 =	vshll.u32 v26, $0x10;
	v35 =	vmul.f32 v26, v24;
	v26 =	vld [tilespmem:$0x1EB20]  }
0x947: {  	v13 =	vmul.f32 v13, v27;
	v12 =	vadd.f32 v14, v62;
	v51 =	vadd.f32 v25, v36;
	v36 =	vld [tilespmem:$0x1EAC0]  }
0x948: {  	v62 =	vmul.f32 v61, v24;
	v27 =	vmul.f32 v42, v45;
	v45 =	vld [tilespmem:$0x1EAE0]  }
0x949: {  	v61 =	vshll.u32 v32, $0x10;
	v25 =	vshll.u32 v17, $0x10;
	v12 =	vadd.f32 v12, v35;
	v35 =	vld [tilespmem:$0x1EAF0]  }
0x94a: {  	v14 =	vadd.f32 v19, v62;
	v62 =	vmul.f32 v61, v34;
	v34 =	vmul.f32 v32, v34;
	v42 =	vld [tilespmem:$0x1EAD0]  }
0x94b: {  	v23 =	vmul.f32 v25, v29;
	v32 =	vld [tilespmem:$0x1EB40]  }
0x94c: {  	v12 =	vadd.f32 v12, v34;
	v34 =	vld.idx.msk [tilespmem:v50+s16+$0x0], $0xffff;
	v20 =	vadd.f32 v20, v27;
	v27 =	vshll.u32 v22, $0x10  }
0x94d: {  	v51 =	vadd.f32 v51, v23;
	v23 =	vmul.f32 v27, v0;
	v27 =	vld [tilespmem:$0x1EB30]  }
0x94e: {  	v50 =	vld [tilespmem:$0x1EB60]  }
0x94f: {  	v24 =	vmul.f32 v36, v42;
	v36 =	vld [tilespmem:$0x1EB00]  }
0x950: {  	v11 =	vadd.f32 v11, v13;
	v13 =	vadd.f32 v14, v62;
	v62 =	vshll.u32 v21, $0x10;
	v25 =	vld.idx.msk [tilespmem:v45+s16+$0x0], $0xffff  }
0x951: {  	v42 =	vadd.f32 v51, v23;
	v23 =	vmul.f32 v62, v1;
	v45 =	vld.idx.msk [tilespmem:v43+s16+$0x0], $0xffff  }
0x952: {  	v1 =	vmul.f32 v21, v1;
	v21 =	vmul.f32 v26, v27;
	v26 =	vld [tilespmem:$0x1EB70]  }
0x953: {  	v49 =	vmul.f32 v37, v49  }
0x954: {  	v37 =	vld [tilespmem:$0x1EC50];
	v0 =	vmul.f32 v22, v0;
	v20 =	vadd.f32 v20, v24;
	v22 =	vmul.f32 v35, v36  }
0x955: {  	v17 =	vmul.f32 v17, v29;
	v24 =	vld.idx.msk [tilespmem:v38+s16+$0x0], $0xffff  }
0x956: {  	v14 =	vadd.f32 v42, v23;
	v20 =	vadd.f32 v20, v22;
	v22 =	vld.idx.msk [tilespmem:v32+s16+$0x0], $0xffff;
	v38 =	vshll.u32 v45, $0x10  }
0x957: {  	v32 =	vld [tilespmem:$0x1EB80];
	v51 =	vshll.u32 v25, $0x10;
	v25 =	vmul.f32 v25, v44;
	v23 =	vmul.f32 v38, v4  }
0x958: {  	v11 =	vadd.f32 v11, v17;
	v61 =	vmul.f32 v51, v44;
	v4 =	vmul.f32 v45, v4;
	v45 =	vld [tilespmem:$0x1EB50]  }
0x959: {  	v43 =	vadd.f32 v20, v21;
	v44 =	vmul.f32 v47, v55;
	v47 =	vadd.f32 v14, v23;
	v14 =	vld.idx.msk [tilespmem:v50+s16+$0x0], $0xffff  }
0x95a: {  	v0 =	vadd.f32 v11, v0;
	v20 =	vld.idx.msk [tilespmem:v26+s16+$0x0], $0xffff  }
0x95b: {  	v35 =	vshll.u32 v24, $0x10;
	v42 =	vmul.f32 v24, v63;
	v24 =	vadd.f32 v43, v44;
	v43 =	vld [tilespmem:$0x1EB90]  }
0x95c: {  	v44 =	vld [tilespmem:$0x1EBA0]  }
0x95d: {  	v0 =	vadd.f32 v0, v1;
	v50 =	vld [tilespmem:$0x1EBC0]  }
0x95e: {  	v11 =	vadd.f32 v12, v25;
	v13 =	vadd.f32 v13, v61;
	v61 =	vshll.u32 v34, $0x10;
	v23 =	vld [tilespmem:$0x1EC10]  }
0x95f: {  	v36 =	vmul.f32 v35, v63;
	v51 =	vshll.u32 v22, $0x10;
	v63 =	vmul.f32 v61, v15;
	v61 =	vld [tilespmem:$0x1EBF0]  }
0x960: {  	v1 =	vadd.f32 v11, v42;
	v62 =	vmul.f32 v22, v54;
	v55 =	vmul.f32 v51, v54;
	v51 =	vld [tilespmem:$0x1EBD0]  }
0x961: {  	v27 =	vadd.f32 v47, v63;
	v47 =	vld [tilespmem:$0x1EBB0]  }
0x962: {  	v12 =	vadd.f32 v13, v36;
	v1 =	vadd.f32 v1, v62;
	v62 =	vld [tilespmem:$0x1EC00]  }
0x963: {  	v13 =	vld.idx.msk [tilespmem:v32+s16+$0x0], $0xffff  }
0x964: {  	v11 =	vadd.f32 v12, v55;
	v55 =	vld [tilespmem:$0x1EBE0]  }
0x965: {  	v32 =	vld [tilespmem:$0x1EC30]  }
0x966: {  	v36 =	vshll.u32 v14, $0x10;
	v21 =	vld.idx.msk [tilespmem:v45+s16+$0x0], $0xffff  }
0x967: {  	v25 =	vmul.f32 v48, v40;
	v40 =	vmul.f32 v36, v53;
	v36 =	vld [tilespmem:$0x1EC40]  }
0x968: {  	v22 =	vld.idx.msk [tilespmem:v43+s16+$0x0], $0xffff  }
0x969: {  	s19 =	sadd.s32 $0x12000, s19;
	v12 =	vadd.f32 v27, v40;
	v27 =	vld [tilespmem:$0x1EC20];
	[tilespmem:s20+$0x80] =	vst v10  }
0x96a: {  	v42 =	vmul.f32 v46, v31;
	v17 =	vadd.f32 v24, v25;
	v10 =	vld [tilespmem:$0x1EC60];
	[tilespmem:s19+$0x80] =	vst v8  }
0x96b: {  	v15 =	vmul.f32 v34, v15;
	v40 =	vld [tilespmem:$0x1EC70];
	v34 =	vshll.u32 v21, $0x10  }
0x96c: {  	v17 =	vadd.f32 v17, v42;
	v42 =	vld [tilespmem:$0x1EC80];
	v38 =	vmul.f32 v21, v60;
	v35 =	vmul.f32 v34, v60  }
0x96d: {  	v0 =	vadd.f32 v0, v4;
	v43 =	vld [tilespmem:$0x1EC90]  }
0x96e: {  	v48 =	vmul.f32 v20, v47;
	v1 =	vadd.f32 v1, v38;
	v4 =	vadd.f32 v11, v35;
	v11 =	vld.idx.msk [tilespmem:v44+s16+$0x0], $0xffff  }
0x96f: {  	v44 =	vld [tilespmem:$0x1ECA0];
	[tilespmem:s18+$0x80] =	vst v2  }
0x970: {  	v1 =	vadd.f32 v1, v48;
	v48 =	vld [tilespmem:$0x1ECB0];
	_ =	sdelay $0x1  }
0x971: {  	s26 =	sshll.u32 s26, $0x1;
	v45 =	vshll.u32 v20, $0x10  }
0x972: {  	v46 =	vshll.u32 v13, $0x10;
	s19 =	sand.u32 $0x3FFFFF00, s26;
	v21 =	vmul.f32 v45, v47  }
0x973: {  	v0 =	vadd.f32 v0, v15;
	v20 =	vld.idx.msk [tilespmem:v50+s16+$0x0], $0xffff;
	v15 =	vmul.f32 v46, v39;
	s17 =	sor.u32 s17, s19  }
0x974: {  	v4 =	vadd.f32 v4, v21;
	v21 =	vld.idx.msk [tilespmem:v51+s16+$0x0], $0xffff;
	[tilespmem:s17+$0x12000] =	vst v48  }
0x975: {  	v14 =	vmul.f32 v14, v53;
	v12 =	vadd.f32 v12, v15;
	v53 =	vshll.u32 v22, $0x10;
	v51 =	vld [tilespmem:$0x1ECD0]  }
0x976: {  	v60 =	vmul.f32 v22, v55;
	v15 =	vmul.f32 v53, v55;
	v54 =	vshll.u32 v11, $0x10  }
0x977: {  	s10 =	sshll.u32 s10, $0x1;
	v0 =	vadd.f32 v0, v14;
	v11 =	vmul.f32 v11, v18;
	v14 =	vmul.f32 v54, v18;
	v18 =	vld.idx.msk [tilespmem:v61+s16+$0x0], $0xffff  }
0x978: {  	s10 =	sand.u32 $0x3FFFFF00, s10;
	v13 =	vmul.f32 v13, v39;
	v63 =	vshll.u32 v20, $0x10  }
0x979: {  	s6 =	sor.u32 s6, s10;
	v24 =	vmul.f32 v20, v23;
	v20 =	vld.idx.msk [tilespmem:v27+s16+$0x0], $0xffff;
	v1 =	vadd.f32 v1, v60;
	v4 =	vadd.f32 v4, v15  }
0x97a: {  	v22 =	vshll.u32 v21, $0x10;
	v50 =	vld [tilespmem:$0x1ECC0];
	v12 =	vadd.f32 v12, v14;
	v14 =	vmul.f32 v63, v23;
	[tilespmem:s6+$0x12000] =	vst v51  }
0x97b: {  	v0 =	vadd.f32 v0, v13;
	v13 =	vmul.f32 v22, v56;
	v54 =	vld [tilespmem:$0x1ECF0]  }
0x97c: {  	v1 =	vadd.f32 v1, v24;
	v4 =	vadd.f32 v4, v14;
	v34 =	vshll.u32 v18, $0x10  }
0x97d: {  	s15 =	sshll.u32 s15, $0x1;
	v12 =	vadd.f32 v12, v13;
	v18 =	vmul.f32 v18, v36;
	v13 =	vmul.f32 v34, v36  }
0x97e: {  	s20 =	sand.u32 $0x3FFFFF00, s15  }
0x97f: {  	s10 =	sor.u32 s14, s20;
	v1 =	vadd.f32 v1, v18;
	v4 =	vadd.f32 v4, v13;
	v13 =	vmul.f32 v20, v40  }
0x980: {  	v16 =	vmul.f32 v59, v16;
	v17 =	vadd.f32 v17, v49;
	v53 =	vld [tilespmem:$0x1ECE0];
	[tilespmem:s10+$0x12000] =	vst v54  }
0x981: {  	v1 =	vadd.f32 v1, v13;
	v13 =	vld [tilespmem:$0x1ED00]  }
0x982: {  	v26 =	vmul.f32 v57, v28;
	v16 =	vadd.f32 v17, v16;
	v15 =	vld.idx.msk [tilespmem:v62+s16+$0x0], $0xffff;
	_ =	sdelay $0x1  }
0x983: {  	v6 =	vmul.f32 v52, v6;
	v17 =	vld.idx.msk [tilespmem:v37+s16+$0x0], $0xffff;
	v16 =	vadd.f32 v16, v26  }
0x984: {  	v0 =	vadd.f32 v0, v11;
	v25 =	vmul.f32 v21, v56;
	v14 =	vld.idx.msk [tilespmem:v32+s16+$0x0], $0xffff;
	s6 =	sadd.s32 $0x12000, s6  }
0x985: {  	v9 =	vmul.f32 v9, v58;
	v6 =	vadd.f32 v16, v6;
	v10 =	vld.idx.msk [tilespmem:v10+s16+$0x0], $0xffff;
	[tilespmem:s6+$0x80] =	vst v13  }
0x986: {  	v35 =	vshll.u32 v15, $0x10;
	v0 =	vadd.f32 v0, v25;
	v15 =	vmul.f32 v15, v30;
	v13 =	vld [tilespmem:$0x1ED20]  }
0x987: {  	v58 =	vmul.f32 v33, v41;
	v6 =	vadd.f32 v6, v9;
	v16 =	vld.idx.msk [tilespmem:v44+s16+$0x0], $0xffff  }
0x988: {  	v3 =	vmul.f32 v7, v3;
	v11 =	vmul.f32 v35, v30;
	v0 =	vadd.f32 v0, v15;
	v15 =	vld.idx.msk [tilespmem:v42+s16+$0x0], $0xffff  }
0x989: {  	v6 =	vadd.f32 v6, v58;
	v38 =	vshll.u32 v20, $0x10;
	v39 =	vshll.u32 v14, $0x10;
	v57 =	vld [tilespmem:$0x1ED10]  }
0x98a: {  	s21 =	sadd.s32 $0x12000, s10;
	v11 =	vadd.f32 v12, v11;
	v12 =	vmul.f32 v38, v40;
	v8 =	vmul.f32 v39, v43  }
0x98b: {  	v47 =	vshll.u32 v17, $0x10;
	v49 =	vshll.u32 v10, $0x10;
	v63 =	vadd.f32 v6, v3;
	[tilespmem:s21+$0x80] =	vst v13  }
0x98c: {  	v45 =	vadd.f32 v4, v12;
	v46 =	vadd.f32 v11, v8;
	v8 =	vmul.f32 v47, v50;
	v59 =	vld [tilespmem:$0x1ED30]  }
0x98d: {  	s22 =	sshll.u32 s24, $0x1;
	v52 =	vmul.f32 v17, v50;
	v56 =	vshll.u32 v16, $0x10;
	v55 =	vshll.u32 v15, $0x10  }
0x98e: {  	v14 =	vmul.f32 v14, v43;
	s10 =	sand.u32 $0x3FFFFF00, s22;
	v2 =	vadd.f32 v45, v8;
	v9 =	vmul.f32 v55, v57  }
0x98f: {  	s8 =	sshll.u32 s8, $0x1;
	v11 =	vmul.f32 v49, v53;
	v1 =	vadd.f32 v1, v52;
	s24 =	sor.u32 s9, s10;
	v61 =	vmul.f32 v15, v57;
	v60 =	vld [tilespmem:$0x1ED40]  }
0x990: {  	s8 =	sand.u32 $0x3FFFFF00, s8;
	v0 =	vadd.f32 v0, v14;
	v10 =	vmul.f32 v10, v53;
	s26 =	sadd.s32 $0x12000, s24;
	[tilespmem:s24+$0x12000] =	vst v5;
	v2 =	vadd.f32 v2, v9  }
0x991: {  	s8 =	sor.u32 s11, s8;
	v4 =	vadd.f32 v46, v11;
	v1 =	vadd.f32 v1, v61;
	[tilespmem:s26+$0x80] =	vst v63;
	v8 =	vmul.f32 v56, v59  }
0x992: {  	s25 =	sshll.u32 s12, $0x1;
	v0 =	vadd.f32 v0, v10;
	[tilespmem:s8+$0x12000] =	vst v2;
	s8 =	sadd.s32 $0x12000, s8;
	v62 =	vmul.f32 v16, v59  }
0x993: {  	s23 =	sadd.s32 $0x12000, s17;
	s9 =	sand.u32 $0x3FFFFF00, s25;
	[tilespmem:s8+$0x80] =	vst v1;
	v4 =	vadd.f32 v4, v8  }
0x994: {  	s1 =	sor.u32 s1, s9;
	[tilespmem:s23+$0x80] =	vst v60;
	v0 =	vadd.f32 v0, v62  }
0x995: {  	[tilespmem:s1+$0x12000] =	vst v4;
	s1 =	sadd.s32 $0x12000, s1  }
0x996: {  	[tilespmem:s1+$0x80] =	vst v0  }
0x997: {  	s6 =	simm.s32 $0x7D0;
	s1 =	simm.s32 $0x7E0;
	v30 =	vld [tilespmem:$0x1F350]  }
.LBB2_11:
0x998: {  	s9 =	sshll.u32 s1, $0x2  }
0x999: {  	s8 =	sshra.s32 s16, $0x2;
	s9 =	sand.u32 $0x3FFFFE00, s9  }
0x99a: {  	s9 =	sadd.s32 s8, s9  }
0x99b: {  	s9 =	sadd.s32 $0x10000, s9  }
0x99c: {  	v0 =	vld [tilespmem:s9+$0x60];
	_ =	sdelay $0x4  }
0x99d: {  	v0 =	vsub.f32 $0.0e+00, v0;
	_ =	sdelay $0x1  }
0x99e: {  	v0 =	vmul.f32 $1.442695020e+00, v0;
	_ =	sdelay $0x1  }
0x99f: {  	(erf) = vpow2.f32 v0;
	_ =	sdelay $0x3  }
0x9a0: {  	v39 =	vld [tilespmem:s9+$0xE0];
	_ =	sdelay $0x4  }
0x9a1: {  	v0 =	vsub.f32 $0.0e+00, v39;
	v1 =	vpop (erf)  }
0x9a2: {  	v1 =	vadd.f32 $1.000000000e+00, v1  }
0x9a3: {  	v0 =	vmul.f32 $1.442695020e+00, v0  }
0x9a4: {  	(erf) = vrcp.f32 v1  }
0x9a5: {  	(erf) = vpow2.f32 v0;
	_ =	sdelay $0x3  }
0x9a6: {  	v40 =	vld [tilespmem:s9+$0x160];
	_ =	sdelay $0x3  }
0x9a7: {  	v1 =	vpop (erf)  }
0x9a8: {  	v0 =	vsub.f32 $0.0e+00, v40;
	v2 =	vpop (erf)  }
0x9a9: {  	v2 =	vadd.f32 $1.000000000e+00, v2  }
0x9aa: {  	v0 =	vmul.f32 $1.442695020e+00, v0  }
0x9ab: {  	(erf) = vrcp.f32 v2  }
0x9ac: {  	(erf) = vpow2.f32 v0;
	_ =	sdelay $0x3  }
0x9ad: {  	v41 =	vld [tilespmem:s9+$0x1E0];
	_ =	sdelay $0x3  }
0x9ae: {  	v2 =	vpop (erf)  }
0x9af: {  	v0 =	vsub.f32 $0.0e+00, v41;
	v3 =	vpop (erf)  }
0x9b0: {  	v3 =	vadd.f32 $1.000000000e+00, v3  }
0x9b1: {  	v0 =	vmul.f32 $1.442695020e+00, v0  }
0x9b2: {  	(erf) = vrcp.f32 v3  }
0x9b3: {  	(erf) = vpow2.f32 v0;
	_ =	sdelay $0x7  }
0x9b4: {  	v42 =	vpop (erf)  }
0x9b5: {  	v43 =	vpop (erf)  }
0x9b6: {  	v3 =	vadd.f32 $1.000000000e+00, v43;
	_ =	sdelay $0x1  }
0x9b7: {  	(erf) = vrcp.f32 v3  }
0x9b8: {  	v1 =	vmul.f32 v1, v30;
	_ =	sdelay $0x1  }
0x9b9: {  	v4 =	vtrunc.f32 v1  }
0x9ba: {  	v4 =	vcvt.f32.s32 v4;
	v2 =	vmul.f32 v2, v30;
	_ =	sdelay $0x1  }
0x9bb: {  	v8 =	vcvt.s32.f32 v4;
	v5 =	vtrunc.f32 v2  }
0x9bc: {  	v5 =	vcvt.f32.s32 v5  }
0x9bd: {  	v1 =	vsub.f32 v1, v8  }
0x9be: {  	v13 =	vadd.s32 $0x1, v4;
	v9 =	vmul.u32 $0x9E3779B1, v5;
	v5 =	vcvt.s32.f32 v5;
	v3 =	vpop (erf)  }
0x9bf: {  	v47 =	vsub.f32 $1.000000000e+00, v1;
	v0 =	vmul.f32 v42, v30;
	v3 =	vmul.f32 v3, v30  }
0x9c0: {  	v44 =	vxor.u32 v4, v9;
	v14 =	vxor.u32 v13, v9;
	v2 =	vsub.f32 v2, v5  }
0x9c1: {  	v45 =	vadd.s32 $0x9E3779B1, v9;
	v6 =	vtrunc.f32 v0;
	v7 =	vtrunc.f32 v3  }
0x9c2: {  	v8 =	vand.u32 $0xFFFF, v44;
	v6 =	vcvt.f32.s32 v6;
	v7 =	vcvt.f32.s32 v7  }
0x9c3: {  	v4 =	vxor.u32 v4, v45;
	v5 =	vxor.u32 v13, v45;
	v48 =	vsub.f32 $1.000000000e+00, v2  }
0x9c4: {  	v10 =	vmul.u32 $0x30025795, v6;
	v6 =	vcvt.s32.f32 v6;
	v11 =	vmul.u32 $0xDB06C2F5, v7  }
0x9c5: {  	v14 =	vand.u32 $0xFFFF, v14;
	v4 =	vand.u32 $0xFFFF, v4;
	v5 =	vand.u32 $0xFFFF, v5  }
0x9c6: {  	v13 =	vmul.f32 v48, v47;
	v0 =	vsub.f32 v0, v6;
	v12 =	vxor.u32 v10, v11  }
0x9c7: {  	v20 =	vadd.s32 $0x30025795, v10;
	v7 =	vcvt.s32.f32 v7;
	v12 =	vand.u32 $0xFFFF, v12  }
0x9c8: {  	v6 =	vmul.f32 v2, v47;
	v16 =	vsub.f32 $1.000000000e+00, v0;
	v15 =	vxor.u32 v8, v12  }
0x9c9: {  	v3 =	vsub.f32 v3, v7;
	v7 =	vmul.f32 v48, v1;
	v22 =	vxor.u32 v11, v20  }
0x9ca: {  	v1 =	vmul.f32 v2, v1;
	v11 =	vadd.s32 $0xDB06C2F5, v11;
	v46 =	vxor.u32 v14, v12  }
0x9cb: {  	v22 =	vand.u32 $0xFFFF, v22;
	v10 =	vxor.u32 v10, v11;
	v11 =	vxor.u32 v20, v11  }
0x9cc: {  	v17 =	vsub.f32 $1.000000000e+00, v3;
	v18 =	vxor.u32 v4, v12;
	v12 =	vxor.u32 v5, v12  }
0x9cd: {  	v26 =	vxor.u32 v8, v22;
	v52 =	vxor.u32 v14, v22;
	v55 =	vxor.u32 v4, v22;
	v15 =	vld.idx.msk [tilespmem:v15+s4+$0x0], $0xffff  }
0x9ce: {  	v10 =	vand.u32 $0xFFFF, v10;
	v22 =	vxor.u32 v5, v22;
	v11 =	vand.u32 $0xFFFF, v11  }
0x9cf: {  	v62 =	vxor.u32 v8, v10;
	v32 =	vxor.u32 v14, v10;
	v19 =	vmul.f32 v17, v16;
	v9 =	vld.idx.msk [tilespmem:v46+s4+$0x0], $0xffff  }
0x9d0: {  	v37 =	vxor.u32 v4, v10;
	v10 =	vxor.u32 v5, v10;
	v8 =	vxor.u32 v8, v11  }
0x9d1: {  	v14 =	vxor.u32 v14, v11;
	v4 =	vxor.u32 v4, v11;
	v21 =	vmul.f32 v19, v13;
	v18 =	vld.idx.msk [tilespmem:v18+s4+$0x0], $0xffff  }
0x9d2: {  	v17 =	vmul.f32 v17, v0;
	v16 =	vmul.f32 v3, v16;
	v23 =	vshll.u32 v15, $0x10  }
0x9d3: {  	v5 =	vxor.u32 v5, v11;
	v24 =	vmul.f32 v19, v7;
	v12 =	vld.idx.msk [tilespmem:v12+s4+$0x0], $0xffff;
	v23 =	vmul.f32 v23, v21  }
0x9d4: {  	v0 =	vmul.f32 v3, v0;
	v25 =	vshll.u32 v9, $0x10;
	v15 =	vmul.f32 v15, v21  }
0x9d5: {  	v51 =	vmul.f32 v19, v6;
	v54 =	vld.idx.msk [tilespmem:v26+s4+$0x0], $0xffff;
	v50 =	vmul.f32 v25, v24;
	v49 =	vadd.f32 $0.0e+00, v23  }
0x9d6: {  	v9 =	vmul.f32 v9, v24;
	v53 =	vshll.u32 v18, $0x10;
	v15 =	vadd.f32 $0.0e+00, v15  }
0x9d7: {  	v56 =	vmul.f32 v19, v1;
	v58 =	vld.idx.msk [tilespmem:v52+s4+$0x0], $0xffff;
	v23 =	vmul.f32 v53, v51;
	v2 =	vadd.f32 v49, v50  }
0x9d8: {  	v18 =	vmul.f32 v18, v51;
	v57 =	vshll.u32 v12, $0x10;
	v9 =	vadd.f32 v15, v9  }
0x9d9: {  	v59 =	vmul.f32 v17, v13;
	v61 =	vld.idx.msk [tilespmem:v55+s4+$0x0], $0xffff;
	v19 =	vmul.f32 v57, v56;
	v2 =	vadd.f32 v2, v23  }
0x9da: {  	v12 =	vmul.f32 v12, v56;
	v60 =	vshll.u32 v54, $0x10;
	v9 =	vadd.f32 v9, v18  }
0x9db: {  	v27 =	vld.idx.msk [tilespmem:v22+s4+$0x0], $0xffff;
	v63 =	vmul.f32 v60, v59;
	v24 =	vmul.f32 v17, v7;
	v2 =	vadd.f32 v2, v19  }
0x9dc: {  	v25 =	vshll.u32 v58, $0x10;
	v15 =	vmul.f32 v54, v59;
	v9 =	vadd.f32 v9, v12  }
0x9dd: {  	v34 =	vmul.f32 v17, v6;
	v36 =	vld.idx.msk [tilespmem:v62+s4+$0x0], $0xffff;
	v26 =	vmul.f32 v25, v24;
	v2 =	vadd.f32 v2, v63  }
0x9de: {  	v35 =	vshll.u32 v61, $0x10;
	v33 =	vmul.f32 v58, v24;
	v9 =	vadd.f32 v9, v15  }
0x9df: {  	v38 =	vmul.f32 v17, v1;
	v41 =	vld.idx.msk [tilespmem:v32+s4+$0x0], $0xffff;
	v3 =	vmul.f32 v35, v34;
	v2 =	vadd.f32 v2, v26  }
0x9e0: {  	v39 =	vmul.f32 v61, v34;
	v40 =	vshll.u32 v27, $0x10;
	v9 =	vadd.f32 v9, v33  }
0x9e1: {  	v42 =	vmul.f32 v16, v13;
	v45 =	vld.idx.msk [tilespmem:v37+s4+$0x0], $0xffff;
	v15 =	vmul.f32 v40, v38;
	v2 =	vadd.f32 v2, v3  }
0x9e2: {  	v43 =	vmul.f32 v27, v38;
	v44 =	vshll.u32 v36, $0x10;
	v3 =	vadd.f32 v9, v39  }
0x9e3: {  	v47 =	vmul.f32 v16, v7;
	v10 =	vld.idx.msk [tilespmem:v10+s4+$0x0], $0xffff;
	v12 =	vmul.f32 v44, v42;
	v2 =	vadd.f32 v2, v15  }
0x9e4: {  	v46 =	vmul.f32 v36, v42;
	v48 =	vshll.u32 v41, $0x10;
	v3 =	vadd.f32 v3, v43  }
0x9e5: {  	v8 =	vld.idx.msk [tilespmem:v8+s4+$0x0], $0xffff;
	v49 =	vmul.f32 v48, v47;
	v50 =	vmul.f32 v16, v6;
	v2 =	vadd.f32 v2, v12  }
0x9e6: {  	v51 =	vshll.u32 v45, $0x10;
	v15 =	vmul.f32 v41, v47;
	v3 =	vadd.f32 v3, v46  }
0x9e7: {  	v14 =	vld.idx.msk [tilespmem:v14+s4+$0x0], $0xffff;
	v53 =	vmul.f32 v16, v1;
	v52 =	vmul.f32 v51, v50;
	v2 =	vadd.f32 v2, v49  }
0x9e8: {  	v54 =	vshll.u32 v10, $0x10;
	v12 =	vmul.f32 v45, v50;
	v3 =	vadd.f32 v3, v15  }
0x9e9: {  	v13 =	vmul.f32 v0, v13;
	v4 =	vld.idx.msk [tilespmem:v4+s4+$0x0], $0xffff;
	v55 =	vmul.f32 v54, v53;
	v2 =	vadd.f32 v2, v52  }
0x9ea: {  	v56 =	vshll.u32 v8, $0x10;
	v10 =	vmul.f32 v10, v53;
	v3 =	vadd.f32 v3, v12  }
0x9eb: {  	v5 =	vld.idx.msk [tilespmem:v5+s4+$0x0], $0xffff;
	v7 =	vmul.f32 v0, v7;
	v57 =	vmul.f32 v56, v13;
	v2 =	vadd.f32 v2, v55  }
0x9ec: {  	v8 =	vmul.f32 v8, v13;
	v58 =	vshll.u32 v14, $0x10;
	v3 =	vadd.f32 v3, v10  }
0x9ed: {  	v59 =	vmul.f32 v58, v7;
	v6 =	vmul.f32 v0, v6;
	v2 =	vadd.f32 v2, v57  }
0x9ee: {  	v60 =	vshll.u32 v4, $0x10;
	v7 =	vmul.f32 v14, v7;
	v3 =	vadd.f32 v3, v8  }
0x9ef: {  	v0 =	vmul.f32 v0, v1;
	v8 =	vmul.f32 v60, v6;
	v2 =	vadd.f32 v2, v59  }
0x9f0: {  	s6 =	sadd.s32 $0x10, s6;
	v62 =	vmul.f32 v4, v6;
	v63 =	vshll.u32 v5, $0x10;
	v61 =	vadd.f32 v3, v7  }
0x9f1: {  	s26 =	sshll.u32 s1, $0x1;
	p0 =	slt.u32 s6, $0x7F0;
	v4 =	vmul.f32 v63, v0;
	v2 =	vadd.f32 v2, v8  }
.Ltmp4:
0x9f2: {  	s9 =	sand.u32 $0x3FFFFF00, s26;
	v0 =	vmul.f32 v5, v0;
	v1 =	vadd.f32 v61, v62;
	(pc) =	sbr.rel @p0 .LBB2_11-.Ltmp4, $4  }
0x9f3: {  	s8 =	sadd.s32 s8, s9;
	v2 =	vadd.f32 v2, v4  }
0x9f4: {  	s8 =	sadd.s32 $0x12000, s8;
	v0 =	vadd.f32 v1, v0  }
0x9f5: {  	[tilespmem:s8+$0x60] =	vst v2  }
0x9f6: {  	s1 =	sadd.s32 $0x10, s1;
	s16 =	sadd.s32 $0x40, s16;
	[tilespmem:s8+$0xE0] =	vst v0  }
0x9f7: {  	s1 =	rddreg [dreg:$0x7]  }
0x9f8: {  	s1 =	sor.u32 s3, s1  }
0x9f9: {  	s1 =	sshrl.u32 s1, $0x3  }
0x9fa: {  	s25 =	simm.s32 $0x12000;
	s1 =	sadd.s32 s5, s1  }
0x9fb: {  	[hbm4b:s1+s4] =	stream.linear.scatter [tilespmem:s25], [sflag:$0x1], $0x80, $0x38;
	[tilespmem:$0x13080] =	vst v63  }
0x9fc: {  	s6 =	simm.s32 $0x12100;
	s26 =	sadd.s32 $0x80, s1  }
0x9fd: {  	[hbm4b:s26+s4] =	stream.linear.scatter [tilespmem:s6], [sflag:$0x1], $0x80, $0x38;
	[tilespmem:$0x13080] =	vst v63  }
0x9fe: {  	s9 =	simm.s32 $0x12200;
	s8 =	sadd.s32 $0x100, s1  }
0x9ff: {  	[hbm4b:s8+s4] =	stream.linear.scatter [tilespmem:s9], [sflag:$0x1], $0x80, $0x38;
	[tilespmem:$0x13080] =	vst v63  }
0xa00: {  	s11 =	simm.s32 $0x12300;
	s10 =	sadd.s32 $0x180, s1  }
0xa01: {  	[hbm4b:s10+s4] =	stream.linear.scatter [tilespmem:s11], [sflag:$0x1], $0x80, $0x38;
	[tilespmem:$0x13080] =	vst v63  }
0xa02: {  	s14 =	simm.s32 $0x12400;
	s12 =	sadd.s32 $0x200, s1  }
0xa03: {  	[hbm4b:s12+s4] =	stream.linear.scatter [tilespmem:s14], [sflag:$0x1], $0x80, $0x38;
	[tilespmem:$0x13080] =	vst v63  }
0xa04: {  	s16 =	simm.s32 $0x12500;
	s15 =	sadd.s32 $0x280, s1  }
0xa05: {  	[hbm4b:s15+s4] =	stream.linear.scatter [tilespmem:s16], [sflag:$0x1], $0x80, $0x38;
	[tilespmem:$0x13080] =	vst v63  }
0xa06: {  	s18 =	simm.s32 $0x12600;
	s17 =	sadd.s32 $0x300, s1  }
0xa07: {  	[hbm4b:s17+s4] =	stream.linear.scatter [tilespmem:s18], [sflag:$0x1], $0x80, $0x38;
	[tilespmem:$0x13080] =	vst v63  }
0xa08: {  	s20 =	simm.s32 $0x12700;
	s19 =	sadd.s32 $0x380, s1  }
0xa09: {  	[hbm4b:s19+s4] =	stream.linear.scatter [tilespmem:s20], [sflag:$0x1], $0x80, $0x38;
	[tilespmem:$0x13080] =	vst v63  }
0xa0a: {  	s22 =	simm.s32 $0x12800;
	s21 =	sadd.s32 $0x400, s1  }
0xa0b: {  	[hbm4b:s21+s4] =	stream.linear.scatter [tilespmem:s22], [sflag:$0x1], $0x80, $0x38;
	[tilespmem:$0x13080] =	vst v63  }
0xa0c: {  	s24 =	simm.s32 $0x12900;
	s23 =	sadd.s32 $0x480, s1  }
0xa0d: {  	[hbm4b:s23+s4] =	stream.linear.scatter [tilespmem:s24], [sflag:$0x1], $0x80, $0x38;
	[tilespmem:$0x13080] =	vst v63  }
0xa0e: {  	s25 =	sadd.s32 $0x500, s1;
	s26 =	simm.s32 $0x12A00  }
0xa0f: {  	[hbm4b:s25+s4] =	stream.linear.scatter [tilespmem:s26], [sflag:$0x1], $0x80, $0x38;
	[tilespmem:$0x13080] =	vst v63  }
0xa10: {  	s8 =	sadd.s32 $0x580, s1;
	s9 =	simm.s32 $0x12B00  }
0xa11: {  	[hbm4b:s8+s4] =	stream.linear.scatter [tilespmem:s9], [sflag:$0x1], $0x80, $0x38;
	[tilespmem:$0x13080] =	vst v63  }
0xa12: {  	s10 =	sadd.s32 $0x600, s1;
	s11 =	simm.s32 $0x12C00  }
0xa13: {  	[hbm4b:s10+s4] =	stream.linear.scatter [tilespmem:s11], [sflag:$0x1], $0x80, $0x38;
	[tilespmem:$0x13080] =	vst v63  }
0xa14: {  	s12 =	sadd.s32 $0x680, s1;
	s14 =	simm.s32 $0x12D00  }
0xa15: {  	[hbm4b:s12+s4] =	stream.linear.scatter [tilespmem:s14], [sflag:$0x1], $0x80, $0x38;
	[tilespmem:$0x13080] =	vst v63  }
0xa16: {  	s15 =	sadd.s32 $0x700, s1;
	s16 =	simm.s32 $0x12E00  }
0xa17: {  	[hbm4b:s15+s4] =	stream.linear.scatter [tilespmem:s16], [sflag:$0x1], $0x80, $0x38;
	[tilespmem:$0x13080] =	vst v63  }
0xa18: {  	s17 =	sadd.s32 $0x780, s1;
	s18 =	simm.s32 $0x12F00  }
0xa19: {  	[hbm4b:s17+s4] =	stream.linear.scatter [tilespmem:s18], [sflag:$0x1], $0x80, $0x38;
	[tilespmem:$0x13080] =	vst v63  }
0xa1a: {  	_ =	swait.ge [sflag:s13], $0x800  }
0xa1b: {  	[sflag:s13] =	ssyncset.done $0x0  }
0xa1c: {  	s19 =	sadd.s32 $0x10, s1;
	s20 =	simm.s32 $0x12080;
	[sflag:s13] =	ssyncadd.s32 $0xFFFFF800  }
0xa1d: {  	[hbm4b:s19+s4] =	stream.linear.scatter [tilespmem:s20], [sflag:$0x1], $0x80, $0x38;
	[tilespmem:$0x13080] =	vst v63  }
0xa1e: {  	s21 =	sadd.s32 $0x90, s1;
	s22 =	simm.s32 $0x12180  }
0xa1f: {  	[hbm4b:s21+s4] =	stream.linear.scatter [tilespmem:s22], [sflag:$0x1], $0x80, $0x38;
	[tilespmem:$0x13080] =	vst v63  }
0xa20: {  	s23 =	sadd.s32 $0x110, s1;
	s24 =	simm.s32 $0x12280  }
0xa21: {  	[hbm4b:s23+s4] =	stream.linear.scatter [tilespmem:s24], [sflag:$0x1], $0x80, $0x38;
	[tilespmem:$0x13080] =	vst v63  }
0xa22: {  	s25 =	sadd.s32 $0x190, s1;
	s26 =	simm.s32 $0x12380  }
0xa23: {  	[hbm4b:s25+s4] =	stream.linear.scatter [tilespmem:s26], [sflag:$0x1], $0x80, $0x38;
	[tilespmem:$0x13080] =	vst v63  }
0xa24: {  	s6 =	sadd.s32 $0x210, s1;
	s8 =	simm.s32 $0x12480  }
0xa25: {  	[hbm4b:s6+s4] =	stream.linear.scatter [tilespmem:s8], [sflag:$0x1], $0x80, $0x38;
	[tilespmem:$0x13080] =	vst v63  }
0xa26: {  	s9 =	sadd.s32 $0x290, s1;
	s10 =	simm.s32 $0x12580  }
0xa27: {  	[hbm4b:s9+s4] =	stream.linear.scatter [tilespmem:s10], [sflag:$0x1], $0x80, $0x38;
	[tilespmem:$0x13080] =	vst v63  }
0xa28: {  	s11 =	sadd.s32 $0x310, s1;
	s12 =	simm.s32 $0x12680  }
0xa29: {  	[hbm4b:s11+s4] =	stream.linear.scatter [tilespmem:s12], [sflag:$0x1], $0x80, $0x38;
	[tilespmem:$0x13080] =	vst v63  }
0xa2a: {  	s14 =	sadd.s32 $0x390, s1;
	s15 =	simm.s32 $0x12780  }
0xa2b: {  	[hbm4b:s14+s4] =	stream.linear.scatter [tilespmem:s15], [sflag:$0x1], $0x80, $0x38;
	[tilespmem:$0x13080] =	vst v63  }
0xa2c: {  	s16 =	sadd.s32 $0x410, s1;
	s17 =	simm.s32 $0x12880  }
0xa2d: {  	[hbm4b:s16+s4] =	stream.linear.scatter [tilespmem:s17], [sflag:$0x1], $0x80, $0x38;
	[tilespmem:$0x13080] =	vst v63  }
0xa2e: {  	s18 =	sadd.s32 $0x490, s1;
	s19 =	simm.s32 $0x12980  }
0xa2f: {  	[hbm4b:s18+s4] =	stream.linear.scatter [tilespmem:s19], [sflag:$0x1], $0x80, $0x38;
	[tilespmem:$0x13080] =	vst v63  }
0xa30: {  	s20 =	sadd.s32 $0x510, s1;
	s21 =	simm.s32 $0x12A80  }
0xa31: {  	[hbm4b:s20+s4] =	stream.linear.scatter [tilespmem:s21], [sflag:$0x1], $0x80, $0x38;
	[tilespmem:$0x13080] =	vst v63  }
0xa32: {  	s22 =	sadd.s32 $0x590, s1;
	s23 =	simm.s32 $0x12B80  }
0xa33: {  	[hbm4b:s22+s4] =	stream.linear.scatter [tilespmem:s23], [sflag:$0x1], $0x80, $0x38;
	[tilespmem:$0x13080] =	vst v63  }
0xa34: {  	s24 =	sadd.s32 $0x610, s1  }
0xa35: {  	[hbm4b:s24+s4] =	stream.linear.scatter [tilespmem:s28], [sflag:$0x1], $0x80, $0x38;
	[tilespmem:$0x13080] =	vst v63  }
0xa36: {  	s2 =	sadd.s32 $0x1, s2;
	s25 =	sadd.s32 $0x690, s1  }
0xa37: {  	[hbm4b:s25+s4] =	stream.linear.scatter [tilespmem:s29], [sflag:$0x1], $0x80, $0x38;
	[tilespmem:$0x13080] =	vst v63  }
0xa38: {  	p0 =	sne.s32 s2, $0x8;
	s26 =	sadd.s32 $0x710, s1  }
0xa39: {  	[hbm4b:s26+s4] =	stream.linear.scatter [tilespmem:s30], [sflag:$0x1], $0x80, $0x38;
	[tilespmem:$0x13080] =	vst v63  }
.Ltmp5:
0xa3a: {  	s1 =	sadd.s32 $0x790, s1;
	(pc) =	sbr.rel @p0 .LBB2_8-.Ltmp5, $4  }
0xa3b: {  	[hbm4b:s1+s4] =	stream.linear.scatter [tilespmem:s31], [sflag:$0x1], $0x80, $0x38;
	[tilespmem:$0x13080] =	vst v63  }
0xa3c: {  	_ =	swait.ge [sflag:s13], $0x800  }
0xa3d: {  	[sflag:s13] =	ssyncset.done $0x0  }
0xa3e: {  	[sflag:s13] =	ssyncadd.s32 $0xFFFFF800  }
0xa3f: {  	s1 =	rddreg [dreg:$0x9]  }
0xa40: {  	s0 =	rddreg [dreg:$0x8];
	s1 =	sadd.s32 $0x1, s1  }
0xa41: {  	p0 =	sne.s32 s1, s0  }
.Ltmp6:
0xa42: {  	_ = 	snop;
	(pc) =	sbr.rel @p0 .LBB2_1-.Ltmp6, $1  }
0xa43: {  	_ =	sdelay $0x3  }
0xa44: {  	_ =	sfence.sel $0x180000  }
0xa45: {  	[bflag:$0x0] =	sbarrier.arrive $0xFFFF  }
0xa46: {  	_ =	strace $0x90000047  }
0xa47: {  	s0 =	stileid.u32;
	[bflag:$0x2] =	sbarrier.arrive $0xFFFF  }
0xa48: {  	p0 =	sne.s32 s0, $0x0;
	s0 =	rddreg [dreg:$0x3]  }
0xa49: {  	s0 =	sadd.s32 @!p0 $0x100000, s0  }
0xa4a: {  	[sflag:s0] =	ssyncadd.tile.s32 @!p0 $0x1;
	_ =	shalt  }
.Lfunc_end2:
_tile_overlayer_lowered:
.L_overlay_start_2:
0xa4b: {  	(tag) =	ssettag $0x2  }
0xa4c: {  	s0 =	rddreg [dreg:$0x0];
	s2 =	stileid.u32  }
0xa4d: {  	s1 =	rddreg [dreg:$0x1];
	p0 =	sne.s32 s2, $0x0  }
0xa4e: {  	s3 =	rddreg [dreg:$0x2];
	[bflag:$0x3] =	sbarrier.arrive $0xFFFF;
	s2 =	simm.s32 @!p0 $0x1C01  }
0xa4f: {  	[timem:s3], [sflag:s2] =	dma.local @!p0 [hbm:s0], s1  }
0xa50: {  	s0 =	simm.s32 @!p0 $0x1  }
0xa51: {  	_ =	swait.ge @!p0 [sflag:s0], s1  }
0xa52: {  	s1 =	ssub.s32 @!p0 $0x0, s1;
	[sflag:s0] =	ssyncset.done @!p0 $0x0  }
0xa53: {  	[sflag:s0] =	ssyncadd.s32 @!p0 s1  }
0xa54: {  	[bflag:$0x3] =	sbarrier.arrive $0xFFFF  }
0xa55: {  	_ =	shalt  }

</sc_bundles>
